<compile_context>
chip_gen: v7x
topology: tpu7x:2x2x1
jax: 0.10.2.dev20260603
libtpu: 0.0.44.dev20260713+nightly
codegen_flags: <defaults>
</compile_context>

<pallas_src>
import functools

import jax
import jax.numpy as jnp
from jax import lax
from jax.experimental import pallas as pl
from jax.experimental.pallas import tpu as pltpu
from jax.experimental.pallas import tpu_sc as plsc

_E = 320000
_D = 128
_NC = 2
_NS = 16
_L = 16
_NW = _NC * _NS
_EPW = _E // _NW
_C = 80
_CHUNKS = _EPW // _C
_R = 5


def _vsqrt(x):
    xi = lax.bitcast_convert_type(x, jnp.int32)
    yi = (xi >> 1) + jnp.int32(0x1FBD1DF5)
    y = lax.bitcast_convert_type(yi, jnp.float32)
    y = 0.5 * (y + x / y)
    y = 0.5 * (y + x / y)
    return y


_mesh = plsc.VectorSubcoreMesh(core_axis_name="c", subcore_axis_name="s")

_scratch = (
    [
        pltpu.VMEM((_EPW,), jnp.int32),
        pltpu.VMEM((_EPW,), jnp.int32),
    ]
    + [pltpu.VMEM((_C, _D), jnp.float32) for _ in range(_R)]
    + [
        pltpu.VMEM((_L * _L,), jnp.float32),
        pltpu.VMEM((_L,), jnp.float32),
    ]
    + [pltpu.SemaphoreType.DMA for _ in range(_R)]
    + [pltpu.SemaphoreType.DMA]
)


@functools.partial(
    pl.kernel,
    out_type=jax.ShapeDtypeStruct((_NW, _L), jnp.float32),
    mesh=_mesh,
    compiler_params=pltpu.CompilerParams(needs_layout_passes=False),
    scratch_types=_scratch,
)
def _sc_loss(feat_hbm, fneg_hbm, eidx_hbm, out_hbm, *scr):
    sidx_all, didx_all = scr[0], scr[1]
    dbuf = scr[2:2 + _R]
    tmp = scr[2 + _R]
    tot_v = scr[3 + _R]
    semG = scr[4 + _R:4 + 2 * _R]
    semI = scr[4 + 2 * _R]

    wid = lax.axis_index("s") * _NC + lax.axis_index("c")
    wbase = wid * _EPW
    lane = lax.iota(jnp.int32, _L)

    def issue_g1(n, k):
        pltpu.async_copy(
            feat_hbm.at[sidx_all.at[pl.ds(n * _C, _C)]], dbuf[k], semG[k])

    def wait_g1(k):
        pltpu.make_async_copy(
            feat_hbm.at[sidx_all.at[pl.ds(0, _C)]], dbuf[k], semG[k]).wait()

    def issue_g2(n, k):
        pltpu.async_copy(
            fneg_hbm.at[didx_all.at[pl.ds(n * _C, _C)]], dbuf[k], semG[k],
            add=True)

    def wait_g2(k):
        pltpu.make_async_copy(
            fneg_hbm.at[didx_all.at[pl.ds(0, _C)]], dbuf[k], semG[k]).wait()

    def compute(k, total):
        rows = dbuf[k]

        def group_body(i, tot):
            base = i * _L
            for j in range(_L):
                row = base + j
                acc = None
                for b in range(_D // _L):
                    df = rows[row, pl.ds(b * _L, _L)]
                    sq = df * df
                    acc = sq if acc is None else acc + sq
                plsc.store_scatter(tmp, [lane * _L + j], acc)
            sq16 = tmp[pl.ds(0, _L)]
            for l in range(1, _L):
                sq16 = sq16 + tmp[pl.ds(l * _L, _L)]
            return tot + _vsqrt(sq16)

        return lax.fori_loop(0, _C // _L, group_body, total)

    pltpu.async_copy(eidx_hbm.at[pl.ds(wbase, _EPW)], sidx_all, semI)
    pltpu.async_copy(eidx_hbm.at[pl.ds(_E + wbase, _EPW)], didx_all, semI)
    pltpu.make_async_copy(eidx_hbm.at[pl.ds(0, _EPW)], sidx_all, semI).wait()
    pltpu.make_async_copy(eidx_hbm.at[pl.ds(0, _EPW)], didx_all, semI).wait()
    for i in range(4):
        issue_g1(i, i)
    for i in range(2):
        wait_g1(i)
        issue_g2(i, i)

    def ring_body(p, total):
        n0 = p * _R
        for k in range(_R):
            n = n0 + k

            @pl.when(n + 2 < _CHUNKS)
            def _():
                wait_g1((k + 2) % _R)
                issue_g2(n + 2, (k + 2) % _R)

            @pl.when(n + 4 < _CHUNKS)
            def _():
                issue_g1(n + 4, (k + 4) % _R)

            wait_g2(k)
            total = compute(k, total)
        return total

    total = lax.fori_loop(0, _CHUNKS // _R, ring_body,
                          jnp.zeros((_L,), jnp.float32))

    tot_v[...] = total
    pltpu.sync_copy(tot_v, out_hbm.at[wid])


def kernel(features, edge_index):
    partials = _sc_loss(features, -features, edge_index.reshape(-1))
    return jnp.sum(partials) * (1.0 / _E)

# --- scband reference (transcript-rebuilt; emitter-appended) ---
"""Pipeline reference for scband-graph-smoothing-loss-10376640987952 (READ-ONLY COPY).

The authoritative reference and input builder live on the scoring server;
editing this copy changes nothing except your own understanding.
"""

import jax, jax.numpy as jnp
import numpy as np

N_NODES = 10000
N_EDGES = 320000
D_FEAT = 128
WEIGHT = 1.0


def setup_inputs(seed: int = 0) -> dict:
    key = jax.random.key(seed)
    k1, k2 = jax.random.split(key)
    features = jax.random.normal(k1, (N_NODES, D_FEAT), dtype=jnp.float32)
    edge_index = jax.random.randint(k2, (2, N_EDGES), 0, N_NODES, dtype=jnp.int64 if jax.config.jax_enable_x64 else jnp.int32).astype(jnp.int32)
    return {"features": features, "edge_index": edge_index}


def reference(features, edge_index):
    src = edge_index[0]
    dst = edge_index[1]
    src_features = jnp.take(features, src, axis=0)
    dst_features = jnp.take(features, dst, axis=0)
    diff = src_features - dst_features
    feature_dist = jnp.sqrt(jnp.sum(diff * diff, axis=1))
    loss = jnp.mean(feature_dist)
    return WEIGHT * loss

if __name__ == "__main__":
    import jax
    _d = setup_inputs()
    print(jax.jit(kernel)(*tuple(_d.values())))

</pallas_src>

<mosaic_0001>
#map = affine_map<(d0, d1) -> (0, 0)>
#map1 = affine_map<(d0, d1) -> (0)>
module attributes {stable_mosaic.version = 14 : i64} {
  func.func @_sc_loss(%arg0: i32, %arg1: i32, %arg2: memref<10000x128xf32, #tpu.memory_space<hbm>>, %arg3: memref<10000x128xf32, #tpu.memory_space<hbm>>, %arg4: memref<640000xi32, #tpu.memory_space<hbm>>, %arg5: memref<32x16xf32, #tpu.memory_space<hbm>>, %arg6: memref<10000xi32, #tpu.memory_space<vmem>>, %arg7: memref<10000xi32, #tpu.memory_space<vmem>>, %arg8: memref<80x128xf32, #tpu.memory_space<vmem>>, %arg9: memref<80x128xf32, #tpu.memory_space<vmem>>, %arg10: memref<80x128xf32, #tpu.memory_space<vmem>>, %arg11: memref<80x128xf32, #tpu.memory_space<vmem>>, %arg12: memref<80x128xf32, #tpu.memory_space<vmem>>, %arg13: memref<256xf32, #tpu.memory_space<vmem>>, %arg14: memref<16xf32, #tpu.memory_space<vmem>>, %arg15: memref<!tpu.dma_semaphore, #tpu.memory_space<semaphore_mem>>, %arg16: memref<!tpu.dma_semaphore, #tpu.memory_space<semaphore_mem>>, %arg17: memref<!tpu.dma_semaphore, #tpu.memory_space<semaphore_mem>>, %arg18: memref<!tpu.dma_semaphore, #tpu.memory_space<semaphore_mem>>, %arg19: memref<!tpu.dma_semaphore, #tpu.memory_space<semaphore_mem>>, %arg20: memref<!tpu.dma_semaphore, #tpu.memory_space<semaphore_mem>>) attributes {dimension_semantics = [#tpu.dimension_semantics<core_parallel>, #tpu.dimension_semantics<subcore_parallel>], iteration_bounds = array<i64: 2, 16>, scalar_prefetch = 0 : i64, scratch_operands = 15 : i64, tpu.core_type = #tpu.core_type<sc_vector_subcore>, window_params = [{transform_indices = #map}, {transform_indices = #map}, {transform_indices = #map1}, {transform_indices = #map}]} {
    %mul3A = arith.constant 2 : i32
    %mul3A_0 = arith.muli %arg1, %mul3A : i32
    %add3A = arith.addi %mul3A_0, %arg0 : i32
    %mul3A_1 = arith.constant 10000 : i32
    %mul3A_2 = arith.muli %add3A, %mul3A_1 : i32
    %iota3A = tpu.iota {dimensions = array<i32: 0>} : vector<16xi32>
    %dma_start3A = tpu.memref_slice %arg4[%mul3A_2] : memref<640000xi32, #tpu.memory_space<hbm>> -> memref<10000xi32, #tpu.memory_space<hbm>>
    %dma_start3A_3 = tpu.memref_slice %arg4[%mul3A_2] : memref<640000xi32, #tpu.memory_space<hbm>> -> memref<10000xi32, #tpu.memory_space<hbm>>
    tpu.enqueue_dma source(%dma_start3A_3 : memref<10000xi32, #tpu.memory_space<hbm>>) target(%arg6 : memref<10000xi32, #tpu.memory_space<vmem>>) target_semaphore(%arg20 : memref<!tpu.dma_semaphore, #tpu.memory_space<semaphore_mem>>)
    %add3A_4 = arith.constant 320000 : i32
    %add3A_5 = arith.addi %add3A_4, %mul3A_2 : i32
    %dma_start3A_6 = tpu.memref_slice %arg4[%add3A_5] : memref<640000xi32, #tpu.memory_space<hbm>> -> memref<10000xi32, #tpu.memory_space<hbm>>
    %dma_start3A_7 = tpu.memref_slice %arg4[%add3A_5] : memref<640000xi32, #tpu.memory_space<hbm>> -> memref<10000xi32, #tpu.memory_space<hbm>>
    tpu.enqueue_dma source(%dma_start3A_7 : memref<10000xi32, #tpu.memory_space<hbm>>) target(%arg7 : memref<10000xi32, #tpu.memory_space<vmem>>) target_semaphore(%arg20 : memref<!tpu.dma_semaphore, #tpu.memory_space<semaphore_mem>>)
    %dma_wait3A = arith.constant 0 : i32
    %dma_wait3A_8 = tpu.memref_slice %arg4[%dma_wait3A] : memref<640000xi32, #tpu.memory_space<hbm>> -> memref<10000xi32, #tpu.memory_space<hbm>>
    %dma_wait3A_9 = arith.constant 0 : i32
    %dma_wait3A_10 = tpu.memref_slice %arg4[%dma_wait3A_9] : memref<640000xi32, #tpu.memory_space<hbm>> -> memref<10000xi32, #tpu.memory_space<hbm>>
    tpu.wait_dma2 semaphore(%arg20 : memref<!tpu.dma_semaphore, #tpu.memory_space<semaphore_mem>>) src(%dma_wait3A_10 : memref<10000xi32, #tpu.memory_space<hbm>>) dst(%arg6 : memref<10000xi32, #tpu.memory_space<vmem>>)
    %dma_wait3A_11 = arith.constant 0 : i32
    %dma_wait3A_12 = tpu.memref_slice %arg4[%dma_wait3A_11] : memref<640000xi32, #tpu.memory_space<hbm>> -> memref<10000xi32, #tpu.memory_space<hbm>>
    %dma_wait3A_13 = arith.constant 0 : i32
    %dma_wait3A_14 = tpu.memref_slice %arg4[%dma_wait3A_13] : memref<640000xi32, #tpu.memory_space<hbm>> -> memref<10000xi32, #tpu.memory_space<hbm>>
    tpu.wait_dma2 semaphore(%arg20 : memref<!tpu.dma_semaphore, #tpu.memory_space<semaphore_mem>>) src(%dma_wait3A_14 : memref<10000xi32, #tpu.memory_space<hbm>>) dst(%arg7 : memref<10000xi32, #tpu.memory_space<vmem>>)
    %dma_start3A_15 = arith.constant 0 : i32
    %dma_start3A_16 = tpu.memref_slice %arg6[%dma_start3A_15] : memref<10000xi32, #tpu.memory_space<vmem>> -> memref<80xi32, #tpu.memory_space<vmem>>
    %dma_start3A_17 = arith.constant 0 : i32
    %dma_start3A_18 = arith.constant 0 : i32
    %dma_start3A_19 = tpu.memref_slice %arg2[%dma_start3A_17, %dma_start3A_18] : memref<10000x128xf32, #tpu.memory_space<hbm>> -> memref<10000x128xf32, #tpu.memory_space<hbm>>
    tpu.enqueue_indirect_dma source(%dma_start3A_19 : memref<10000x128xf32, #tpu.memory_space<hbm>>) target(%arg8 : memref<80x128xf32, #tpu.memory_space<vmem>>) offsets(%dma_start3A_16 : memref<80xi32, #tpu.memory_space<vmem>>) semaphore(%arg15 : memref<!tpu.dma_semaphore, #tpu.memory_space<semaphore_mem>>)
    %dma_start3A_20 = arith.constant 80 : i32
    %dma_start3A_21 = tpu.memref_slice %arg6[%dma_start3A_20] : memref<10000xi32, #tpu.memory_space<vmem>> -> memref<80xi32, #tpu.memory_space<vmem>>
    %dma_start3A_22 = arith.constant 0 : i32
    %dma_start3A_23 = arith.constant 0 : i32
    %dma_start3A_24 = tpu.memref_slice %arg2[%dma_start3A_22, %dma_start3A_23] : memref<10000x128xf32, #tpu.memory_space<hbm>> -> memref<10000x128xf32, #tpu.memory_space<hbm>>
    tpu.enqueue_indirect_dma source(%dma_start3A_24 : memref<10000x128xf32, #tpu.memory_space<hbm>>) target(%arg9 : memref<80x128xf32, #tpu.memory_space<vmem>>) offsets(%dma_start3A_21 : memref<80xi32, #tpu.memory_space<vmem>>) semaphore(%arg16 : memref<!tpu.dma_semaphore, #tpu.memory_space<semaphore_mem>>)
    %dma_start3A_25 = arith.constant 160 : i32
    %dma_start3A_26 = tpu.memref_slice %arg6[%dma_start3A_25] : memref<10000xi32, #tpu.memory_space<vmem>> -> memref<80xi32, #tpu.memory_space<vmem>>
    %dma_start3A_27 = arith.constant 0 : i32
    %dma_start3A_28 = arith.constant 0 : i32
    %dma_start3A_29 = tpu.memref_slice %arg2[%dma_start3A_27, %dma_start3A_28] : memref<10000x128xf32, #tpu.memory_space<hbm>> -> memref<10000x128xf32, #tpu.memory_space<hbm>>
    tpu.enqueue_indirect_dma source(%dma_start3A_29 : memref<10000x128xf32, #tpu.memory_space<hbm>>) target(%arg10 : memref<80x128xf32, #tpu.memory_space<vmem>>) offsets(%dma_start3A_26 : memref<80xi32, #tpu.memory_space<vmem>>) semaphore(%arg17 : memref<!tpu.dma_semaphore, #tpu.memory_space<semaphore_mem>>)
    %dma_start3A_30 = arith.constant 240 : i32
    %dma_start3A_31 = tpu.memref_slice %arg6[%dma_start3A_30] : memref<10000xi32, #tpu.memory_space<vmem>> -> memref<80xi32, #tpu.memory_space<vmem>>
    %dma_start3A_32 = arith.constant 0 : i32
    %dma_start3A_33 = arith.constant 0 : i32
    %dma_start3A_34 = tpu.memref_slice %arg2[%dma_start3A_32, %dma_start3A_33] : memref<10000x128xf32, #tpu.memory_space<hbm>> -> memref<10000x128xf32, #tpu.memory_space<hbm>>
    tpu.enqueue_indirect_dma source(%dma_start3A_34 : memref<10000x128xf32, #tpu.memory_space<hbm>>) target(%arg11 : memref<80x128xf32, #tpu.memory_space<vmem>>) offsets(%dma_start3A_31 : memref<80xi32, #tpu.memory_space<vmem>>) semaphore(%arg18 : memref<!tpu.dma_semaphore, #tpu.memory_space<semaphore_mem>>)
    %dma_wait3A_35 = arith.constant 0 : i32
    %dma_wait3A_36 = tpu.memref_slice %arg6[%dma_wait3A_35] : memref<10000xi32, #tpu.memory_space<vmem>> -> memref<80xi32, #tpu.memory_space<vmem>>
    %dma_wait3A_37 = arith.constant 0 : i32
    %dma_wait3A_38 = arith.constant 0 : i32
    %dma_wait3A_39 = tpu.memref_slice %arg2[%dma_wait3A_37, %dma_wait3A_38] : memref<10000x128xf32, #tpu.memory_space<hbm>> -> memref<10000x128xf32, #tpu.memory_space<hbm>>
    tpu.wait_indirect_dma semaphore(%arg15 : memref<!tpu.dma_semaphore, #tpu.memory_space<semaphore_mem>>) src(%dma_wait3A_39 : memref<10000x128xf32, #tpu.memory_space<hbm>>) dst(%arg8 : memref<80x128xf32, #tpu.memory_space<vmem>>)
    %dma_start3A_40 = arith.constant 0 : i32
    %dma_start3A_41 = tpu.memref_slice %arg7[%dma_start3A_40] : memref<10000xi32, #tpu.memory_space<vmem>> -> memref<80xi32, #tpu.memory_space<vmem>>
    %dma_start3A_42 = arith.constant 0 : i32
    %dma_start3A_43 = arith.constant 0 : i32
    %dma_start3A_44 = tpu.memref_slice %arg3[%dma_start3A_42, %dma_start3A_43] : memref<10000x128xf32, #tpu.memory_space<hbm>> -> memref<10000x128xf32, #tpu.memory_space<hbm>>
    tpu.enqueue_indirect_dma source(%dma_start3A_44 : memref<10000x128xf32, #tpu.memory_space<hbm>>) target(%arg8 : memref<80x128xf32, #tpu.memory_space<vmem>>) offsets(%dma_start3A_41 : memref<80xi32, #tpu.memory_space<vmem>>) semaphore(%arg15 : memref<!tpu.dma_semaphore, #tpu.memory_space<semaphore_mem>>) {add = true}
    %dma_wait3A_45 = arith.constant 0 : i32
    %dma_wait3A_46 = tpu.memref_slice %arg6[%dma_wait3A_45] : memref<10000xi32, #tpu.memory_space<vmem>> -> memref<80xi32, #tpu.memory_space<vmem>>
    %dma_wait3A_47 = arith.constant 0 : i32
    %dma_wait3A_48 = arith.constant 0 : i32
    %dma_wait3A_49 = tpu.memref_slice %arg2[%dma_wait3A_47, %dma_wait3A_48] : memref<10000x128xf32, #tpu.memory_space<hbm>> -> memref<10000x128xf32, #tpu.memory_space<hbm>>
    tpu.wait_indirect_dma semaphore(%arg16 : memref<!tpu.dma_semaphore, #tpu.memory_space<semaphore_mem>>) src(%dma_wait3A_49 : memref<10000x128xf32, #tpu.memory_space<hbm>>) dst(%arg9 : memref<80x128xf32, #tpu.memory_space<vmem>>)
    %dma_start3A_50 = arith.constant 80 : i32
    %dma_start3A_51 = tpu.memref_slice %arg7[%dma_start3A_50] : memref<10000xi32, #tpu.memory_space<vmem>> -> memref<80xi32, #tpu.memory_space<vmem>>
    %dma_start3A_52 = arith.constant 0 : i32
    %dma_start3A_53 = arith.constant 0 : i32
    %dma_start3A_54 = tpu.memref_slice %arg3[%dma_start3A_52, %dma_start3A_53] : memref<10000x128xf32, #tpu.memory_space<hbm>> -> memref<10000x128xf32, #tpu.memory_space<hbm>>
    tpu.enqueue_indirect_dma source(%dma_start3A_54 : memref<10000x128xf32, #tpu.memory_space<hbm>>) target(%arg9 : memref<80x128xf32, #tpu.memory_space<vmem>>) offsets(%dma_start3A_51 : memref<80xi32, #tpu.memory_space<vmem>>) semaphore(%arg16 : memref<!tpu.dma_semaphore, #tpu.memory_space<semaphore_mem>>) {add = true}
    %broadcast_in_dim3A = arith.constant 0.000000e+00 : f32
    %broadcast_in_dim3A_55 = vector.broadcast %broadcast_in_dim3A : f32 to vector<16xf32>
    %scan3A = arith.constant 0 : i32
    %scan3A_56 = arith.constant 25 : i32
    %scan3A_57 = arith.addi %scan3A, %scan3A_56 : i32
    %scan3A_58 = arith.constant 1 : i32
    %scan3A_59 = scf.for %scan3A_62 = %scan3A to %scan3A_57 step %scan3A_58 iter_args(%scan3A_63 = %broadcast_in_dim3A_55) -> (vector<16xf32>)  : i32 {
      %mul3A_64 = arith.constant 5 : i32
      %mul3A_65 = arith.muli %scan3A_62, %mul3A_64 : i32
      %add3A_66 = arith.constant 0 : i32
      %add3A_67 = arith.addi %mul3A_65, %add3A_66 : i32
      %add3A_68 = arith.constant 2 : i32
      %add3A_69 = arith.addi %add3A_67, %add3A_68 : i32
      %lt3A = arith.constant 125 : i32
      %lt3A_70 = arith.cmpi slt, %add3A_69, %lt3A : i32
      %convert_element_type3A = arith.extui %lt3A_70 : i1 to i32
      %cond3A = arith.constant 0 : i32
      %cond3A_71 = arith.cmpi ne, %convert_element_type3A, %cond3A : i32
      scf.if %cond3A_71 {
        %dma_wait3A_198 = arith.constant 0 : i32
        %dma_wait3A_199 = tpu.memref_slice %arg6[%dma_wait3A_198] : memref<10000xi32, #tpu.memory_space<vmem>> -> memref<80xi32, #tpu.memory_space<vmem>>
        %dma_wait3A_200 = arith.constant 0 : i32
        %dma_wait3A_201 = arith.constant 0 : i32
        %dma_wait3A_202 = tpu.memref_slice %arg2[%dma_wait3A_200, %dma_wait3A_201] : memref<10000x128xf32, #tpu.memory_space<hbm>> -> memref<10000x128xf32, #tpu.memory_space<hbm>>
        tpu.wait_indirect_dma semaphore(%arg17 : memref<!tpu.dma_semaphore, #tpu.memory_space<semaphore_mem>>) src(%dma_wait3A_202 : memref<10000x128xf32, #tpu.memory_space<hbm>>) dst(%arg10 : memref<80x128xf32, #tpu.memory_space<vmem>>)
        %add3A_203 = arith.constant 2 : i32
        %add3A_204 = arith.addi %add3A_67, %add3A_203 : i32
        %mul3A_205 = arith.constant 80 : i32
        %mul3A_206 = arith.muli %add3A_204, %mul3A_205 : i32
        %dma_start3A_207 = tpu.memref_slice %arg7[%mul3A_206] : memref<10000xi32, #tpu.memory_space<vmem>> -> memref<80xi32, #tpu.memory_space<vmem>>
        %dma_start3A_208 = arith.constant 0 : i32
        %dma_start3A_209 = arith.constant 0 : i32
        %dma_start3A_210 = tpu.memref_slice %arg3[%dma_start3A_208, %dma_start3A_209] : memref<10000x128xf32, #tpu.memory_space<hbm>> -> memref<10000x128xf32, #tpu.memory_space<hbm>>
        tpu.enqueue_indirect_dma source(%dma_start3A_210 : memref<10000x128xf32, #tpu.memory_space<hbm>>) target(%arg10 : memref<80x128xf32, #tpu.memory_space<vmem>>) offsets(%dma_start3A_207 : memref<80xi32, #tpu.memory_space<vmem>>) semaphore(%arg17 : memref<!tpu.dma_semaphore, #tpu.memory_space<semaphore_mem>>) {add = true}
      } else {
      }
      %add3A_72 = arith.constant 4 : i32
      %add3A_73 = arith.addi %add3A_67, %add3A_72 : i32
      %lt3A_74 = arith.constant 125 : i32
      %lt3A_75 = arith.cmpi slt, %add3A_73, %lt3A_74 : i32
      %convert_element_type3A_76 = arith.extui %lt3A_75 : i1 to i32
      %cond3A_77 = arith.constant 0 : i32
      %cond3A_78 = arith.cmpi ne, %convert_element_type3A_76, %cond3A_77 : i32
      scf.if %cond3A_78 {
        %add3A_198 = arith.constant 4 : i32
        %add3A_199 = arith.addi %add3A_67, %add3A_198 : i32
        %mul3A_200 = arith.constant 80 : i32
        %mul3A_201 = arith.muli %add3A_199, %mul3A_200 : i32
        %dma_start3A_202 = tpu.memref_slice %arg6[%mul3A_201] : memref<10000xi32, #tpu.memory_space<vmem>> -> memref<80xi32, #tpu.memory_space<vmem>>
        %dma_start3A_203 = arith.constant 0 : i32
        %dma_start3A_204 = arith.constant 0 : i32
        %dma_start3A_205 = tpu.memref_slice %arg2[%dma_start3A_203, %dma_start3A_204] : memref<10000x128xf32, #tpu.memory_space<hbm>> -> memref<10000x128xf32, #tpu.memory_space<hbm>>
        tpu.enqueue_indirect_dma source(%dma_start3A_205 : memref<10000x128xf32, #tpu.memory_space<hbm>>) target(%arg12 : memref<80x128xf32, #tpu.memory_space<vmem>>) offsets(%dma_start3A_202 : memref<80xi32, #tpu.memory_space<vmem>>) semaphore(%arg19 : memref<!tpu.dma_semaphore, #tpu.memory_space<semaphore_mem>>)
      } else {
      }
      %dma_wait3A_79 = arith.constant 0 : i32
      %dma_wait3A_80 = tpu.memref_slice %arg7[%dma_wait3A_79] : memref<10000xi32, #tpu.memory_space<vmem>> -> memref<80xi32, #tpu.memory_space<vmem>>
      %dma_wait3A_81 = arith.constant 0 : i32
      %dma_wait3A_82 = arith.constant 0 : i32
      %dma_wait3A_83 = tpu.memref_slice %arg3[%dma_wait3A_81, %dma_wait3A_82] : memref<10000x128xf32, #tpu.memory_space<hbm>> -> memref<10000x128xf32, #tpu.memory_space<hbm>>
      tpu.wait_indirect_dma semaphore(%arg15 : memref<!tpu.dma_semaphore, #tpu.memory_space<semaphore_mem>>) src(%dma_wait3A_83 : memref<10000x128xf32, #tpu.memory_space<hbm>>) dst(%arg8 : memref<80x128xf32, #tpu.memory_space<vmem>>)
      %scan3A_84 = arith.constant 0 : i32
      %scan3A_85 = arith.constant 5 : i32
      %scan3A_86 = arith.addi %scan3A_84, %scan3A_85 : i32
      %scan3A_87 = arith.constant 1 : i32
      %scan3A_88 = scf.for %scan3A_198 = %scan3A_84 to %scan3A_86 step %scan3A_87 iter_args(%scan3A_199 = %scan3A_63) -> (vector<16xf32>)  : i32 {
        %mul3A_200 = arith.constant 16 : i32
        %mul3A_201 = arith.muli %scan3A_198, %mul3A_200 : i32
        %add3A_202 = arith.constant 0 : i32
        %add3A_203 = arith.addi %mul3A_201, %add3A_202 : i32
        %get3A = arith.index_cast %add3A_203 : i32 to index
        %get3A_204 = arith.constant 0 : index
        %get3A_205 = tpu.vector_load %arg8[%get3A, %get3A_204] {strides = array<i32>} : memref<80x128xf32, #tpu.memory_space<vmem>>, vector<16xf32>,
        %mul3A_206 = arith.mulf %get3A_205, %get3A_205 : vector<16xf32>
        %get3A_207 = arith.index_cast %add3A_203 : i32 to index
        %get3A_208 = arith.constant 16 : index
        %get3A_209 = tpu.vector_load %arg8[%get3A_207, %get3A_208] {strides = array<i32>} : memref<80x128xf32, #tpu.memory_space<vmem>>, vector<16xf32>,
        %mul3A_210 = arith.mulf %get3A_209, %get3A_209 : vector<16xf32>
        %add3A_211 = arith.addf %mul3A_206, %mul3A_210 : vector<16xf32>
        %get3A_212 = arith.index_cast %add3A_203 : i32 to index
        %get3A_213 = arith.constant 32 : index
        %get3A_214 = tpu.vector_load %arg8[%get3A_212, %get3A_213] {strides = array<i32>} : memref<80x128xf32, #tpu.memory_space<vmem>>, vector<16xf32>,
        %mul3A_215 = arith.mulf %get3A_214, %get3A_214 : vector<16xf32>
        %add3A_216 = arith.addf %add3A_211, %mul3A_215 : vector<16xf32>
        %get3A_217 = arith.index_cast %add3A_203 : i32 to index
        %get3A_218 = arith.constant 48 : index
        %get3A_219 = tpu.vector_load %arg8[%get3A_217, %get3A_218] {strides = array<i32>} : memref<80x128xf32, #tpu.memory_space<vmem>>, vector<16xf32>,
        %mul3A_220 = arith.mulf %get3A_219, %get3A_219 : vector<16xf32>
        %add3A_221 = arith.addf %add3A_216, %mul3A_220 : vector<16xf32>
        %get3A_222 = arith.index_cast %add3A_203 : i32 to index
        %get3A_223 = arith.constant 64 : index
        %get3A_224 = tpu.vector_load %arg8[%get3A_222, %get3A_223] {strides = array<i32>} : memref<80x128xf32, #tpu.memory_space<vmem>>, vector<16xf32>,
        %mul3A_225 = arith.mulf %get3A_224, %get3A_224 : vector<16xf32>
        %add3A_226 = arith.addf %add3A_221, %mul3A_225 : vector<16xf32>
        %get3A_227 = arith.index_cast %add3A_203 : i32 to index
        %get3A_228 = arith.constant 80 : index
        %get3A_229 = tpu.vector_load %arg8[%get3A_227, %get3A_228] {strides = array<i32>} : memref<80x128xf32, #tpu.memory_space<vmem>>, vector<16xf32>,
        %mul3A_230 = arith.mulf %get3A_229, %get3A_229 : vector<16xf32>
        %add3A_231 = arith.addf %add3A_226, %mul3A_230 : vector<16xf32>
        %get3A_232 = arith.index_cast %add3A_203 : i32 to index
        %get3A_233 = arith.constant 96 : index
        %get3A_234 = tpu.vector_load %arg8[%get3A_232, %get3A_233] {strides = array<i32>} : memref<80x128xf32, #tpu.memory_space<vmem>>, vector<16xf32>,
        %mul3A_235 = arith.mulf %get3A_234, %get3A_234 : vector<16xf32>
        %add3A_236 = arith.addf %add3A_231, %mul3A_235 : vector<16xf32>
        %get3A_237 = arith.index_cast %add3A_203 : i32 to index
        %get3A_238 = arith.constant 112 : index
        %get3A_239 = tpu.vector_load %arg8[%get3A_237, %get3A_238] {strides = array<i32>} : memref<80x128xf32, #tpu.memory_space<vmem>>, vector<16xf32>,
        %mul3A_240 = arith.mulf %get3A_239, %get3A_239 : vector<16xf32>
        %add3A_241 = arith.addf %add3A_236, %mul3A_240 : vector<16xf32>
        %mul3A_242 = arith.constant 16 : i32
        %mul3A_243 = vector.broadcast %mul3A_242 : i32 to vector<16xi32>
        %mul3A_244 = arith.muli %iota3A, %mul3A_243 : vector<16xi32>
        %add3A_245 = arith.constant 0 : i32
        %add3A_246 = vector.broadcast %add3A_245 : i32 to vector<16xi32>
        %add3A_247 = arith.addi %mul3A_244, %add3A_246 : vector<16xi32>
        tpu.vector_store_idx %arg13[%add3A_247], %add3A_241 : memref<256xf32, #tpu.memory_space<vmem>>[vector<16xi32>], vector<16xf32>,
        %add3A_248 = arith.constant 1 : i32
        %add3A_249 = arith.addi %mul3A_201, %add3A_248 : i32
        %get3A_250 = arith.index_cast %add3A_249 : i32 to index
        %get3A_251 = arith.constant 0 : index
        %get3A_252 = tpu.vector_load %arg8[%get3A_250, %get3A_251] {strides = array<i32>} : memref<80x128xf32, #tpu.memory_space<vmem>>, vector<16xf32>,
        %mul3A_253 = arith.mulf %get3A_252, %get3A_252 : vector<16xf32>
        %get3A_254 = arith.index_cast %add3A_249 : i32 to index
        %get3A_255 = arith.constant 16 : index
        %get3A_256 = tpu.vector_load %arg8[%get3A_254, %get3A_255] {strides = array<i32>} : memref<80x128xf32, #tpu.memory_space<vmem>>, vector<16xf32>,
        %mul3A_257 = arith.mulf %get3A_256, %get3A_256 : vector<16xf32>
        %add3A_258 = arith.addf %mul3A_253, %mul3A_257 : vector<16xf32>
        %get3A_259 = arith.index_cast %add3A_249 : i32 to index
        %get3A_260 = arith.constant 32 : index
        %get3A_261 = tpu.vector_load %arg8[%get3A_259, %get3A_260] {strides = array<i32>} : memref<80x128xf32, #tpu.memory_space<vmem>>, vector<16xf32>,
        %mul3A_262 = arith.mulf %get3A_261, %get3A_261 : vector<16xf32>
        %add3A_263 = arith.addf %add3A_258, %mul3A_262 : vector<16xf32>
        %get3A_264 = arith.index_cast %add3A_249 : i32 to index
        %get3A_265 = arith.constant 48 : index
        %get3A_266 = tpu.vector_load %arg8[%get3A_264, %get3A_265] {strides = array<i32>} : memref<80x128xf32, #tpu.memory_space<vmem>>, vector<16xf32>,
        %mul3A_267 = arith.mulf %get3A_266, %get3A_266 : vector<16xf32>
        %add3A_268 = arith.addf %add3A_263, %mul3A_267 : vector<16xf32>
        %get3A_269 = arith.index_cast %add3A_249 : i32 to index
        %get3A_270 = arith.constant 64 : index
        %get3A_271 = tpu.vector_load %arg8[%get3A_269, %get3A_270] {strides = array<i32>} : memref<80x128xf32, #tpu.memory_space<vmem>>, vector<16xf32>,
        %mul3A_272 = arith.mulf %get3A_271, %get3A_271 : vector<16xf32>
        %add3A_273 = arith.addf %add3A_268, %mul3A_272 : vector<16xf32>
        %get3A_274 = arith.index_cast %add3A_249 : i32 to index
        %get3A_275 = arith.constant 80 : index
        %get3A_276 = tpu.vector_load %arg8[%get3A_274, %get3A_275] {strides = array<i32>} : memref<80x128xf32, #tpu.memory_space<vmem>>, vector<16xf32>,
        %mul3A_277 = arith.mulf %get3A_276, %get3A_276 : vector<16xf32>
        %add3A_278 = arith.addf %add3A_273, %mul3A_277 : vector<16xf32>
        %get3A_279 = arith.index_cast %add3A_249 : i32 to index
        %get3A_280 = arith.constant 96 : index
        %get3A_281 = tpu.vector_load %arg8[%get3A_279, %get3A_280] {strides = array<i32>} : memref<80x128xf32, #tpu.memory_space<vmem>>, vector<16xf32>,
        %mul3A_282 = arith.mulf %get3A_281, %get3A_281 : vector<16xf32>
        %add3A_283 = arith.addf %add3A_278, %mul3A_282 : vector<16xf32>
        %get3A_284 = arith.index_cast %add3A_249 : i32 to index
        %get3A_285 = arith.constant 112 : index
        %get3A_286 = tpu.vector_load %arg8[%get3A_284, %get3A_285] {strides = array<i32>} : memref<80x128xf32, #tpu.memory_space<vmem>>, vector<16xf32>,
        %mul3A_287 = arith.mulf %get3A_286, %get3A_286 : vector<16xf32>
        %add3A_288 = arith.addf %add3A_283, %mul3A_287 : vector<16xf32>
        %mul3A_289 = arith.constant 16 : i32
        %mul3A_290 = vector.broadcast %mul3A_289 : i32 to vector<16xi32>
        %mul3A_291 = arith.muli %iota3A, %mul3A_290 : vector<16xi32>
        %add3A_292 = arith.constant 1 : i32
        %add3A_293 = vector.broadcast %add3A_292 : i32 to vector<16xi32>
        %add3A_294 = arith.addi %mul3A_291, %add3A_293 : vector<16xi32>
        tpu.vector_store_idx %arg13[%add3A_294], %add3A_288 : memref<256xf32, #tpu.memory_space<vmem>>[vector<16xi32>], vector<16xf32>,
        %add3A_295 = arith.constant 2 : i32
        %add3A_296 = arith.addi %mul3A_201, %add3A_295 : i32
        %get3A_297 = arith.index_cast %add3A_296 : i32 to index
        %get3A_298 = arith.constant 0 : index
        %get3A_299 = tpu.vector_load %arg8[%get3A_297, %get3A_298] {strides = array<i32>} : memref<80x128xf32, #tpu.memory_space<vmem>>, vector<16xf32>,
        %mul3A_300 = arith.mulf %get3A_299, %get3A_299 : vector<16xf32>
        %get3A_301 = arith.index_cast %add3A_296 : i32 to index
        %get3A_302 = arith.constant 16 : index
        %get3A_303 = tpu.vector_load %arg8[%get3A_301, %get3A_302] {strides = array<i32>} : memref<80x128xf32, #tpu.memory_space<vmem>>, vector<16xf32>,
        %mul3A_304 = arith.mulf %get3A_303, %get3A_303 : vector<16xf32>
        %add3A_305 = arith.addf %mul3A_300, %mul3A_304 : vector<16xf32>
        %get3A_306 = arith.index_cast %add3A_296 : i32 to index
        %get3A_307 = arith.constant 32 : index
        %get3A_308 = tpu.vector_load %arg8[%get3A_306, %get3A_307] {strides = array<i32>} : memref<80x128xf32, #tpu.memory_space<vmem>>, vector<16xf32>,
        %mul3A_309 = arith.mulf %get3A_308, %get3A_308 : vector<16xf32>
        %add3A_310 = arith.addf %add3A_305, %mul3A_309 : vector<16xf32>
        %get3A_311 = arith.index_cast %add3A_296 : i32 to index
        %get3A_312 = arith.constant 48 : index
        %get3A_313 = tpu.vector_load %arg8[%get3A_311, %get3A_312] {strides = array<i32>} : memref<80x128xf32, #tpu.memory_space<vmem>>, vector<16xf32>,
        %mul3A_314 = arith.mulf %get3A_313, %get3A_313 : vector<16xf32>
        %add3A_315 = arith.addf %add3A_310, %mul3A_314 : vector<16xf32>
        %get3A_316 = arith.index_cast %add3A_296 : i32 to index
        %get3A_317 = arith.constant 64 : index
        %get3A_318 = tpu.vector_load %arg8[%get3A_316, %get3A_317] {strides = array<i32>} : memref<80x128xf32, #tpu.memory_space<vmem>>, vector<16xf32>,
        %mul3A_319 = arith.mulf %get3A_318, %get3A_318 : vector<16xf32>
        %add3A_320 = arith.addf %add3A_315, %mul3A_319 : vector<16xf32>
        %get3A_321 = arith.index_cast %add3A_296 : i32 to index
        %get3A_322 = arith.constant 80 : index
        %get3A_323 = tpu.vector_load %arg8[%get3A_321, %get3A_322] {strides = array<i32>} : memref<80x128xf32, #tpu.memory_space<vmem>>, vector<16xf32>,
        %mul3A_324 = arith.mulf %get3A_323, %get3A_323 : vector<16xf32>
        %add3A_325 = arith.addf %add3A_320, %mul3A_324 : vector<16xf32>
        %get3A_326 = arith.index_cast %add3A_296 : i32 to index
        %get3A_327 = arith.constant 96 : index
        %get3A_328 = tpu.vector_load %arg8[%get3A_326, %get3A_327] {strides = array<i32>} : memref<80x128xf32, #tpu.memory_space<vmem>>, vector<16xf32>,
        %mul3A_329 = arith.mulf %get3A_328, %get3A_328 : vector<16xf32>
        %add3A_330 = arith.addf %add3A_325, %mul3A_329 : vector<16xf32>
        %get3A_331 = arith.index_cast %add3A_296 : i32 to index
        %get3A_332 = arith.constant 112 : index
        %get3A_333 = tpu.vector_load %arg8[%get3A_331, %get3A_332] {strides = array<i32>} : memref<80x128xf32, #tpu.memory_space<vmem>>, vector<16xf32>,
        %mul3A_334 = arith.mulf %get3A_333, %get3A_333 : vector<16xf32>
        %add3A_335 = arith.addf %add3A_330, %mul3A_334 : vector<16xf32>
        %mul3A_336 = arith.constant 16 : i32
        %mul3A_337 = vector.broadcast %mul3A_336 : i32 to vector<16xi32>
        %mul3A_338 = arith.muli %iota3A, %mul3A_337 : vector<16xi32>
        %add3A_339 = arith.constant 2 : i32
        %add3A_340 = vector.broadcast %add3A_339 : i32 to vector<16xi32>
        %add3A_341 = arith.addi %mul3A_338, %add3A_340 : vector<16xi32>
        tpu.vector_store_idx %arg13[%add3A_341], %add3A_335 : memref<256xf32, #tpu.memory_space<vmem>>[vector<16xi32>], vector<16xf32>,
        %add3A_342 = arith.constant 3 : i32
        %add3A_343 = arith.addi %mul3A_201, %add3A_342 : i32
        %get3A_344 = arith.index_cast %add3A_343 : i32 to index
        %get3A_345 = arith.constant 0 : index
        %get3A_346 = tpu.vector_load %arg8[%get3A_344, %get3A_345] {strides = array<i32>} : memref<80x128xf32, #tpu.memory_space<vmem>>, vector<16xf32>,
        %mul3A_347 = arith.mulf %get3A_346, %get3A_346 : vector<16xf32>
        %get3A_348 = arith.index_cast %add3A_343 : i32 to index
        %get3A_349 = arith.constant 16 : index
        %get3A_350 = tpu.vector_load %arg8[%get3A_348, %get3A_349] {strides = array<i32>} : memref<80x128xf32, #tpu.memory_space<vmem>>, vector<16xf32>,
        %mul3A_351 = arith.mulf %get3A_350, %get3A_350 : vector<16xf32>
        %add3A_352 = arith.addf %mul3A_347, %mul3A_351 : vector<16xf32>
        %get3A_353 = arith.index_cast %add3A_343 : i32 to index
        %get3A_354 = arith.constant 32 : index
        %get3A_355 = tpu.vector_load %arg8[%get3A_353, %get3A_354] {strides = array<i32>} : memref<80x128xf32, #tpu.memory_space<vmem>>, vector<16xf32>,
        %mul3A_356 = arith.mulf %get3A_355, %get3A_355 : vector<16xf32>
        %add3A_357 = arith.addf %add3A_352, %mul3A_356 : vector<16xf32>
        %get3A_358 = arith.index_cast %add3A_343 : i32 to index
        %get3A_359 = arith.constant 48 : index
        %get3A_360 = tpu.vector_load %arg8[%get3A_358, %get3A_359] {strides = array<i32>} : memref<80x128xf32, #tpu.memory_space<vmem>>, vector<16xf32>,
        %mul3A_361 = arith.mulf %get3A_360, %get3A_360 : vector<16xf32>
        %add3A_362 = arith.addf %add3A_357, %mul3A_361 : vector<16xf32>
        %get3A_363 = arith.index_cast %add3A_343 : i32 to index
        %get3A_364 = arith.constant 64 : index
        %get3A_365 = tpu.vector_load %arg8[%get3A_363, %get3A_364] {strides = array<i32>} : memref<80x128xf32, #tpu.memory_space<vmem>>, vector<16xf32>,
        %mul3A_366 = arith.mulf %get3A_365, %get3A_365 : vector<16xf32>
        %add3A_367 = arith.addf %add3A_362, %mul3A_366 : vector<16xf32>
        %get3A_368 = arith.index_cast %add3A_343 : i32 to index
        %get3A_369 = arith.constant 80 : index
        %get3A_370 = tpu.vector_load %arg8[%get3A_368, %get3A_369] {strides = array<i32>} : memref<80x128xf32, #tpu.memory_space<vmem>>, vector<16xf32>,
        %mul3A_371 = arith.mulf %get3A_370, %get3A_370 : vector<16xf32>
        %add3A_372 = arith.addf %add3A_367, %mul3A_371 : vector<16xf32>
        %get3A_373 = arith.index_cast %add3A_343 : i32 to index
        %get3A_374 = arith.constant 96 : index
        %get3A_375 = tpu.vector_load %arg8[%get3A_373, %get3A_374] {strides = array<i32>} : memref<80x128xf32, #tpu.memory_space<vmem>>, vector<16xf32>,
        %mul3A_376 = arith.mulf %get3A_375, %get3A_375 : vector<16xf32>
        %add3A_377 = arith.addf %add3A_372, %mul3A_376 : vector<16xf32>
        %get3A_378 = arith.index_cast %add3A_343 : i32 to index
        %get3A_379 = arith.constant 112 : index
        %get3A_380 = tpu.vector_load %arg8[%get3A_378, %get3A_379] {strides = array<i32>} : memref<80x128xf32, #tpu.memory_space<vmem>>, vector<16xf32>,
        %mul3A_381 = arith.mulf %get3A_380, %get3A_380 : vector<16xf32>
        %add3A_382 = arith.addf %add3A_377, %mul3A_381 : vector<16xf32>
        %mul3A_383 = arith.constant 16 : i32
        %mul3A_384 = vector.broadcast %mul3A_383 : i32 to vector<16xi32>
        %mul3A_385 = arith.muli %iota3A, %mul3A_384 : vector<16xi32>
        %add3A_386 = arith.constant 3 : i32
        %add3A_387 = vector.broadcast %add3A_386 : i32 to vector<16xi32>
        %add3A_388 = arith.addi %mul3A_385, %add3A_387 : vector<16xi32>
        tpu.vector_store_idx %arg13[%add3A_388], %add3A_382 : memref<256xf32, #tpu.memory_space<vmem>>[vector<16xi32>], vector<16xf32>,
        %add3A_389 = arith.constant 4 : i32
        %add3A_390 = arith.addi %mul3A_201, %add3A_389 : i32
        %get3A_391 = arith.index_cast %add3A_390 : i32 to index
        %get3A_392 = arith.constant 0 : index
        %get3A_393 = tpu.vector_load %arg8[%get3A_391, %get3A_392] {strides = array<i32>} : memref<80x128xf32, #tpu.memory_space<vmem>>, vector<16xf32>,
        %mul3A_394 = arith.mulf %get3A_393, %get3A_393 : vector<16xf32>
        %get3A_395 = arith.index_cast %add3A_390 : i32 to index
        %get3A_396 = arith.constant 16 : index
        %get3A_397 = tpu.vector_load %arg8[%get3A_395, %get3A_396] {strides = array<i32>} : memref<80x128xf32, #tpu.memory_space<vmem>>, vector<16xf32>,
        %mul3A_398 = arith.mulf %get3A_397, %get3A_397 : vector<16xf32>
        %add3A_399 = arith.addf %mul3A_394, %mul3A_398 : vector<16xf32>
        %get3A_400 = arith.index_cast %add3A_390 : i32 to index
        %get3A_401 = arith.constant 32 : index
        %get3A_402 = tpu.vector_load %arg8[%get3A_400, %get3A_401] {strides = array<i32>} : memref<80x128xf32, #tpu.memory_space<vmem>>, vector<16xf32>,
        %mul3A_403 = arith.mulf %get3A_402, %get3A_402 : vector<16xf32>
        %add3A_404 = arith.addf %add3A_399, %mul3A_403 : vector<16xf32>
        %get3A_405 = arith.index_cast %add3A_390 : i32 to index
        %get3A_406 = arith.constant 48 : index
        %get3A_407 = tpu.vector_load %arg8[%get3A_405, %get3A_406] {strides = array<i32>} : memref<80x128xf32, #tpu.memory_space<vmem>>, vector<16xf32>,
        %mul3A_408 = arith.mulf %get3A_407, %get3A_407 : vector<16xf32>
        %add3A_409 = arith.addf %add3A_404, %mul3A_408 : vector<16xf32>
        %get3A_410 = arith.index_cast %add3A_390 : i32 to index
        %get3A_411 = arith.constant 64 : index
        %get3A_412 = tpu.vector_load %arg8[%get3A_410, %get3A_411] {strides = array<i32>} : memref<80x128xf32, #tpu.memory_space<vmem>>, vector<16xf32>,
        %mul3A_413 = arith.mulf %get3A_412, %get3A_412 : vector<16xf32>
        %add3A_414 = arith.addf %add3A_409, %mul3A_413 : vector<16xf32>
        %get3A_415 = arith.index_cast %add3A_390 : i32 to index
        %get3A_416 = arith.constant 80 : index
        %get3A_417 = tpu.vector_load %arg8[%get3A_415, %get3A_416] {strides = array<i32>} : memref<80x128xf32, #tpu.memory_space<vmem>>, vector<16xf32>,
        %mul3A_418 = arith.mulf %get3A_417, %get3A_417 : vector<16xf32>
        %add3A_419 = arith.addf %add3A_414, %mul3A_418 : vector<16xf32>
        %get3A_420 = arith.index_cast %add3A_390 : i32 to index
        %get3A_421 = arith.constant 96 : index
        %get3A_422 = tpu.vector_load %arg8[%get3A_420, %get3A_421] {strides = array<i32>} : memref<80x128xf32, #tpu.memory_space<vmem>>, vector<16xf32>,
        %mul3A_423 = arith.mulf %get3A_422, %get3A_422 : vector<16xf32>
        %add3A_424 = arith.addf %add3A_419, %mul3A_423 : vector<16xf32>
        %get3A_425 = arith.index_cast %add3A_390 : i32 to index
        %get3A_426 = arith.constant 112 : index
        %get3A_427 = tpu.vector_load %arg8[%get3A_425, %get3A_426] {strides = array<i32>} : memref<80x128xf32, #tpu.memory_space<vmem>>, vector<16xf32>,
        %mul3A_428 = arith.mulf %get3A_427, %get3A_427 : vector<16xf32>
        %add3A_429 = arith.addf %add3A_424, %mul3A_428 : vector<16xf32>
        %mul3A_430 = arith.constant 16 : i32
        %mul3A_431 = vector.broadcast %mul3A_430 : i32 to vector<16xi32>
        %mul3A_432 = arith.muli %iota3A, %mul3A_431 : vector<16xi32>
        %add3A_433 = arith.constant 4 : i32
        %add3A_434 = vector.broadcast %add3A_433 : i32 to vector<16xi32>
        %add3A_435 = arith.addi %mul3A_432, %add3A_434 : vector<16xi32>
        tpu.vector_store_idx %arg13[%add3A_435], %add3A_429 : memref<256xf32, #tpu.memory_space<vmem>>[vector<16xi32>], vector<16xf32>,
        %add3A_436 = arith.constant 5 : i32
        %add3A_437 = arith.addi %mul3A_201, %add3A_436 : i32
        %get3A_438 = arith.index_cast %add3A_437 : i32 to index
        %get3A_439 = arith.constant 0 : index
        %get3A_440 = tpu.vector_load %arg8[%get3A_438, %get3A_439] {strides = array<i32>} : memref<80x128xf32, #tpu.memory_space<vmem>>, vector<16xf32>,
        %mul3A_441 = arith.mulf %get3A_440, %get3A_440 : vector<16xf32>
        %get3A_442 = arith.index_cast %add3A_437 : i32 to index
        %get3A_443 = arith.constant 16 : index
        %get3A_444 = tpu.vector_load %arg8[%get3A_442, %get3A_443] {strides = array<i32>} : memref<80x128xf32, #tpu.memory_space<vmem>>, vector<16xf32>,
        %mul3A_445 = arith.mulf %get3A_444, %get3A_444 : vector<16xf32>
        %add3A_446 = arith.addf %mul3A_441, %mul3A_445 : vector<16xf32>
        %get3A_447 = arith.index_cast %add3A_437 : i32 to index
        %get3A_448 = arith.constant 32 : index
        %get3A_449 = tpu.vector_load %arg8[%get3A_447, %get3A_448] {strides = array<i32>} : memref<80x128xf32, #tpu.memory_space<vmem>>, vector<16xf32>,
        %mul3A_450 = arith.mulf %get3A_449, %get3A_449 : vector<16xf32>
        %add3A_451 = arith.addf %add3A_446, %mul3A_450 : vector<16xf32>
        %get3A_452 = arith.index_cast %add3A_437 : i32 to index
        %get3A_453 = arith.constant 48 : index
        %get3A_454 = tpu.vector_load %arg8[%get3A_452, %get3A_453] {strides = array<i32>} : memref<80x128xf32, #tpu.memory_space<vmem>>, vector<16xf32>,
        %mul3A_455 = arith.mulf %get3A_454, %get3A_454 : vector<16xf32>
        %add3A_456 = arith.addf %add3A_451, %mul3A_455 : vector<16xf32>
        %get3A_457 = arith.index_cast %add3A_437 : i32 to index
        %get3A_458 = arith.constant 64 : index
        %get3A_459 = tpu.vector_load %arg8[%get3A_457, %get3A_458] {strides = array<i32>} : memref<80x128xf32, #tpu.memory_space<vmem>>, vector<16xf32>,
        %mul3A_460 = arith.mulf %get3A_459, %get3A_459 : vector<16xf32>
        %add3A_461 = arith.addf %add3A_456, %mul3A_460 : vector<16xf32>
        %get3A_462 = arith.index_cast %add3A_437 : i32 to index
        %get3A_463 = arith.constant 80 : index
        %get3A_464 = tpu.vector_load %arg8[%get3A_462, %get3A_463] {strides = array<i32>} : memref<80x128xf32, #tpu.memory_space<vmem>>, vector<16xf32>,
        %mul3A_465 = arith.mulf %get3A_464, %get3A_464 : vector<16xf32>
        %add3A_466 = arith.addf %add3A_461, %mul3A_465 : vector<16xf32>
        %get3A_467 = arith.index_cast %add3A_437 : i32 to index
        %get3A_468 = arith.constant 96 : index
        %get3A_469 = tpu.vector_load %arg8[%get3A_467, %get3A_468] {strides = array<i32>} : memref<80x128xf32, #tpu.memory_space<vmem>>, vector<16xf32>,
        %mul3A_470 = arith.mulf %get3A_469, %get3A_469 : vector<16xf32>
        %add3A_471 = arith.addf %add3A_466, %mul3A_470 : vector<16xf32>
        %get3A_472 = arith.index_cast %add3A_437 : i32 to index
        %get3A_473 = arith.constant 112 : index
        %get3A_474 = tpu.vector_load %arg8[%get3A_472, %get3A_473] {strides = array<i32>} : memref<80x128xf32, #tpu.memory_space<vmem>>, vector<16xf32>,
        %mul3A_475 = arith.mulf %get3A_474, %get3A_474 : vector<16xf32>
        %add3A_476 = arith.addf %add3A_471, %mul3A_475 : vector<16xf32>
        %mul3A_477 = arith.constant 16 : i32
        %mul3A_478 = vector.broadcast %mul3A_477 : i32 to vector<16xi32>
        %mul3A_479 = arith.muli %iota3A, %mul3A_478 : vector<16xi32>
        %add3A_480 = arith.constant 5 : i32
        %add3A_481 = vector.broadcast %add3A_480 : i32 to vector<16xi32>
        %add3A_482 = arith.addi %mul3A_479, %add3A_481 : vector<16xi32>
        tpu.vector_store_idx %arg13[%add3A_482], %add3A_476 : memref<256xf32, #tpu.memory_space<vmem>>[vector<16xi32>], vector<16xf32>,
        %add3A_483 = arith.constant 6 : i32
        %add3A_484 = arith.addi %mul3A_201, %add3A_483 : i32
        %get3A_485 = arith.index_cast %add3A_484 : i32 to index
        %get3A_486 = arith.constant 0 : index
        %get3A_487 = tpu.vector_load %arg8[%get3A_485, %get3A_486] {strides = array<i32>} : memref<80x128xf32, #tpu.memory_space<vmem>>, vector<16xf32>,
        %mul3A_488 = arith.mulf %get3A_487, %get3A_487 : vector<16xf32>
        %get3A_489 = arith.index_cast %add3A_484 : i32 to index
        %get3A_490 = arith.constant 16 : index
        %get3A_491 = tpu.vector_load %arg8[%get3A_489, %get3A_490] {strides = array<i32>} : memref<80x128xf32, #tpu.memory_space<vmem>>, vector<16xf32>,
        %mul3A_492 = arith.mulf %get3A_491, %get3A_491 : vector<16xf32>
        %add3A_493 = arith.addf %mul3A_488, %mul3A_492 : vector<16xf32>
        %get3A_494 = arith.index_cast %add3A_484 : i32 to index
        %get3A_495 = arith.constant 32 : index
        %get3A_496 = tpu.vector_load %arg8[%get3A_494, %get3A_495] {strides = array<i32>} : memref<80x128xf32, #tpu.memory_space<vmem>>, vector<16xf32>,
        %mul3A_497 = arith.mulf %get3A_496, %get3A_496 : vector<16xf32>
        %add3A_498 = arith.addf %add3A_493, %mul3A_497 : vector<16xf32>
        %get3A_499 = arith.index_cast %add3A_484 : i32 to index
        %get3A_500 = arith.constant 48 : index
        %get3A_501 = tpu.vector_load %arg8[%get3A_499, %get3A_500] {strides = array<i32>} : memref<80x128xf32, #tpu.memory_space<vmem>>, vector<16xf32>,
        %mul3A_502 = arith.mulf %get3A_501, %get3A_501 : vector<16xf32>
        %add3A_503 = arith.addf %add3A_498, %mul3A_502 : vector<16xf32>
        %get3A_504 = arith.index_cast %add3A_484 : i32 to index
        %get3A_505 = arith.constant 64 : index
        %get3A_506 = tpu.vector_load %arg8[%get3A_504, %get3A_505] {strides = array<i32>} : memref<80x128xf32, #tpu.memory_space<vmem>>, vector<16xf32>,
        %mul3A_507 = arith.mulf %get3A_506, %get3A_506 : vector<16xf32>
        %add3A_508 = arith.addf %add3A_503, %mul3A_507 : vector<16xf32>
        %get3A_509 = arith.index_cast %add3A_484 : i32 to index
        %get3A_510 = arith.constant 80 : index
        %get3A_511 = tpu.vector_load %arg8[%get3A_509, %get3A_510] {strides = array<i32>} : memref<80x128xf32, #tpu.memory_space<vmem>>, vector<16xf32>,
        %mul3A_512 = arith.mulf %get3A_511, %get3A_511 : vector<16xf32>
        %add3A_513 = arith.addf %add3A_508, %mul3A_512 : vector<16xf32>
        %get3A_514 = arith.index_cast %add3A_484 : i32 to index
        %get3A_515 = arith.constant 96 : index
        %get3A_516 = tpu.vector_load %arg8[%get3A_514, %get3A_515] {strides = array<i32>} : memref<80x128xf32, #tpu.memory_space<vmem>>, vector<16xf32>,
        %mul3A_517 = arith.mulf %get3A_516, %get3A_516 : vector<16xf32>
        %add3A_518 = arith.addf %add3A_513, %mul3A_517 : vector<16xf32>
        %get3A_519 = arith.index_cast %add3A_484 : i32 to index
        %get3A_520 = arith.constant 112 : index
        %get3A_521 = tpu.vector_load %arg8[%get3A_519, %get3A_520] {strides = array<i32>} : memref<80x128xf32, #tpu.memory_space<vmem>>, vector<16xf32>,
        %mul3A_522 = arith.mulf %get3A_521, %get3A_521 : vector<16xf32>
        %add3A_523 = arith.addf %add3A_518, %mul3A_522 : vector<16xf32>
        %mul3A_524 = arith.constant 16 : i32
        %mul3A_525 = vector.broadcast %mul3A_524 : i32 to vector<16xi32>
        %mul3A_526 = arith.muli %iota3A, %mul3A_525 : vector<16xi32>
        %add3A_527 = arith.constant 6 : i32
        %add3A_528 = vector.broadcast %add3A_527 : i32 to vector<16xi32>
        %add3A_529 = arith.addi %mul3A_526, %add3A_528 : vector<16xi32>
        tpu.vector_store_idx %arg13[%add3A_529], %add3A_523 : memref<256xf32, #tpu.memory_space<vmem>>[vector<16xi32>], vector<16xf32>,
        %add3A_530 = arith.constant 7 : i32
        %add3A_531 = arith.addi %mul3A_201, %add3A_530 : i32
        %get3A_532 = arith.index_cast %add3A_531 : i32 to index
        %get3A_533 = arith.constant 0 : index
        %get3A_534 = tpu.vector_load %arg8[%get3A_532, %get3A_533] {strides = array<i32>} : memref<80x128xf32, #tpu.memory_space<vmem>>, vector<16xf32>,
        %mul3A_535 = arith.mulf %get3A_534, %get3A_534 : vector<16xf32>
        %get3A_536 = arith.index_cast %add3A_531 : i32 to index
        %get3A_537 = arith.constant 16 : index
        %get3A_538 = tpu.vector_load %arg8[%get3A_536, %get3A_537] {strides = array<i32>} : memref<80x128xf32, #tpu.memory_space<vmem>>, vector<16xf32>,
        %mul3A_539 = arith.mulf %get3A_538, %get3A_538 : vector<16xf32>
        %add3A_540 = arith.addf %mul3A_535, %mul3A_539 : vector<16xf32>
        %get3A_541 = arith.index_cast %add3A_531 : i32 to index
        %get3A_542 = arith.constant 32 : index
        %get3A_543 = tpu.vector_load %arg8[%get3A_541, %get3A_542] {strides = array<i32>} : memref<80x128xf32, #tpu.memory_space<vmem>>, vector<16xf32>,
        %mul3A_544 = arith.mulf %get3A_543, %get3A_543 : vector<16xf32>
        %add3A_545 = arith.addf %add3A_540, %mul3A_544 : vector<16xf32>
        %get3A_546 = arith.index_cast %add3A_531 : i32 to index
        %get3A_547 = arith.constant 48 : index
        %get3A_548 = tpu.vector_load %arg8[%get3A_546, %get3A_547] {strides = array<i32>} : memref<80x128xf32, #tpu.memory_space<vmem>>, vector<16xf32>,
        %mul3A_549 = arith.mulf %get3A_548, %get3A_548 : vector<16xf32>
        %add3A_550 = arith.addf %add3A_545, %mul3A_549 : vector<16xf32>
        %get3A_551 = arith.index_cast %add3A_531 : i32 to index
        %get3A_552 = arith.constant 64 : index
        %get3A_553 = tpu.vector_load %arg8[%get3A_551, %get3A_552] {strides = array<i32>} : memref<80x128xf32, #tpu.memory_space<vmem>>, vector<16xf32>,
        %mul3A_554 = arith.mulf %get3A_553, %get3A_553 : vector<16xf32>
        %add3A_555 = arith.addf %add3A_550, %mul3A_554 : vector<16xf32>
        %get3A_556 = arith.index_cast %add3A_531 : i32 to index
        %get3A_557 = arith.constant 80 : index
        %get3A_558 = tpu.vector_load %arg8[%get3A_556, %get3A_557] {strides = array<i32>} : memref<80x128xf32, #tpu.memory_space<vmem>>, vector<16xf32>,
        %mul3A_559 = arith.mulf %get3A_558, %get3A_558 : vector<16xf32>
        %add3A_560 = arith.addf %add3A_555, %mul3A_559 : vector<16xf32>
        %get3A_561 = arith.index_cast %add3A_531 : i32 to index
        %get3A_562 = arith.constant 96 : index
        %get3A_563 = tpu.vector_load %arg8[%get3A_561, %get3A_562] {strides = array<i32>} : memref<80x128xf32, #tpu.memory_space<vmem>>, vector<16xf32>,
        %mul3A_564 = arith.mulf %get3A_563, %get3A_563 : vector<16xf32>
        %add3A_565 = arith.addf %add3A_560, %mul3A_564 : vector<16xf32>
        %get3A_566 = arith.index_cast %add3A_531 : i32 to index
        %get3A_567 = arith.constant 112 : index
        %get3A_568 = tpu.vector_load %arg8[%get3A_566, %get3A_567] {strides = array<i32>} : memref<80x128xf32, #tpu.memory_space<vmem>>, vector<16xf32>,
        %mul3A_569 = arith.mulf %get3A_568, %get3A_568 : vector<16xf32>
        %add3A_570 = arith.addf %add3A_565, %mul3A_569 : vector<16xf32>
        %mul3A_571 = arith.constant 16 : i32
        %mul3A_572 = vector.broadcast %mul3A_571 : i32 to vector<16xi32>
        %mul3A_573 = arith.muli %iota3A, %mul3A_572 : vector<16xi32>
        %add3A_574 = arith.constant 7 : i32
        %add3A_575 = vector.broadcast %add3A_574 : i32 to vector<16xi32>
        %add3A_576 = arith.addi %mul3A_573, %add3A_575 : vector<16xi32>
        tpu.vector_store_idx %arg13[%add3A_576], %add3A_570 : memref<256xf32, #tpu.memory_space<vmem>>[vector<16xi32>], vector<16xf32>,
        %add3A_577 = arith.constant 8 : i32
        %add3A_578 = arith.addi %mul3A_201, %add3A_577 : i32
        %get3A_579 = arith.index_cast %add3A_578 : i32 to index
        %get3A_580 = arith.constant 0 : index
        %get3A_581 = tpu.vector_load %arg8[%get3A_579, %get3A_580] {strides = array<i32>} : memref<80x128xf32, #tpu.memory_space<vmem>>, vector<16xf32>,
        %mul3A_582 = arith.mulf %get3A_581, %get3A_581 : vector<16xf32>
        %get3A_583 = arith.index_cast %add3A_578 : i32 to index
        %get3A_584 = arith.constant 16 : index
        %get3A_585 = tpu.vector_load %arg8[%get3A_583, %get3A_584] {strides = array<i32>} : memref<80x128xf32, #tpu.memory_space<vmem>>, vector<16xf32>,
        %mul3A_586 = arith.mulf %get3A_585, %get3A_585 : vector<16xf32>
        %add3A_587 = arith.addf %mul3A_582, %mul3A_586 : vector<16xf32>
        %get3A_588 = arith.index_cast %add3A_578 : i32 to index
        %get3A_589 = arith.constant 32 : index
        %get3A_590 = tpu.vector_load %arg8[%get3A_588, %get3A_589] {strides = array<i32>} : memref<80x128xf32, #tpu.memory_space<vmem>>, vector<16xf32>,
        %mul3A_591 = arith.mulf %get3A_590, %get3A_590 : vector<16xf32>
        %add3A_592 = arith.addf %add3A_587, %mul3A_591 : vector<16xf32>
        %get3A_593 = arith.index_cast %add3A_578 : i32 to index
        %get3A_594 = arith.constant 48 : index
        %get3A_595 = tpu.vector_load %arg8[%get3A_593, %get3A_594] {strides = array<i32>} : memref<80x128xf32, #tpu.memory_space<vmem>>, vector<16xf32>,
        %mul3A_596 = arith.mulf %get3A_595, %get3A_595 : vector<16xf32>
        %add3A_597 = arith.addf %add3A_592, %mul3A_596 : vector<16xf32>
        %get3A_598 = arith.index_cast %add3A_578 : i32 to index
        %get3A_599 = arith.constant 64 : index
        %get3A_600 = tpu.vector_load %arg8[%get3A_598, %get3A_599] {strides = array<i32>} : memref<80x128xf32, #tpu.memory_space<vmem>>, vector<16xf32>,
        %mul3A_601 = arith.mulf %get3A_600, %get3A_600 : vector<16xf32>
        %add3A_602 = arith.addf %add3A_597, %mul3A_601 : vector<16xf32>
        %get3A_603 = arith.index_cast %add3A_578 : i32 to index
        %get3A_604 = arith.constant 80 : index
        %get3A_605 = tpu.vector_load %arg8[%get3A_603, %get3A_604] {strides = array<i32>} : memref<80x128xf32, #tpu.memory_space<vmem>>, vector<16xf32>,
        %mul3A_606 = arith.mulf %get3A_605, %get3A_605 : vector<16xf32>
        %add3A_607 = arith.addf %add3A_602, %mul3A_606 : vector<16xf32>
        %get3A_608 = arith.index_cast %add3A_578 : i32 to index
        %get3A_609 = arith.constant 96 : index
        %get3A_610 = tpu.vector_load %arg8[%get3A_608, %get3A_609] {strides = array<i32>} : memref<80x128xf32, #tpu.memory_space<vmem>>, vector<16xf32>,
        %mul3A_611 = arith.mulf %get3A_610, %get3A_610 : vector<16xf32>
        %add3A_612 = arith.addf %add3A_607, %mul3A_611 : vector<16xf32>
        %get3A_613 = arith.index_cast %add3A_578 : i32 to index
        %get3A_614 = arith.constant 112 : index
        %get3A_615 = tpu.vector_load %arg8[%get3A_613, %get3A_614] {strides = array<i32>} : memref<80x128xf32, #tpu.memory_space<vmem>>, vector<16xf32>,
        %mul3A_616 = arith.mulf %get3A_615, %get3A_615 : vector<16xf32>
        %add3A_617 = arith.addf %add3A_612, %mul3A_616 : vector<16xf32>
        %mul3A_618 = arith.constant 16 : i32
        %mul3A_619 = vector.broadcast %mul3A_618 : i32 to vector<16xi32>
        %mul3A_620 = arith.muli %iota3A, %mul3A_619 : vector<16xi32>
        %add3A_621 = arith.constant 8 : i32
        %add3A_622 = vector.broadcast %add3A_621 : i32 to vector<16xi32>
        %add3A_623 = arith.addi %mul3A_620, %add3A_622 : vector<16xi32>
        tpu.vector_store_idx %arg13[%add3A_623], %add3A_617 : memref<256xf32, #tpu.memory_space<vmem>>[vector<16xi32>], vector<16xf32>,
        %add3A_624 = arith.constant 9 : i32
        %add3A_625 = arith.addi %mul3A_201, %add3A_624 : i32
        %get3A_626 = arith.index_cast %add3A_625 : i32 to index
        %get3A_627 = arith.constant 0 : index
        %get3A_628 = tpu.vector_load %arg8[%get3A_626, %get3A_627] {strides = array<i32>} : memref<80x128xf32, #tpu.memory_space<vmem>>, vector<16xf32>,
        %mul3A_629 = arith.mulf %get3A_628, %get3A_628 : vector<16xf32>
        %get3A_630 = arith.index_cast %add3A_625 : i32 to index
        %get3A_631 = arith.constant 16 : index
        %get3A_632 = tpu.vector_load %arg8[%get3A_630, %get3A_631] {strides = array<i32>} : memref<80x128xf32, #tpu.memory_space<vmem>>, vector<16xf32>,
        %mul3A_633 = arith.mulf %get3A_632, %get3A_632 : vector<16xf32>
        %add3A_634 = arith.addf %mul3A_629, %mul3A_633 : vector<16xf32>
        %get3A_635 = arith.index_cast %add3A_625 : i32 to index
        %get3A_636 = arith.constant 32 : index
        %get3A_637 = tpu.vector_load %arg8[%get3A_635, %get3A_636] {strides = array<i32>} : memref<80x128xf32, #tpu.memory_space<vmem>>, vector<16xf32>,
        %mul3A_638 = arith.mulf %get3A_637, %get3A_637 : vector<16xf32>
        %add3A_639 = arith.addf %add3A_634, %mul3A_638 : vector<16xf32>
        %get3A_640 = arith.index_cast %add3A_625 : i32 to index
        %get3A_641 = arith.constant 48 : index
        %get3A_642 = tpu.vector_load %arg8[%get3A_640, %get3A_641] {strides = array<i32>} : memref<80x128xf32, #tpu.memory_space<vmem>>, vector<16xf32>,
        %mul3A_643 = arith.mulf %get3A_642, %get3A_642 : vector<16xf32>
        %add3A_644 = arith.addf %add3A_639, %mul3A_643 : vector<16xf32>
        %get3A_645 = arith.index_cast %add3A_625 : i32 to index
        %get3A_646 = arith.constant 64 : index
        %get3A_647 = tpu.vector_load %arg8[%get3A_645, %get3A_646] {strides = array<i32>} : memref<80x128xf32, #tpu.memory_space<vmem>>, vector<16xf32>,
        %mul3A_648 = arith.mulf %get3A_647, %get3A_647 : vector<16xf32>
        %add3A_649 = arith.addf %add3A_644, %mul3A_648 : vector<16xf32>
        %get3A_650 = arith.index_cast %add3A_625 : i32 to index
        %get3A_651 = arith.constant 80 : index
        %get3A_652 = tpu.vector_load %arg8[%get3A_650, %get3A_651] {strides = array<i32>} : memref<80x128xf32, #tpu.memory_space<vmem>>, vector<16xf32>,
        %mul3A_653 = arith.mulf %get3A_652, %get3A_652 : vector<16xf32>
        %add3A_654 = arith.addf %add3A_649, %mul3A_653 : vector<16xf32>
        %get3A_655 = arith.index_cast %add3A_625 : i32 to index
        %get3A_656 = arith.constant 96 : index
        %get3A_657 = tpu.vector_load %arg8[%get3A_655, %get3A_656] {strides = array<i32>} : memref<80x128xf32, #tpu.memory_space<vmem>>, vector<16xf32>,
        %mul3A_658 = arith.mulf %get3A_657, %get3A_657 : vector<16xf32>
        %add3A_659 = arith.addf %add3A_654, %mul3A_658 : vector<16xf32>
        %get3A_660 = arith.index_cast %add3A_625 : i32 to index
        %get3A_661 = arith.constant 112 : index
        %get3A_662 = tpu.vector_load %arg8[%get3A_660, %get3A_661] {strides = array<i32>} : memref<80x128xf32, #tpu.memory_space<vmem>>, vector<16xf32>,
        %mul3A_663 = arith.mulf %get3A_662, %get3A_662 : vector<16xf32>
        %add3A_664 = arith.addf %add3A_659, %mul3A_663 : vector<16xf32>
        %mul3A_665 = arith.constant 16 : i32
        %mul3A_666 = vector.broadcast %mul3A_665 : i32 to vector<16xi32>
        %mul3A_667 = arith.muli %iota3A, %mul3A_666 : vector<16xi32>
        %add3A_668 = arith.constant 9 : i32
        %add3A_669 = vector.broadcast %add3A_668 : i32 to vector<16xi32>
        %add3A_670 = arith.addi %mul3A_667, %add3A_669 : vector<16xi32>
        tpu.vector_store_idx %arg13[%add3A_670], %add3A_664 : memref<256xf32, #tpu.memory_space<vmem>>[vector<16xi32>], vector<16xf32>,
        %add3A_671 = arith.constant 10 : i32
        %add3A_672 = arith.addi %mul3A_201, %add3A_671 : i32
        %get3A_673 = arith.index_cast %add3A_672 : i32 to index
        %get3A_674 = arith.constant 0 : index
        %get3A_675 = tpu.vector_load %arg8[%get3A_673, %get3A_674] {strides = array<i32>} : memref<80x128xf32, #tpu.memory_space<vmem>>, vector<16xf32>,
        %mul3A_676 = arith.mulf %get3A_675, %get3A_675 : vector<16xf32>
        %get3A_677 = arith.index_cast %add3A_672 : i32 to index
        %get3A_678 = arith.constant 16 : index
        %get3A_679 = tpu.vector_load %arg8[%get3A_677, %get3A_678] {strides = array<i32>} : memref<80x128xf32, #tpu.memory_space<vmem>>, vector<16xf32>,
        %mul3A_680 = arith.mulf %get3A_679, %get3A_679 : vector<16xf32>
        %add3A_681 = arith.addf %mul3A_676, %mul3A_680 : vector<16xf32>
        %get3A_682 = arith.index_cast %add3A_672 : i32 to index
        %get3A_683 = arith.constant 32 : index
        %get3A_684 = tpu.vector_load %arg8[%get3A_682, %get3A_683] {strides = array<i32>} : memref<80x128xf32, #tpu.memory_space<vmem>>, vector<16xf32>,
        %mul3A_685 = arith.mulf %get3A_684, %get3A_684 : vector<16xf32>
        %add3A_686 = arith.addf %add3A_681, %mul3A_685 : vector<16xf32>
        %get3A_687 = arith.index_cast %add3A_672 : i32 to index
        %get3A_688 = arith.constant 48 : index
        %get3A_689 = tpu.vector_load %arg8[%get3A_687, %get3A_688] {strides = array<i32>} : memref<80x128xf32, #tpu.memory_space<vmem>>, vector<16xf32>,
        %mul3A_690 = arith.mulf %get3A_689, %get3A_689 : vector<16xf32>
        %add3A_691 = arith.addf %add3A_686, %mul3A_690 : vector<16xf32>
        %get3A_692 = arith.index_cast %add3A_672 : i32 to index
        %get3A_693 = arith.constant 64 : index
        %get3A_694 = tpu.vector_load %arg8[%get3A_692, %get3A_693] {strides = array<i32>} : memref<80x128xf32, #tpu.memory_space<vmem>>, vector<16xf32>,
        %mul3A_695 = arith.mulf %get3A_694, %get3A_694 : vector<16xf32>
        %add3A_696 = arith.addf %add3A_691, %mul3A_695 : vector<16xf32>
        %get3A_697 = arith.index_cast %add3A_672 : i32 to index
        %get3A_698 = arith.constant 80 : index
        %get3A_699 = tpu.vector_load %arg8[%get3A_697, %get3A_698] {strides = array<i32>} : memref<80x128xf32, #tpu.memory_space<vmem>>, vector<16xf32>,
        %mul3A_700 = arith.mulf %get3A_699, %get3A_699 : vector<16xf32>
        %add3A_701 = arith.addf %add3A_696, %mul3A_700 : vector<16xf32>
        %get3A_702 = arith.index_cast %add3A_672 : i32 to index
        %get3A_703 = arith.constant 96 : index
        %get3A_704 = tpu.vector_load %arg8[%get3A_702, %get3A_703] {strides = array<i32>} : memref<80x128xf32, #tpu.memory_space<vmem>>, vector<16xf32>,
        %mul3A_705 = arith.mulf %get3A_704, %get3A_704 : vector<16xf32>
        %add3A_706 = arith.addf %add3A_701, %mul3A_705 : vector<16xf32>
        %get3A_707 = arith.index_cast %add3A_672 : i32 to index
        %get3A_708 = arith.constant 112 : index
        %get3A_709 = tpu.vector_load %arg8[%get3A_707, %get3A_708] {strides = array<i32>} : memref<80x128xf32, #tpu.memory_space<vmem>>, vector<16xf32>,
        %mul3A_710 = arith.mulf %get3A_709, %get3A_709 : vector<16xf32>
        %add3A_711 = arith.addf %add3A_706, %mul3A_710 : vector<16xf32>
        %mul3A_712 = arith.constant 16 : i32
        %mul3A_713 = vector.broadcast %mul3A_712 : i32 to vector<16xi32>
        %mul3A_714 = arith.muli %iota3A, %mul3A_713 : vector<16xi32>
        %add3A_715 = arith.constant 10 : i32
        %add3A_716 = vector.broadcast %add3A_715 : i32 to vector<16xi32>
        %add3A_717 = arith.addi %mul3A_714, %add3A_716 : vector<16xi32>
        tpu.vector_store_idx %arg13[%add3A_717], %add3A_711 : memref<256xf32, #tpu.memory_space<vmem>>[vector<16xi32>], vector<16xf32>,
        %add3A_718 = arith.constant 11 : i32
        %add3A_719 = arith.addi %mul3A_201, %add3A_718 : i32
        %get3A_720 = arith.index_cast %add3A_719 : i32 to index
        %get3A_721 = arith.constant 0 : index
        %get3A_722 = tpu.vector_load %arg8[%get3A_720, %get3A_721] {strides = array<i32>} : memref<80x128xf32, #tpu.memory_space<vmem>>, vector<16xf32>,
        %mul3A_723 = arith.mulf %get3A_722, %get3A_722 : vector<16xf32>
        %get3A_724 = arith.index_cast %add3A_719 : i32 to index
        %get3A_725 = arith.constant 16 : index
        %get3A_726 = tpu.vector_load %arg8[%get3A_724, %get3A_725] {strides = array<i32>} : memref<80x128xf32, #tpu.memory_space<vmem>>, vector<16xf32>,
        %mul3A_727 = arith.mulf %get3A_726, %get3A_726 : vector<16xf32>
        %add3A_728 = arith.addf %mul3A_723, %mul3A_727 : vector<16xf32>
        %get3A_729 = arith.index_cast %add3A_719 : i32 to index
        %get3A_730 = arith.constant 32 : index
        %get3A_731 = tpu.vector_load %arg8[%get3A_729, %get3A_730] {strides = array<i32>} : memref<80x128xf32, #tpu.memory_space<vmem>>, vector<16xf32>,
        %mul3A_732 = arith.mulf %get3A_731, %get3A_731 : vector<16xf32>
        %add3A_733 = arith.addf %add3A_728, %mul3A_732 : vector<16xf32>
        %get3A_734 = arith.index_cast %add3A_719 : i32 to index
        %get3A_735 = arith.constant 48 : index
        %get3A_736 = tpu.vector_load %arg8[%get3A_734, %get3A_735] {strides = array<i32>} : memref<80x128xf32, #tpu.memory_space<vmem>>, vector<16xf32>,
        %mul3A_737 = arith.mulf %get3A_736, %get3A_736 : vector<16xf32>
        %add3A_738 = arith.addf %add3A_733, %mul3A_737 : vector<16xf32>
        %get3A_739 = arith.index_cast %add3A_719 : i32 to index
        %get3A_740 = arith.constant 64 : index
        %get3A_741 = tpu.vector_load %arg8[%get3A_739, %get3A_740] {strides = array<i32>} : memref<80x128xf32, #tpu.memory_space<vmem>>, vector<16xf32>,
        %mul3A_742 = arith.mulf %get3A_741, %get3A_741 : vector<16xf32>
        %add3A_743 = arith.addf %add3A_738, %mul3A_742 : vector<16xf32>
        %get3A_744 = arith.index_cast %add3A_719 : i32 to index
        %get3A_745 = arith.constant 80 : index
        %get3A_746 = tpu.vector_load %arg8[%get3A_744, %get3A_745] {strides = array<i32>} : memref<80x128xf32, #tpu.memory_space<vmem>>, vector<16xf32>,
        %mul3A_747 = arith.mulf %get3A_746, %get3A_746 : vector<16xf32>
        %add3A_748 = arith.addf %add3A_743, %mul3A_747 : vector<16xf32>
        %get3A_749 = arith.index_cast %add3A_719 : i32 to index
        %get3A_750 = arith.constant 96 : index
        %get3A_751 = tpu.vector_load %arg8[%get3A_749, %get3A_750] {strides = array<i32>} : memref<80x128xf32, #tpu.memory_space<vmem>>, vector<16xf32>,
        %mul3A_752 = arith.mulf %get3A_751, %get3A_751 : vector<16xf32>
        %add3A_753 = arith.addf %add3A_748, %mul3A_752 : vector<16xf32>
        %get3A_754 = arith.index_cast %add3A_719 : i32 to index
        %get3A_755 = arith.constant 112 : index
        %get3A_756 = tpu.vector_load %arg8[%get3A_754, %get3A_755] {strides = array<i32>} : memref<80x128xf32, #tpu.memory_space<vmem>>, vector<16xf32>,
        %mul3A_757 = arith.mulf %get3A_756, %get3A_756 : vector<16xf32>
        %add3A_758 = arith.addf %add3A_753, %mul3A_757 : vector<16xf32>
        %mul3A_759 = arith.constant 16 : i32
        %mul3A_760 = vector.broadcast %mul3A_759 : i32 to vector<16xi32>
        %mul3A_761 = arith.muli %iota3A, %mul3A_760 : vector<16xi32>
        %add3A_762 = arith.constant 11 : i32
        %add3A_763 = vector.broadcast %add3A_762 : i32 to vector<16xi32>
        %add3A_764 = arith.addi %mul3A_761, %add3A_763 : vector<16xi32>
        tpu.vector_store_idx %arg13[%add3A_764], %add3A_758 : memref<256xf32, #tpu.memory_space<vmem>>[vector<16xi32>], vector<16xf32>,
        %add3A_765 = arith.constant 12 : i32
        %add3A_766 = arith.addi %mul3A_201, %add3A_765 : i32
        %get3A_767 = arith.index_cast %add3A_766 : i32 to index
        %get3A_768 = arith.constant 0 : index
        %get3A_769 = tpu.vector_load %arg8[%get3A_767, %get3A_768] {strides = array<i32>} : memref<80x128xf32, #tpu.memory_space<vmem>>, vector<16xf32>,
        %mul3A_770 = arith.mulf %get3A_769, %get3A_769 : vector<16xf32>
        %get3A_771 = arith.index_cast %add3A_766 : i32 to index
        %get3A_772 = arith.constant 16 : index
        %get3A_773 = tpu.vector_load %arg8[%get3A_771, %get3A_772] {strides = array<i32>} : memref<80x128xf32, #tpu.memory_space<vmem>>, vector<16xf32>,
        %mul3A_774 = arith.mulf %get3A_773, %get3A_773 : vector<16xf32>
        %add3A_775 = arith.addf %mul3A_770, %mul3A_774 : vector<16xf32>
        %get3A_776 = arith.index_cast %add3A_766 : i32 to index
        %get3A_777 = arith.constant 32 : index
        %get3A_778 = tpu.vector_load %arg8[%get3A_776, %get3A_777] {strides = array<i32>} : memref<80x128xf32, #tpu.memory_space<vmem>>, vector<16xf32>,
        %mul3A_779 = arith.mulf %get3A_778, %get3A_778 : vector<16xf32>
        %add3A_780 = arith.addf %add3A_775, %mul3A_779 : vector<16xf32>
        %get3A_781 = arith.index_cast %add3A_766 : i32 to index
        %get3A_782 = arith.constant 48 : index
        %get3A_783 = tpu.vector_load %arg8[%get3A_781, %get3A_782] {strides = array<i32>} : memref<80x128xf32, #tpu.memory_space<vmem>>, vector<16xf32>,
        %mul3A_784 = arith.mulf %get3A_783, %get3A_783 : vector<16xf32>
        %add3A_785 = arith.addf %add3A_780, %mul3A_784 : vector<16xf32>
        %get3A_786 = arith.index_cast %add3A_766 : i32 to index
        %get3A_787 = arith.constant 64 : index
        %get3A_788 = tpu.vector_load %arg8[%get3A_786, %get3A_787] {strides = array<i32>} : memref<80x128xf32, #tpu.memory_space<vmem>>, vector<16xf32>,
        %mul3A_789 = arith.mulf %get3A_788, %get3A_788 : vector<16xf32>
        %add3A_790 = arith.addf %add3A_785, %mul3A_789 : vector<16xf32>
        %get3A_791 = arith.index_cast %add3A_766 : i32 to index
        %get3A_792 = arith.constant 80 : index
        %get3A_793 = tpu.vector_load %arg8[%get3A_791, %get3A_792] {strides = array<i32>} : memref<80x128xf32, #tpu.memory_space<vmem>>, vector<16xf32>,
        %mul3A_794 = arith.mulf %get3A_793, %get3A_793 : vector<16xf32>
        %add3A_795 = arith.addf %add3A_790, %mul3A_794 : vector<16xf32>
        %get3A_796 = arith.index_cast %add3A_766 : i32 to index
        %get3A_797 = arith.constant 96 : index
        %get3A_798 = tpu.vector_load %arg8[%get3A_796, %get3A_797] {strides = array<i32>} : memref<80x128xf32, #tpu.memory_space<vmem>>, vector<16xf32>,
        %mul3A_799 = arith.mulf %get3A_798, %get3A_798 : vector<16xf32>
        %add3A_800 = arith.addf %add3A_795, %mul3A_799 : vector<16xf32>
        %get3A_801 = arith.index_cast %add3A_766 : i32 to index
        %get3A_802 = arith.constant 112 : index
        %get3A_803 = tpu.vector_load %arg8[%get3A_801, %get3A_802] {strides = array<i32>} : memref<80x128xf32, #tpu.memory_space<vmem>>, vector<16xf32>,
        %mul3A_804 = arith.mulf %get3A_803, %get3A_803 : vector<16xf32>
        %add3A_805 = arith.addf %add3A_800, %mul3A_804 : vector<16xf32>
        %mul3A_806 = arith.constant 16 : i32
        %mul3A_807 = vector.broadcast %mul3A_806 : i32 to vector<16xi32>
        %mul3A_808 = arith.muli %iota3A, %mul3A_807 : vector<16xi32>
        %add3A_809 = arith.constant 12 : i32
        %add3A_810 = vector.broadcast %add3A_809 : i32 to vector<16xi32>
        %add3A_811 = arith.addi %mul3A_808, %add3A_810 : vector<16xi32>
        tpu.vector_store_idx %arg13[%add3A_811], %add3A_805 : memref<256xf32, #tpu.memory_space<vmem>>[vector<16xi32>], vector<16xf32>,
        %add3A_812 = arith.constant 13 : i32
        %add3A_813 = arith.addi %mul3A_201, %add3A_812 : i32
        %get3A_814 = arith.index_cast %add3A_813 : i32 to index
        %get3A_815 = arith.constant 0 : index
        %get3A_816 = tpu.vector_load %arg8[%get3A_814, %get3A_815] {strides = array<i32>} : memref<80x128xf32, #tpu.memory_space<vmem>>, vector<16xf32>,
        %mul3A_817 = arith.mulf %get3A_816, %get3A_816 : vector<16xf32>
        %get3A_818 = arith.index_cast %add3A_813 : i32 to index
        %get3A_819 = arith.constant 16 : index
        %get3A_820 = tpu.vector_load %arg8[%get3A_818, %get3A_819] {strides = array<i32>} : memref<80x128xf32, #tpu.memory_space<vmem>>, vector<16xf32>,
        %mul3A_821 = arith.mulf %get3A_820, %get3A_820 : vector<16xf32>
        %add3A_822 = arith.addf %mul3A_817, %mul3A_821 : vector<16xf32>
        %get3A_823 = arith.index_cast %add3A_813 : i32 to index
        %get3A_824 = arith.constant 32 : index
        %get3A_825 = tpu.vector_load %arg8[%get3A_823, %get3A_824] {strides = array<i32>} : memref<80x128xf32, #tpu.memory_space<vmem>>, vector<16xf32>,
        %mul3A_826 = arith.mulf %get3A_825, %get3A_825 : vector<16xf32>
        %add3A_827 = arith.addf %add3A_822, %mul3A_826 : vector<16xf32>
        %get3A_828 = arith.index_cast %add3A_813 : i32 to index
        %get3A_829 = arith.constant 48 : index
        %get3A_830 = tpu.vector_load %arg8[%get3A_828, %get3A_829] {strides = array<i32>} : memref<80x128xf32, #tpu.memory_space<vmem>>, vector<16xf32>,
        %mul3A_831 = arith.mulf %get3A_830, %get3A_830 : vector<16xf32>
        %add3A_832 = arith.addf %add3A_827, %mul3A_831 : vector<16xf32>
        %get3A_833 = arith.index_cast %add3A_813 : i32 to index
        %get3A_834 = arith.constant 64 : index
        %get3A_835 = tpu.vector_load %arg8[%get3A_833, %get3A_834] {strides = array<i32>} : memref<80x128xf32, #tpu.memory_space<vmem>>, vector<16xf32>,
        %mul3A_836 = arith.mulf %get3A_835, %get3A_835 : vector<16xf32>
        %add3A_837 = arith.addf %add3A_832, %mul3A_836 : vector<16xf32>
        %get3A_838 = arith.index_cast %add3A_813 : i32 to index
        %get3A_839 = arith.constant 80 : index
        %get3A_840 = tpu.vector_load %arg8[%get3A_838, %get3A_839] {strides = array<i32>} : memref<80x128xf32, #tpu.memory_space<vmem>>, vector<16xf32>,
        %mul3A_841 = arith.mulf %get3A_840, %get3A_840 : vector<16xf32>
        %add3A_842 = arith.addf %add3A_837, %mul3A_841 : vector<16xf32>
        %get3A_843 = arith.index_cast %add3A_813 : i32 to index
        %get3A_844 = arith.constant 96 : index
        %get3A_845 = tpu.vector_load %arg8[%get3A_843, %get3A_844] {strides = array<i32>} : memref<80x128xf32, #tpu.memory_space<vmem>>, vector<16xf32>,
        %mul3A_846 = arith.mulf %get3A_845, %get3A_845 : vector<16xf32>
        %add3A_847 = arith.addf %add3A_842, %mul3A_846 : vector<16xf32>
        %get3A_848 = arith.index_cast %add3A_813 : i32 to index
        %get3A_849 = arith.constant 112 : index
        %get3A_850 = tpu.vector_load %arg8[%get3A_848, %get3A_849] {strides = array<i32>} : memref<80x128xf32, #tpu.memory_space<vmem>>, vector<16xf32>,
        %mul3A_851 = arith.mulf %get3A_850, %get3A_850 : vector<16xf32>
        %add3A_852 = arith.addf %add3A_847, %mul3A_851 : vector<16xf32>
        %mul3A_853 = arith.constant 16 : i32
        %mul3A_854 = vector.broadcast %mul3A_853 : i32 to vector<16xi32>
        %mul3A_855 = arith.muli %iota3A, %mul3A_854 : vector<16xi32>
        %add3A_856 = arith.constant 13 : i32
        %add3A_857 = vector.broadcast %add3A_856 : i32 to vector<16xi32>
        %add3A_858 = arith.addi %mul3A_855, %add3A_857 : vector<16xi32>
        tpu.vector_store_idx %arg13[%add3A_858], %add3A_852 : memref<256xf32, #tpu.memory_space<vmem>>[vector<16xi32>], vector<16xf32>,
        %add3A_859 = arith.constant 14 : i32
        %add3A_860 = arith.addi %mul3A_201, %add3A_859 : i32
        %get3A_861 = arith.index_cast %add3A_860 : i32 to index
        %get3A_862 = arith.constant 0 : index
        %get3A_863 = tpu.vector_load %arg8[%get3A_861, %get3A_862] {strides = array<i32>} : memref<80x128xf32, #tpu.memory_space<vmem>>, vector<16xf32>,
        %mul3A_864 = arith.mulf %get3A_863, %get3A_863 : vector<16xf32>
        %get3A_865 = arith.index_cast %add3A_860 : i32 to index
        %get3A_866 = arith.constant 16 : index
        %get3A_867 = tpu.vector_load %arg8[%get3A_865, %get3A_866] {strides = array<i32>} : memref<80x128xf32, #tpu.memory_space<vmem>>, vector<16xf32>,
        %mul3A_868 = arith.mulf %get3A_867, %get3A_867 : vector<16xf32>
        %add3A_869 = arith.addf %mul3A_864, %mul3A_868 : vector<16xf32>
        %get3A_870 = arith.index_cast %add3A_860 : i32 to index
        %get3A_871 = arith.constant 32 : index
        %get3A_872 = tpu.vector_load %arg8[%get3A_870, %get3A_871] {strides = array<i32>} : memref<80x128xf32, #tpu.memory_space<vmem>>, vector<16xf32>,
        %mul3A_873 = arith.mulf %get3A_872, %get3A_872 : vector<16xf32>
        %add3A_874 = arith.addf %add3A_869, %mul3A_873 : vector<16xf32>
        %get3A_875 = arith.index_cast %add3A_860 : i32 to index
        %get3A_876 = arith.constant 48 : index
        %get3A_877 = tpu.vector_load %arg8[%get3A_875, %get3A_876] {strides = array<i32>} : memref<80x128xf32, #tpu.memory_space<vmem>>, vector<16xf32>,
        %mul3A_878 = arith.mulf %get3A_877, %get3A_877 : vector<16xf32>
        %add3A_879 = arith.addf %add3A_874, %mul3A_878 : vector<16xf32>
        %get3A_880 = arith.index_cast %add3A_860 : i32 to index
        %get3A_881 = arith.constant 64 : index
        %get3A_882 = tpu.vector_load %arg8[%get3A_880, %get3A_881] {strides = array<i32>} : memref<80x128xf32, #tpu.memory_space<vmem>>, vector<16xf32>,
        %mul3A_883 = arith.mulf %get3A_882, %get3A_882 : vector<16xf32>
        %add3A_884 = arith.addf %add3A_879, %mul3A_883 : vector<16xf32>
        %get3A_885 = arith.index_cast %add3A_860 : i32 to index
        %get3A_886 = arith.constant 80 : index
        %get3A_887 = tpu.vector_load %arg8[%get3A_885, %get3A_886] {strides = array<i32>} : memref<80x128xf32, #tpu.memory_space<vmem>>, vector<16xf32>,
        %mul3A_888 = arith.mulf %get3A_887, %get3A_887 : vector<16xf32>
        %add3A_889 = arith.addf %add3A_884, %mul3A_888 : vector<16xf32>
        %get3A_890 = arith.index_cast %add3A_860 : i32 to index
        %get3A_891 = arith.constant 96 : index
        %get3A_892 = tpu.vector_load %arg8[%get3A_890, %get3A_891] {strides = array<i32>} : memref<80x128xf32, #tpu.memory_space<vmem>>, vector<16xf32>,
        %mul3A_893 = arith.mulf %get3A_892, %get3A_892 : vector<16xf32>
        %add3A_894 = arith.addf %add3A_889, %mul3A_893 : vector<16xf32>
        %get3A_895 = arith.index_cast %add3A_860 : i32 to index
        %get3A_896 = arith.constant 112 : index
        %get3A_897 = tpu.vector_load %arg8[%get3A_895, %get3A_896] {strides = array<i32>} : memref<80x128xf32, #tpu.memory_space<vmem>>, vector<16xf32>,
        %mul3A_898 = arith.mulf %get3A_897, %get3A_897 : vector<16xf32>
        %add3A_899 = arith.addf %add3A_894, %mul3A_898 : vector<16xf32>
        %mul3A_900 = arith.constant 16 : i32
        %mul3A_901 = vector.broadcast %mul3A_900 : i32 to vector<16xi32>
        %mul3A_902 = arith.muli %iota3A, %mul3A_901 : vector<16xi32>
        %add3A_903 = arith.constant 14 : i32
        %add3A_904 = vector.broadcast %add3A_903 : i32 to vector<16xi32>
        %add3A_905 = arith.addi %mul3A_902, %add3A_904 : vector<16xi32>
        tpu.vector_store_idx %arg13[%add3A_905], %add3A_899 : memref<256xf32, #tpu.memory_space<vmem>>[vector<16xi32>], vector<16xf32>,
        %add3A_906 = arith.constant 15 : i32
        %add3A_907 = arith.addi %mul3A_201, %add3A_906 : i32
        %get3A_908 = arith.index_cast %add3A_907 : i32 to index
        %get3A_909 = arith.constant 0 : index
        %get3A_910 = tpu.vector_load %arg8[%get3A_908, %get3A_909] {strides = array<i32>} : memref<80x128xf32, #tpu.memory_space<vmem>>, vector<16xf32>,
        %mul3A_911 = arith.mulf %get3A_910, %get3A_910 : vector<16xf32>
        %get3A_912 = arith.index_cast %add3A_907 : i32 to index
        %get3A_913 = arith.constant 16 : index
        %get3A_914 = tpu.vector_load %arg8[%get3A_912, %get3A_913] {strides = array<i32>} : memref<80x128xf32, #tpu.memory_space<vmem>>, vector<16xf32>,
        %mul3A_915 = arith.mulf %get3A_914, %get3A_914 : vector<16xf32>
        %add3A_916 = arith.addf %mul3A_911, %mul3A_915 : vector<16xf32>
        %get3A_917 = arith.index_cast %add3A_907 : i32 to index
        %get3A_918 = arith.constant 32 : index
        %get3A_919 = tpu.vector_load %arg8[%get3A_917, %get3A_918] {strides = array<i32>} : memref<80x128xf32, #tpu.memory_space<vmem>>, vector<16xf32>,
        %mul3A_920 = arith.mulf %get3A_919, %get3A_919 : vector<16xf32>
        %add3A_921 = arith.addf %add3A_916, %mul3A_920 : vector<16xf32>
        %get3A_922 = arith.index_cast %add3A_907 : i32 to index
        %get3A_923 = arith.constant 48 : index
        %get3A_924 = tpu.vector_load %arg8[%get3A_922, %get3A_923] {strides = array<i32>} : memref<80x128xf32, #tpu.memory_space<vmem>>, vector<16xf32>,
        %mul3A_925 = arith.mulf %get3A_924, %get3A_924 : vector<16xf32>
        %add3A_926 = arith.addf %add3A_921, %mul3A_925 : vector<16xf32>
        %get3A_927 = arith.index_cast %add3A_907 : i32 to index
        %get3A_928 = arith.constant 64 : index
        %get3A_929 = tpu.vector_load %arg8[%get3A_927, %get3A_928] {strides = array<i32>} : memref<80x128xf32, #tpu.memory_space<vmem>>, vector<16xf32>,
        %mul3A_930 = arith.mulf %get3A_929, %get3A_929 : vector<16xf32>
        %add3A_931 = arith.addf %add3A_926, %mul3A_930 : vector<16xf32>
        %get3A_932 = arith.index_cast %add3A_907 : i32 to index
        %get3A_933 = arith.constant 80 : index
        %get3A_934 = tpu.vector_load %arg8[%get3A_932, %get3A_933] {strides = array<i32>} : memref<80x128xf32, #tpu.memory_space<vmem>>, vector<16xf32>,
        %mul3A_935 = arith.mulf %get3A_934, %get3A_934 : vector<16xf32>
        %add3A_936 = arith.addf %add3A_931, %mul3A_935 : vector<16xf32>
        %get3A_937 = arith.index_cast %add3A_907 : i32 to index
        %get3A_938 = arith.constant 96 : index
        %get3A_939 = tpu.vector_load %arg8[%get3A_937, %get3A_938] {strides = array<i32>} : memref<80x128xf32, #tpu.memory_space<vmem>>, vector<16xf32>,
        %mul3A_940 = arith.mulf %get3A_939, %get3A_939 : vector<16xf32>
        %add3A_941 = arith.addf %add3A_936, %mul3A_940 : vector<16xf32>
        %get3A_942 = arith.index_cast %add3A_907 : i32 to index
        %get3A_943 = arith.constant 112 : index
        %get3A_944 = tpu.vector_load %arg8[%get3A_942, %get3A_943] {strides = array<i32>} : memref<80x128xf32, #tpu.memory_space<vmem>>, vector<16xf32>,
        %mul3A_945 = arith.mulf %get3A_944, %get3A_944 : vector<16xf32>
        %add3A_946 = arith.addf %add3A_941, %mul3A_945 : vector<16xf32>
        %mul3A_947 = arith.constant 16 : i32
        %mul3A_948 = vector.broadcast %mul3A_947 : i32 to vector<16xi32>
        %mul3A_949 = arith.muli %iota3A, %mul3A_948 : vector<16xi32>
        %add3A_950 = arith.constant 15 : i32
        %add3A_951 = vector.broadcast %add3A_950 : i32 to vector<16xi32>
        %add3A_952 = arith.addi %mul3A_949, %add3A_951 : vector<16xi32>
        tpu.vector_store_idx %arg13[%add3A_952], %add3A_946 : memref<256xf32, #tpu.memory_space<vmem>>[vector<16xi32>], vector<16xf32>,
        %get3A_953 = arith.constant 0 : index
        %get3A_954 = tpu.vector_load %arg13[%get3A_953] {strides = array<i32>} : memref<256xf32, #tpu.memory_space<vmem>>, vector<16xf32>,
        %get3A_955 = arith.constant 16 : index
        %get3A_956 = tpu.vector_load %arg13[%get3A_955] {strides = array<i32>} : memref<256xf32, #tpu.memory_space<vmem>>, vector<16xf32>,
        %add3A_957 = arith.addf %get3A_954, %get3A_956 : vector<16xf32>
        %get3A_958 = arith.constant 32 : index
        %get3A_959 = tpu.vector_load %arg13[%get3A_958] {strides = array<i32>} : memref<256xf32, #tpu.memory_space<vmem>>, vector<16xf32>,
        %add3A_960 = arith.addf %add3A_957, %get3A_959 : vector<16xf32>
        %get3A_961 = arith.constant 48 : index
        %get3A_962 = tpu.vector_load %arg13[%get3A_961] {strides = array<i32>} : memref<256xf32, #tpu.memory_space<vmem>>, vector<16xf32>,
        %add3A_963 = arith.addf %add3A_960, %get3A_962 : vector<16xf32>
        %get3A_964 = arith.constant 64 : index
        %get3A_965 = tpu.vector_load %arg13[%get3A_964] {strides = array<i32>} : memref<256xf32, #tpu.memory_space<vmem>>, vector<16xf32>,
        %add3A_966 = arith.addf %add3A_963, %get3A_965 : vector<16xf32>
        %get3A_967 = arith.constant 80 : index
        %get3A_968 = tpu.vector_load %arg13[%get3A_967] {strides = array<i32>} : memref<256xf32, #tpu.memory_space<vmem>>, vector<16xf32>,
        %add3A_969 = arith.addf %add3A_966, %get3A_968 : vector<16xf32>
        %get3A_970 = arith.constant 96 : index
        %get3A_971 = tpu.vector_load %arg13[%get3A_970] {strides = array<i32>} : memref<256xf32, #tpu.memory_space<vmem>>, vector<16xf32>,
        %add3A_972 = arith.addf %add3A_969, %get3A_971 : vector<16xf32>
        %get3A_973 = arith.constant 112 : index
        %get3A_974 = tpu.vector_load %arg13[%get3A_973] {strides = array<i32>} : memref<256xf32, #tpu.memory_space<vmem>>, vector<16xf32>,
        %add3A_975 = arith.addf %add3A_972, %get3A_974 : vector<16xf32>
        %get3A_976 = arith.constant 128 : index
        %get3A_977 = tpu.vector_load %arg13[%get3A_976] {strides = array<i32>} : memref<256xf32, #tpu.memory_space<vmem>>, vector<16xf32>,
        %add3A_978 = arith.addf %add3A_975, %get3A_977 : vector<16xf32>
        %get3A_979 = arith.constant 144 : index
        %get3A_980 = tpu.vector_load %arg13[%get3A_979] {strides = array<i32>} : memref<256xf32, #tpu.memory_space<vmem>>, vector<16xf32>,
        %add3A_981 = arith.addf %add3A_978, %get3A_980 : vector<16xf32>
        %get3A_982 = arith.constant 160 : index
        %get3A_983 = tpu.vector_load %arg13[%get3A_982] {strides = array<i32>} : memref<256xf32, #tpu.memory_space<vmem>>, vector<16xf32>,
        %add3A_984 = arith.addf %add3A_981, %get3A_983 : vector<16xf32>
        %get3A_985 = arith.constant 176 : index
        %get3A_986 = tpu.vector_load %arg13[%get3A_985] {strides = array<i32>} : memref<256xf32, #tpu.memory_space<vmem>>, vector<16xf32>,
        %add3A_987 = arith.addf %add3A_984, %get3A_986 : vector<16xf32>
        %get3A_988 = arith.constant 192 : index
        %get3A_989 = tpu.vector_load %arg13[%get3A_988] {strides = array<i32>} : memref<256xf32, #tpu.memory_space<vmem>>, vector<16xf32>,
        %add3A_990 = arith.addf %add3A_987, %get3A_989 : vector<16xf32>
        %get3A_991 = arith.constant 208 : index
        %get3A_992 = tpu.vector_load %arg13[%get3A_991] {strides = array<i32>} : memref<256xf32, #tpu.memory_space<vmem>>, vector<16xf32>,
        %add3A_993 = arith.addf %add3A_990, %get3A_992 : vector<16xf32>
        %get3A_994 = arith.constant 224 : index
        %get3A_995 = tpu.vector_load %arg13[%get3A_994] {strides = array<i32>} : memref<256xf32, #tpu.memory_space<vmem>>, vector<16xf32>,
        %add3A_996 = arith.addf %add3A_993, %get3A_995 : vector<16xf32>
        %get3A_997 = arith.constant 240 : index
        %get3A_998 = tpu.vector_load %arg13[%get3A_997] {strides = array<i32>} : memref<256xf32, #tpu.memory_space<vmem>>, vector<16xf32>,
        %add3A_999 = arith.addf %add3A_996, %get3A_998 : vector<16xf32>
        %bitcast_convert_type3A = tpu.bitcast %add3A_999 : vector<16xf32> -> vector<16xi32>
        %shift_right_arithmetic3A = arith.constant 1 : i32
        %shift_right_arithmetic3A_1000 = vector.broadcast %shift_right_arithmetic3A : i32 to vector<16xi32>
        %shift_right_arithmetic3A_1001 = arith.shrsi %bitcast_convert_type3A, %shift_right_arithmetic3A_1000 : vector<16xi32>
        %add3A_1002 = arith.constant 532487669 : i32
        %add3A_1003 = vector.broadcast %add3A_1002 : i32 to vector<16xi32>
        %add3A_1004 = arith.addi %shift_right_arithmetic3A_1001, %add3A_1003 : vector<16xi32>
        %bitcast_convert_type3A_1005 = tpu.bitcast %add3A_1004 : vector<16xi32> -> vector<16xf32>
        %div3A = arith.divf %add3A_999, %bitcast_convert_type3A_1005 : vector<16xf32>
        %add3A_1006 = arith.addf %bitcast_convert_type3A_1005, %div3A : vector<16xf32>
        %mul3A_1007 = arith.constant 5.000000e-01 : f32
        %mul3A_1008 = vector.broadcast %mul3A_1007 : f32 to vector<16xf32>
        %mul3A_1009 = arith.mulf %mul3A_1008, %add3A_1006 : vector<16xf32>
        %div3A_1010 = arith.divf %add3A_999, %mul3A_1009 : vector<16xf32>
        %add3A_1011 = arith.addf %mul3A_1009, %div3A_1010 : vector<16xf32>
        %mul3A_1012 = arith.constant 5.000000e-01 : f32
        %mul3A_1013 = vector.broadcast %mul3A_1012 : f32 to vector<16xf32>
        %mul3A_1014 = arith.mulf %mul3A_1013, %add3A_1011 : vector<16xf32>
        %add3A_1015 = arith.addf %scan3A_199, %mul3A_1014 : vector<16xf32>
        scf.yield %add3A_1015 : vector<16xf32>
      }
      %scan3A_89 = arith.constant 5 : i32
      %add3A_90 = arith.constant 1 : i32
      %add3A_91 = arith.addi %mul3A_65, %add3A_90 : i32
      %add3A_92 = arith.constant 2 : i32
      %add3A_93 = arith.addi %add3A_91, %add3A_92 : i32
      %lt3A_94 = arith.constant 125 : i32
      %lt3A_95 = arith.cmpi slt, %add3A_93, %lt3A_94 : i32
      %convert_element_type3A_96 = arith.extui %lt3A_95 : i1 to i32
      %cond3A_97 = arith.constant 0 : i32
      %cond3A_98 = arith.cmpi ne, %convert_element_type3A_96, %cond3A_97 : i32
      scf.if %cond3A_98 {
        %dma_wait3A_198 = arith.constant 0 : i32
        %dma_wait3A_199 = tpu.memref_slice %arg6[%dma_wait3A_198] : memref<10000xi32, #tpu.memory_space<vmem>> -> memref<80xi32, #tpu.memory_space<vmem>>
        %dma_wait3A_200 = arith.constant 0 : i32
        %dma_wait3A_201 = arith.constant 0 : i32
        %dma_wait3A_202 = tpu.memref_slice %arg2[%dma_wait3A_200, %dma_wait3A_201] : memref<10000x128xf32, #tpu.memory_space<hbm>> -> memref<10000x128xf32, #tpu.memory_space<hbm>>
        tpu.wait_indirect_dma semaphore(%arg18 : memref<!tpu.dma_semaphore, #tpu.memory_space<semaphore_mem>>) src(%dma_wait3A_202 : memref<10000x128xf32, #tpu.memory_space<hbm>>) dst(%arg11 : memref<80x128xf32, #tpu.memory_space<vmem>>)
        %add3A_203 = arith.constant 2 : i32
        %add3A_204 = arith.addi %add3A_91, %add3A_203 : i32
        %mul3A_205 = arith.constant 80 : i32
        %mul3A_206 = arith.muli %add3A_204, %mul3A_205 : i32
        %dma_start3A_207 = tpu.memref_slice %arg7[%mul3A_206] : memref<10000xi32, #tpu.memory_space<vmem>> -> memref<80xi32, #tpu.memory_space<vmem>>
        %dma_start3A_208 = arith.constant 0 : i32
        %dma_start3A_209 = arith.constant 0 : i32
        %dma_start3A_210 = tpu.memref_slice %arg3[%dma_start3A_208, %dma_start3A_209] : memref<10000x128xf32, #tpu.memory_space<hbm>> -> memref<10000x128xf32, #tpu.memory_space<hbm>>
        tpu.enqueue_indirect_dma source(%dma_start3A_210 : memref<10000x128xf32, #tpu.memory_space<hbm>>) target(%arg11 : memref<80x128xf32, #tpu.memory_space<vmem>>) offsets(%dma_start3A_207 : memref<80xi32, #tpu.memory_space<vmem>>) semaphore(%arg18 : memref<!tpu.dma_semaphore, #tpu.memory_space<semaphore_mem>>) {add = true}
      } else {
      }
      %add3A_99 = arith.constant 4 : i32
      %add3A_100 = arith.addi %add3A_91, %add3A_99 : i32
      %lt3A_101 = arith.constant 125 : i32
      %lt3A_102 = arith.cmpi slt, %add3A_100, %lt3A_101 : i32
      %convert_element_type3A_103 = arith.extui %lt3A_102 : i1 to i32
      %cond3A_104 = arith.constant 0 : i32
      %cond3A_105 = arith.cmpi ne, %convert_element_type3A_103, %cond3A_104 : i32
      scf.if %cond3A_105 {
        %add3A_198 = arith.constant 4 : i32
        %add3A_199 = arith.addi %add3A_91, %add3A_198 : i32
        %mul3A_200 = arith.constant 80 : i32
        %mul3A_201 = arith.muli %add3A_199, %mul3A_200 : i32
        %dma_start3A_202 = tpu.memref_slice %arg6[%mul3A_201] : memref<10000xi32, #tpu.memory_space<vmem>> -> memref<80xi32, #tpu.memory_space<vmem>>
        %dma_start3A_203 = arith.constant 0 : i32
        %dma_start3A_204 = arith.constant 0 : i32
        %dma_start3A_205 = tpu.memref_slice %arg2[%dma_start3A_203, %dma_start3A_204] : memref<10000x128xf32, #tpu.memory_space<hbm>> -> memref<10000x128xf32, #tpu.memory_space<hbm>>
        tpu.enqueue_indirect_dma source(%dma_start3A_205 : memref<10000x128xf32, #tpu.memory_space<hbm>>) target(%arg8 : memref<80x128xf32, #tpu.memory_space<vmem>>) offsets(%dma_start3A_202 : memref<80xi32, #tpu.memory_space<vmem>>) semaphore(%arg15 : memref<!tpu.dma_semaphore, #tpu.memory_space<semaphore_mem>>)
      } else {
      }
      %dma_wait3A_106 = arith.constant 0 : i32
      %dma_wait3A_107 = tpu.memref_slice %arg7[%dma_wait3A_106] : memref<10000xi32, #tpu.memory_space<vmem>> -> memref<80xi32, #tpu.memory_space<vmem>>
      %dma_wait3A_108 = arith.constant 0 : i32
      %dma_wait3A_109 = arith.constant 0 : i32
      %dma_wait3A_110 = tpu.memref_slice %arg3[%dma_wait3A_108, %dma_wait3A_109] : memref<10000x128xf32, #tpu.memory_space<hbm>> -> memref<10000x128xf32, #tpu.memory_space<hbm>>
      tpu.wait_indirect_dma semaphore(%arg16 : memref<!tpu.dma_semaphore, #tpu.memory_space<semaphore_mem>>) src(%dma_wait3A_110 : memref<10000x128xf32, #tpu.memory_space<hbm>>) dst(%arg9 : memref<80x128xf32, #tpu.memory_space<vmem>>)
      %scan3A_111 = arith.constant 0 : i32
      %scan3A_112 = arith.constant 5 : i32
      %scan3A_113 = arith.addi %scan3A_111, %scan3A_112 : i32
      %scan3A_114 = arith.constant 1 : i32
      %scan3A_115 = scf.for %scan3A_198 = %scan3A_111 to %scan3A_113 step %scan3A_114 iter_args(%scan3A_199 = %scan3A_88) -> (vector<16xf32>)  : i32 {
        %mul3A_200 = arith.constant 16 : i32
        %mul3A_201 = arith.muli %scan3A_198, %mul3A_200 : i32
        %add3A_202 = arith.constant 0 : i32
        %add3A_203 = arith.addi %mul3A_201, %add3A_202 : i32
        %get3A = arith.index_cast %add3A_203 : i32 to index
        %get3A_204 = arith.constant 0 : index
        %get3A_205 = tpu.vector_load %arg9[%get3A, %get3A_204] {strides = array<i32>} : memref<80x128xf32, #tpu.memory_space<vmem>>, vector<16xf32>,
        %mul3A_206 = arith.mulf %get3A_205, %get3A_205 : vector<16xf32>
        %get3A_207 = arith.index_cast %add3A_203 : i32 to index
        %get3A_208 = arith.constant 16 : index
        %get3A_209 = tpu.vector_load %arg9[%get3A_207, %get3A_208] {strides = array<i32>} : memref<80x128xf32, #tpu.memory_space<vmem>>, vector<16xf32>,
        %mul3A_210 = arith.mulf %get3A_209, %get3A_209 : vector<16xf32>
        %add3A_211 = arith.addf %mul3A_206, %mul3A_210 : vector<16xf32>
        %get3A_212 = arith.index_cast %add3A_203 : i32 to index
        %get3A_213 = arith.constant 32 : index
        %get3A_214 = tpu.vector_load %arg9[%get3A_212, %get3A_213] {strides = array<i32>} : memref<80x128xf32, #tpu.memory_space<vmem>>, vector<16xf32>,
        %mul3A_215 = arith.mulf %get3A_214, %get3A_214 : vector<16xf32>
        %add3A_216 = arith.addf %add3A_211, %mul3A_215 : vector<16xf32>
        %get3A_217 = arith.index_cast %add3A_203 : i32 to index
        %get3A_218 = arith.constant 48 : index
        %get3A_219 = tpu.vector_load %arg9[%get3A_217, %get3A_218] {strides = array<i32>} : memref<80x128xf32, #tpu.memory_space<vmem>>, vector<16xf32>,
        %mul3A_220 = arith.mulf %get3A_219, %get3A_219 : vector<16xf32>
        %add3A_221 = arith.addf %add3A_216, %mul3A_220 : vector<16xf32>
        %get3A_222 = arith.index_cast %add3A_203 : i32 to index
        %get3A_223 = arith.constant 64 : index
        %get3A_224 = tpu.vector_load %arg9[%get3A_222, %get3A_223] {strides = array<i32>} : memref<80x128xf32, #tpu.memory_space<vmem>>, vector<16xf32>,
        %mul3A_225 = arith.mulf %get3A_224, %get3A_224 : vector<16xf32>
        %add3A_226 = arith.addf %add3A_221, %mul3A_225 : vector<16xf32>
        %get3A_227 = arith.index_cast %add3A_203 : i32 to index
        %get3A_228 = arith.constant 80 : index
        %get3A_229 = tpu.vector_load %arg9[%get3A_227, %get3A_228] {strides = array<i32>} : memref<80x128xf32, #tpu.memory_space<vmem>>, vector<16xf32>,
        %mul3A_230 = arith.mulf %get3A_229, %get3A_229 : vector<16xf32>
        %add3A_231 = arith.addf %add3A_226, %mul3A_230 : vector<16xf32>
        %get3A_232 = arith.index_cast %add3A_203 : i32 to index
        %get3A_233 = arith.constant 96 : index
        %get3A_234 = tpu.vector_load %arg9[%get3A_232, %get3A_233] {strides = array<i32>} : memref<80x128xf32, #tpu.memory_space<vmem>>, vector<16xf32>,
        %mul3A_235 = arith.mulf %get3A_234, %get3A_234 : vector<16xf32>
        %add3A_236 = arith.addf %add3A_231, %mul3A_235 : vector<16xf32>
        %get3A_237 = arith.index_cast %add3A_203 : i32 to index
        %get3A_238 = arith.constant 112 : index
        %get3A_239 = tpu.vector_load %arg9[%get3A_237, %get3A_238] {strides = array<i32>} : memref<80x128xf32, #tpu.memory_space<vmem>>, vector<16xf32>,
        %mul3A_240 = arith.mulf %get3A_239, %get3A_239 : vector<16xf32>
        %add3A_241 = arith.addf %add3A_236, %mul3A_240 : vector<16xf32>
        %mul3A_242 = arith.constant 16 : i32
        %mul3A_243 = vector.broadcast %mul3A_242 : i32 to vector<16xi32>
        %mul3A_244 = arith.muli %iota3A, %mul3A_243 : vector<16xi32>
        %add3A_245 = arith.constant 0 : i32
        %add3A_246 = vector.broadcast %add3A_245 : i32 to vector<16xi32>
        %add3A_247 = arith.addi %mul3A_244, %add3A_246 : vector<16xi32>
        tpu.vector_store_idx %arg13[%add3A_247], %add3A_241 : memref<256xf32, #tpu.memory_space<vmem>>[vector<16xi32>], vector<16xf32>,
        %add3A_248 = arith.constant 1 : i32
        %add3A_249 = arith.addi %mul3A_201, %add3A_248 : i32
        %get3A_250 = arith.index_cast %add3A_249 : i32 to index
        %get3A_251 = arith.constant 0 : index
        %get3A_252 = tpu.vector_load %arg9[%get3A_250, %get3A_251] {strides = array<i32>} : memref<80x128xf32, #tpu.memory_space<vmem>>, vector<16xf32>,
        %mul3A_253 = arith.mulf %get3A_252, %get3A_252 : vector<16xf32>
        %get3A_254 = arith.index_cast %add3A_249 : i32 to index
        %get3A_255 = arith.constant 16 : index
        %get3A_256 = tpu.vector_load %arg9[%get3A_254, %get3A_255] {strides = array<i32>} : memref<80x128xf32, #tpu.memory_space<vmem>>, vector<16xf32>,
        %mul3A_257 = arith.mulf %get3A_256, %get3A_256 : vector<16xf32>
        %add3A_258 = arith.addf %mul3A_253, %mul3A_257 : vector<16xf32>
        %get3A_259 = arith.index_cast %add3A_249 : i32 to index
        %get3A_260 = arith.constant 32 : index
        %get3A_261 = tpu.vector_load %arg9[%get3A_259, %get3A_260] {strides = array<i32>} : memref<80x128xf32, #tpu.memory_space<vmem>>, vector<16xf32>,
        %mul3A_262 = arith.mulf %get3A_261, %get3A_261 : vector<16xf32>
        %add3A_263 = arith.addf %add3A_258, %mul3A_262 : vector<16xf32>
        %get3A_264 = arith.index_cast %add3A_249 : i32 to index
        %get3A_265 = arith.constant 48 : index
        %get3A_266 = tpu.vector_load %arg9[%get3A_264, %get3A_265] {strides = array<i32>} : memref<80x128xf32, #tpu.memory_space<vmem>>, vector<16xf32>,
        %mul3A_267 = arith.mulf %get3A_266, %get3A_266 : vector<16xf32>
        %add3A_268 = arith.addf %add3A_263, %mul3A_267 : vector<16xf32>
        %get3A_269 = arith.index_cast %add3A_249 : i32 to index
        %get3A_270 = arith.constant 64 : index
        %get3A_271 = tpu.vector_load %arg9[%get3A_269, %get3A_270] {strides = array<i32>} : memref<80x128xf32, #tpu.memory_space<vmem>>, vector<16xf32>,
        %mul3A_272 = arith.mulf %get3A_271, %get3A_271 : vector<16xf32>
        %add3A_273 = arith.addf %add3A_268, %mul3A_272 : vector<16xf32>
        %get3A_274 = arith.index_cast %add3A_249 : i32 to index
        %get3A_275 = arith.constant 80 : index
        %get3A_276 = tpu.vector_load %arg9[%get3A_274, %get3A_275] {strides = array<i32>} : memref<80x128xf32, #tpu.memory_space<vmem>>, vector<16xf32>,
        %mul3A_277 = arith.mulf %get3A_276, %get3A_276 : vector<16xf32>
        %add3A_278 = arith.addf %add3A_273, %mul3A_277 : vector<16xf32>
        %get3A_279 = arith.index_cast %add3A_249 : i32 to index
        %get3A_280 = arith.constant 96 : index
        %get3A_281 = tpu.vector_load %arg9[%get3A_279, %get3A_280] {strides = array<i32>} : memref<80x128xf32, #tpu.memory_space<vmem>>, vector<16xf32>,
        %mul3A_282 = arith.mulf %get3A_281, %get3A_281 : vector<16xf32>
        %add3A_283 = arith.addf %add3A_278, %mul3A_282 : vector<16xf32>
        %get3A_284 = arith.index_cast %add3A_249 : i32 to index
        %get3A_285 = arith.constant 112 : index
        %get3A_286 = tpu.vector_load %arg9[%get3A_284, %get3A_285] {strides = array<i32>} : memref<80x128xf32, #tpu.memory_space<vmem>>, vector<16xf32>,
        %mul3A_287 = arith.mulf %get3A_286, %get3A_286 : vector<16xf32>
        %add3A_288 = arith.addf %add3A_283, %mul3A_287 : vector<16xf32>
        %mul3A_289 = arith.constant 16 : i32
        %mul3A_290 = vector.broadcast %mul3A_289 : i32 to vector<16xi32>
        %mul3A_291 = arith.muli %iota3A, %mul3A_290 : vector<16xi32>
        %add3A_292 = arith.constant 1 : i32
        %add3A_293 = vector.broadcast %add3A_292 : i32 to vector<16xi32>
        %add3A_294 = arith.addi %mul3A_291, %add3A_293 : vector<16xi32>
        tpu.vector_store_idx %arg13[%add3A_294], %add3A_288 : memref<256xf32, #tpu.memory_space<vmem>>[vector<16xi32>], vector<16xf32>,
        %add3A_295 = arith.constant 2 : i32
        %add3A_296 = arith.addi %mul3A_201, %add3A_295 : i32
        %get3A_297 = arith.index_cast %add3A_296 : i32 to index
        %get3A_298 = arith.constant 0 : index
        %get3A_299 = tpu.vector_load %arg9[%get3A_297, %get3A_298] {strides = array<i32>} : memref<80x128xf32, #tpu.memory_space<vmem>>, vector<16xf32>,
        %mul3A_300 = arith.mulf %get3A_299, %get3A_299 : vector<16xf32>
        %get3A_301 = arith.index_cast %add3A_296 : i32 to index
        %get3A_302 = arith.constant 16 : index
        %get3A_303 = tpu.vector_load %arg9[%get3A_301, %get3A_302] {strides = array<i32>} : memref<80x128xf32, #tpu.memory_space<vmem>>, vector<16xf32>,
        %mul3A_304 = arith.mulf %get3A_303, %get3A_303 : vector<16xf32>
        %add3A_305 = arith.addf %mul3A_300, %mul3A_304 : vector<16xf32>
        %get3A_306 = arith.index_cast %add3A_296 : i32 to index
        %get3A_307 = arith.constant 32 : index
        %get3A_308 = tpu.vector_load %arg9[%get3A_306, %get3A_307] {strides = array<i32>} : memref<80x128xf32, #tpu.memory_space<vmem>>, vector<16xf32>,
        %mul3A_309 = arith.mulf %get3A_308, %get3A_308 : vector<16xf32>
        %add3A_310 = arith.addf %add3A_305, %mul3A_309 : vector<16xf32>
        %get3A_311 = arith.index_cast %add3A_296 : i32 to index
        %get3A_312 = arith.constant 48 : index
        %get3A_313 = tpu.vector_load %arg9[%get3A_311, %get3A_312] {strides = array<i32>} : memref<80x128xf32, #tpu.memory_space<vmem>>, vector<16xf32>,
        %mul3A_314 = arith.mulf %get3A_313, %get3A_313 : vector<16xf32>
        %add3A_315 = arith.addf %add3A_310, %mul3A_314 : vector<16xf32>
        %get3A_316 = arith.index_cast %add3A_296 : i32 to index
        %get3A_317 = arith.constant 64 : index
        %get3A_318 = tpu.vector_load %arg9[%get3A_316, %get3A_317] {strides = array<i32>} : memref<80x128xf32, #tpu.memory_space<vmem>>, vector<16xf32>,
        %mul3A_319 = arith.mulf %get3A_318, %get3A_318 : vector<16xf32>
        %add3A_320 = arith.addf %add3A_315, %mul3A_319 : vector<16xf32>
        %get3A_321 = arith.index_cast %add3A_296 : i32 to index
        %get3A_322 = arith.constant 80 : index
        %get3A_323 = tpu.vector_load %arg9[%get3A_321, %get3A_322] {strides = array<i32>} : memref<80x128xf32, #tpu.memory_space<vmem>>, vector<16xf32>,
        %mul3A_324 = arith.mulf %get3A_323, %get3A_323 : vector<16xf32>
        %add3A_325 = arith.addf %add3A_320, %mul3A_324 : vector<16xf32>
        %get3A_326 = arith.index_cast %add3A_296 : i32 to index
        %get3A_327 = arith.constant 96 : index
        %get3A_328 = tpu.vector_load %arg9[%get3A_326, %get3A_327] {strides = array<i32>} : memref<80x128xf32, #tpu.memory_space<vmem>>, vector<16xf32>,
        %mul3A_329 = arith.mulf %get3A_328, %get3A_328 : vector<16xf32>
        %add3A_330 = arith.addf %add3A_325, %mul3A_329 : vector<16xf32>
        %get3A_331 = arith.index_cast %add3A_296 : i32 to index
        %get3A_332 = arith.constant 112 : index
        %get3A_333 = tpu.vector_load %arg9[%get3A_331, %get3A_332] {strides = array<i32>} : memref<80x128xf32, #tpu.memory_space<vmem>>, vector<16xf32>,
        %mul3A_334 = arith.mulf %get3A_333, %get3A_333 : vector<16xf32>
        %add3A_335 = arith.addf %add3A_330, %mul3A_334 : vector<16xf32>
        %mul3A_336 = arith.constant 16 : i32
        %mul3A_337 = vector.broadcast %mul3A_336 : i32 to vector<16xi32>
        %mul3A_338 = arith.muli %iota3A, %mul3A_337 : vector<16xi32>
        %add3A_339 = arith.constant 2 : i32
        %add3A_340 = vector.broadcast %add3A_339 : i32 to vector<16xi32>
        %add3A_341 = arith.addi %mul3A_338, %add3A_340 : vector<16xi32>
        tpu.vector_store_idx %arg13[%add3A_341], %add3A_335 : memref<256xf32, #tpu.memory_space<vmem>>[vector<16xi32>], vector<16xf32>,
        %add3A_342 = arith.constant 3 : i32
        %add3A_343 = arith.addi %mul3A_201, %add3A_342 : i32
        %get3A_344 = arith.index_cast %add3A_343 : i32 to index
        %get3A_345 = arith.constant 0 : index
        %get3A_346 = tpu.vector_load %arg9[%get3A_344, %get3A_345] {strides = array<i32>} : memref<80x128xf32, #tpu.memory_space<vmem>>, vector<16xf32>,
        %mul3A_347 = arith.mulf %get3A_346, %get3A_346 : vector<16xf32>
        %get3A_348 = arith.index_cast %add3A_343 : i32 to index
        %get3A_349 = arith.constant 16 : index
        %get3A_350 = tpu.vector_load %arg9[%get3A_348, %get3A_349] {strides = array<i32>} : memref<80x128xf32, #tpu.memory_space<vmem>>, vector<16xf32>,
        %mul3A_351 = arith.mulf %get3A_350, %get3A_350 : vector<16xf32>
        %add3A_352 = arith.addf %mul3A_347, %mul3A_351 : vector<16xf32>
        %get3A_353 = arith.index_cast %add3A_343 : i32 to index
        %get3A_354 = arith.constant 32 : index
        %get3A_355 = tpu.vector_load %arg9[%get3A_353, %get3A_354] {strides = array<i32>} : memref<80x128xf32, #tpu.memory_space<vmem>>, vector<16xf32>,
        %mul3A_356 = arith.mulf %get3A_355, %get3A_355 : vector<16xf32>
        %add3A_357 = arith.addf %add3A_352, %mul3A_356 : vector<16xf32>
        %get3A_358 = arith.index_cast %add3A_343 : i32 to index
        %get3A_359 = arith.constant 48 : index
        %get3A_360 = tpu.vector_load %arg9[%get3A_358, %get3A_359] {strides = array<i32>} : memref<80x128xf32, #tpu.memory_space<vmem>>, vector<16xf32>,
        %mul3A_361 = arith.mulf %get3A_360, %get3A_360 : vector<16xf32>
        %add3A_362 = arith.addf %add3A_357, %mul3A_361 : vector<16xf32>
        %get3A_363 = arith.index_cast %add3A_343 : i32 to index
        %get3A_364 = arith.constant 64 : index
        %get3A_365 = tpu.vector_load %arg9[%get3A_363, %get3A_364] {strides = array<i32>} : memref<80x128xf32, #tpu.memory_space<vmem>>, vector<16xf32>,
        %mul3A_366 = arith.mulf %get3A_365, %get3A_365 : vector<16xf32>
        %add3A_367 = arith.addf %add3A_362, %mul3A_366 : vector<16xf32>
        %get3A_368 = arith.index_cast %add3A_343 : i32 to index
        %get3A_369 = arith.constant 80 : index
        %get3A_370 = tpu.vector_load %arg9[%get3A_368, %get3A_369] {strides = array<i32>} : memref<80x128xf32, #tpu.memory_space<vmem>>, vector<16xf32>,
        %mul3A_371 = arith.mulf %get3A_370, %get3A_370 : vector<16xf32>
        %add3A_372 = arith.addf %add3A_367, %mul3A_371 : vector<16xf32>
        %get3A_373 = arith.index_cast %add3A_343 : i32 to index
        %get3A_374 = arith.constant 96 : index
        %get3A_375 = tpu.vector_load %arg9[%get3A_373, %get3A_374] {strides = array<i32>} : memref<80x128xf32, #tpu.memory_space<vmem>>, vector<16xf32>,
        %mul3A_376 = arith.mulf %get3A_375, %get3A_375 : vector<16xf32>
        %add3A_377 = arith.addf %add3A_372, %mul3A_376 : vector<16xf32>
        %get3A_378 = arith.index_cast %add3A_343 : i32 to index
        %get3A_379 = arith.constant 112 : index
        %get3A_380 = tpu.vector_load %arg9[%get3A_378, %get3A_379] {strides = array<i32>} : memref<80x128xf32, #tpu.memory_space<vmem>>, vector<16xf32>,
        %mul3A_381 = arith.mulf %get3A_380, %get3A_380 : vector<16xf32>
        %add3A_382 = arith.addf %add3A_377, %mul3A_381 : vector<16xf32>
        %mul3A_383 = arith.constant 16 : i32
        %mul3A_384 = vector.broadcast %mul3A_383 : i32 to vector<16xi32>
        %mul3A_385 = arith.muli %iota3A, %mul3A_384 : vector<16xi32>
        %add3A_386 = arith.constant 3 : i32
        %add3A_387 = vector.broadcast %add3A_386 : i32 to vector<16xi32>
        %add3A_388 = arith.addi %mul3A_385, %add3A_387 : vector<16xi32>
        tpu.vector_store_idx %arg13[%add3A_388], %add3A_382 : memref<256xf32, #tpu.memory_space<vmem>>[vector<16xi32>], vector<16xf32>,
        %add3A_389 = arith.constant 4 : i32
        %add3A_390 = arith.addi %mul3A_201, %add3A_389 : i32
        %get3A_391 = arith.index_cast %add3A_390 : i32 to index
        %get3A_392 = arith.constant 0 : index
        %get3A_393 = tpu.vector_load %arg9[%get3A_391, %get3A_392] {strides = array<i32>} : memref<80x128xf32, #tpu.memory_space<vmem>>, vector<16xf32>,
        %mul3A_394 = arith.mulf %get3A_393, %get3A_393 : vector<16xf32>
        %get3A_395 = arith.index_cast %add3A_390 : i32 to index
        %get3A_396 = arith.constant 16 : index
        %get3A_397 = tpu.vector_load %arg9[%get3A_395, %get3A_396] {strides = array<i32>} : memref<80x128xf32, #tpu.memory_space<vmem>>, vector<16xf32>,
        %mul3A_398 = arith.mulf %get3A_397, %get3A_397 : vector<16xf32>
        %add3A_399 = arith.addf %mul3A_394, %mul3A_398 : vector<16xf32>
        %get3A_400 = arith.index_cast %add3A_390 : i32 to index
        %get3A_401 = arith.constant 32 : index
        %get3A_402 = tpu.vector_load %arg9[%get3A_400, %get3A_401] {strides = array<i32>} : memref<80x128xf32, #tpu.memory_space<vmem>>, vector<16xf32>,
        %mul3A_403 = arith.mulf %get3A_402, %get3A_402 : vector<16xf32>
        %add3A_404 = arith.addf %add3A_399, %mul3A_403 : vector<16xf32>
        %get3A_405 = arith.index_cast %add3A_390 : i32 to index
        %get3A_406 = arith.constant 48 : index
        %get3A_407 = tpu.vector_load %arg9[%get3A_405, %get3A_406] {strides = array<i32>} : memref<80x128xf32, #tpu.memory_space<vmem>>, vector<16xf32>,
        %mul3A_408 = arith.mulf %get3A_407, %get3A_407 : vector<16xf32>
        %add3A_409 = arith.addf %add3A_404, %mul3A_408 : vector<16xf32>
        %get3A_410 = arith.index_cast %add3A_390 : i32 to index
        %get3A_411 = arith.constant 64 : index
        %get3A_412 = tpu.vector_load %arg9[%get3A_410, %get3A_411] {strides = array<i32>} : memref<80x128xf32, #tpu.memory_space<vmem>>, vector<16xf32>,
        %mul3A_413 = arith.mulf %get3A_412, %get3A_412 : vector<16xf32>
        %add3A_414 = arith.addf %add3A_409, %mul3A_413 : vector<16xf32>
        %get3A_415 = arith.index_cast %add3A_390 : i32 to index
        %get3A_416 = arith.constant 80 : index
        %get3A_417 = tpu.vector_load %arg9[%get3A_415, %get3A_416] {strides = array<i32>} : memref<80x128xf32, #tpu.memory_space<vmem>>, vector<16xf32>,
        %mul3A_418 = arith.mulf %get3A_417, %get3A_417 : vector<16xf32>
        %add3A_419 = arith.addf %add3A_414, %mul3A_418 : vector<16xf32>
        %get3A_420 = arith.index_cast %add3A_390 : i32 to index
        %get3A_421 = arith.constant 96 : index
        %get3A_422 = tpu.vector_load %arg9[%get3A_420, %get3A_421] {strides = array<i32>} : memref<80x128xf32, #tpu.memory_space<vmem>>, vector<16xf32>,
        %mul3A_423 = arith.mulf %get3A_422, %get3A_422 : vector<16xf32>
        %add3A_424 = arith.addf %add3A_419, %mul3A_423 : vector<16xf32>
        %get3A_425 = arith.index_cast %add3A_390 : i32 to index
        %get3A_426 = arith.constant 112 : index
        %get3A_427 = tpu.vector_load %arg9[%get3A_425, %get3A_426] {strides = array<i32>} : memref<80x128xf32, #tpu.memory_space<vmem>>, vector<16xf32>,
        %mul3A_428 = arith.mulf %get3A_427, %get3A_427 : vector<16xf32>
        %add3A_429 = arith.addf %add3A_424, %mul3A_428 : vector<16xf32>
        %mul3A_430 = arith.constant 16 : i32
        %mul3A_431 = vector.broadcast %mul3A_430 : i32 to vector<16xi32>
        %mul3A_432 = arith.muli %iota3A, %mul3A_431 : vector<16xi32>
        %add3A_433 = arith.constant 4 : i32
        %add3A_434 = vector.broadcast %add3A_433 : i32 to vector<16xi32>
        %add3A_435 = arith.addi %mul3A_432, %add3A_434 : vector<16xi32>
        tpu.vector_store_idx %arg13[%add3A_435], %add3A_429 : memref<256xf32, #tpu.memory_space<vmem>>[vector<16xi32>], vector<16xf32>,
        %add3A_436 = arith.constant 5 : i32
        %add3A_437 = arith.addi %mul3A_201, %add3A_436 : i32
        %get3A_438 = arith.index_cast %add3A_437 : i32 to index
        %get3A_439 = arith.constant 0 : index
        %get3A_440 = tpu.vector_load %arg9[%get3A_438, %get3A_439] {strides = array<i32>} : memref<80x128xf32, #tpu.memory_space<vmem>>, vector<16xf32>,
        %mul3A_441 = arith.mulf %get3A_440, %get3A_440 : vector<16xf32>
        %get3A_442 = arith.index_cast %add3A_437 : i32 to index
        %get3A_443 = arith.constant 16 : index
        %get3A_444 = tpu.vector_load %arg9[%get3A_442, %get3A_443] {strides = array<i32>} : memref<80x128xf32, #tpu.memory_space<vmem>>, vector<16xf32>,
        %mul3A_445 = arith.mulf %get3A_444, %get3A_444 : vector<16xf32>
        %add3A_446 = arith.addf %mul3A_441, %mul3A_445 : vector<16xf32>
        %get3A_447 = arith.index_cast %add3A_437 : i32 to index
        %get3A_448 = arith.constant 32 : index
        %get3A_449 = tpu.vector_load %arg9[%get3A_447, %get3A_448] {strides = array<i32>} : memref<80x128xf32, #tpu.memory_space<vmem>>, vector<16xf32>,
        %mul3A_450 = arith.mulf %get3A_449, %get3A_449 : vector<16xf32>
        %add3A_451 = arith.addf %add3A_446, %mul3A_450 : vector<16xf32>
        %get3A_452 = arith.index_cast %add3A_437 : i32 to index
        %get3A_453 = arith.constant 48 : index
        %get3A_454 = tpu.vector_load %arg9[%get3A_452, %get3A_453] {strides = array<i32>} : memref<80x128xf32, #tpu.memory_space<vmem>>, vector<16xf32>,
        %mul3A_455 = arith.mulf %get3A_454, %get3A_454 : vector<16xf32>
        %add3A_456 = arith.addf %add3A_451, %mul3A_455 : vector<16xf32>
        %get3A_457 = arith.index_cast %add3A_437 : i32 to index
        %get3A_458 = arith.constant 64 : index
        %get3A_459 = tpu.vector_load %arg9[%get3A_457, %get3A_458] {strides = array<i32>} : memref<80x128xf32, #tpu.memory_space<vmem>>, vector<16xf32>,
        %mul3A_460 = arith.mulf %get3A_459, %get3A_459 : vector<16xf32>
        %add3A_461 = arith.addf %add3A_456, %mul3A_460 : vector<16xf32>
        %get3A_462 = arith.index_cast %add3A_437 : i32 to index
        %get3A_463 = arith.constant 80 : index
        %get3A_464 = tpu.vector_load %arg9[%get3A_462, %get3A_463] {strides = array<i32>} : memref<80x128xf32, #tpu.memory_space<vmem>>, vector<16xf32>,
        %mul3A_465 = arith.mulf %get3A_464, %get3A_464 : vector<16xf32>
        %add3A_466 = arith.addf %add3A_461, %mul3A_465 : vector<16xf32>
        %get3A_467 = arith.index_cast %add3A_437 : i32 to index
        %get3A_468 = arith.constant 96 : index
        %get3A_469 = tpu.vector_load %arg9[%get3A_467, %get3A_468] {strides = array<i32>} : memref<80x128xf32, #tpu.memory_space<vmem>>, vector<16xf32>,
        %mul3A_470 = arith.mulf %get3A_469, %get3A_469 : vector<16xf32>
        %add3A_471 = arith.addf %add3A_466, %mul3A_470 : vector<16xf32>
        %get3A_472 = arith.index_cast %add3A_437 : i32 to index
        %get3A_473 = arith.constant 112 : index
        %get3A_474 = tpu.vector_load %arg9[%get3A_472, %get3A_473] {strides = array<i32>} : memref<80x128xf32, #tpu.memory_space<vmem>>, vector<16xf32>,
        %mul3A_475 = arith.mulf %get3A_474, %get3A_474 : vector<16xf32>
        %add3A_476 = arith.addf %add3A_471, %mul3A_475 : vector<16xf32>
        %mul3A_477 = arith.constant 16 : i32
        %mul3A_478 = vector.broadcast %mul3A_477 : i32 to vector<16xi32>
        %mul3A_479 = arith.muli %iota3A, %mul3A_478 : vector<16xi32>
        %add3A_480 = arith.constant 5 : i32
        %add3A_481 = vector.broadcast %add3A_480 : i32 to vector<16xi32>
        %add3A_482 = arith.addi %mul3A_479, %add3A_481 : vector<16xi32>
        tpu.vector_store_idx %arg13[%add3A_482], %add3A_476 : memref<256xf32, #tpu.memory_space<vmem>>[vector<16xi32>], vector<16xf32>,
        %add3A_483 = arith.constant 6 : i32
        %add3A_484 = arith.addi %mul3A_201, %add3A_483 : i32
        %get3A_485 = arith.index_cast %add3A_484 : i32 to index
        %get3A_486 = arith.constant 0 : index
        %get3A_487 = tpu.vector_load %arg9[%get3A_485, %get3A_486] {strides = array<i32>} : memref<80x128xf32, #tpu.memory_space<vmem>>, vector<16xf32>,
        %mul3A_488 = arith.mulf %get3A_487, %get3A_487 : vector<16xf32>
        %get3A_489 = arith.index_cast %add3A_484 : i32 to index
        %get3A_490 = arith.constant 16 : index
        %get3A_491 = tpu.vector_load %arg9[%get3A_489, %get3A_490] {strides = array<i32>} : memref<80x128xf32, #tpu.memory_space<vmem>>, vector<16xf32>,
        %mul3A_492 = arith.mulf %get3A_491, %get3A_491 : vector<16xf32>
        %add3A_493 = arith.addf %mul3A_488, %mul3A_492 : vector<16xf32>
        %get3A_494 = arith.index_cast %add3A_484 : i32 to index
        %get3A_495 = arith.constant 32 : index
        %get3A_496 = tpu.vector_load %arg9[%get3A_494, %get3A_495] {strides = array<i32>} : memref<80x128xf32, #tpu.memory_space<vmem>>, vector<16xf32>,
        %mul3A_497 = arith.mulf %get3A_496, %get3A_496 : vector<16xf32>
        %add3A_498 = arith.addf %add3A_493, %mul3A_497 : vector<16xf32>
        %get3A_499 = arith.index_cast %add3A_484 : i32 to index
        %get3A_500 = arith.constant 48 : index
        %get3A_501 = tpu.vector_load %arg9[%get3A_499, %get3A_500] {strides = array<i32>} : memref<80x128xf32, #tpu.memory_space<vmem>>, vector<16xf32>,
        %mul3A_502 = arith.mulf %get3A_501, %get3A_501 : vector<16xf32>
        %add3A_503 = arith.addf %add3A_498, %mul3A_502 : vector<16xf32>
        %get3A_504 = arith.index_cast %add3A_484 : i32 to index
        %get3A_505 = arith.constant 64 : index
        %get3A_506 = tpu.vector_load %arg9[%get3A_504, %get3A_505] {strides = array<i32>} : memref<80x128xf32, #tpu.memory_space<vmem>>, vector<16xf32>,
        %mul3A_507 = arith.mulf %get3A_506, %get3A_506 : vector<16xf32>
        %add3A_508 = arith.addf %add3A_503, %mul3A_507 : vector<16xf32>
        %get3A_509 = arith.index_cast %add3A_484 : i32 to index
        %get3A_510 = arith.constant 80 : index
        %get3A_511 = tpu.vector_load %arg9[%get3A_509, %get3A_510] {strides = array<i32>} : memref<80x128xf32, #tpu.memory_space<vmem>>, vector<16xf32>,
        %mul3A_512 = arith.mulf %get3A_511, %get3A_511 : vector<16xf32>
        %add3A_513 = arith.addf %add3A_508, %mul3A_512 : vector<16xf32>
        %get3A_514 = arith.index_cast %add3A_484 : i32 to index
        %get3A_515 = arith.constant 96 : index
        %get3A_516 = tpu.vector_load %arg9[%get3A_514, %get3A_515] {strides = array<i32>} : memref<80x128xf32, #tpu.memory_space<vmem>>, vector<16xf32>,
        %mul3A_517 = arith.mulf %get3A_516, %get3A_516 : vector<16xf32>
        %add3A_518 = arith.addf %add3A_513, %mul3A_517 : vector<16xf32>
        %get3A_519 = arith.index_cast %add3A_484 : i32 to index
        %get3A_520 = arith.constant 112 : index
        %get3A_521 = tpu.vector_load %arg9[%get3A_519, %get3A_520] {strides = array<i32>} : memref<80x128xf32, #tpu.memory_space<vmem>>, vector<16xf32>,
        %mul3A_522 = arith.mulf %get3A_521, %get3A_521 : vector<16xf32>
        %add3A_523 = arith.addf %add3A_518, %mul3A_522 : vector<16xf32>
        %mul3A_524 = arith.constant 16 : i32
        %mul3A_525 = vector.broadcast %mul3A_524 : i32 to vector<16xi32>
        %mul3A_526 = arith.muli %iota3A, %mul3A_525 : vector<16xi32>
        %add3A_527 = arith.constant 6 : i32
        %add3A_528 = vector.broadcast %add3A_527 : i32 to vector<16xi32>
        %add3A_529 = arith.addi %mul3A_526, %add3A_528 : vector<16xi32>
        tpu.vector_store_idx %arg13[%add3A_529], %add3A_523 : memref<256xf32, #tpu.memory_space<vmem>>[vector<16xi32>], vector<16xf32>,
        %add3A_530 = arith.constant 7 : i32
        %add3A_531 = arith.addi %mul3A_201, %add3A_530 : i32
        %get3A_532 = arith.index_cast %add3A_531 : i32 to index
        %get3A_533 = arith.constant 0 : index
        %get3A_534 = tpu.vector_load %arg9[%get3A_532, %get3A_533] {strides = array<i32>} : memref<80x128xf32, #tpu.memory_space<vmem>>, vector<16xf32>,
        %mul3A_535 = arith.mulf %get3A_534, %get3A_534 : vector<16xf32>
        %get3A_536 = arith.index_cast %add3A_531 : i32 to index
        %get3A_537 = arith.constant 16 : index
        %get3A_538 = tpu.vector_load %arg9[%get3A_536, %get3A_537] {strides = array<i32>} : memref<80x128xf32, #tpu.memory_space<vmem>>, vector<16xf32>,
        %mul3A_539 = arith.mulf %get3A_538, %get3A_538 : vector<16xf32>
        %add3A_540 = arith.addf %mul3A_535, %mul3A_539 : vector<16xf32>
        %get3A_541 = arith.index_cast %add3A_531 : i32 to index
        %get3A_542 = arith.constant 32 : index
        %get3A_543 = tpu.vector_load %arg9[%get3A_541, %get3A_542] {strides = array<i32>} : memref<80x128xf32, #tpu.memory_space<vmem>>, vector<16xf32>,
        %mul3A_544 = arith.mulf %get3A_543, %get3A_543 : vector<16xf32>
        %add3A_545 = arith.addf %add3A_540, %mul3A_544 : vector<16xf32>
        %get3A_546 = arith.index_cast %add3A_531 : i32 to index
        %get3A_547 = arith.constant 48 : index
        %get3A_548 = tpu.vector_load %arg9[%get3A_546, %get3A_547] {strides = array<i32>} : memref<80x128xf32, #tpu.memory_space<vmem>>, vector<16xf32>,
        %mul3A_549 = arith.mulf %get3A_548, %get3A_548 : vector<16xf32>
        %add3A_550 = arith.addf %add3A_545, %mul3A_549 : vector<16xf32>
        %get3A_551 = arith.index_cast %add3A_531 : i32 to index
        %get3A_552 = arith.constant 64 : index
        %get3A_553 = tpu.vector_load %arg9[%get3A_551, %get3A_552] {strides = array<i32>} : memref<80x128xf32, #tpu.memory_space<vmem>>, vector<16xf32>,
        %mul3A_554 = arith.mulf %get3A_553, %get3A_553 : vector<16xf32>
        %add3A_555 = arith.addf %add3A_550, %mul3A_554 : vector<16xf32>
        %get3A_556 = arith.index_cast %add3A_531 : i32 to index
        %get3A_557 = arith.constant 80 : index
        %get3A_558 = tpu.vector_load %arg9[%get3A_556, %get3A_557] {strides = array<i32>} : memref<80x128xf32, #tpu.memory_space<vmem>>, vector<16xf32>,
        %mul3A_559 = arith.mulf %get3A_558, %get3A_558 : vector<16xf32>
        %add3A_560 = arith.addf %add3A_555, %mul3A_559 : vector<16xf32>
        %get3A_561 = arith.index_cast %add3A_531 : i32 to index
        %get3A_562 = arith.constant 96 : index
        %get3A_563 = tpu.vector_load %arg9[%get3A_561, %get3A_562] {strides = array<i32>} : memref<80x128xf32, #tpu.memory_space<vmem>>, vector<16xf32>,
        %mul3A_564 = arith.mulf %get3A_563, %get3A_563 : vector<16xf32>
        %add3A_565 = arith.addf %add3A_560, %mul3A_564 : vector<16xf32>
        %get3A_566 = arith.index_cast %add3A_531 : i32 to index
        %get3A_567 = arith.constant 112 : index
        %get3A_568 = tpu.vector_load %arg9[%get3A_566, %get3A_567] {strides = array<i32>} : memref<80x128xf32, #tpu.memory_space<vmem>>, vector<16xf32>,
        %mul3A_569 = arith.mulf %get3A_568, %get3A_568 : vector<16xf32>
        %add3A_570 = arith.addf %add3A_565, %mul3A_569 : vector<16xf32>
        %mul3A_571 = arith.constant 16 : i32
        %mul3A_572 = vector.broadcast %mul3A_571 : i32 to vector<16xi32>
        %mul3A_573 = arith.muli %iota3A, %mul3A_572 : vector<16xi32>
        %add3A_574 = arith.constant 7 : i32
        %add3A_575 = vector.broadcast %add3A_574 : i32 to vector<16xi32>
        %add3A_576 = arith.addi %mul3A_573, %add3A_575 : vector<16xi32>
        tpu.vector_store_idx %arg13[%add3A_576], %add3A_570 : memref<256xf32, #tpu.memory_space<vmem>>[vector<16xi32>], vector<16xf32>,
        %add3A_577 = arith.constant 8 : i32
        %add3A_578 = arith.addi %mul3A_201, %add3A_577 : i32
        %get3A_579 = arith.index_cast %add3A_578 : i32 to index
        %get3A_580 = arith.constant 0 : index
        %get3A_581 = tpu.vector_load %arg9[%get3A_579, %get3A_580] {strides = array<i32>} : memref<80x128xf32, #tpu.memory_space<vmem>>, vector<16xf32>,
        %mul3A_582 = arith.mulf %get3A_581, %get3A_581 : vector<16xf32>
        %get3A_583 = arith.index_cast %add3A_578 : i32 to index
        %get3A_584 = arith.constant 16 : index
        %get3A_585 = tpu.vector_load %arg9[%get3A_583, %get3A_584] {strides = array<i32>} : memref<80x128xf32, #tpu.memory_space<vmem>>, vector<16xf32>,
        %mul3A_586 = arith.mulf %get3A_585, %get3A_585 : vector<16xf32>
        %add3A_587 = arith.addf %mul3A_582, %mul3A_586 : vector<16xf32>
        %get3A_588 = arith.index_cast %add3A_578 : i32 to index
        %get3A_589 = arith.constant 32 : index
        %get3A_590 = tpu.vector_load %arg9[%get3A_588, %get3A_589] {strides = array<i32>} : memref<80x128xf32, #tpu.memory_space<vmem>>, vector<16xf32>,
        %mul3A_591 = arith.mulf %get3A_590, %get3A_590 : vector<16xf32>
        %add3A_592 = arith.addf %add3A_587, %mul3A_591 : vector<16xf32>
        %get3A_593 = arith.index_cast %add3A_578 : i32 to index
        %get3A_594 = arith.constant 48 : index
        %get3A_595 = tpu.vector_load %arg9[%get3A_593, %get3A_594] {strides = array<i32>} : memref<80x128xf32, #tpu.memory_space<vmem>>, vector<16xf32>,
        %mul3A_596 = arith.mulf %get3A_595, %get3A_595 : vector<16xf32>
        %add3A_597 = arith.addf %add3A_592, %mul3A_596 : vector<16xf32>
        %get3A_598 = arith.index_cast %add3A_578 : i32 to index
        %get3A_599 = arith.constant 64 : index
        %get3A_600 = tpu.vector_load %arg9[%get3A_598, %get3A_599] {strides = array<i32>} : memref<80x128xf32, #tpu.memory_space<vmem>>, vector<16xf32>,
        %mul3A_601 = arith.mulf %get3A_600, %get3A_600 : vector<16xf32>
        %add3A_602 = arith.addf %add3A_597, %mul3A_601 : vector<16xf32>
        %get3A_603 = arith.index_cast %add3A_578 : i32 to index
        %get3A_604 = arith.constant 80 : index
        %get3A_605 = tpu.vector_load %arg9[%get3A_603, %get3A_604] {strides = array<i32>} : memref<80x128xf32, #tpu.memory_space<vmem>>, vector<16xf32>,
        %mul3A_606 = arith.mulf %get3A_605, %get3A_605 : vector<16xf32>
        %add3A_607 = arith.addf %add3A_602, %mul3A_606 : vector<16xf32>
        %get3A_608 = arith.index_cast %add3A_578 : i32 to index
        %get3A_609 = arith.constant 96 : index
        %get3A_610 = tpu.vector_load %arg9[%get3A_608, %get3A_609] {strides = array<i32>} : memref<80x128xf32, #tpu.memory_space<vmem>>, vector<16xf32>,
        %mul3A_611 = arith.mulf %get3A_610, %get3A_610 : vector<16xf32>
        %add3A_612 = arith.addf %add3A_607, %mul3A_611 : vector<16xf32>
        %get3A_613 = arith.index_cast %add3A_578 : i32 to index
        %get3A_614 = arith.constant 112 : index
        %get3A_615 = tpu.vector_load %arg9[%get3A_613, %get3A_614] {strides = array<i32>} : memref<80x128xf32, #tpu.memory_space<vmem>>, vector<16xf32>,
        %mul3A_616 = arith.mulf %get3A_615, %get3A_615 : vector<16xf32>
        %add3A_617 = arith.addf %add3A_612, %mul3A_616 : vector<16xf32>
        %mul3A_618 = arith.constant 16 : i32
        %mul3A_619 = vector.broadcast %mul3A_618 : i32 to vector<16xi32>
        %mul3A_620 = arith.muli %iota3A, %mul3A_619 : vector<16xi32>
        %add3A_621 = arith.constant 8 : i32
        %add3A_622 = vector.broadcast %add3A_621 : i32 to vector<16xi32>
        %add3A_623 = arith.addi %mul3A_620, %add3A_622 : vector<16xi32>
        tpu.vector_store_idx %arg13[%add3A_623], %add3A_617 : memref<256xf32, #tpu.memory_space<vmem>>[vector<16xi32>], vector<16xf32>,
        %add3A_624 = arith.constant 9 : i32
        %add3A_625 = arith.addi %mul3A_201, %add3A_624 : i32
        %get3A_626 = arith.index_cast %add3A_625 : i32 to index
        %get3A_627 = arith.constant 0 : index
        %get3A_628 = tpu.vector_load %arg9[%get3A_626, %get3A_627] {strides = array<i32>} : memref<80x128xf32, #tpu.memory_space<vmem>>, vector<16xf32>,
        %mul3A_629 = arith.mulf %get3A_628, %get3A_628 : vector<16xf32>
        %get3A_630 = arith.index_cast %add3A_625 : i32 to index
        %get3A_631 = arith.constant 16 : index
        %get3A_632 = tpu.vector_load %arg9[%get3A_630, %get3A_631] {strides = array<i32>} : memref<80x128xf32, #tpu.memory_space<vmem>>, vector<16xf32>,
        %mul3A_633 = arith.mulf %get3A_632, %get3A_632 : vector<16xf32>
        %add3A_634 = arith.addf %mul3A_629, %mul3A_633 : vector<16xf32>
        %get3A_635 = arith.index_cast %add3A_625 : i32 to index
        %get3A_636 = arith.constant 32 : index
        %get3A_637 = tpu.vector_load %arg9[%get3A_635, %get3A_636] {strides = array<i32>} : memref<80x128xf32, #tpu.memory_space<vmem>>, vector<16xf32>,
        %mul3A_638 = arith.mulf %get3A_637, %get3A_637 : vector<16xf32>
        %add3A_639 = arith.addf %add3A_634, %mul3A_638 : vector<16xf32>
        %get3A_640 = arith.index_cast %add3A_625 : i32 to index
        %get3A_641 = arith.constant 48 : index
        %get3A_642 = tpu.vector_load %arg9[%get3A_640, %get3A_641] {strides = array<i32>} : memref<80x128xf32, #tpu.memory_space<vmem>>, vector<16xf32>,
        %mul3A_643 = arith.mulf %get3A_642, %get3A_642 : vector<16xf32>
        %add3A_644 = arith.addf %add3A_639, %mul3A_643 : vector<16xf32>
        %get3A_645 = arith.index_cast %add3A_625 : i32 to index
        %get3A_646 = arith.constant 64 : index
        %get3A_647 = tpu.vector_load %arg9[%get3A_645, %get3A_646] {strides = array<i32>} : memref<80x128xf32, #tpu.memory_space<vmem>>, vector<16xf32>,
        %mul3A_648 = arith.mulf %get3A_647, %get3A_647 : vector<16xf32>
        %add3A_649 = arith.addf %add3A_644, %mul3A_648 : vector<16xf32>
        %get3A_650 = arith.index_cast %add3A_625 : i32 to index
        %get3A_651 = arith.constant 80 : index
        %get3A_652 = tpu.vector_load %arg9[%get3A_650, %get3A_651] {strides = array<i32>} : memref<80x128xf32, #tpu.memory_space<vmem>>, vector<16xf32>,
        %mul3A_653 = arith.mulf %get3A_652, %get3A_652 : vector<16xf32>
        %add3A_654 = arith.addf %add3A_649, %mul3A_653 : vector<16xf32>
        %get3A_655 = arith.index_cast %add3A_625 : i32 to index
        %get3A_656 = arith.constant 96 : index
        %get3A_657 = tpu.vector_load %arg9[%get3A_655, %get3A_656] {strides = array<i32>} : memref<80x128xf32, #tpu.memory_space<vmem>>, vector<16xf32>,
        %mul3A_658 = arith.mulf %get3A_657, %get3A_657 : vector<16xf32>
        %add3A_659 = arith.addf %add3A_654, %mul3A_658 : vector<16xf32>
        %get3A_660 = arith.index_cast %add3A_625 : i32 to index
        %get3A_661 = arith.constant 112 : index
        %get3A_662 = tpu.vector_load %arg9[%get3A_660, %get3A_661] {strides = array<i32>} : memref<80x128xf32, #tpu.memory_space<vmem>>, vector<16xf32>,
        %mul3A_663 = arith.mulf %get3A_662, %get3A_662 : vector<16xf32>
        %add3A_664 = arith.addf %add3A_659, %mul3A_663 : vector<16xf32>
        %mul3A_665 = arith.constant 16 : i32
        %mul3A_666 = vector.broadcast %mul3A_665 : i32 to vector<16xi32>
        %mul3A_667 = arith.muli %iota3A, %mul3A_666 : vector<16xi32>
        %add3A_668 = arith.constant 9 : i32
        %add3A_669 = vector.broadcast %add3A_668 : i32 to vector<16xi32>
        %add3A_670 = arith.addi %mul3A_667, %add3A_669 : vector<16xi32>
        tpu.vector_store_idx %arg13[%add3A_670], %add3A_664 : memref<256xf32, #tpu.memory_space<vmem>>[vector<16xi32>], vector<16xf32>,
        %add3A_671 = arith.constant 10 : i32
        %add3A_672 = arith.addi %mul3A_201, %add3A_671 : i32
        %get3A_673 = arith.index_cast %add3A_672 : i32 to index
        %get3A_674 = arith.constant 0 : index
        %get3A_675 = tpu.vector_load %arg9[%get3A_673, %get3A_674] {strides = array<i32>} : memref<80x128xf32, #tpu.memory_space<vmem>>, vector<16xf32>,
        %mul3A_676 = arith.mulf %get3A_675, %get3A_675 : vector<16xf32>
        %get3A_677 = arith.index_cast %add3A_672 : i32 to index
        %get3A_678 = arith.constant 16 : index
        %get3A_679 = tpu.vector_load %arg9[%get3A_677, %get3A_678] {strides = array<i32>} : memref<80x128xf32, #tpu.memory_space<vmem>>, vector<16xf32>,
        %mul3A_680 = arith.mulf %get3A_679, %get3A_679 : vector<16xf32>
        %add3A_681 = arith.addf %mul3A_676, %mul3A_680 : vector<16xf32>
        %get3A_682 = arith.index_cast %add3A_672 : i32 to index
        %get3A_683 = arith.constant 32 : index
        %get3A_684 = tpu.vector_load %arg9[%get3A_682, %get3A_683] {strides = array<i32>} : memref<80x128xf32, #tpu.memory_space<vmem>>, vector<16xf32>,
        %mul3A_685 = arith.mulf %get3A_684, %get3A_684 : vector<16xf32>
        %add3A_686 = arith.addf %add3A_681, %mul3A_685 : vector<16xf32>
        %get3A_687 = arith.index_cast %add3A_672 : i32 to index
        %get3A_688 = arith.constant 48 : index
        %get3A_689 = tpu.vector_load %arg9[%get3A_687, %get3A_688] {strides = array<i32>} : memref<80x128xf32, #tpu.memory_space<vmem>>, vector<16xf32>,
        %mul3A_690 = arith.mulf %get3A_689, %get3A_689 : vector<16xf32>
        %add3A_691 = arith.addf %add3A_686, %mul3A_690 : vector<16xf32>
        %get3A_692 = arith.index_cast %add3A_672 : i32 to index
        %get3A_693 = arith.constant 64 : index
        %get3A_694 = tpu.vector_load %arg9[%get3A_692, %get3A_693] {strides = array<i32>} : memref<80x128xf32, #tpu.memory_space<vmem>>, vector<16xf32>,
        %mul3A_695 = arith.mulf %get3A_694, %get3A_694 : vector<16xf32>
        %add3A_696 = arith.addf %add3A_691, %mul3A_695 : vector<16xf32>
        %get3A_697 = arith.index_cast %add3A_672 : i32 to index
        %get3A_698 = arith.constant 80 : index
        %get3A_699 = tpu.vector_load %arg9[%get3A_697, %get3A_698] {strides = array<i32>} : memref<80x128xf32, #tpu.memory_space<vmem>>, vector<16xf32>,
        %mul3A_700 = arith.mulf %get3A_699, %get3A_699 : vector<16xf32>
        %add3A_701 = arith.addf %add3A_696, %mul3A_700 : vector<16xf32>
        %get3A_702 = arith.index_cast %add3A_672 : i32 to index
        %get3A_703 = arith.constant 96 : index
        %get3A_704 = tpu.vector_load %arg9[%get3A_702, %get3A_703] {strides = array<i32>} : memref<80x128xf32, #tpu.memory_space<vmem>>, vector<16xf32>,
        %mul3A_705 = arith.mulf %get3A_704, %get3A_704 : vector<16xf32>
        %add3A_706 = arith.addf %add3A_701, %mul3A_705 : vector<16xf32>
        %get3A_707 = arith.index_cast %add3A_672 : i32 to index
        %get3A_708 = arith.constant 112 : index
        %get3A_709 = tpu.vector_load %arg9[%get3A_707, %get3A_708] {strides = array<i32>} : memref<80x128xf32, #tpu.memory_space<vmem>>, vector<16xf32>,
        %mul3A_710 = arith.mulf %get3A_709, %get3A_709 : vector<16xf32>
        %add3A_711 = arith.addf %add3A_706, %mul3A_710 : vector<16xf32>
        %mul3A_712 = arith.constant 16 : i32
        %mul3A_713 = vector.broadcast %mul3A_712 : i32 to vector<16xi32>
        %mul3A_714 = arith.muli %iota3A, %mul3A_713 : vector<16xi32>
        %add3A_715 = arith.constant 10 : i32
        %add3A_716 = vector.broadcast %add3A_715 : i32 to vector<16xi32>
        %add3A_717 = arith.addi %mul3A_714, %add3A_716 : vector<16xi32>
        tpu.vector_store_idx %arg13[%add3A_717], %add3A_711 : memref<256xf32, #tpu.memory_space<vmem>>[vector<16xi32>], vector<16xf32>,
        %add3A_718 = arith.constant 11 : i32
        %add3A_719 = arith.addi %mul3A_201, %add3A_718 : i32
        %get3A_720 = arith.index_cast %add3A_719 : i32 to index
        %get3A_721 = arith.constant 0 : index
        %get3A_722 = tpu.vector_load %arg9[%get3A_720, %get3A_721] {strides = array<i32>} : memref<80x128xf32, #tpu.memory_space<vmem>>, vector<16xf32>,
        %mul3A_723 = arith.mulf %get3A_722, %get3A_722 : vector<16xf32>
        %get3A_724 = arith.index_cast %add3A_719 : i32 to index
        %get3A_725 = arith.constant 16 : index
        %get3A_726 = tpu.vector_load %arg9[%get3A_724, %get3A_725] {strides = array<i32>} : memref<80x128xf32, #tpu.memory_space<vmem>>, vector<16xf32>,
        %mul3A_727 = arith.mulf %get3A_726, %get3A_726 : vector<16xf32>
        %add3A_728 = arith.addf %mul3A_723, %mul3A_727 : vector<16xf32>
        %get3A_729 = arith.index_cast %add3A_719 : i32 to index
        %get3A_730 = arith.constant 32 : index
        %get3A_731 = tpu.vector_load %arg9[%get3A_729, %get3A_730] {strides = array<i32>} : memref<80x128xf32, #tpu.memory_space<vmem>>, vector<16xf32>,
        %mul3A_732 = arith.mulf %get3A_731, %get3A_731 : vector<16xf32>
        %add3A_733 = arith.addf %add3A_728, %mul3A_732 : vector<16xf32>
        %get3A_734 = arith.index_cast %add3A_719 : i32 to index
        %get3A_735 = arith.constant 48 : index
        %get3A_736 = tpu.vector_load %arg9[%get3A_734, %get3A_735] {strides = array<i32>} : memref<80x128xf32, #tpu.memory_space<vmem>>, vector<16xf32>,
        %mul3A_737 = arith.mulf %get3A_736, %get3A_736 : vector<16xf32>
        %add3A_738 = arith.addf %add3A_733, %mul3A_737 : vector<16xf32>
        %get3A_739 = arith.index_cast %add3A_719 : i32 to index
        %get3A_740 = arith.constant 64 : index
        %get3A_741 = tpu.vector_load %arg9[%get3A_739, %get3A_740] {strides = array<i32>} : memref<80x128xf32, #tpu.memory_space<vmem>>, vector<16xf32>,
        %mul3A_742 = arith.mulf %get3A_741, %get3A_741 : vector<16xf32>
        %add3A_743 = arith.addf %add3A_738, %mul3A_742 : vector<16xf32>
        %get3A_744 = arith.index_cast %add3A_719 : i32 to index
        %get3A_745 = arith.constant 80 : index
        %get3A_746 = tpu.vector_load %arg9[%get3A_744, %get3A_745] {strides = array<i32>} : memref<80x128xf32, #tpu.memory_space<vmem>>, vector<16xf32>,
        %mul3A_747 = arith.mulf %get3A_746, %get3A_746 : vector<16xf32>
        %add3A_748 = arith.addf %add3A_743, %mul3A_747 : vector<16xf32>
        %get3A_749 = arith.index_cast %add3A_719 : i32 to index
        %get3A_750 = arith.constant 96 : index
        %get3A_751 = tpu.vector_load %arg9[%get3A_749, %get3A_750] {strides = array<i32>} : memref<80x128xf32, #tpu.memory_space<vmem>>, vector<16xf32>,
        %mul3A_752 = arith.mulf %get3A_751, %get3A_751 : vector<16xf32>
        %add3A_753 = arith.addf %add3A_748, %mul3A_752 : vector<16xf32>
        %get3A_754 = arith.index_cast %add3A_719 : i32 to index
        %get3A_755 = arith.constant 112 : index
        %get3A_756 = tpu.vector_load %arg9[%get3A_754, %get3A_755] {strides = array<i32>} : memref<80x128xf32, #tpu.memory_space<vmem>>, vector<16xf32>,
        %mul3A_757 = arith.mulf %get3A_756, %get3A_756 : vector<16xf32>
        %add3A_758 = arith.addf %add3A_753, %mul3A_757 : vector<16xf32>
        %mul3A_759 = arith.constant 16 : i32
        %mul3A_760 = vector.broadcast %mul3A_759 : i32 to vector<16xi32>
        %mul3A_761 = arith.muli %iota3A, %mul3A_760 : vector<16xi32>
        %add3A_762 = arith.constant 11 : i32
        %add3A_763 = vector.broadcast %add3A_762 : i32 to vector<16xi32>
        %add3A_764 = arith.addi %mul3A_761, %add3A_763 : vector<16xi32>
        tpu.vector_store_idx %arg13[%add3A_764], %add3A_758 : memref<256xf32, #tpu.memory_space<vmem>>[vector<16xi32>], vector<16xf32>,
        %add3A_765 = arith.constant 12 : i32
        %add3A_766 = arith.addi %mul3A_201, %add3A_765 : i32
        %get3A_767 = arith.index_cast %add3A_766 : i32 to index
        %get3A_768 = arith.constant 0 : index
        %get3A_769 = tpu.vector_load %arg9[%get3A_767, %get3A_768] {strides = array<i32>} : memref<80x128xf32, #tpu.memory_space<vmem>>, vector<16xf32>,
        %mul3A_770 = arith.mulf %get3A_769, %get3A_769 : vector<16xf32>
        %get3A_771 = arith.index_cast %add3A_766 : i32 to index
        %get3A_772 = arith.constant 16 : index
        %get3A_773 = tpu.vector_load %arg9[%get3A_771, %get3A_772] {strides = array<i32>} : memref<80x128xf32, #tpu.memory_space<vmem>>, vector<16xf32>,
        %mul3A_774 = arith.mulf %get3A_773, %get3A_773 : vector<16xf32>
        %add3A_775 = arith.addf %mul3A_770, %mul3A_774 : vector<16xf32>
        %get3A_776 = arith.index_cast %add3A_766 : i32 to index
        %get3A_777 = arith.constant 32 : index
        %get3A_778 = tpu.vector_load %arg9[%get3A_776, %get3A_777] {strides = array<i32>} : memref<80x128xf32, #tpu.memory_space<vmem>>, vector<16xf32>,
        %mul3A_779 = arith.mulf %get3A_778, %get3A_778 : vector<16xf32>
        %add3A_780 = arith.addf %add3A_775, %mul3A_779 : vector<16xf32>
        %get3A_781 = arith.index_cast %add3A_766 : i32 to index
        %get3A_782 = arith.constant 48 : index
        %get3A_783 = tpu.vector_load %arg9[%get3A_781, %get3A_782] {strides = array<i32>} : memref<80x128xf32, #tpu.memory_space<vmem>>, vector<16xf32>,
        %mul3A_784 = arith.mulf %get3A_783, %get3A_783 : vector<16xf32>
        %add3A_785 = arith.addf %add3A_780, %mul3A_784 : vector<16xf32>
        %get3A_786 = arith.index_cast %add3A_766 : i32 to index
        %get3A_787 = arith.constant 64 : index
        %get3A_788 = tpu.vector_load %arg9[%get3A_786, %get3A_787] {strides = array<i32>} : memref<80x128xf32, #tpu.memory_space<vmem>>, vector<16xf32>,
        %mul3A_789 = arith.mulf %get3A_788, %get3A_788 : vector<16xf32>
        %add3A_790 = arith.addf %add3A_785, %mul3A_789 : vector<16xf32>
        %get3A_791 = arith.index_cast %add3A_766 : i32 to index
        %get3A_792 = arith.constant 80 : index
        %get3A_793 = tpu.vector_load %arg9[%get3A_791, %get3A_792] {strides = array<i32>} : memref<80x128xf32, #tpu.memory_space<vmem>>, vector<16xf32>,
        %mul3A_794 = arith.mulf %get3A_793, %get3A_793 : vector<16xf32>
        %add3A_795 = arith.addf %add3A_790, %mul3A_794 : vector<16xf32>
        %get3A_796 = arith.index_cast %add3A_766 : i32 to index
        %get3A_797 = arith.constant 96 : index
        %get3A_798 = tpu.vector_load %arg9[%get3A_796, %get3A_797] {strides = array<i32>} : memref<80x128xf32, #tpu.memory_space<vmem>>, vector<16xf32>,
        %mul3A_799 = arith.mulf %get3A_798, %get3A_798 : vector<16xf32>
        %add3A_800 = arith.addf %add3A_795, %mul3A_799 : vector<16xf32>
        %get3A_801 = arith.index_cast %add3A_766 : i32 to index
        %get3A_802 = arith.constant 112 : index
        %get3A_803 = tpu.vector_load %arg9[%get3A_801, %get3A_802] {strides = array<i32>} : memref<80x128xf32, #tpu.memory_space<vmem>>, vector<16xf32>,
        %mul3A_804 = arith.mulf %get3A_803, %get3A_803 : vector<16xf32>
        %add3A_805 = arith.addf %add3A_800, %mul3A_804 : vector<16xf32>
        %mul3A_806 = arith.constant 16 : i32
        %mul3A_807 = vector.broadcast %mul3A_806 : i32 to vector<16xi32>
        %mul3A_808 = arith.muli %iota3A, %mul3A_807 : vector<16xi32>
        %add3A_809 = arith.constant 12 : i32
        %add3A_810 = vector.broadcast %add3A_809 : i32 to vector<16xi32>
        %add3A_811 = arith.addi %mul3A_808, %add3A_810 : vector<16xi32>
        tpu.vector_store_idx %arg13[%add3A_811], %add3A_805 : memref<256xf32, #tpu.memory_space<vmem>>[vector<16xi32>], vector<16xf32>,
        %add3A_812 = arith.constant 13 : i32
        %add3A_813 = arith.addi %mul3A_201, %add3A_812 : i32
        %get3A_814 = arith.index_cast %add3A_813 : i32 to index
        %get3A_815 = arith.constant 0 : index
        %get3A_816 = tpu.vector_load %arg9[%get3A_814, %get3A_815] {strides = array<i32>} : memref<80x128xf32, #tpu.memory_space<vmem>>, vector<16xf32>,
        %mul3A_817 = arith.mulf %get3A_816, %get3A_816 : vector<16xf32>
        %get3A_818 = arith.index_cast %add3A_813 : i32 to index
        %get3A_819 = arith.constant 16 : index
        %get3A_820 = tpu.vector_load %arg9[%get3A_818, %get3A_819] {strides = array<i32>} : memref<80x128xf32, #tpu.memory_space<vmem>>, vector<16xf32>,
        %mul3A_821 = arith.mulf %get3A_820, %get3A_820 : vector<16xf32>
        %add3A_822 = arith.addf %mul3A_817, %mul3A_821 : vector<16xf32>
        %get3A_823 = arith.index_cast %add3A_813 : i32 to index
        %get3A_824 = arith.constant 32 : index
        %get3A_825 = tpu.vector_load %arg9[%get3A_823, %get3A_824] {strides = array<i32>} : memref<80x128xf32, #tpu.memory_space<vmem>>, vector<16xf32>,
        %mul3A_826 = arith.mulf %get3A_825, %get3A_825 : vector<16xf32>
        %add3A_827 = arith.addf %add3A_822, %mul3A_826 : vector<16xf32>
        %get3A_828 = arith.index_cast %add3A_813 : i32 to index
        %get3A_829 = arith.constant 48 : index
        %get3A_830 = tpu.vector_load %arg9[%get3A_828, %get3A_829] {strides = array<i32>} : memref<80x128xf32, #tpu.memory_space<vmem>>, vector<16xf32>,
        %mul3A_831 = arith.mulf %get3A_830, %get3A_830 : vector<16xf32>
        %add3A_832 = arith.addf %add3A_827, %mul3A_831 : vector<16xf32>
        %get3A_833 = arith.index_cast %add3A_813 : i32 to index
        %get3A_834 = arith.constant 64 : index
        %get3A_835 = tpu.vector_load %arg9[%get3A_833, %get3A_834] {strides = array<i32>} : memref<80x128xf32, #tpu.memory_space<vmem>>, vector<16xf32>,
        %mul3A_836 = arith.mulf %get3A_835, %get3A_835 : vector<16xf32>
        %add3A_837 = arith.addf %add3A_832, %mul3A_836 : vector<16xf32>
        %get3A_838 = arith.index_cast %add3A_813 : i32 to index
        %get3A_839 = arith.constant 80 : index
        %get3A_840 = tpu.vector_load %arg9[%get3A_838, %get3A_839] {strides = array<i32>} : memref<80x128xf32, #tpu.memory_space<vmem>>, vector<16xf32>,
        %mul3A_841 = arith.mulf %get3A_840, %get3A_840 : vector<16xf32>
        %add3A_842 = arith.addf %add3A_837, %mul3A_841 : vector<16xf32>
        %get3A_843 = arith.index_cast %add3A_813 : i32 to index
        %get3A_844 = arith.constant 96 : index
        %get3A_845 = tpu.vector_load %arg9[%get3A_843, %get3A_844] {strides = array<i32>} : memref<80x128xf32, #tpu.memory_space<vmem>>, vector<16xf32>,
        %mul3A_846 = arith.mulf %get3A_845, %get3A_845 : vector<16xf32>
        %add3A_847 = arith.addf %add3A_842, %mul3A_846 : vector<16xf32>
        %get3A_848 = arith.index_cast %add3A_813 : i32 to index
        %get3A_849 = arith.constant 112 : index
        %get3A_850 = tpu.vector_load %arg9[%get3A_848, %get3A_849] {strides = array<i32>} : memref<80x128xf32, #tpu.memory_space<vmem>>, vector<16xf32>,
        %mul3A_851 = arith.mulf %get3A_850, %get3A_850 : vector<16xf32>
        %add3A_852 = arith.addf %add3A_847, %mul3A_851 : vector<16xf32>
        %mul3A_853 = arith.constant 16 : i32
        %mul3A_854 = vector.broadcast %mul3A_853 : i32 to vector<16xi32>
        %mul3A_855 = arith.muli %iota3A, %mul3A_854 : vector<16xi32>
        %add3A_856 = arith.constant 13 : i32
        %add3A_857 = vector.broadcast %add3A_856 : i32 to vector<16xi32>
        %add3A_858 = arith.addi %mul3A_855, %add3A_857 : vector<16xi32>
        tpu.vector_store_idx %arg13[%add3A_858], %add3A_852 : memref<256xf32, #tpu.memory_space<vmem>>[vector<16xi32>], vector<16xf32>,
        %add3A_859 = arith.constant 14 : i32
        %add3A_860 = arith.addi %mul3A_201, %add3A_859 : i32
        %get3A_861 = arith.index_cast %add3A_860 : i32 to index
        %get3A_862 = arith.constant 0 : index
        %get3A_863 = tpu.vector_load %arg9[%get3A_861, %get3A_862] {strides = array<i32>} : memref<80x128xf32, #tpu.memory_space<vmem>>, vector<16xf32>,
        %mul3A_864 = arith.mulf %get3A_863, %get3A_863 : vector<16xf32>
        %get3A_865 = arith.index_cast %add3A_860 : i32 to index
        %get3A_866 = arith.constant 16 : index
        %get3A_867 = tpu.vector_load %arg9[%get3A_865, %get3A_866] {strides = array<i32>} : memref<80x128xf32, #tpu.memory_space<vmem>>, vector<16xf32>,
        %mul3A_868 = arith.mulf %get3A_867, %get3A_867 : vector<16xf32>
        %add3A_869 = arith.addf %mul3A_864, %mul3A_868 : vector<16xf32>
        %get3A_870 = arith.index_cast %add3A_860 : i32 to index
        %get3A_871 = arith.constant 32 : index
        %get3A_872 = tpu.vector_load %arg9[%get3A_870, %get3A_871] {strides = array<i32>} : memref<80x128xf32, #tpu.memory_space<vmem>>, vector<16xf32>,
        %mul3A_873 = arith.mulf %get3A_872, %get3A_872 : vector<16xf32>
        %add3A_874 = arith.addf %add3A_869, %mul3A_873 : vector<16xf32>
        %get3A_875 = arith.index_cast %add3A_860 : i32 to index
        %get3A_876 = arith.constant 48 : index
        %get3A_877 = tpu.vector_load %arg9[%get3A_875, %get3A_876] {strides = array<i32>} : memref<80x128xf32, #tpu.memory_space<vmem>>, vector<16xf32>,
        %mul3A_878 = arith.mulf %get3A_877, %get3A_877 : vector<16xf32>
        %add3A_879 = arith.addf %add3A_874, %mul3A_878 : vector<16xf32>
        %get3A_880 = arith.index_cast %add3A_860 : i32 to index
        %get3A_881 = arith.constant 64 : index
        %get3A_882 = tpu.vector_load %arg9[%get3A_880, %get3A_881] {strides = array<i32>} : memref<80x128xf32, #tpu.memory_space<vmem>>, vector<16xf32>,
        %mul3A_883 = arith.mulf %get3A_882, %get3A_882 : vector<16xf32>
        %add3A_884 = arith.addf %add3A_879, %mul3A_883 : vector<16xf32>
        %get3A_885 = arith.index_cast %add3A_860 : i32 to index
        %get3A_886 = arith.constant 80 : index
        %get3A_887 = tpu.vector_load %arg9[%get3A_885, %get3A_886] {strides = array<i32>} : memref<80x128xf32, #tpu.memory_space<vmem>>, vector<16xf32>,
        %mul3A_888 = arith.mulf %get3A_887, %get3A_887 : vector<16xf32>
        %add3A_889 = arith.addf %add3A_884, %mul3A_888 : vector<16xf32>
        %get3A_890 = arith.index_cast %add3A_860 : i32 to index
        %get3A_891 = arith.constant 96 : index
        %get3A_892 = tpu.vector_load %arg9[%get3A_890, %get3A_891] {strides = array<i32>} : memref<80x128xf32, #tpu.memory_space<vmem>>, vector<16xf32>,
        %mul3A_893 = arith.mulf %get3A_892, %get3A_892 : vector<16xf32>
        %add3A_894 = arith.addf %add3A_889, %mul3A_893 : vector<16xf32>
        %get3A_895 = arith.index_cast %add3A_860 : i32 to index
        %get3A_896 = arith.constant 112 : index
        %get3A_897 = tpu.vector_load %arg9[%get3A_895, %get3A_896] {strides = array<i32>} : memref<80x128xf32, #tpu.memory_space<vmem>>, vector<16xf32>,
        %mul3A_898 = arith.mulf %get3A_897, %get3A_897 : vector<16xf32>
        %add3A_899 = arith.addf %add3A_894, %mul3A_898 : vector<16xf32>
        %mul3A_900 = arith.constant 16 : i32
        %mul3A_901 = vector.broadcast %mul3A_900 : i32 to vector<16xi32>
        %mul3A_902 = arith.muli %iota3A, %mul3A_901 : vector<16xi32>
        %add3A_903 = arith.constant 14 : i32
        %add3A_904 = vector.broadcast %add3A_903 : i32 to vector<16xi32>
        %add3A_905 = arith.addi %mul3A_902, %add3A_904 : vector<16xi32>
        tpu.vector_store_idx %arg13[%add3A_905], %add3A_899 : memref<256xf32, #tpu.memory_space<vmem>>[vector<16xi32>], vector<16xf32>,
        %add3A_906 = arith.constant 15 : i32
        %add3A_907 = arith.addi %mul3A_201, %add3A_906 : i32
        %get3A_908 = arith.index_cast %add3A_907 : i32 to index
        %get3A_909 = arith.constant 0 : index
        %get3A_910 = tpu.vector_load %arg9[%get3A_908, %get3A_909] {strides = array<i32>} : memref<80x128xf32, #tpu.memory_space<vmem>>, vector<16xf32>,
        %mul3A_911 = arith.mulf %get3A_910, %get3A_910 : vector<16xf32>
        %get3A_912 = arith.index_cast %add3A_907 : i32 to index
        %get3A_913 = arith.constant 16 : index
        %get3A_914 = tpu.vector_load %arg9[%get3A_912, %get3A_913] {strides = array<i32>} : memref<80x128xf32, #tpu.memory_space<vmem>>, vector<16xf32>,
        %mul3A_915 = arith.mulf %get3A_914, %get3A_914 : vector<16xf32>
        %add3A_916 = arith.addf %mul3A_911, %mul3A_915 : vector<16xf32>
        %get3A_917 = arith.index_cast %add3A_907 : i32 to index
        %get3A_918 = arith.constant 32 : index
        %get3A_919 = tpu.vector_load %arg9[%get3A_917, %get3A_918] {strides = array<i32>} : memref<80x128xf32, #tpu.memory_space<vmem>>, vector<16xf32>,
        %mul3A_920 = arith.mulf %get3A_919, %get3A_919 : vector<16xf32>
        %add3A_921 = arith.addf %add3A_916, %mul3A_920 : vector<16xf32>
        %get3A_922 = arith.index_cast %add3A_907 : i32 to index
        %get3A_923 = arith.constant 48 : index
        %get3A_924 = tpu.vector_load %arg9[%get3A_922, %get3A_923] {strides = array<i32>} : memref<80x128xf32, #tpu.memory_space<vmem>>, vector<16xf32>,
        %mul3A_925 = arith.mulf %get3A_924, %get3A_924 : vector<16xf32>
        %add3A_926 = arith.addf %add3A_921, %mul3A_925 : vector<16xf32>
        %get3A_927 = arith.index_cast %add3A_907 : i32 to index
        %get3A_928 = arith.constant 64 : index
        %get3A_929 = tpu.vector_load %arg9[%get3A_927, %get3A_928] {strides = array<i32>} : memref<80x128xf32, #tpu.memory_space<vmem>>, vector<16xf32>,
        %mul3A_930 = arith.mulf %get3A_929, %get3A_929 : vector<16xf32>
        %add3A_931 = arith.addf %add3A_926, %mul3A_930 : vector<16xf32>
        %get3A_932 = arith.index_cast %add3A_907 : i32 to index
        %get3A_933 = arith.constant 80 : index
        %get3A_934 = tpu.vector_load %arg9[%get3A_932, %get3A_933] {strides = array<i32>} : memref<80x128xf32, #tpu.memory_space<vmem>>, vector<16xf32>,
        %mul3A_935 = arith.mulf %get3A_934, %get3A_934 : vector<16xf32>
        %add3A_936 = arith.addf %add3A_931, %mul3A_935 : vector<16xf32>
        %get3A_937 = arith.index_cast %add3A_907 : i32 to index
        %get3A_938 = arith.constant 96 : index
        %get3A_939 = tpu.vector_load %arg9[%get3A_937, %get3A_938] {strides = array<i32>} : memref<80x128xf32, #tpu.memory_space<vmem>>, vector<16xf32>,
        %mul3A_940 = arith.mulf %get3A_939, %get3A_939 : vector<16xf32>
        %add3A_941 = arith.addf %add3A_936, %mul3A_940 : vector<16xf32>
        %get3A_942 = arith.index_cast %add3A_907 : i32 to index
        %get3A_943 = arith.constant 112 : index
        %get3A_944 = tpu.vector_load %arg9[%get3A_942, %get3A_943] {strides = array<i32>} : memref<80x128xf32, #tpu.memory_space<vmem>>, vector<16xf32>,
        %mul3A_945 = arith.mulf %get3A_944, %get3A_944 : vector<16xf32>
        %add3A_946 = arith.addf %add3A_941, %mul3A_945 : vector<16xf32>
        %mul3A_947 = arith.constant 16 : i32
        %mul3A_948 = vector.broadcast %mul3A_947 : i32 to vector<16xi32>
        %mul3A_949 = arith.muli %iota3A, %mul3A_948 : vector<16xi32>
        %add3A_950 = arith.constant 15 : i32
        %add3A_951 = vector.broadcast %add3A_950 : i32 to vector<16xi32>
        %add3A_952 = arith.addi %mul3A_949, %add3A_951 : vector<16xi32>
        tpu.vector_store_idx %arg13[%add3A_952], %add3A_946 : memref<256xf32, #tpu.memory_space<vmem>>[vector<16xi32>], vector<16xf32>,
        %get3A_953 = arith.constant 0 : index
        %get3A_954 = tpu.vector_load %arg13[%get3A_953] {strides = array<i32>} : memref<256xf32, #tpu.memory_space<vmem>>, vector<16xf32>,
        %get3A_955 = arith.constant 16 : index
        %get3A_956 = tpu.vector_load %arg13[%get3A_955] {strides = array<i32>} : memref<256xf32, #tpu.memory_space<vmem>>, vector<16xf32>,
        %add3A_957 = arith.addf %get3A_954, %get3A_956 : vector<16xf32>
        %get3A_958 = arith.constant 32 : index
        %get3A_959 = tpu.vector_load %arg13[%get3A_958] {strides = array<i32>} : memref<256xf32, #tpu.memory_space<vmem>>, vector<16xf32>,
        %add3A_960 = arith.addf %add3A_957, %get3A_959 : vector<16xf32>
        %get3A_961 = arith.constant 48 : index
        %get3A_962 = tpu.vector_load %arg13[%get3A_961] {strides = array<i32>} : memref<256xf32, #tpu.memory_space<vmem>>, vector<16xf32>,
        %add3A_963 = arith.addf %add3A_960, %get3A_962 : vector<16xf32>
        %get3A_964 = arith.constant 64 : index
        %get3A_965 = tpu.vector_load %arg13[%get3A_964] {strides = array<i32>} : memref<256xf32, #tpu.memory_space<vmem>>, vector<16xf32>,
        %add3A_966 = arith.addf %add3A_963, %get3A_965 : vector<16xf32>
        %get3A_967 = arith.constant 80 : index
        %get3A_968 = tpu.vector_load %arg13[%get3A_967] {strides = array<i32>} : memref<256xf32, #tpu.memory_space<vmem>>, vector<16xf32>,
        %add3A_969 = arith.addf %add3A_966, %get3A_968 : vector<16xf32>
        %get3A_970 = arith.constant 96 : index
        %get3A_971 = tpu.vector_load %arg13[%get3A_970] {strides = array<i32>} : memref<256xf32, #tpu.memory_space<vmem>>, vector<16xf32>,
        %add3A_972 = arith.addf %add3A_969, %get3A_971 : vector<16xf32>
        %get3A_973 = arith.constant 112 : index
        %get3A_974 = tpu.vector_load %arg13[%get3A_973] {strides = array<i32>} : memref<256xf32, #tpu.memory_space<vmem>>, vector<16xf32>,
        %add3A_975 = arith.addf %add3A_972, %get3A_974 : vector<16xf32>
        %get3A_976 = arith.constant 128 : index
        %get3A_977 = tpu.vector_load %arg13[%get3A_976] {strides = array<i32>} : memref<256xf32, #tpu.memory_space<vmem>>, vector<16xf32>,
        %add3A_978 = arith.addf %add3A_975, %get3A_977 : vector<16xf32>
        %get3A_979 = arith.constant 144 : index
        %get3A_980 = tpu.vector_load %arg13[%get3A_979] {strides = array<i32>} : memref<256xf32, #tpu.memory_space<vmem>>, vector<16xf32>,
        %add3A_981 = arith.addf %add3A_978, %get3A_980 : vector<16xf32>
        %get3A_982 = arith.constant 160 : index
        %get3A_983 = tpu.vector_load %arg13[%get3A_982] {strides = array<i32>} : memref<256xf32, #tpu.memory_space<vmem>>, vector<16xf32>,
        %add3A_984 = arith.addf %add3A_981, %get3A_983 : vector<16xf32>
        %get3A_985 = arith.constant 176 : index
        %get3A_986 = tpu.vector_load %arg13[%get3A_985] {strides = array<i32>} : memref<256xf32, #tpu.memory_space<vmem>>, vector<16xf32>,
        %add3A_987 = arith.addf %add3A_984, %get3A_986 : vector<16xf32>
        %get3A_988 = arith.constant 192 : index
        %get3A_989 = tpu.vector_load %arg13[%get3A_988] {strides = array<i32>} : memref<256xf32, #tpu.memory_space<vmem>>, vector<16xf32>,
        %add3A_990 = arith.addf %add3A_987, %get3A_989 : vector<16xf32>
        %get3A_991 = arith.constant 208 : index
        %get3A_992 = tpu.vector_load %arg13[%get3A_991] {strides = array<i32>} : memref<256xf32, #tpu.memory_space<vmem>>, vector<16xf32>,
        %add3A_993 = arith.addf %add3A_990, %get3A_992 : vector<16xf32>
        %get3A_994 = arith.constant 224 : index
        %get3A_995 = tpu.vector_load %arg13[%get3A_994] {strides = array<i32>} : memref<256xf32, #tpu.memory_space<vmem>>, vector<16xf32>,
        %add3A_996 = arith.addf %add3A_993, %get3A_995 : vector<16xf32>
        %get3A_997 = arith.constant 240 : index
        %get3A_998 = tpu.vector_load %arg13[%get3A_997] {strides = array<i32>} : memref<256xf32, #tpu.memory_space<vmem>>, vector<16xf32>,
        %add3A_999 = arith.addf %add3A_996, %get3A_998 : vector<16xf32>
        %bitcast_convert_type3A = tpu.bitcast %add3A_999 : vector<16xf32> -> vector<16xi32>
        %shift_right_arithmetic3A = arith.constant 1 : i32
        %shift_right_arithmetic3A_1000 = vector.broadcast %shift_right_arithmetic3A : i32 to vector<16xi32>
        %shift_right_arithmetic3A_1001 = arith.shrsi %bitcast_convert_type3A, %shift_right_arithmetic3A_1000 : vector<16xi32>
        %add3A_1002 = arith.constant 532487669 : i32
        %add3A_1003 = vector.broadcast %add3A_1002 : i32 to vector<16xi32>
        %add3A_1004 = arith.addi %shift_right_arithmetic3A_1001, %add3A_1003 : vector<16xi32>
        %bitcast_convert_type3A_1005 = tpu.bitcast %add3A_1004 : vector<16xi32> -> vector<16xf32>
        %div3A = arith.divf %add3A_999, %bitcast_convert_type3A_1005 : vector<16xf32>
        %add3A_1006 = arith.addf %bitcast_convert_type3A_1005, %div3A : vector<16xf32>
        %mul3A_1007 = arith.constant 5.000000e-01 : f32
        %mul3A_1008 = vector.broadcast %mul3A_1007 : f32 to vector<16xf32>
        %mul3A_1009 = arith.mulf %mul3A_1008, %add3A_1006 : vector<16xf32>
        %div3A_1010 = arith.divf %add3A_999, %mul3A_1009 : vector<16xf32>
        %add3A_1011 = arith.addf %mul3A_1009, %div3A_1010 : vector<16xf32>
        %mul3A_1012 = arith.constant 5.000000e-01 : f32
        %mul3A_1013 = vector.broadcast %mul3A_1012 : f32 to vector<16xf32>
        %mul3A_1014 = arith.mulf %mul3A_1013, %add3A_1011 : vector<16xf32>
        %add3A_1015 = arith.addf %scan3A_199, %mul3A_1014 : vector<16xf32>
        scf.yield %add3A_1015 : vector<16xf32>
      }
      %scan3A_116 = arith.constant 5 : i32
      %add3A_117 = arith.constant 2 : i32
      %add3A_118 = arith.addi %mul3A_65, %add3A_117 : i32
      %add3A_119 = arith.constant 2 : i32
      %add3A_120 = arith.addi %add3A_118, %add3A_119 : i32
      %lt3A_121 = arith.constant 125 : i32
      %lt3A_122 = arith.cmpi slt, %add3A_120, %lt3A_121 : i32
      %convert_element_type3A_123 = arith.extui %lt3A_122 : i1 to i32
      %cond3A_124 = arith.constant 0 : i32
      %cond3A_125 = arith.cmpi ne, %convert_element_type3A_123, %cond3A_124 : i32
      scf.if %cond3A_125 {
        %dma_wait3A_198 = arith.constant 0 : i32
        %dma_wait3A_199 = tpu.memref_slice %arg6[%dma_wait3A_198] : memref<10000xi32, #tpu.memory_space<vmem>> -> memref<80xi32, #tpu.memory_space<vmem>>
        %dma_wait3A_200 = arith.constant 0 : i32
        %dma_wait3A_201 = arith.constant 0 : i32
        %dma_wait3A_202 = tpu.memref_slice %arg2[%dma_wait3A_200, %dma_wait3A_201] : memref<10000x128xf32, #tpu.memory_space<hbm>> -> memref<10000x128xf32, #tpu.memory_space<hbm>>
        tpu.wait_indirect_dma semaphore(%arg19 : memref<!tpu.dma_semaphore, #tpu.memory_space<semaphore_mem>>) src(%dma_wait3A_202 : memref<10000x128xf32, #tpu.memory_space<hbm>>) dst(%arg12 : memref<80x128xf32, #tpu.memory_space<vmem>>)
        %add3A_203 = arith.constant 2 : i32
        %add3A_204 = arith.addi %add3A_118, %add3A_203 : i32
        %mul3A_205 = arith.constant 80 : i32
        %mul3A_206 = arith.muli %add3A_204, %mul3A_205 : i32
        %dma_start3A_207 = tpu.memref_slice %arg7[%mul3A_206] : memref<10000xi32, #tpu.memory_space<vmem>> -> memref<80xi32, #tpu.memory_space<vmem>>
        %dma_start3A_208 = arith.constant 0 : i32
        %dma_start3A_209 = arith.constant 0 : i32
        %dma_start3A_210 = tpu.memref_slice %arg3[%dma_start3A_208, %dma_start3A_209] : memref<10000x128xf32, #tpu.memory_space<hbm>> -> memref<10000x128xf32, #tpu.memory_space<hbm>>
        tpu.enqueue_indirect_dma source(%dma_start3A_210 : memref<10000x128xf32, #tpu.memory_space<hbm>>) target(%arg12 : memref<80x128xf32, #tpu.memory_space<vmem>>) offsets(%dma_start3A_207 : memref<80xi32, #tpu.memory_space<vmem>>) semaphore(%arg19 : memref<!tpu.dma_semaphore, #tpu.memory_space<semaphore_mem>>) {add = true}
      } else {
      }
      %add3A_126 = arith.constant 4 : i32
      %add3A_127 = arith.addi %add3A_118, %add3A_126 : i32
      %lt3A_128 = arith.constant 125 : i32
      %lt3A_129 = arith.cmpi slt, %add3A_127, %lt3A_128 : i32
      %convert_element_type3A_130 = arith.extui %lt3A_129 : i1 to i32
      %cond3A_131 = arith.constant 0 : i32
      %cond3A_132 = arith.cmpi ne, %convert_element_type3A_130, %cond3A_131 : i32
      scf.if %cond3A_132 {
        %add3A_198 = arith.constant 4 : i32
        %add3A_199 = arith.addi %add3A_118, %add3A_198 : i32
        %mul3A_200 = arith.constant 80 : i32
        %mul3A_201 = arith.muli %add3A_199, %mul3A_200 : i32
        %dma_start3A_202 = tpu.memref_slice %arg6[%mul3A_201] : memref<10000xi32, #tpu.memory_space<vmem>> -> memref<80xi32, #tpu.memory_space<vmem>>
        %dma_start3A_203 = arith.constant 0 : i32
        %dma_start3A_204 = arith.constant 0 : i32
        %dma_start3A_205 = tpu.memref_slice %arg2[%dma_start3A_203, %dma_start3A_204] : memref<10000x128xf32, #tpu.memory_space<hbm>> -> memref<10000x128xf32, #tpu.memory_space<hbm>>
        tpu.enqueue_indirect_dma source(%dma_start3A_205 : memref<10000x128xf32, #tpu.memory_space<hbm>>) target(%arg9 : memref<80x128xf32, #tpu.memory_space<vmem>>) offsets(%dma_start3A_202 : memref<80xi32, #tpu.memory_space<vmem>>) semaphore(%arg16 : memref<!tpu.dma_semaphore, #tpu.memory_space<semaphore_mem>>)
      } else {
      }
      %dma_wait3A_133 = arith.constant 0 : i32
      %dma_wait3A_134 = tpu.memref_slice %arg7[%dma_wait3A_133] : memref<10000xi32, #tpu.memory_space<vmem>> -> memref<80xi32, #tpu.memory_space<vmem>>
      %dma_wait3A_135 = arith.constant 0 : i32
      %dma_wait3A_136 = arith.constant 0 : i32
      %dma_wait3A_137 = tpu.memref_slice %arg3[%dma_wait3A_135, %dma_wait3A_136] : memref<10000x128xf32, #tpu.memory_space<hbm>> -> memref<10000x128xf32, #tpu.memory_space<hbm>>
      tpu.wait_indirect_dma semaphore(%arg17 : memref<!tpu.dma_semaphore, #tpu.memory_space<semaphore_mem>>) src(%dma_wait3A_137 : memref<10000x128xf32, #tpu.memory_space<hbm>>) dst(%arg10 : memref<80x128xf32, #tpu.memory_space<vmem>>)
      %scan3A_138 = arith.constant 0 : i32
      %scan3A_139 = arith.constant 5 : i32
      %scan3A_140 = arith.addi %scan3A_138, %scan3A_139 : i32
      %scan3A_141 = arith.constant 1 : i32
      %scan3A_142 = scf.for %scan3A_198 = %scan3A_138 to %scan3A_140 step %scan3A_141 iter_args(%scan3A_199 = %scan3A_115) -> (vector<16xf32>)  : i32 {
        %mul3A_200 = arith.constant 16 : i32
        %mul3A_201 = arith.muli %scan3A_198, %mul3A_200 : i32
        %add3A_202 = arith.constant 0 : i32
        %add3A_203 = arith.addi %mul3A_201, %add3A_202 : i32
        %get3A = arith.index_cast %add3A_203 : i32 to index
        %get3A_204 = arith.constant 0 : index
        %get3A_205 = tpu.vector_load %arg10[%get3A, %get3A_204] {strides = array<i32>} : memref<80x128xf32, #tpu.memory_space<vmem>>, vector<16xf32>,
        %mul3A_206 = arith.mulf %get3A_205, %get3A_205 : vector<16xf32>
        %get3A_207 = arith.index_cast %add3A_203 : i32 to index
        %get3A_208 = arith.constant 16 : index
        %get3A_209 = tpu.vector_load %arg10[%get3A_207, %get3A_208] {strides = array<i32>} : memref<80x128xf32, #tpu.memory_space<vmem>>, vector<16xf32>,
        %mul3A_210 = arith.mulf %get3A_209, %get3A_209 : vector<16xf32>
        %add3A_211 = arith.addf %mul3A_206, %mul3A_210 : vector<16xf32>
        %get3A_212 = arith.index_cast %add3A_203 : i32 to index
        %get3A_213 = arith.constant 32 : index
        %get3A_214 = tpu.vector_load %arg10[%get3A_212, %get3A_213] {strides = array<i32>} : memref<80x128xf32, #tpu.memory_space<vmem>>, vector<16xf32>,
        %mul3A_215 = arith.mulf %get3A_214, %get3A_214 : vector<16xf32>
        %add3A_216 = arith.addf %add3A_211, %mul3A_215 : vector<16xf32>
        %get3A_217 = arith.index_cast %add3A_203 : i32 to index
        %get3A_218 = arith.constant 48 : index
        %get3A_219 = tpu.vector_load %arg10[%get3A_217, %get3A_218] {strides = array<i32>} : memref<80x128xf32, #tpu.memory_space<vmem>>, vector<16xf32>,
        %mul3A_220 = arith.mulf %get3A_219, %get3A_219 : vector<16xf32>
        %add3A_221 = arith.addf %add3A_216, %mul3A_220 : vector<16xf32>
        %get3A_222 = arith.index_cast %add3A_203 : i32 to index
        %get3A_223 = arith.constant 64 : index
        %get3A_224 = tpu.vector_load %arg10[%get3A_222, %get3A_223] {strides = array<i32>} : memref<80x128xf32, #tpu.memory_space<vmem>>, vector<16xf32>,
        %mul3A_225 = arith.mulf %get3A_224, %get3A_224 : vector<16xf32>
        %add3A_226 = arith.addf %add3A_221, %mul3A_225 : vector<16xf32>
        %get3A_227 = arith.index_cast %add3A_203 : i32 to index
        %get3A_228 = arith.constant 80 : index
        %get3A_229 = tpu.vector_load %arg10[%get3A_227, %get3A_228] {strides = array<i32>} : memref<80x128xf32, #tpu.memory_space<vmem>>, vector<16xf32>,
        %mul3A_230 = arith.mulf %get3A_229, %get3A_229 : vector<16xf32>
        %add3A_231 = arith.addf %add3A_226, %mul3A_230 : vector<16xf32>
        %get3A_232 = arith.index_cast %add3A_203 : i32 to index
        %get3A_233 = arith.constant 96 : index
        %get3A_234 = tpu.vector_load %arg10[%get3A_232, %get3A_233] {strides = array<i32>} : memref<80x128xf32, #tpu.memory_space<vmem>>, vector<16xf32>,
        %mul3A_235 = arith.mulf %get3A_234, %get3A_234 : vector<16xf32>
        %add3A_236 = arith.addf %add3A_231, %mul3A_235 : vector<16xf32>
        %get3A_237 = arith.index_cast %add3A_203 : i32 to index
        %get3A_238 = arith.constant 112 : index
        %get3A_239 = tpu.vector_load %arg10[%get3A_237, %get3A_238] {strides = array<i32>} : memref<80x128xf32, #tpu.memory_space<vmem>>, vector<16xf32>,
        %mul3A_240 = arith.mulf %get3A_239, %get3A_239 : vector<16xf32>
        %add3A_241 = arith.addf %add3A_236, %mul3A_240 : vector<16xf32>
        %mul3A_242 = arith.constant 16 : i32
        %mul3A_243 = vector.broadcast %mul3A_242 : i32 to vector<16xi32>
        %mul3A_244 = arith.muli %iota3A, %mul3A_243 : vector<16xi32>
        %add3A_245 = arith.constant 0 : i32
        %add3A_246 = vector.broadcast %add3A_245 : i32 to vector<16xi32>
        %add3A_247 = arith.addi %mul3A_244, %add3A_246 : vector<16xi32>
        tpu.vector_store_idx %arg13[%add3A_247], %add3A_241 : memref<256xf32, #tpu.memory_space<vmem>>[vector<16xi32>], vector<16xf32>,
        %add3A_248 = arith.constant 1 : i32
        %add3A_249 = arith.addi %mul3A_201, %add3A_248 : i32
        %get3A_250 = arith.index_cast %add3A_249 : i32 to index
        %get3A_251 = arith.constant 0 : index
        %get3A_252 = tpu.vector_load %arg10[%get3A_250, %get3A_251] {strides = array<i32>} : memref<80x128xf32, #tpu.memory_space<vmem>>, vector<16xf32>,
        %mul3A_253 = arith.mulf %get3A_252, %get3A_252 : vector<16xf32>
        %get3A_254 = arith.index_cast %add3A_249 : i32 to index
        %get3A_255 = arith.constant 16 : index
        %get3A_256 = tpu.vector_load %arg10[%get3A_254, %get3A_255] {strides = array<i32>} : memref<80x128xf32, #tpu.memory_space<vmem>>, vector<16xf32>,
        %mul3A_257 = arith.mulf %get3A_256, %get3A_256 : vector<16xf32>
        %add3A_258 = arith.addf %mul3A_253, %mul3A_257 : vector<16xf32>
        %get3A_259 = arith.index_cast %add3A_249 : i32 to index
        %get3A_260 = arith.constant 32 : index
        %get3A_261 = tpu.vector_load %arg10[%get3A_259, %get3A_260] {strides = array<i32>} : memref<80x128xf32, #tpu.memory_space<vmem>>, vector<16xf32>,
        %mul3A_262 = arith.mulf %get3A_261, %get3A_261 : vector<16xf32>
        %add3A_263 = arith.addf %add3A_258, %mul3A_262 : vector<16xf32>
        %get3A_264 = arith.index_cast %add3A_249 : i32 to index
        %get3A_265 = arith.constant 48 : index
        %get3A_266 = tpu.vector_load %arg10[%get3A_264, %get3A_265] {strides = array<i32>} : memref<80x128xf32, #tpu.memory_space<vmem>>, vector<16xf32>,
        %mul3A_267 = arith.mulf %get3A_266, %get3A_266 : vector<16xf32>
        %add3A_268 = arith.addf %add3A_263, %mul3A_267 : vector<16xf32>
        %get3A_269 = arith.index_cast %add3A_249 : i32 to index
        %get3A_270 = arith.constant 64 : index
        %get3A_271 = tpu.vector_load %arg10[%get3A_269, %get3A_270] {strides = array<i32>} : memref<80x128xf32, #tpu.memory_space<vmem>>, vector<16xf32>,
        %mul3A_272 = arith.mulf %get3A_271, %get3A_271 : vector<16xf32>
        %add3A_273 = arith.addf %add3A_268, %mul3A_272 : vector<16xf32>
        %get3A_274 = arith.index_cast %add3A_249 : i32 to index
        %get3A_275 = arith.constant 80 : index
        %get3A_276 = tpu.vector_load %arg10[%get3A_274, %get3A_275] {strides = array<i32>} : memref<80x128xf32, #tpu.memory_space<vmem>>, vector<16xf32>,
        %mul3A_277 = arith.mulf %get3A_276, %get3A_276 : vector<16xf32>
        %add3A_278 = arith.addf %add3A_273, %mul3A_277 : vector<16xf32>
        %get3A_279 = arith.index_cast %add3A_249 : i32 to index
        %get3A_280 = arith.constant 96 : index
        %get3A_281 = tpu.vector_load %arg10[%get3A_279, %get3A_280] {strides = array<i32>} : memref<80x128xf32, #tpu.memory_space<vmem>>, vector<16xf32>,
        %mul3A_282 = arith.mulf %get3A_281, %get3A_281 : vector<16xf32>
        %add3A_283 = arith.addf %add3A_278, %mul3A_282 : vector<16xf32>
        %get3A_284 = arith.index_cast %add3A_249 : i32 to index
        %get3A_285 = arith.constant 112 : index
        %get3A_286 = tpu.vector_load %arg10[%get3A_284, %get3A_285] {strides = array<i32>} : memref<80x128xf32, #tpu.memory_space<vmem>>, vector<16xf32>,
        %mul3A_287 = arith.mulf %get3A_286, %get3A_286 : vector<16xf32>
        %add3A_288 = arith.addf %add3A_283, %mul3A_287 : vector<16xf32>
        %mul3A_289 = arith.constant 16 : i32
        %mul3A_290 = vector.broadcast %mul3A_289 : i32 to vector<16xi32>
        %mul3A_291 = arith.muli %iota3A, %mul3A_290 : vector<16xi32>
        %add3A_292 = arith.constant 1 : i32
        %add3A_293 = vector.broadcast %add3A_292 : i32 to vector<16xi32>
        %add3A_294 = arith.addi %mul3A_291, %add3A_293 : vector<16xi32>
        tpu.vector_store_idx %arg13[%add3A_294], %add3A_288 : memref<256xf32, #tpu.memory_space<vmem>>[vector<16xi32>], vector<16xf32>,
        %add3A_295 = arith.constant 2 : i32
        %add3A_296 = arith.addi %mul3A_201, %add3A_295 : i32
        %get3A_297 = arith.index_cast %add3A_296 : i32 to index
        %get3A_298 = arith.constant 0 : index
        %get3A_299 = tpu.vector_load %arg10[%get3A_297, %get3A_298] {strides = array<i32>} : memref<80x128xf32, #tpu.memory_space<vmem>>, vector<16xf32>,
        %mul3A_300 = arith.mulf %get3A_299, %get3A_299 : vector<16xf32>
        %get3A_301 = arith.index_cast %add3A_296 : i32 to index
        %get3A_302 = arith.constant 16 : index
        %get3A_303 = tpu.vector_load %arg10[%get3A_301, %get3A_302] {strides = array<i32>} : memref<80x128xf32, #tpu.memory_space<vmem>>, vector<16xf32>,
        %mul3A_304 = arith.mulf %get3A_303, %get3A_303 : vector<16xf32>
        %add3A_305 = arith.addf %mul3A_300, %mul3A_304 : vector<16xf32>
        %get3A_306 = arith.index_cast %add3A_296 : i32 to index
        %get3A_307 = arith.constant 32 : index
        %get3A_308 = tpu.vector_load %arg10[%get3A_306, %get3A_307] {strides = array<i32>} : memref<80x128xf32, #tpu.memory_space<vmem>>, vector<16xf32>,
        %mul3A_309 = arith.mulf %get3A_308, %get3A_308 : vector<16xf32>
        %add3A_310 = arith.addf %add3A_305, %mul3A_309 : vector<16xf32>
        %get3A_311 = arith.index_cast %add3A_296 : i32 to index
        %get3A_312 = arith.constant 48 : index
        %get3A_313 = tpu.vector_load %arg10[%get3A_311, %get3A_312] {strides = array<i32>} : memref<80x128xf32, #tpu.memory_space<vmem>>, vector<16xf32>,
        %mul3A_314 = arith.mulf %get3A_313, %get3A_313 : vector<16xf32>
        %add3A_315 = arith.addf %add3A_310, %mul3A_314 : vector<16xf32>
        %get3A_316 = arith.index_cast %add3A_296 : i32 to index
        %get3A_317 = arith.constant 64 : index
        %get3A_318 = tpu.vector_load %arg10[%get3A_316, %get3A_317] {strides = array<i32>} : memref<80x128xf32, #tpu.memory_space<vmem>>, vector<16xf32>,
        %mul3A_319 = arith.mulf %get3A_318, %get3A_318 : vector<16xf32>
        %add3A_320 = arith.addf %add3A_315, %mul3A_319 : vector<16xf32>
        %get3A_321 = arith.index_cast %add3A_296 : i32 to index
        %get3A_322 = arith.constant 80 : index
        %get3A_323 = tpu.vector_load %arg10[%get3A_321, %get3A_322] {strides = array<i32>} : memref<80x128xf32, #tpu.memory_space<vmem>>, vector<16xf32>,
        %mul3A_324 = arith.mulf %get3A_323, %get3A_323 : vector<16xf32>
        %add3A_325 = arith.addf %add3A_320, %mul3A_324 : vector<16xf32>
        %get3A_326 = arith.index_cast %add3A_296 : i32 to index
        %get3A_327 = arith.constant 96 : index
        %get3A_328 = tpu.vector_load %arg10[%get3A_326, %get3A_327] {strides = array<i32>} : memref<80x128xf32, #tpu.memory_space<vmem>>, vector<16xf32>,
        %mul3A_329 = arith.mulf %get3A_328, %get3A_328 : vector<16xf32>
        %add3A_330 = arith.addf %add3A_325, %mul3A_329 : vector<16xf32>
        %get3A_331 = arith.index_cast %add3A_296 : i32 to index
        %get3A_332 = arith.constant 112 : index
        %get3A_333 = tpu.vector_load %arg10[%get3A_331, %get3A_332] {strides = array<i32>} : memref<80x128xf32, #tpu.memory_space<vmem>>, vector<16xf32>,
        %mul3A_334 = arith.mulf %get3A_333, %get3A_333 : vector<16xf32>
        %add3A_335 = arith.addf %add3A_330, %mul3A_334 : vector<16xf32>
        %mul3A_336 = arith.constant 16 : i32
        %mul3A_337 = vector.broadcast %mul3A_336 : i32 to vector<16xi32>
        %mul3A_338 = arith.muli %iota3A, %mul3A_337 : vector<16xi32>
        %add3A_339 = arith.constant 2 : i32
        %add3A_340 = vector.broadcast %add3A_339 : i32 to vector<16xi32>
        %add3A_341 = arith.addi %mul3A_338, %add3A_340 : vector<16xi32>
        tpu.vector_store_idx %arg13[%add3A_341], %add3A_335 : memref<256xf32, #tpu.memory_space<vmem>>[vector<16xi32>], vector<16xf32>,
        %add3A_342 = arith.constant 3 : i32
        %add3A_343 = arith.addi %mul3A_201, %add3A_342 : i32
        %get3A_344 = arith.index_cast %add3A_343 : i32 to index
        %get3A_345 = arith.constant 0 : index
        %get3A_346 = tpu.vector_load %arg10[%get3A_344, %get3A_345] {strides = array<i32>} : memref<80x128xf32, #tpu.memory_space<vmem>>, vector<16xf32>,
        %mul3A_347 = arith.mulf %get3A_346, %get3A_346 : vector<16xf32>
        %get3A_348 = arith.index_cast %add3A_343 : i32 to index
        %get3A_349 = arith.constant 16 : index
        %get3A_350 = tpu.vector_load %arg10[%get3A_348, %get3A_349] {strides = array<i32>} : memref<80x128xf32, #tpu.memory_space<vmem>>, vector<16xf32>,
        %mul3A_351 = arith.mulf %get3A_350, %get3A_350 : vector<16xf32>
        %add3A_352 = arith.addf %mul3A_347, %mul3A_351 : vector<16xf32>
        %get3A_353 = arith.index_cast %add3A_343 : i32 to index
        %get3A_354 = arith.constant 32 : index
        %get3A_355 = tpu.vector_load %arg10[%get3A_353, %get3A_354] {strides = array<i32>} : memref<80x128xf32, #tpu.memory_space<vmem>>, vector<16xf32>,
        %mul3A_356 = arith.mulf %get3A_355, %get3A_355 : vector<16xf32>
        %add3A_357 = arith.addf %add3A_352, %mul3A_356 : vector<16xf32>
        %get3A_358 = arith.index_cast %add3A_343 : i32 to index
        %get3A_359 = arith.constant 48 : index
        %get3A_360 = tpu.vector_load %arg10[%get3A_358, %get3A_359] {strides = array<i32>} : memref<80x128xf32, #tpu.memory_space<vmem>>, vector<16xf32>,
        %mul3A_361 = arith.mulf %get3A_360, %get3A_360 : vector<16xf32>
        %add3A_362 = arith.addf %add3A_357, %mul3A_361 : vector<16xf32>
        %get3A_363 = arith.index_cast %add3A_343 : i32 to index
        %get3A_364 = arith.constant 64 : index
        %get3A_365 = tpu.vector_load %arg10[%get3A_363, %get3A_364] {strides = array<i32>} : memref<80x128xf32, #tpu.memory_space<vmem>>, vector<16xf32>,
        %mul3A_366 = arith.mulf %get3A_365, %get3A_365 : vector<16xf32>
        %add3A_367 = arith.addf %add3A_362, %mul3A_366 : vector<16xf32>
        %get3A_368 = arith.index_cast %add3A_343 : i32 to index
        %get3A_369 = arith.constant 80 : index
        %get3A_370 = tpu.vector_load %arg10[%get3A_368, %get3A_369] {strides = array<i32>} : memref<80x128xf32, #tpu.memory_space<vmem>>, vector<16xf32>,
        %mul3A_371 = arith.mulf %get3A_370, %get3A_370 : vector<16xf32>
        %add3A_372 = arith.addf %add3A_367, %mul3A_371 : vector<16xf32>
        %get3A_373 = arith.index_cast %add3A_343 : i32 to index
        %get3A_374 = arith.constant 96 : index
        %get3A_375 = tpu.vector_load %arg10[%get3A_373, %get3A_374] {strides = array<i32>} : memref<80x128xf32, #tpu.memory_space<vmem>>, vector<16xf32>,
        %mul3A_376 = arith.mulf %get3A_375, %get3A_375 : vector<16xf32>
        %add3A_377 = arith.addf %add3A_372, %mul3A_376 : vector<16xf32>
        %get3A_378 = arith.index_cast %add3A_343 : i32 to index
        %get3A_379 = arith.constant 112 : index
        %get3A_380 = tpu.vector_load %arg10[%get3A_378, %get3A_379] {strides = array<i32>} : memref<80x128xf32, #tpu.memory_space<vmem>>, vector<16xf32>,
        %mul3A_381 = arith.mulf %get3A_380, %get3A_380 : vector<16xf32>
        %add3A_382 = arith.addf %add3A_377, %mul3A_381 : vector<16xf32>
        %mul3A_383 = arith.constant 16 : i32
        %mul3A_384 = vector.broadcast %mul3A_383 : i32 to vector<16xi32>
        %mul3A_385 = arith.muli %iota3A, %mul3A_384 : vector<16xi32>
        %add3A_386 = arith.constant 3 : i32
        %add3A_387 = vector.broadcast %add3A_386 : i32 to vector<16xi32>
        %add3A_388 = arith.addi %mul3A_385, %add3A_387 : vector<16xi32>
        tpu.vector_store_idx %arg13[%add3A_388], %add3A_382 : memref<256xf32, #tpu.memory_space<vmem>>[vector<16xi32>], vector<16xf32>,
        %add3A_389 = arith.constant 4 : i32
        %add3A_390 = arith.addi %mul3A_201, %add3A_389 : i32
        %get3A_391 = arith.index_cast %add3A_390 : i32 to index
        %get3A_392 = arith.constant 0 : index
        %get3A_393 = tpu.vector_load %arg10[%get3A_391, %get3A_392] {strides = array<i32>} : memref<80x128xf32, #tpu.memory_space<vmem>>, vector<16xf32>,
        %mul3A_394 = arith.mulf %get3A_393, %get3A_393 : vector<16xf32>
        %get3A_395 = arith.index_cast %add3A_390 : i32 to index
        %get3A_396 = arith.constant 16 : index
        %get3A_397 = tpu.vector_load %arg10[%get3A_395, %get3A_396] {strides = array<i32>} : memref<80x128xf32, #tpu.memory_space<vmem>>, vector<16xf32>,
        %mul3A_398 = arith.mulf %get3A_397, %get3A_397 : vector<16xf32>
        %add3A_399 = arith.addf %mul3A_394, %mul3A_398 : vector<16xf32>
        %get3A_400 = arith.index_cast %add3A_390 : i32 to index
        %get3A_401 = arith.constant 32 : index
        %get3A_402 = tpu.vector_load %arg10[%get3A_400, %get3A_401] {strides = array<i32>} : memref<80x128xf32, #tpu.memory_space<vmem>>, vector<16xf32>,
        %mul3A_403 = arith.mulf %get3A_402, %get3A_402 : vector<16xf32>
        %add3A_404 = arith.addf %add3A_399, %mul3A_403 : vector<16xf32>
        %get3A_405 = arith.index_cast %add3A_390 : i32 to index
        %get3A_406 = arith.constant 48 : index
        %get3A_407 = tpu.vector_load %arg10[%get3A_405, %get3A_406] {strides = array<i32>} : memref<80x128xf32, #tpu.memory_space<vmem>>, vector<16xf32>,
        %mul3A_408 = arith.mulf %get3A_407, %get3A_407 : vector<16xf32>
        %add3A_409 = arith.addf %add3A_404, %mul3A_408 : vector<16xf32>
        %get3A_410 = arith.index_cast %add3A_390 : i32 to index
        %get3A_411 = arith.constant 64 : index
        %get3A_412 = tpu.vector_load %arg10[%get3A_410, %get3A_411] {strides = array<i32>} : memref<80x128xf32, #tpu.memory_space<vmem>>, vector<16xf32>,
        %mul3A_413 = arith.mulf %get3A_412, %get3A_412 : vector<16xf32>
        %add3A_414 = arith.addf %add3A_409, %mul3A_413 : vector<16xf32>
        %get3A_415 = arith.index_cast %add3A_390 : i32 to index
        %get3A_416 = arith.constant 80 : index
        %get3A_417 = tpu.vector_load %arg10[%get3A_415, %get3A_416] {strides = array<i32>} : memref<80x128xf32, #tpu.memory_space<vmem>>, vector<16xf32>,
        %mul3A_418 = arith.mulf %get3A_417, %get3A_417 : vector<16xf32>
        %add3A_419 = arith.addf %add3A_414, %mul3A_418 : vector<16xf32>
        %get3A_420 = arith.index_cast %add3A_390 : i32 to index
        %get3A_421 = arith.constant 96 : index
        %get3A_422 = tpu.vector_load %arg10[%get3A_420, %get3A_421] {strides = array<i32>} : memref<80x128xf32, #tpu.memory_space<vmem>>, vector<16xf32>,
        %mul3A_423 = arith.mulf %get3A_422, %get3A_422 : vector<16xf32>
        %add3A_424 = arith.addf %add3A_419, %mul3A_423 : vector<16xf32>
        %get3A_425 = arith.index_cast %add3A_390 : i32 to index
        %get3A_426 = arith.constant 112 : index
        %get3A_427 = tpu.vector_load %arg10[%get3A_425, %get3A_426] {strides = array<i32>} : memref<80x128xf32, #tpu.memory_space<vmem>>, vector<16xf32>,
        %mul3A_428 = arith.mulf %get3A_427, %get3A_427 : vector<16xf32>
        %add3A_429 = arith.addf %add3A_424, %mul3A_428 : vector<16xf32>
        %mul3A_430 = arith.constant 16 : i32
        %mul3A_431 = vector.broadcast %mul3A_430 : i32 to vector<16xi32>
        %mul3A_432 = arith.muli %iota3A, %mul3A_431 : vector<16xi32>
        %add3A_433 = arith.constant 4 : i32
        %add3A_434 = vector.broadcast %add3A_433 : i32 to vector<16xi32>
        %add3A_435 = arith.addi %mul3A_432, %add3A_434 : vector<16xi32>
        tpu.vector_store_idx %arg13[%add3A_435], %add3A_429 : memref<256xf32, #tpu.memory_space<vmem>>[vector<16xi32>], vector<16xf32>,
        %add3A_436 = arith.constant 5 : i32
        %add3A_437 = arith.addi %mul3A_201, %add3A_436 : i32
        %get3A_438 = arith.index_cast %add3A_437 : i32 to index
        %get3A_439 = arith.constant 0 : index
        %get3A_440 = tpu.vector_load %arg10[%get3A_438, %get3A_439] {strides = array<i32>} : memref<80x128xf32, #tpu.memory_space<vmem>>, vector<16xf32>,
        %mul3A_441 = arith.mulf %get3A_440, %get3A_440 : vector<16xf32>
        %get3A_442 = arith.index_cast %add3A_437 : i32 to index
        %get3A_443 = arith.constant 16 : index
        %get3A_444 = tpu.vector_load %arg10[%get3A_442, %get3A_443] {strides = array<i32>} : memref<80x128xf32, #tpu.memory_space<vmem>>, vector<16xf32>,
        %mul3A_445 = arith.mulf %get3A_444, %get3A_444 : vector<16xf32>
        %add3A_446 = arith.addf %mul3A_441, %mul3A_445 : vector<16xf32>
        %get3A_447 = arith.index_cast %add3A_437 : i32 to index
        %get3A_448 = arith.constant 32 : index
        %get3A_449 = tpu.vector_load %arg10[%get3A_447, %get3A_448] {strides = array<i32>} : memref<80x128xf32, #tpu.memory_space<vmem>>, vector<16xf32>,
        %mul3A_450 = arith.mulf %get3A_449, %get3A_449 : vector<16xf32>
        %add3A_451 = arith.addf %add3A_446, %mul3A_450 : vector<16xf32>
        %get3A_452 = arith.index_cast %add3A_437 : i32 to index
        %get3A_453 = arith.constant 48 : index
        %get3A_454 = tpu.vector_load %arg10[%get3A_452, %get3A_453] {strides = array<i32>} : memref<80x128xf32, #tpu.memory_space<vmem>>, vector<16xf32>,
        %mul3A_455 = arith.mulf %get3A_454, %get3A_454 : vector<16xf32>
        %add3A_456 = arith.addf %add3A_451, %mul3A_455 : vector<16xf32>
        %get3A_457 = arith.index_cast %add3A_437 : i32 to index
        %get3A_458 = arith.constant 64 : index
        %get3A_459 = tpu.vector_load %arg10[%get3A_457, %get3A_458] {strides = array<i32>} : memref<80x128xf32, #tpu.memory_space<vmem>>, vector<16xf32>,
        %mul3A_460 = arith.mulf %get3A_459, %get3A_459 : vector<16xf32>
        %add3A_461 = arith.addf %add3A_456, %mul3A_460 : vector<16xf32>
        %get3A_462 = arith.index_cast %add3A_437 : i32 to index
        %get3A_463 = arith.constant 80 : index
        %get3A_464 = tpu.vector_load %arg10[%get3A_462, %get3A_463] {strides = array<i32>} : memref<80x128xf32, #tpu.memory_space<vmem>>, vector<16xf32>,
        %mul3A_465 = arith.mulf %get3A_464, %get3A_464 : vector<16xf32>
        %add3A_466 = arith.addf %add3A_461, %mul3A_465 : vector<16xf32>
        %get3A_467 = arith.index_cast %add3A_437 : i32 to index
        %get3A_468 = arith.constant 96 : index
        %get3A_469 = tpu.vector_load %arg10[%get3A_467, %get3A_468] {strides = array<i32>} : memref<80x128xf32, #tpu.memory_space<vmem>>, vector<16xf32>,
        %mul3A_470 = arith.mulf %get3A_469, %get3A_469 : vector<16xf32>
        %add3A_471 = arith.addf %add3A_466, %mul3A_470 : vector<16xf32>
        %get3A_472 = arith.index_cast %add3A_437 : i32 to index
        %get3A_473 = arith.constant 112 : index
        %get3A_474 = tpu.vector_load %arg10[%get3A_472, %get3A_473] {strides = array<i32>} : memref<80x128xf32, #tpu.memory_space<vmem>>, vector<16xf32>,
        %mul3A_475 = arith.mulf %get3A_474, %get3A_474 : vector<16xf32>
        %add3A_476 = arith.addf %add3A_471, %mul3A_475 : vector<16xf32>
        %mul3A_477 = arith.constant 16 : i32
        %mul3A_478 = vector.broadcast %mul3A_477 : i32 to vector<16xi32>
        %mul3A_479 = arith.muli %iota3A, %mul3A_478 : vector<16xi32>
        %add3A_480 = arith.constant 5 : i32
        %add3A_481 = vector.broadcast %add3A_480 : i32 to vector<16xi32>
        %add3A_482 = arith.addi %mul3A_479, %add3A_481 : vector<16xi32>
        tpu.vector_store_idx %arg13[%add3A_482], %add3A_476 : memref<256xf32, #tpu.memory_space<vmem>>[vector<16xi32>], vector<16xf32>,
        %add3A_483 = arith.constant 6 : i32
        %add3A_484 = arith.addi %mul3A_201, %add3A_483 : i32
        %get3A_485 = arith.index_cast %add3A_484 : i32 to index
        %get3A_486 = arith.constant 0 : index
        %get3A_487 = tpu.vector_load %arg10[%get3A_485, %get3A_486] {strides = array<i32>} : memref<80x128xf32, #tpu.memory_space<vmem>>, vector<16xf32>,
        %mul3A_488 = arith.mulf %get3A_487, %get3A_487 : vector<16xf32>
        %get3A_489 = arith.index_cast %add3A_484 : i32 to index
        %get3A_490 = arith.constant 16 : index
        %get3A_491 = tpu.vector_load %arg10[%get3A_489, %get3A_490] {strides = array<i32>} : memref<80x128xf32, #tpu.memory_space<vmem>>, vector<16xf32>,
        %mul3A_492 = arith.mulf %get3A_491, %get3A_491 : vector<16xf32>
        %add3A_493 = arith.addf %mul3A_488, %mul3A_492 : vector<16xf32>
        %get3A_494 = arith.index_cast %add3A_484 : i32 to index
        %get3A_495 = arith.constant 32 : index
        %get3A_496 = tpu.vector_load %arg10[%get3A_494, %get3A_495] {strides = array<i32>} : memref<80x128xf32, #tpu.memory_space<vmem>>, vector<16xf32>,
        %mul3A_497 = arith.mulf %get3A_496, %get3A_496 : vector<16xf32>
        %add3A_498 = arith.addf %add3A_493, %mul3A_497 : vector<16xf32>
        %get3A_499 = arith.index_cast %add3A_484 : i32 to index
        %get3A_500 = arith.constant 48 : index
        %get3A_501 = tpu.vector_load %arg10[%get3A_499, %get3A_500] {strides = array<i32>} : memref<80x128xf32, #tpu.memory_space<vmem>>, vector<16xf32>,
        %mul3A_502 = arith.mulf %get3A_501, %get3A_501 : vector<16xf32>
        %add3A_503 = arith.addf %add3A_498, %mul3A_502 : vector<16xf32>
        %get3A_504 = arith.index_cast %add3A_484 : i32 to index
        %get3A_505 = arith.constant 64 : index
        %get3A_506 = tpu.vector_load %arg10[%get3A_504, %get3A_505] {strides = array<i32>} : memref<80x128xf32, #tpu.memory_space<vmem>>, vector<16xf32>,
        %mul3A_507 = arith.mulf %get3A_506, %get3A_506 : vector<16xf32>
        %add3A_508 = arith.addf %add3A_503, %mul3A_507 : vector<16xf32>
        %get3A_509 = arith.index_cast %add3A_484 : i32 to index
        %get3A_510 = arith.constant 80 : index
        %get3A_511 = tpu.vector_load %arg10[%get3A_509, %get3A_510] {strides = array<i32>} : memref<80x128xf32, #tpu.memory_space<vmem>>, vector<16xf32>,
        %mul3A_512 = arith.mulf %get3A_511, %get3A_511 : vector<16xf32>
        %add3A_513 = arith.addf %add3A_508, %mul3A_512 : vector<16xf32>
        %get3A_514 = arith.index_cast %add3A_484 : i32 to index
        %get3A_515 = arith.constant 96 : index
        %get3A_516 = tpu.vector_load %arg10[%get3A_514, %get3A_515] {strides = array<i32>} : memref<80x128xf32, #tpu.memory_space<vmem>>, vector<16xf32>,
        %mul3A_517 = arith.mulf %get3A_516, %get3A_516 : vector<16xf32>
        %add3A_518 = arith.addf %add3A_513, %mul3A_517 : vector<16xf32>
        %get3A_519 = arith.index_cast %add3A_484 : i32 to index
        %get3A_520 = arith.constant 112 : index
        %get3A_521 = tpu.vector_load %arg10[%get3A_519, %get3A_520] {strides = array<i32>} : memref<80x128xf32, #tpu.memory_space<vmem>>, vector<16xf32>,
        %mul3A_522 = arith.mulf %get3A_521, %get3A_521 : vector<16xf32>
        %add3A_523 = arith.addf %add3A_518, %mul3A_522 : vector<16xf32>
        %mul3A_524 = arith.constant 16 : i32
        %mul3A_525 = vector.broadcast %mul3A_524 : i32 to vector<16xi32>
        %mul3A_526 = arith.muli %iota3A, %mul3A_525 : vector<16xi32>
        %add3A_527 = arith.constant 6 : i32
        %add3A_528 = vector.broadcast %add3A_527 : i32 to vector<16xi32>
        %add3A_529 = arith.addi %mul3A_526, %add3A_528 : vector<16xi32>
        tpu.vector_store_idx %arg13[%add3A_529], %add3A_523 : memref<256xf32, #tpu.memory_space<vmem>>[vector<16xi32>], vector<16xf32>,
        %add3A_530 = arith.constant 7 : i32
        %add3A_531 = arith.addi %mul3A_201, %add3A_530 : i32
        %get3A_532 = arith.index_cast %add3A_531 : i32 to index
        %get3A_533 = arith.constant 0 : index
        %get3A_534 = tpu.vector_load %arg10[%get3A_532, %get3A_533] {strides = array<i32>} : memref<80x128xf32, #tpu.memory_space<vmem>>, vector<16xf32>,
        %mul3A_535 = arith.mulf %get3A_534, %get3A_534 : vector<16xf32>
        %get3A_536 = arith.index_cast %add3A_531 : i32 to index
        %get3A_537 = arith.constant 16 : index
        %get3A_538 = tpu.vector_load %arg10[%get3A_536, %get3A_537] {strides = array<i32>} : memref<80x128xf32, #tpu.memory_space<vmem>>, vector<16xf32>,
        %mul3A_539 = arith.mulf %get3A_538, %get3A_538 : vector<16xf32>
        %add3A_540 = arith.addf %mul3A_535, %mul3A_539 : vector<16xf32>
        %get3A_541 = arith.index_cast %add3A_531 : i32 to index
        %get3A_542 = arith.constant 32 : index
        %get3A_543 = tpu.vector_load %arg10[%get3A_541, %get3A_542] {strides = array<i32>} : memref<80x128xf32, #tpu.memory_space<vmem>>, vector<16xf32>,
        %mul3A_544 = arith.mulf %get3A_543, %get3A_543 : vector<16xf32>
        %add3A_545 = arith.addf %add3A_540, %mul3A_544 : vector<16xf32>
        %get3A_546 = arith.index_cast %add3A_531 : i32 to index
        %get3A_547 = arith.constant 48 : index
        %get3A_548 = tpu.vector_load %arg10[%get3A_546, %get3A_547] {strides = array<i32>} : memref<80x128xf32, #tpu.memory_space<vmem>>, vector<16xf32>,
        %mul3A_549 = arith.mulf %get3A_548, %get3A_548 : vector<16xf32>
        %add3A_550 = arith.addf %add3A_545, %mul3A_549 : vector<16xf32>
        %get3A_551 = arith.index_cast %add3A_531 : i32 to index
        %get3A_552 = arith.constant 64 : index
        %get3A_553 = tpu.vector_load %arg10[%get3A_551, %get3A_552] {strides = array<i32>} : memref<80x128xf32, #tpu.memory_space<vmem>>, vector<16xf32>,
        %mul3A_554 = arith.mulf %get3A_553, %get3A_553 : vector<16xf32>
        %add3A_555 = arith.addf %add3A_550, %mul3A_554 : vector<16xf32>
        %get3A_556 = arith.index_cast %add3A_531 : i32 to index
        %get3A_557 = arith.constant 80 : index
        %get3A_558 = tpu.vector_load %arg10[%get3A_556, %get3A_557] {strides = array<i32>} : memref<80x128xf32, #tpu.memory_space<vmem>>, vector<16xf32>,
        %mul3A_559 = arith.mulf %get3A_558, %get3A_558 : vector<16xf32>
        %add3A_560 = arith.addf %add3A_555, %mul3A_559 : vector<16xf32>
        %get3A_561 = arith.index_cast %add3A_531 : i32 to index
        %get3A_562 = arith.constant 96 : index
        %get3A_563 = tpu.vector_load %arg10[%get3A_561, %get3A_562] {strides = array<i32>} : memref<80x128xf32, #tpu.memory_space<vmem>>, vector<16xf32>,
        %mul3A_564 = arith.mulf %get3A_563, %get3A_563 : vector<16xf32>
        %add3A_565 = arith.addf %add3A_560, %mul3A_564 : vector<16xf32>
        %get3A_566 = arith.index_cast %add3A_531 : i32 to index
        %get3A_567 = arith.constant 112 : index
        %get3A_568 = tpu.vector_load %arg10[%get3A_566, %get3A_567] {strides = array<i32>} : memref<80x128xf32, #tpu.memory_space<vmem>>, vector<16xf32>,
        %mul3A_569 = arith.mulf %get3A_568, %get3A_568 : vector<16xf32>
        %add3A_570 = arith.addf %add3A_565, %mul3A_569 : vector<16xf32>
        %mul3A_571 = arith.constant 16 : i32
        %mul3A_572 = vector.broadcast %mul3A_571 : i32 to vector<16xi32>
        %mul3A_573 = arith.muli %iota3A, %mul3A_572 : vector<16xi32>
        %add3A_574 = arith.constant 7 : i32
        %add3A_575 = vector.broadcast %add3A_574 : i32 to vector<16xi32>
        %add3A_576 = arith.addi %mul3A_573, %add3A_575 : vector<16xi32>
        tpu.vector_store_idx %arg13[%add3A_576], %add3A_570 : memref<256xf32, #tpu.memory_space<vmem>>[vector<16xi32>], vector<16xf32>,
        %add3A_577 = arith.constant 8 : i32
        %add3A_578 = arith.addi %mul3A_201, %add3A_577 : i32
        %get3A_579 = arith.index_cast %add3A_578 : i32 to index
        %get3A_580 = arith.constant 0 : index
        %get3A_581 = tpu.vector_load %arg10[%get3A_579, %get3A_580] {strides = array<i32>} : memref<80x128xf32, #tpu.memory_space<vmem>>, vector<16xf32>,
        %mul3A_582 = arith.mulf %get3A_581, %get3A_581 : vector<16xf32>
        %get3A_583 = arith.index_cast %add3A_578 : i32 to index
        %get3A_584 = arith.constant 16 : index
        %get3A_585 = tpu.vector_load %arg10[%get3A_583, %get3A_584] {strides = array<i32>} : memref<80x128xf32, #tpu.memory_space<vmem>>, vector<16xf32>,
        %mul3A_586 = arith.mulf %get3A_585, %get3A_585 : vector<16xf32>
        %add3A_587 = arith.addf %mul3A_582, %mul3A_586 : vector<16xf32>
        %get3A_588 = arith.index_cast %add3A_578 : i32 to index
        %get3A_589 = arith.constant 32 : index
        %get3A_590 = tpu.vector_load %arg10[%get3A_588, %get3A_589] {strides = array<i32>} : memref<80x128xf32, #tpu.memory_space<vmem>>, vector<16xf32>,
        %mul3A_591 = arith.mulf %get3A_590, %get3A_590 : vector<16xf32>
        %add3A_592 = arith.addf %add3A_587, %mul3A_591 : vector<16xf32>
        %get3A_593 = arith.index_cast %add3A_578 : i32 to index
        %get3A_594 = arith.constant 48 : index
        %get3A_595 = tpu.vector_load %arg10[%get3A_593, %get3A_594] {strides = array<i32>} : memref<80x128xf32, #tpu.memory_space<vmem>>, vector<16xf32>,
        %mul3A_596 = arith.mulf %get3A_595, %get3A_595 : vector<16xf32>
        %add3A_597 = arith.addf %add3A_592, %mul3A_596 : vector<16xf32>
        %get3A_598 = arith.index_cast %add3A_578 : i32 to index
        %get3A_599 = arith.constant 64 : index
        %get3A_600 = tpu.vector_load %arg10[%get3A_598, %get3A_599] {strides = array<i32>} : memref<80x128xf32, #tpu.memory_space<vmem>>, vector<16xf32>,
        %mul3A_601 = arith.mulf %get3A_600, %get3A_600 : vector<16xf32>
        %add3A_602 = arith.addf %add3A_597, %mul3A_601 : vector<16xf32>
        %get3A_603 = arith.index_cast %add3A_578 : i32 to index
        %get3A_604 = arith.constant 80 : index
        %get3A_605 = tpu.vector_load %arg10[%get3A_603, %get3A_604] {strides = array<i32>} : memref<80x128xf32, #tpu.memory_space<vmem>>, vector<16xf32>,
        %mul3A_606 = arith.mulf %get3A_605, %get3A_605 : vector<16xf32>
        %add3A_607 = arith.addf %add3A_602, %mul3A_606 : vector<16xf32>
        %get3A_608 = arith.index_cast %add3A_578 : i32 to index
        %get3A_609 = arith.constant 96 : index
        %get3A_610 = tpu.vector_load %arg10[%get3A_608, %get3A_609] {strides = array<i32>} : memref<80x128xf32, #tpu.memory_space<vmem>>, vector<16xf32>,
        %mul3A_611 = arith.mulf %get3A_610, %get3A_610 : vector<16xf32>
        %add3A_612 = arith.addf %add3A_607, %mul3A_611 : vector<16xf32>
        %get3A_613 = arith.index_cast %add3A_578 : i32 to index
        %get3A_614 = arith.constant 112 : index
        %get3A_615 = tpu.vector_load %arg10[%get3A_613, %get3A_614] {strides = array<i32>} : memref<80x128xf32, #tpu.memory_space<vmem>>, vector<16xf32>,
        %mul3A_616 = arith.mulf %get3A_615, %get3A_615 : vector<16xf32>
        %add3A_617 = arith.addf %add3A_612, %mul3A_616 : vector<16xf32>
        %mul3A_618 = arith.constant 16 : i32
        %mul3A_619 = vector.broadcast %mul3A_618 : i32 to vector<16xi32>
        %mul3A_620 = arith.muli %iota3A, %mul3A_619 : vector<16xi32>
        %add3A_621 = arith.constant 8 : i32
        %add3A_622 = vector.broadcast %add3A_621 : i32 to vector<16xi32>
        %add3A_623 = arith.addi %mul3A_620, %add3A_622 : vector<16xi32>
        tpu.vector_store_idx %arg13[%add3A_623], %add3A_617 : memref<256xf32, #tpu.memory_space<vmem>>[vector<16xi32>], vector<16xf32>,
        %add3A_624 = arith.constant 9 : i32
        %add3A_625 = arith.addi %mul3A_201, %add3A_624 : i32
        %get3A_626 = arith.index_cast %add3A_625 : i32 to index
        %get3A_627 = arith.constant 0 : index
        %get3A_628 = tpu.vector_load %arg10[%get3A_626, %get3A_627] {strides = array<i32>} : memref<80x128xf32, #tpu.memory_space<vmem>>, vector<16xf32>,
        %mul3A_629 = arith.mulf %get3A_628, %get3A_628 : vector<16xf32>
        %get3A_630 = arith.index_cast %add3A_625 : i32 to index
        %get3A_631 = arith.constant 16 : index
        %get3A_632 = tpu.vector_load %arg10[%get3A_630, %get3A_631] {strides = array<i32>} : memref<80x128xf32, #tpu.memory_space<vmem>>, vector<16xf32>,
        %mul3A_633 = arith.mulf %get3A_632, %get3A_632 : vector<16xf32>
        %add3A_634 = arith.addf %mul3A_629, %mul3A_633 : vector<16xf32>
        %get3A_635 = arith.index_cast %add3A_625 : i32 to index
        %get3A_636 = arith.constant 32 : index
        %get3A_637 = tpu.vector_load %arg10[%get3A_635, %get3A_636] {strides = array<i32>} : memref<80x128xf32, #tpu.memory_space<vmem>>, vector<16xf32>,
        %mul3A_638 = arith.mulf %get3A_637, %get3A_637 : vector<16xf32>
        %add3A_639 = arith.addf %add3A_634, %mul3A_638 : vector<16xf32>
        %get3A_640 = arith.index_cast %add3A_625 : i32 to index
        %get3A_641 = arith.constant 48 : index
        %get3A_642 = tpu.vector_load %arg10[%get3A_640, %get3A_641] {strides = array<i32>} : memref<80x128xf32, #tpu.memory_space<vmem>>, vector<16xf32>,
        %mul3A_643 = arith.mulf %get3A_642, %get3A_642 : vector<16xf32>
        %add3A_644 = arith.addf %add3A_639, %mul3A_643 : vector<16xf32>
        %get3A_645 = arith.index_cast %add3A_625 : i32 to index
        %get3A_646 = arith.constant 64 : index
        %get3A_647 = tpu.vector_load %arg10[%get3A_645, %get3A_646] {strides = array<i32>} : memref<80x128xf32, #tpu.memory_space<vmem>>, vector<16xf32>,
        %mul3A_648 = arith.mulf %get3A_647, %get3A_647 : vector<16xf32>
        %add3A_649 = arith.addf %add3A_644, %mul3A_648 : vector<16xf32>
        %get3A_650 = arith.index_cast %add3A_625 : i32 to index
        %get3A_651 = arith.constant 80 : index
        %get3A_652 = tpu.vector_load %arg10[%get3A_650, %get3A_651] {strides = array<i32>} : memref<80x128xf32, #tpu.memory_space<vmem>>, vector<16xf32>,
        %mul3A_653 = arith.mulf %get3A_652, %get3A_652 : vector<16xf32>
        %add3A_654 = arith.addf %add3A_649, %mul3A_653 : vector<16xf32>
        %get3A_655 = arith.index_cast %add3A_625 : i32 to index
        %get3A_656 = arith.constant 96 : index
        %get3A_657 = tpu.vector_load %arg10[%get3A_655, %get3A_656] {strides = array<i32>} : memref<80x128xf32, #tpu.memory_space<vmem>>, vector<16xf32>,
        %mul3A_658 = arith.mulf %get3A_657, %get3A_657 : vector<16xf32>
        %add3A_659 = arith.addf %add3A_654, %mul3A_658 : vector<16xf32>
        %get3A_660 = arith.index_cast %add3A_625 : i32 to index
        %get3A_661 = arith.constant 112 : index
        %get3A_662 = tpu.vector_load %arg10[%get3A_660, %get3A_661] {strides = array<i32>} : memref<80x128xf32, #tpu.memory_space<vmem>>, vector<16xf32>,
        %mul3A_663 = arith.mulf %get3A_662, %get3A_662 : vector<16xf32>
        %add3A_664 = arith.addf %add3A_659, %mul3A_663 : vector<16xf32>
        %mul3A_665 = arith.constant 16 : i32
        %mul3A_666 = vector.broadcast %mul3A_665 : i32 to vector<16xi32>
        %mul3A_667 = arith.muli %iota3A, %mul3A_666 : vector<16xi32>
        %add3A_668 = arith.constant 9 : i32
        %add3A_669 = vector.broadcast %add3A_668 : i32 to vector<16xi32>
        %add3A_670 = arith.addi %mul3A_667, %add3A_669 : vector<16xi32>
        tpu.vector_store_idx %arg13[%add3A_670], %add3A_664 : memref<256xf32, #tpu.memory_space<vmem>>[vector<16xi32>], vector<16xf32>,
        %add3A_671 = arith.constant 10 : i32
        %add3A_672 = arith.addi %mul3A_201, %add3A_671 : i32
        %get3A_673 = arith.index_cast %add3A_672 : i32 to index
        %get3A_674 = arith.constant 0 : index
        %get3A_675 = tpu.vector_load %arg10[%get3A_673, %get3A_674] {strides = array<i32>} : memref<80x128xf32, #tpu.memory_space<vmem>>, vector<16xf32>,
        %mul3A_676 = arith.mulf %get3A_675, %get3A_675 : vector<16xf32>
        %get3A_677 = arith.index_cast %add3A_672 : i32 to index
        %get3A_678 = arith.constant 16 : index
        %get3A_679 = tpu.vector_load %arg10[%get3A_677, %get3A_678] {strides = array<i32>} : memref<80x128xf32, #tpu.memory_space<vmem>>, vector<16xf32>,
        %mul3A_680 = arith.mulf %get3A_679, %get3A_679 : vector<16xf32>
        %add3A_681 = arith.addf %mul3A_676, %mul3A_680 : vector<16xf32>
        %get3A_682 = arith.index_cast %add3A_672 : i32 to index
        %get3A_683 = arith.constant 32 : index
        %get3A_684 = tpu.vector_load %arg10[%get3A_682, %get3A_683] {strides = array<i32>} : memref<80x128xf32, #tpu.memory_space<vmem>>, vector<16xf32>,
        %mul3A_685 = arith.mulf %get3A_684, %get3A_684 : vector<16xf32>
        %add3A_686 = arith.addf %add3A_681, %mul3A_685 : vector<16xf32>
        %get3A_687 = arith.index_cast %add3A_672 : i32 to index
        %get3A_688 = arith.constant 48 : index
        %get3A_689 = tpu.vector_load %arg10[%get3A_687, %get3A_688] {strides = array<i32>} : memref<80x128xf32, #tpu.memory_space<vmem>>, vector<16xf32>,
        %mul3A_690 = arith.mulf %get3A_689, %get3A_689 : vector<16xf32>
        %add3A_691 = arith.addf %add3A_686, %mul3A_690 : vector<16xf32>
        %get3A_692 = arith.index_cast %add3A_672 : i32 to index
        %get3A_693 = arith.constant 64 : index
        %get3A_694 = tpu.vector_load %arg10[%get3A_692, %get3A_693] {strides = array<i32>} : memref<80x128xf32, #tpu.memory_space<vmem>>, vector<16xf32>,
        %mul3A_695 = arith.mulf %get3A_694, %get3A_694 : vector<16xf32>
        %add3A_696 = arith.addf %add3A_691, %mul3A_695 : vector<16xf32>
        %get3A_697 = arith.index_cast %add3A_672 : i32 to index
        %get3A_698 = arith.constant 80 : index
        %get3A_699 = tpu.vector_load %arg10[%get3A_697, %get3A_698] {strides = array<i32>} : memref<80x128xf32, #tpu.memory_space<vmem>>, vector<16xf32>,
        %mul3A_700 = arith.mulf %get3A_699, %get3A_699 : vector<16xf32>
        %add3A_701 = arith.addf %add3A_696, %mul3A_700 : vector<16xf32>
        %get3A_702 = arith.index_cast %add3A_672 : i32 to index
        %get3A_703 = arith.constant 96 : index
        %get3A_704 = tpu.vector_load %arg10[%get3A_702, %get3A_703] {strides = array<i32>} : memref<80x128xf32, #tpu.memory_space<vmem>>, vector<16xf32>,
        %mul3A_705 = arith.mulf %get3A_704, %get3A_704 : vector<16xf32>
        %add3A_706 = arith.addf %add3A_701, %mul3A_705 : vector<16xf32>
        %get3A_707 = arith.index_cast %add3A_672 : i32 to index
        %get3A_708 = arith.constant 112 : index
        %get3A_709 = tpu.vector_load %arg10[%get3A_707, %get3A_708] {strides = array<i32>} : memref<80x128xf32, #tpu.memory_space<vmem>>, vector<16xf32>,
        %mul3A_710 = arith.mulf %get3A_709, %get3A_709 : vector<16xf32>
        %add3A_711 = arith.addf %add3A_706, %mul3A_710 : vector<16xf32>
        %mul3A_712 = arith.constant 16 : i32
        %mul3A_713 = vector.broadcast %mul3A_712 : i32 to vector<16xi32>
        %mul3A_714 = arith.muli %iota3A, %mul3A_713 : vector<16xi32>
        %add3A_715 = arith.constant 10 : i32
        %add3A_716 = vector.broadcast %add3A_715 : i32 to vector<16xi32>
        %add3A_717 = arith.addi %mul3A_714, %add3A_716 : vector<16xi32>
        tpu.vector_store_idx %arg13[%add3A_717], %add3A_711 : memref<256xf32, #tpu.memory_space<vmem>>[vector<16xi32>], vector<16xf32>,
        %add3A_718 = arith.constant 11 : i32
        %add3A_719 = arith.addi %mul3A_201, %add3A_718 : i32
        %get3A_720 = arith.index_cast %add3A_719 : i32 to index
        %get3A_721 = arith.constant 0 : index
        %get3A_722 = tpu.vector_load %arg10[%get3A_720, %get3A_721] {strides = array<i32>} : memref<80x128xf32, #tpu.memory_space<vmem>>, vector<16xf32>,
        %mul3A_723 = arith.mulf %get3A_722, %get3A_722 : vector<16xf32>
        %get3A_724 = arith.index_cast %add3A_719 : i32 to index
        %get3A_725 = arith.constant 16 : index
        %get3A_726 = tpu.vector_load %arg10[%get3A_724, %get3A_725] {strides = array<i32>} : memref<80x128xf32, #tpu.memory_space<vmem>>, vector<16xf32>,
        %mul3A_727 = arith.mulf %get3A_726, %get3A_726 : vector<16xf32>
        %add3A_728 = arith.addf %mul3A_723, %mul3A_727 : vector<16xf32>
        %get3A_729 = arith.index_cast %add3A_719 : i32 to index
        %get3A_730 = arith.constant 32 : index
        %get3A_731 = tpu.vector_load %arg10[%get3A_729, %get3A_730] {strides = array<i32>} : memref<80x128xf32, #tpu.memory_space<vmem>>, vector<16xf32>,
        %mul3A_732 = arith.mulf %get3A_731, %get3A_731 : vector<16xf32>
        %add3A_733 = arith.addf %add3A_728, %mul3A_732 : vector<16xf32>
        %get3A_734 = arith.index_cast %add3A_719 : i32 to index
        %get3A_735 = arith.constant 48 : index
        %get3A_736 = tpu.vector_load %arg10[%get3A_734, %get3A_735] {strides = array<i32>} : memref<80x128xf32, #tpu.memory_space<vmem>>, vector<16xf32>,
        %mul3A_737 = arith.mulf %get3A_736, %get3A_736 : vector<16xf32>
        %add3A_738 = arith.addf %add3A_733, %mul3A_737 : vector<16xf32>
        %get3A_739 = arith.index_cast %add3A_719 : i32 to index
        %get3A_740 = arith.constant 64 : index
        %get3A_741 = tpu.vector_load %arg10[%get3A_739, %get3A_740] {strides = array<i32>} : memref<80x128xf32, #tpu.memory_space<vmem>>, vector<16xf32>,
        %mul3A_742 = arith.mulf %get3A_741, %get3A_741 : vector<16xf32>
        %add3A_743 = arith.addf %add3A_738, %mul3A_742 : vector<16xf32>
        %get3A_744 = arith.index_cast %add3A_719 : i32 to index
        %get3A_745 = arith.constant 80 : index
        %get3A_746 = tpu.vector_load %arg10[%get3A_744, %get3A_745] {strides = array<i32>} : memref<80x128xf32, #tpu.memory_space<vmem>>, vector<16xf32>,
        %mul3A_747 = arith.mulf %get3A_746, %get3A_746 : vector<16xf32>
        %add3A_748 = arith.addf %add3A_743, %mul3A_747 : vector<16xf32>
        %get3A_749 = arith.index_cast %add3A_719 : i32 to index
        %get3A_750 = arith.constant 96 : index
        %get3A_751 = tpu.vector_load %arg10[%get3A_749, %get3A_750] {strides = array<i32>} : memref<80x128xf32, #tpu.memory_space<vmem>>, vector<16xf32>,
        %mul3A_752 = arith.mulf %get3A_751, %get3A_751 : vector<16xf32>
        %add3A_753 = arith.addf %add3A_748, %mul3A_752 : vector<16xf32>
        %get3A_754 = arith.index_cast %add3A_719 : i32 to index
        %get3A_755 = arith.constant 112 : index
        %get3A_756 = tpu.vector_load %arg10[%get3A_754, %get3A_755] {strides = array<i32>} : memref<80x128xf32, #tpu.memory_space<vmem>>, vector<16xf32>,
        %mul3A_757 = arith.mulf %get3A_756, %get3A_756 : vector<16xf32>
        %add3A_758 = arith.addf %add3A_753, %mul3A_757 : vector<16xf32>
        %mul3A_759 = arith.constant 16 : i32
        %mul3A_760 = vector.broadcast %mul3A_759 : i32 to vector<16xi32>
        %mul3A_761 = arith.muli %iota3A, %mul3A_760 : vector<16xi32>
        %add3A_762 = arith.constant 11 : i32
        %add3A_763 = vector.broadcast %add3A_762 : i32 to vector<16xi32>
        %add3A_764 = arith.addi %mul3A_761, %add3A_763 : vector<16xi32>
        tpu.vector_store_idx %arg13[%add3A_764], %add3A_758 : memref<256xf32, #tpu.memory_space<vmem>>[vector<16xi32>], vector<16xf32>,
        %add3A_765 = arith.constant 12 : i32
        %add3A_766 = arith.addi %mul3A_201, %add3A_765 : i32
        %get3A_767 = arith.index_cast %add3A_766 : i32 to index
        %get3A_768 = arith.constant 0 : index
        %get3A_769 = tpu.vector_load %arg10[%get3A_767, %get3A_768] {strides = array<i32>} : memref<80x128xf32, #tpu.memory_space<vmem>>, vector<16xf32>,
        %mul3A_770 = arith.mulf %get3A_769, %get3A_769 : vector<16xf32>
        %get3A_771 = arith.index_cast %add3A_766 : i32 to index
        %get3A_772 = arith.constant 16 : index
        %get3A_773 = tpu.vector_load %arg10[%get3A_771, %get3A_772] {strides = array<i32>} : memref<80x128xf32, #tpu.memory_space<vmem>>, vector<16xf32>,
        %mul3A_774 = arith.mulf %get3A_773, %get3A_773 : vector<16xf32>
        %add3A_775 = arith.addf %mul3A_770, %mul3A_774 : vector<16xf32>
        %get3A_776 = arith.index_cast %add3A_766 : i32 to index
        %get3A_777 = arith.constant 32 : index
        %get3A_778 = tpu.vector_load %arg10[%get3A_776, %get3A_777] {strides = array<i32>} : memref<80x128xf32, #tpu.memory_space<vmem>>, vector<16xf32>,
        %mul3A_779 = arith.mulf %get3A_778, %get3A_778 : vector<16xf32>
        %add3A_780 = arith.addf %add3A_775, %mul3A_779 : vector<16xf32>
        %get3A_781 = arith.index_cast %add3A_766 : i32 to index
        %get3A_782 = arith.constant 48 : index
        %get3A_783 = tpu.vector_load %arg10[%get3A_781, %get3A_782] {strides = array<i32>} : memref<80x128xf32, #tpu.memory_space<vmem>>, vector<16xf32>,
        %mul3A_784 = arith.mulf %get3A_783, %get3A_783 : vector<16xf32>
        %add3A_785 = arith.addf %add3A_780, %mul3A_784 : vector<16xf32>
        %get3A_786 = arith.index_cast %add3A_766 : i32 to index
        %get3A_787 = arith.constant 64 : index
        %get3A_788 = tpu.vector_load %arg10[%get3A_786, %get3A_787] {strides = array<i32>} : memref<80x128xf32, #tpu.memory_space<vmem>>, vector<16xf32>,
        %mul3A_789 = arith.mulf %get3A_788, %get3A_788 : vector<16xf32>
        %add3A_790 = arith.addf %add3A_785, %mul3A_789 : vector<16xf32>
        %get3A_791 = arith.index_cast %add3A_766 : i32 to index
        %get3A_792 = arith.constant 80 : index
        %get3A_793 = tpu.vector_load %arg10[%get3A_791, %get3A_792] {strides = array<i32>} : memref<80x128xf32, #tpu.memory_space<vmem>>, vector<16xf32>,
        %mul3A_794 = arith.mulf %get3A_793, %get3A_793 : vector<16xf32>
        %add3A_795 = arith.addf %add3A_790, %mul3A_794 : vector<16xf32>
        %get3A_796 = arith.index_cast %add3A_766 : i32 to index
        %get3A_797 = arith.constant 96 : index
        %get3A_798 = tpu.vector_load %arg10[%get3A_796, %get3A_797] {strides = array<i32>} : memref<80x128xf32, #tpu.memory_space<vmem>>, vector<16xf32>,
        %mul3A_799 = arith.mulf %get3A_798, %get3A_798 : vector<16xf32>
        %add3A_800 = arith.addf %add3A_795, %mul3A_799 : vector<16xf32>
        %get3A_801 = arith.index_cast %add3A_766 : i32 to index
        %get3A_802 = arith.constant 112 : index
        %get3A_803 = tpu.vector_load %arg10[%get3A_801, %get3A_802] {strides = array<i32>} : memref<80x128xf32, #tpu.memory_space<vmem>>, vector<16xf32>,
        %mul3A_804 = arith.mulf %get3A_803, %get3A_803 : vector<16xf32>
        %add3A_805 = arith.addf %add3A_800, %mul3A_804 : vector<16xf32>
        %mul3A_806 = arith.constant 16 : i32
        %mul3A_807 = vector.broadcast %mul3A_806 : i32 to vector<16xi32>
        %mul3A_808 = arith.muli %iota3A, %mul3A_807 : vector<16xi32>
        %add3A_809 = arith.constant 12 : i32
        %add3A_810 = vector.broadcast %add3A_809 : i32 to vector<16xi32>
        %add3A_811 = arith.addi %mul3A_808, %add3A_810 : vector<16xi32>
        tpu.vector_store_idx %arg13[%add3A_811], %add3A_805 : memref<256xf32, #tpu.memory_space<vmem>>[vector<16xi32>], vector<16xf32>,
        %add3A_812 = arith.constant 13 : i32
        %add3A_813 = arith.addi %mul3A_201, %add3A_812 : i32
        %get3A_814 = arith.index_cast %add3A_813 : i32 to index
        %get3A_815 = arith.constant 0 : index
        %get3A_816 = tpu.vector_load %arg10[%get3A_814, %get3A_815] {strides = array<i32>} : memref<80x128xf32, #tpu.memory_space<vmem>>, vector<16xf32>,
        %mul3A_817 = arith.mulf %get3A_816, %get3A_816 : vector<16xf32>
        %get3A_818 = arith.index_cast %add3A_813 : i32 to index
        %get3A_819 = arith.constant 16 : index
        %get3A_820 = tpu.vector_load %arg10[%get3A_818, %get3A_819] {strides = array<i32>} : memref<80x128xf32, #tpu.memory_space<vmem>>, vector<16xf32>,
        %mul3A_821 = arith.mulf %get3A_820, %get3A_820 : vector<16xf32>
        %add3A_822 = arith.addf %mul3A_817, %mul3A_821 : vector<16xf32>
        %get3A_823 = arith.index_cast %add3A_813 : i32 to index
        %get3A_824 = arith.constant 32 : index
        %get3A_825 = tpu.vector_load %arg10[%get3A_823, %get3A_824] {strides = array<i32>} : memref<80x128xf32, #tpu.memory_space<vmem>>, vector<16xf32>,
        %mul3A_826 = arith.mulf %get3A_825, %get3A_825 : vector<16xf32>
        %add3A_827 = arith.addf %add3A_822, %mul3A_826 : vector<16xf32>
        %get3A_828 = arith.index_cast %add3A_813 : i32 to index
        %get3A_829 = arith.constant 48 : index
        %get3A_830 = tpu.vector_load %arg10[%get3A_828, %get3A_829] {strides = array<i32>} : memref<80x128xf32, #tpu.memory_space<vmem>>, vector<16xf32>,
        %mul3A_831 = arith.mulf %get3A_830, %get3A_830 : vector<16xf32>
        %add3A_832 = arith.addf %add3A_827, %mul3A_831 : vector<16xf32>
        %get3A_833 = arith.index_cast %add3A_813 : i32 to index
        %get3A_834 = arith.constant 64 : index
        %get3A_835 = tpu.vector_load %arg10[%get3A_833, %get3A_834] {strides = array<i32>} : memref<80x128xf32, #tpu.memory_space<vmem>>, vector<16xf32>,
        %mul3A_836 = arith.mulf %get3A_835, %get3A_835 : vector<16xf32>
        %add3A_837 = arith.addf %add3A_832, %mul3A_836 : vector<16xf32>
        %get3A_838 = arith.index_cast %add3A_813 : i32 to index
        %get3A_839 = arith.constant 80 : index
        %get3A_840 = tpu.vector_load %arg10[%get3A_838, %get3A_839] {strides = array<i32>} : memref<80x128xf32, #tpu.memory_space<vmem>>, vector<16xf32>,
        %mul3A_841 = arith.mulf %get3A_840, %get3A_840 : vector<16xf32>
        %add3A_842 = arith.addf %add3A_837, %mul3A_841 : vector<16xf32>
        %get3A_843 = arith.index_cast %add3A_813 : i32 to index
        %get3A_844 = arith.constant 96 : index
        %get3A_845 = tpu.vector_load %arg10[%get3A_843, %get3A_844] {strides = array<i32>} : memref<80x128xf32, #tpu.memory_space<vmem>>, vector<16xf32>,
        %mul3A_846 = arith.mulf %get3A_845, %get3A_845 : vector<16xf32>
        %add3A_847 = arith.addf %add3A_842, %mul3A_846 : vector<16xf32>
        %get3A_848 = arith.index_cast %add3A_813 : i32 to index
        %get3A_849 = arith.constant 112 : index
        %get3A_850 = tpu.vector_load %arg10[%get3A_848, %get3A_849] {strides = array<i32>} : memref<80x128xf32, #tpu.memory_space<vmem>>, vector<16xf32>,
        %mul3A_851 = arith.mulf %get3A_850, %get3A_850 : vector<16xf32>
        %add3A_852 = arith.addf %add3A_847, %mul3A_851 : vector<16xf32>
        %mul3A_853 = arith.constant 16 : i32
        %mul3A_854 = vector.broadcast %mul3A_853 : i32 to vector<16xi32>
        %mul3A_855 = arith.muli %iota3A, %mul3A_854 : vector<16xi32>
        %add3A_856 = arith.constant 13 : i32
        %add3A_857 = vector.broadcast %add3A_856 : i32 to vector<16xi32>
        %add3A_858 = arith.addi %mul3A_855, %add3A_857 : vector<16xi32>
        tpu.vector_store_idx %arg13[%add3A_858], %add3A_852 : memref<256xf32, #tpu.memory_space<vmem>>[vector<16xi32>], vector<16xf32>,
        %add3A_859 = arith.constant 14 : i32
        %add3A_860 = arith.addi %mul3A_201, %add3A_859 : i32
        %get3A_861 = arith.index_cast %add3A_860 : i32 to index
        %get3A_862 = arith.constant 0 : index
        %get3A_863 = tpu.vector_load %arg10[%get3A_861, %get3A_862] {strides = array<i32>} : memref<80x128xf32, #tpu.memory_space<vmem>>, vector<16xf32>,
        %mul3A_864 = arith.mulf %get3A_863, %get3A_863 : vector<16xf32>
        %get3A_865 = arith.index_cast %add3A_860 : i32 to index
        %get3A_866 = arith.constant 16 : index
        %get3A_867 = tpu.vector_load %arg10[%get3A_865, %get3A_866] {strides = array<i32>} : memref<80x128xf32, #tpu.memory_space<vmem>>, vector<16xf32>,
        %mul3A_868 = arith.mulf %get3A_867, %get3A_867 : vector<16xf32>
        %add3A_869 = arith.addf %mul3A_864, %mul3A_868 : vector<16xf32>
        %get3A_870 = arith.index_cast %add3A_860 : i32 to index
        %get3A_871 = arith.constant 32 : index
        %get3A_872 = tpu.vector_load %arg10[%get3A_870, %get3A_871] {strides = array<i32>} : memref<80x128xf32, #tpu.memory_space<vmem>>, vector<16xf32>,
        %mul3A_873 = arith.mulf %get3A_872, %get3A_872 : vector<16xf32>
        %add3A_874 = arith.addf %add3A_869, %mul3A_873 : vector<16xf32>
        %get3A_875 = arith.index_cast %add3A_860 : i32 to index
        %get3A_876 = arith.constant 48 : index
        %get3A_877 = tpu.vector_load %arg10[%get3A_875, %get3A_876] {strides = array<i32>} : memref<80x128xf32, #tpu.memory_space<vmem>>, vector<16xf32>,
        %mul3A_878 = arith.mulf %get3A_877, %get3A_877 : vector<16xf32>
        %add3A_879 = arith.addf %add3A_874, %mul3A_878 : vector<16xf32>
        %get3A_880 = arith.index_cast %add3A_860 : i32 to index
        %get3A_881 = arith.constant 64 : index
        %get3A_882 = tpu.vector_load %arg10[%get3A_880, %get3A_881] {strides = array<i32>} : memref<80x128xf32, #tpu.memory_space<vmem>>, vector<16xf32>,
        %mul3A_883 = arith.mulf %get3A_882, %get3A_882 : vector<16xf32>
        %add3A_884 = arith.addf %add3A_879, %mul3A_883 : vector<16xf32>
        %get3A_885 = arith.index_cast %add3A_860 : i32 to index
        %get3A_886 = arith.constant 80 : index
        %get3A_887 = tpu.vector_load %arg10[%get3A_885, %get3A_886] {strides = array<i32>} : memref<80x128xf32, #tpu.memory_space<vmem>>, vector<16xf32>,
        %mul3A_888 = arith.mulf %get3A_887, %get3A_887 : vector<16xf32>
        %add3A_889 = arith.addf %add3A_884, %mul3A_888 : vector<16xf32>
        %get3A_890 = arith.index_cast %add3A_860 : i32 to index
        %get3A_891 = arith.constant 96 : index
        %get3A_892 = tpu.vector_load %arg10[%get3A_890, %get3A_891] {strides = array<i32>} : memref<80x128xf32, #tpu.memory_space<vmem>>, vector<16xf32>,
        %mul3A_893 = arith.mulf %get3A_892, %get3A_892 : vector<16xf32>
        %add3A_894 = arith.addf %add3A_889, %mul3A_893 : vector<16xf32>
        %get3A_895 = arith.index_cast %add3A_860 : i32 to index
        %get3A_896 = arith.constant 112 : index
        %get3A_897 = tpu.vector_load %arg10[%get3A_895, %get3A_896] {strides = array<i32>} : memref<80x128xf32, #tpu.memory_space<vmem>>, vector<16xf32>,
        %mul3A_898 = arith.mulf %get3A_897, %get3A_897 : vector<16xf32>
        %add3A_899 = arith.addf %add3A_894, %mul3A_898 : vector<16xf32>
        %mul3A_900 = arith.constant 16 : i32
        %mul3A_901 = vector.broadcast %mul3A_900 : i32 to vector<16xi32>
        %mul3A_902 = arith.muli %iota3A, %mul3A_901 : vector<16xi32>
        %add3A_903 = arith.constant 14 : i32
        %add3A_904 = vector.broadcast %add3A_903 : i32 to vector<16xi32>
        %add3A_905 = arith.addi %mul3A_902, %add3A_904 : vector<16xi32>
        tpu.vector_store_idx %arg13[%add3A_905], %add3A_899 : memref<256xf32, #tpu.memory_space<vmem>>[vector<16xi32>], vector<16xf32>,
        %add3A_906 = arith.constant 15 : i32
        %add3A_907 = arith.addi %mul3A_201, %add3A_906 : i32
        %get3A_908 = arith.index_cast %add3A_907 : i32 to index
        %get3A_909 = arith.constant 0 : index
        %get3A_910 = tpu.vector_load %arg10[%get3A_908, %get3A_909] {strides = array<i32>} : memref<80x128xf32, #tpu.memory_space<vmem>>, vector<16xf32>,
        %mul3A_911 = arith.mulf %get3A_910, %get3A_910 : vector<16xf32>
        %get3A_912 = arith.index_cast %add3A_907 : i32 to index
        %get3A_913 = arith.constant 16 : index
        %get3A_914 = tpu.vector_load %arg10[%get3A_912, %get3A_913] {strides = array<i32>} : memref<80x128xf32, #tpu.memory_space<vmem>>, vector<16xf32>,
        %mul3A_915 = arith.mulf %get3A_914, %get3A_914 : vector<16xf32>
        %add3A_916 = arith.addf %mul3A_911, %mul3A_915 : vector<16xf32>
        %get3A_917 = arith.index_cast %add3A_907 : i32 to index
        %get3A_918 = arith.constant 32 : index
        %get3A_919 = tpu.vector_load %arg10[%get3A_917, %get3A_918] {strides = array<i32>} : memref<80x128xf32, #tpu.memory_space<vmem>>, vector<16xf32>,
        %mul3A_920 = arith.mulf %get3A_919, %get3A_919 : vector<16xf32>
        %add3A_921 = arith.addf %add3A_916, %mul3A_920 : vector<16xf32>
        %get3A_922 = arith.index_cast %add3A_907 : i32 to index
        %get3A_923 = arith.constant 48 : index
        %get3A_924 = tpu.vector_load %arg10[%get3A_922, %get3A_923] {strides = array<i32>} : memref<80x128xf32, #tpu.memory_space<vmem>>, vector<16xf32>,
        %mul3A_925 = arith.mulf %get3A_924, %get3A_924 : vector<16xf32>
        %add3A_926 = arith.addf %add3A_921, %mul3A_925 : vector<16xf32>
        %get3A_927 = arith.index_cast %add3A_907 : i32 to index
        %get3A_928 = arith.constant 64 : index
        %get3A_929 = tpu.vector_load %arg10[%get3A_927, %get3A_928] {strides = array<i32>} : memref<80x128xf32, #tpu.memory_space<vmem>>, vector<16xf32>,
        %mul3A_930 = arith.mulf %get3A_929, %get3A_929 : vector<16xf32>
        %add3A_931 = arith.addf %add3A_926, %mul3A_930 : vector<16xf32>
        %get3A_932 = arith.index_cast %add3A_907 : i32 to index
        %get3A_933 = arith.constant 80 : index
        %get3A_934 = tpu.vector_load %arg10[%get3A_932, %get3A_933] {strides = array<i32>} : memref<80x128xf32, #tpu.memory_space<vmem>>, vector<16xf32>,
        %mul3A_935 = arith.mulf %get3A_934, %get3A_934 : vector<16xf32>
        %add3A_936 = arith.addf %add3A_931, %mul3A_935 : vector<16xf32>
        %get3A_937 = arith.index_cast %add3A_907 : i32 to index
        %get3A_938 = arith.constant 96 : index
        %get3A_939 = tpu.vector_load %arg10[%get3A_937, %get3A_938] {strides = array<i32>} : memref<80x128xf32, #tpu.memory_space<vmem>>, vector<16xf32>,
        %mul3A_940 = arith.mulf %get3A_939, %get3A_939 : vector<16xf32>
        %add3A_941 = arith.addf %add3A_936, %mul3A_940 : vector<16xf32>
        %get3A_942 = arith.index_cast %add3A_907 : i32 to index
        %get3A_943 = arith.constant 112 : index
        %get3A_944 = tpu.vector_load %arg10[%get3A_942, %get3A_943] {strides = array<i32>} : memref<80x128xf32, #tpu.memory_space<vmem>>, vector<16xf32>,
        %mul3A_945 = arith.mulf %get3A_944, %get3A_944 : vector<16xf32>
        %add3A_946 = arith.addf %add3A_941, %mul3A_945 : vector<16xf32>
        %mul3A_947 = arith.constant 16 : i32
        %mul3A_948 = vector.broadcast %mul3A_947 : i32 to vector<16xi32>
        %mul3A_949 = arith.muli %iota3A, %mul3A_948 : vector<16xi32>
        %add3A_950 = arith.constant 15 : i32
        %add3A_951 = vector.broadcast %add3A_950 : i32 to vector<16xi32>
        %add3A_952 = arith.addi %mul3A_949, %add3A_951 : vector<16xi32>
        tpu.vector_store_idx %arg13[%add3A_952], %add3A_946 : memref<256xf32, #tpu.memory_space<vmem>>[vector<16xi32>], vector<16xf32>,
        %get3A_953 = arith.constant 0 : index
        %get3A_954 = tpu.vector_load %arg13[%get3A_953] {strides = array<i32>} : memref<256xf32, #tpu.memory_space<vmem>>, vector<16xf32>,
        %get3A_955 = arith.constant 16 : index
        %get3A_956 = tpu.vector_load %arg13[%get3A_955] {strides = array<i32>} : memref<256xf32, #tpu.memory_space<vmem>>, vector<16xf32>,
        %add3A_957 = arith.addf %get3A_954, %get3A_956 : vector<16xf32>
        %get3A_958 = arith.constant 32 : index
        %get3A_959 = tpu.vector_load %arg13[%get3A_958] {strides = array<i32>} : memref<256xf32, #tpu.memory_space<vmem>>, vector<16xf32>,
        %add3A_960 = arith.addf %add3A_957, %get3A_959 : vector<16xf32>
        %get3A_961 = arith.constant 48 : index
        %get3A_962 = tpu.vector_load %arg13[%get3A_961] {strides = array<i32>} : memref<256xf32, #tpu.memory_space<vmem>>, vector<16xf32>,
        %add3A_963 = arith.addf %add3A_960, %get3A_962 : vector<16xf32>
        %get3A_964 = arith.constant 64 : index
        %get3A_965 = tpu.vector_load %arg13[%get3A_964] {strides = array<i32>} : memref<256xf32, #tpu.memory_space<vmem>>, vector<16xf32>,
        %add3A_966 = arith.addf %add3A_963, %get3A_965 : vector<16xf32>
        %get3A_967 = arith.constant 80 : index
        %get3A_968 = tpu.vector_load %arg13[%get3A_967] {strides = array<i32>} : memref<256xf32, #tpu.memory_space<vmem>>, vector<16xf32>,
        %add3A_969 = arith.addf %add3A_966, %get3A_968 : vector<16xf32>
        %get3A_970 = arith.constant 96 : index
        %get3A_971 = tpu.vector_load %arg13[%get3A_970] {strides = array<i32>} : memref<256xf32, #tpu.memory_space<vmem>>, vector<16xf32>,
        %add3A_972 = arith.addf %add3A_969, %get3A_971 : vector<16xf32>
        %get3A_973 = arith.constant 112 : index
        %get3A_974 = tpu.vector_load %arg13[%get3A_973] {strides = array<i32>} : memref<256xf32, #tpu.memory_space<vmem>>, vector<16xf32>,
        %add3A_975 = arith.addf %add3A_972, %get3A_974 : vector<16xf32>
        %get3A_976 = arith.constant 128 : index
        %get3A_977 = tpu.vector_load %arg13[%get3A_976] {strides = array<i32>} : memref<256xf32, #tpu.memory_space<vmem>>, vector<16xf32>,
        %add3A_978 = arith.addf %add3A_975, %get3A_977 : vector<16xf32>
        %get3A_979 = arith.constant 144 : index
        %get3A_980 = tpu.vector_load %arg13[%get3A_979] {strides = array<i32>} : memref<256xf32, #tpu.memory_space<vmem>>, vector<16xf32>,
        %add3A_981 = arith.addf %add3A_978, %get3A_980 : vector<16xf32>
        %get3A_982 = arith.constant 160 : index
        %get3A_983 = tpu.vector_load %arg13[%get3A_982] {strides = array<i32>} : memref<256xf32, #tpu.memory_space<vmem>>, vector<16xf32>,
        %add3A_984 = arith.addf %add3A_981, %get3A_983 : vector<16xf32>
        %get3A_985 = arith.constant 176 : index
        %get3A_986 = tpu.vector_load %arg13[%get3A_985] {strides = array<i32>} : memref<256xf32, #tpu.memory_space<vmem>>, vector<16xf32>,
        %add3A_987 = arith.addf %add3A_984, %get3A_986 : vector<16xf32>
        %get3A_988 = arith.constant 192 : index
        %get3A_989 = tpu.vector_load %arg13[%get3A_988] {strides = array<i32>} : memref<256xf32, #tpu.memory_space<vmem>>, vector<16xf32>,
        %add3A_990 = arith.addf %add3A_987, %get3A_989 : vector<16xf32>
        %get3A_991 = arith.constant 208 : index
        %get3A_992 = tpu.vector_load %arg13[%get3A_991] {strides = array<i32>} : memref<256xf32, #tpu.memory_space<vmem>>, vector<16xf32>,
        %add3A_993 = arith.addf %add3A_990, %get3A_992 : vector<16xf32>
        %get3A_994 = arith.constant 224 : index
        %get3A_995 = tpu.vector_load %arg13[%get3A_994] {strides = array<i32>} : memref<256xf32, #tpu.memory_space<vmem>>, vector<16xf32>,
        %add3A_996 = arith.addf %add3A_993, %get3A_995 : vector<16xf32>
        %get3A_997 = arith.constant 240 : index
        %get3A_998 = tpu.vector_load %arg13[%get3A_997] {strides = array<i32>} : memref<256xf32, #tpu.memory_space<vmem>>, vector<16xf32>,
        %add3A_999 = arith.addf %add3A_996, %get3A_998 : vector<16xf32>
        %bitcast_convert_type3A = tpu.bitcast %add3A_999 : vector<16xf32> -> vector<16xi32>
        %shift_right_arithmetic3A = arith.constant 1 : i32
        %shift_right_arithmetic3A_1000 = vector.broadcast %shift_right_arithmetic3A : i32 to vector<16xi32>
        %shift_right_arithmetic3A_1001 = arith.shrsi %bitcast_convert_type3A, %shift_right_arithmetic3A_1000 : vector<16xi32>
        %add3A_1002 = arith.constant 532487669 : i32
        %add3A_1003 = vector.broadcast %add3A_1002 : i32 to vector<16xi32>
        %add3A_1004 = arith.addi %shift_right_arithmetic3A_1001, %add3A_1003 : vector<16xi32>
        %bitcast_convert_type3A_1005 = tpu.bitcast %add3A_1004 : vector<16xi32> -> vector<16xf32>
        %div3A = arith.divf %add3A_999, %bitcast_convert_type3A_1005 : vector<16xf32>
        %add3A_1006 = arith.addf %bitcast_convert_type3A_1005, %div3A : vector<16xf32>
        %mul3A_1007 = arith.constant 5.000000e-01 : f32
        %mul3A_1008 = vector.broadcast %mul3A_1007 : f32 to vector<16xf32>
        %mul3A_1009 = arith.mulf %mul3A_1008, %add3A_1006 : vector<16xf32>
        %div3A_1010 = arith.divf %add3A_999, %mul3A_1009 : vector<16xf32>
        %add3A_1011 = arith.addf %mul3A_1009, %div3A_1010 : vector<16xf32>
        %mul3A_1012 = arith.constant 5.000000e-01 : f32
        %mul3A_1013 = vector.broadcast %mul3A_1012 : f32 to vector<16xf32>
        %mul3A_1014 = arith.mulf %mul3A_1013, %add3A_1011 : vector<16xf32>
        %add3A_1015 = arith.addf %scan3A_199, %mul3A_1014 : vector<16xf32>
        scf.yield %add3A_1015 : vector<16xf32>
      }
      %scan3A_143 = arith.constant 5 : i32
      %add3A_144 = arith.constant 3 : i32
      %add3A_145 = arith.addi %mul3A_65, %add3A_144 : i32
      %add3A_146 = arith.constant 2 : i32
      %add3A_147 = arith.addi %add3A_145, %add3A_146 : i32
      %lt3A_148 = arith.constant 125 : i32
      %lt3A_149 = arith.cmpi slt, %add3A_147, %lt3A_148 : i32
      %convert_element_type3A_150 = arith.extui %lt3A_149 : i1 to i32
      %cond3A_151 = arith.constant 0 : i32
      %cond3A_152 = arith.cmpi ne, %convert_element_type3A_150, %cond3A_151 : i32
      scf.if %cond3A_152 {
        %dma_wait3A_198 = arith.constant 0 : i32
        %dma_wait3A_199 = tpu.memref_slice %arg6[%dma_wait3A_198] : memref<10000xi32, #tpu.memory_space<vmem>> -> memref<80xi32, #tpu.memory_space<vmem>>
        %dma_wait3A_200 = arith.constant 0 : i32
        %dma_wait3A_201 = arith.constant 0 : i32
        %dma_wait3A_202 = tpu.memref_slice %arg2[%dma_wait3A_200, %dma_wait3A_201] : memref<10000x128xf32, #tpu.memory_space<hbm>> -> memref<10000x128xf32, #tpu.memory_space<hbm>>
        tpu.wait_indirect_dma semaphore(%arg15 : memref<!tpu.dma_semaphore, #tpu.memory_space<semaphore_mem>>) src(%dma_wait3A_202 : memref<10000x128xf32, #tpu.memory_space<hbm>>) dst(%arg8 : memref<80x128xf32, #tpu.memory_space<vmem>>)
        %add3A_203 = arith.constant 2 : i32
        %add3A_204 = arith.addi %add3A_145, %add3A_203 : i32
        %mul3A_205 = arith.constant 80 : i32
        %mul3A_206 = arith.muli %add3A_204, %mul3A_205 : i32
        %dma_start3A_207 = tpu.memref_slice %arg7[%mul3A_206] : memref<10000xi32, #tpu.memory_space<vmem>> -> memref<80xi32, #tpu.memory_space<vmem>>
        %dma_start3A_208 = arith.constant 0 : i32
        %dma_start3A_209 = arith.constant 0 : i32
        %dma_start3A_210 = tpu.memref_slice %arg3[%dma_start3A_208, %dma_start3A_209] : memref<10000x128xf32, #tpu.memory_space<hbm>> -> memref<10000x128xf32, #tpu.memory_space<hbm>>
        tpu.enqueue_indirect_dma source(%dma_start3A_210 : memref<10000x128xf32, #tpu.memory_space<hbm>>) target(%arg8 : memref<80x128xf32, #tpu.memory_space<vmem>>) offsets(%dma_start3A_207 : memref<80xi32, #tpu.memory_space<vmem>>) semaphore(%arg15 : memref<!tpu.dma_semaphore, #tpu.memory_space<semaphore_mem>>) {add = true}
      } else {
      }
      %add3A_153 = arith.constant 4 : i32
      %add3A_154 = arith.addi %add3A_145, %add3A_153 : i32
      %lt3A_155 = arith.constant 125 : i32
      %lt3A_156 = arith.cmpi slt, %add3A_154, %lt3A_155 : i32
      %convert_element_type3A_157 = arith.extui %lt3A_156 : i1 to i32
      %cond3A_158 = arith.constant 0 : i32
      %cond3A_159 = arith.cmpi ne, %convert_element_type3A_157, %cond3A_158 : i32
      scf.if %cond3A_159 {
        %add3A_198 = arith.constant 4 : i32
        %add3A_199 = arith.addi %add3A_145, %add3A_198 : i32
        %mul3A_200 = arith.constant 80 : i32
        %mul3A_201 = arith.muli %add3A_199, %mul3A_200 : i32
        %dma_start3A_202 = tpu.memref_slice %arg6[%mul3A_201] : memref<10000xi32, #tpu.memory_space<vmem>> -> memref<80xi32, #tpu.memory_space<vmem>>
        %dma_start3A_203 = arith.constant 0 : i32
        %dma_start3A_204 = arith.constant 0 : i32
        %dma_start3A_205 = tpu.memref_slice %arg2[%dma_start3A_203, %dma_start3A_204] : memref<10000x128xf32, #tpu.memory_space<hbm>> -> memref<10000x128xf32, #tpu.memory_space<hbm>>
        tpu.enqueue_indirect_dma source(%dma_start3A_205 : memref<10000x128xf32, #tpu.memory_space<hbm>>) target(%arg10 : memref<80x128xf32, #tpu.memory_space<vmem>>) offsets(%dma_start3A_202 : memref<80xi32, #tpu.memory_space<vmem>>) semaphore(%arg17 : memref<!tpu.dma_semaphore, #tpu.memory_space<semaphore_mem>>)
      } else {
      }
      %dma_wait3A_160 = arith.constant 0 : i32
      %dma_wait3A_161 = tpu.memref_slice %arg7[%dma_wait3A_160] : memref<10000xi32, #tpu.memory_space<vmem>> -> memref<80xi32, #tpu.memory_space<vmem>>
      %dma_wait3A_162 = arith.constant 0 : i32
      %dma_wait3A_163 = arith.constant 0 : i32
      %dma_wait3A_164 = tpu.memref_slice %arg3[%dma_wait3A_162, %dma_wait3A_163] : memref<10000x128xf32, #tpu.memory_space<hbm>> -> memref<10000x128xf32, #tpu.memory_space<hbm>>
      tpu.wait_indirect_dma semaphore(%arg18 : memref<!tpu.dma_semaphore, #tpu.memory_space<semaphore_mem>>) src(%dma_wait3A_164 : memref<10000x128xf32, #tpu.memory_space<hbm>>) dst(%arg11 : memref<80x128xf32, #tpu.memory_space<vmem>>)
      %scan3A_165 = arith.constant 0 : i32
      %scan3A_166 = arith.constant 5 : i32
      %scan3A_167 = arith.addi %scan3A_165, %scan3A_166 : i32
      %scan3A_168 = arith.constant 1 : i32
      %scan3A_169 = scf.for %scan3A_198 = %scan3A_165 to %scan3A_167 step %scan3A_168 iter_args(%scan3A_199 = %scan3A_142) -> (vector<16xf32>)  : i32 {
        %mul3A_200 = arith.constant 16 : i32
        %mul3A_201 = arith.muli %scan3A_198, %mul3A_200 : i32
        %add3A_202 = arith.constant 0 : i32
        %add3A_203 = arith.addi %mul3A_201, %add3A_202 : i32
        %get3A = arith.index_cast %add3A_203 : i32 to index
        %get3A_204 = arith.constant 0 : index
        %get3A_205 = tpu.vector_load %arg11[%get3A, %get3A_204] {strides = array<i32>} : memref<80x128xf32, #tpu.memory_space<vmem>>, vector<16xf32>,
        %mul3A_206 = arith.mulf %get3A_205, %get3A_205 : vector<16xf32>
        %get3A_207 = arith.index_cast %add3A_203 : i32 to index
        %get3A_208 = arith.constant 16 : index
        %get3A_209 = tpu.vector_load %arg11[%get3A_207, %get3A_208] {strides = array<i32>} : memref<80x128xf32, #tpu.memory_space<vmem>>, vector<16xf32>,
        %mul3A_210 = arith.mulf %get3A_209, %get3A_209 : vector<16xf32>
        %add3A_211 = arith.addf %mul3A_206, %mul3A_210 : vector<16xf32>
        %get3A_212 = arith.index_cast %add3A_203 : i32 to index
        %get3A_213 = arith.constant 32 : index
        %get3A_214 = tpu.vector_load %arg11[%get3A_212, %get3A_213] {strides = array<i32>} : memref<80x128xf32, #tpu.memory_space<vmem>>, vector<16xf32>,
        %mul3A_215 = arith.mulf %get3A_214, %get3A_214 : vector<16xf32>
        %add3A_216 = arith.addf %add3A_211, %mul3A_215 : vector<16xf32>
        %get3A_217 = arith.index_cast %add3A_203 : i32 to index
        %get3A_218 = arith.constant 48 : index
        %get3A_219 = tpu.vector_load %arg11[%get3A_217, %get3A_218] {strides = array<i32>} : memref<80x128xf32, #tpu.memory_space<vmem>>, vector<16xf32>,
        %mul3A_220 = arith.mulf %get3A_219, %get3A_219 : vector<16xf32>
        %add3A_221 = arith.addf %add3A_216, %mul3A_220 : vector<16xf32>
        %get3A_222 = arith.index_cast %add3A_203 : i32 to index
        %get3A_223 = arith.constant 64 : index
        %get3A_224 = tpu.vector_load %arg11[%get3A_222, %get3A_223] {strides = array<i32>} : memref<80x128xf32, #tpu.memory_space<vmem>>, vector<16xf32>,
        %mul3A_225 = arith.mulf %get3A_224, %get3A_224 : vector<16xf32>
        %add3A_226 = arith.addf %add3A_221, %mul3A_225 : vector<16xf32>
        %get3A_227 = arith.index_cast %add3A_203 : i32 to index
        %get3A_228 = arith.constant 80 : index
        %get3A_229 = tpu.vector_load %arg11[%get3A_227, %get3A_228] {strides = array<i32>} : memref<80x128xf32, #tpu.memory_space<vmem>>, vector<16xf32>,
        %mul3A_230 = arith.mulf %get3A_229, %get3A_229 : vector<16xf32>
        %add3A_231 = arith.addf %add3A_226, %mul3A_230 : vector<16xf32>
        %get3A_232 = arith.index_cast %add3A_203 : i32 to index
        %get3A_233 = arith.constant 96 : index
        %get3A_234 = tpu.vector_load %arg11[%get3A_232, %get3A_233] {strides = array<i32>} : memref<80x128xf32, #tpu.memory_space<vmem>>, vector<16xf32>,
        %mul3A_235 = arith.mulf %get3A_234, %get3A_234 : vector<16xf32>
        %add3A_236 = arith.addf %add3A_231, %mul3A_235 : vector<16xf32>
        %get3A_237 = arith.index_cast %add3A_203 : i32 to index
        %get3A_238 = arith.constant 112 : index
        %get3A_239 = tpu.vector_load %arg11[%get3A_237, %get3A_238] {strides = array<i32>} : memref<80x128xf32, #tpu.memory_space<vmem>>, vector<16xf32>,
        %mul3A_240 = arith.mulf %get3A_239, %get3A_239 : vector<16xf32>
        %add3A_241 = arith.addf %add3A_236, %mul3A_240 : vector<16xf32>
        %mul3A_242 = arith.constant 16 : i32
        %mul3A_243 = vector.broadcast %mul3A_242 : i32 to vector<16xi32>
        %mul3A_244 = arith.muli %iota3A, %mul3A_243 : vector<16xi32>
        %add3A_245 = arith.constant 0 : i32
        %add3A_246 = vector.broadcast %add3A_245 : i32 to vector<16xi32>
        %add3A_247 = arith.addi %mul3A_244, %add3A_246 : vector<16xi32>
        tpu.vector_store_idx %arg13[%add3A_247], %add3A_241 : memref<256xf32, #tpu.memory_space<vmem>>[vector<16xi32>], vector<16xf32>,
        %add3A_248 = arith.constant 1 : i32
        %add3A_249 = arith.addi %mul3A_201, %add3A_248 : i32
        %get3A_250 = arith.index_cast %add3A_249 : i32 to index
        %get3A_251 = arith.constant 0 : index
        %get3A_252 = tpu.vector_load %arg11[%get3A_250, %get3A_251] {strides = array<i32>} : memref<80x128xf32, #tpu.memory_space<vmem>>, vector<16xf32>,
        %mul3A_253 = arith.mulf %get3A_252, %get3A_252 : vector<16xf32>
        %get3A_254 = arith.index_cast %add3A_249 : i32 to index
        %get3A_255 = arith.constant 16 : index
        %get3A_256 = tpu.vector_load %arg11[%get3A_254, %get3A_255] {strides = array<i32>} : memref<80x128xf32, #tpu.memory_space<vmem>>, vector<16xf32>,
        %mul3A_257 = arith.mulf %get3A_256, %get3A_256 : vector<16xf32>
        %add3A_258 = arith.addf %mul3A_253, %mul3A_257 : vector<16xf32>
        %get3A_259 = arith.index_cast %add3A_249 : i32 to index
        %get3A_260 = arith.constant 32 : index
        %get3A_261 = tpu.vector_load %arg11[%get3A_259, %get3A_260] {strides = array<i32>} : memref<80x128xf32, #tpu.memory_space<vmem>>, vector<16xf32>,
        %mul3A_262 = arith.mulf %get3A_261, %get3A_261 : vector<16xf32>
        %add3A_263 = arith.addf %add3A_258, %mul3A_262 : vector<16xf32>
        %get3A_264 = arith.index_cast %add3A_249 : i32 to index
        %get3A_265 = arith.constant 48 : index
        %get3A_266 = tpu.vector_load %arg11[%get3A_264, %get3A_265] {strides = array<i32>} : memref<80x128xf32, #tpu.memory_space<vmem>>, vector<16xf32>,
        %mul3A_267 = arith.mulf %get3A_266, %get3A_266 : vector<16xf32>
        %add3A_268 = arith.addf %add3A_263, %mul3A_267 : vector<16xf32>
        %get3A_269 = arith.index_cast %add3A_249 : i32 to index
        %get3A_270 = arith.constant 64 : index
        %get3A_271 = tpu.vector_load %arg11[%get3A_269, %get3A_270] {strides = array<i32>} : memref<80x128xf32, #tpu.memory_space<vmem>>, vector<16xf32>,
        %mul3A_272 = arith.mulf %get3A_271, %get3A_271 : vector<16xf32>
        %add3A_273 = arith.addf %add3A_268, %mul3A_272 : vector<16xf32>
        %get3A_274 = arith.index_cast %add3A_249 : i32 to index
        %get3A_275 = arith.constant 80 : index
        %get3A_276 = tpu.vector_load %arg11[%get3A_274, %get3A_275] {strides = array<i32>} : memref<80x128xf32, #tpu.memory_space<vmem>>, vector<16xf32>,
        %mul3A_277 = arith.mulf %get3A_276, %get3A_276 : vector<16xf32>
        %add3A_278 = arith.addf %add3A_273, %mul3A_277 : vector<16xf32>
        %get3A_279 = arith.index_cast %add3A_249 : i32 to index
        %get3A_280 = arith.constant 96 : index
        %get3A_281 = tpu.vector_load %arg11[%get3A_279, %get3A_280] {strides = array<i32>} : memref<80x128xf32, #tpu.memory_space<vmem>>, vector<16xf32>,
        %mul3A_282 = arith.mulf %get3A_281, %get3A_281 : vector<16xf32>
        %add3A_283 = arith.addf %add3A_278, %mul3A_282 : vector<16xf32>
        %get3A_284 = arith.index_cast %add3A_249 : i32 to index
        %get3A_285 = arith.constant 112 : index
        %get3A_286 = tpu.vector_load %arg11[%get3A_284, %get3A_285] {strides = array<i32>} : memref<80x128xf32, #tpu.memory_space<vmem>>, vector<16xf32>,
        %mul3A_287 = arith.mulf %get3A_286, %get3A_286 : vector<16xf32>
        %add3A_288 = arith.addf %add3A_283, %mul3A_287 : vector<16xf32>
        %mul3A_289 = arith.constant 16 : i32
        %mul3A_290 = vector.broadcast %mul3A_289 : i32 to vector<16xi32>
        %mul3A_291 = arith.muli %iota3A, %mul3A_290 : vector<16xi32>
        %add3A_292 = arith.constant 1 : i32
        %add3A_293 = vector.broadcast %add3A_292 : i32 to vector<16xi32>
        %add3A_294 = arith.addi %mul3A_291, %add3A_293 : vector<16xi32>
        tpu.vector_store_idx %arg13[%add3A_294], %add3A_288 : memref<256xf32, #tpu.memory_space<vmem>>[vector<16xi32>], vector<16xf32>,
        %add3A_295 = arith.constant 2 : i32
        %add3A_296 = arith.addi %mul3A_201, %add3A_295 : i32
        %get3A_297 = arith.index_cast %add3A_296 : i32 to index
        %get3A_298 = arith.constant 0 : index
        %get3A_299 = tpu.vector_load %arg11[%get3A_297, %get3A_298] {strides = array<i32>} : memref<80x128xf32, #tpu.memory_space<vmem>>, vector<16xf32>,
        %mul3A_300 = arith.mulf %get3A_299, %get3A_299 : vector<16xf32>
        %get3A_301 = arith.index_cast %add3A_296 : i32 to index
        %get3A_302 = arith.constant 16 : index
        %get3A_303 = tpu.vector_load %arg11[%get3A_301, %get3A_302] {strides = array<i32>} : memref<80x128xf32, #tpu.memory_space<vmem>>, vector<16xf32>,
        %mul3A_304 = arith.mulf %get3A_303, %get3A_303 : vector<16xf32>
        %add3A_305 = arith.addf %mul3A_300, %mul3A_304 : vector<16xf32>
        %get3A_306 = arith.index_cast %add3A_296 : i32 to index
        %get3A_307 = arith.constant 32 : index
        %get3A_308 = tpu.vector_load %arg11[%get3A_306, %get3A_307] {strides = array<i32>} : memref<80x128xf32, #tpu.memory_space<vmem>>, vector<16xf32>,
        %mul3A_309 = arith.mulf %get3A_308, %get3A_308 : vector<16xf32>
        %add3A_310 = arith.addf %add3A_305, %mul3A_309 : vector<16xf32>
        %get3A_311 = arith.index_cast %add3A_296 : i32 to index
        %get3A_312 = arith.constant 48 : index
        %get3A_313 = tpu.vector_load %arg11[%get3A_311, %get3A_312] {strides = array<i32>} : memref<80x128xf32, #tpu.memory_space<vmem>>, vector<16xf32>,
        %mul3A_314 = arith.mulf %get3A_313, %get3A_313 : vector<16xf32>
        %add3A_315 = arith.addf %add3A_310, %mul3A_314 : vector<16xf32>
        %get3A_316 = arith.index_cast %add3A_296 : i32 to index
        %get3A_317 = arith.constant 64 : index
        %get3A_318 = tpu.vector_load %arg11[%get3A_316, %get3A_317] {strides = array<i32>} : memref<80x128xf32, #tpu.memory_space<vmem>>, vector<16xf32>,
        %mul3A_319 = arith.mulf %get3A_318, %get3A_318 : vector<16xf32>
        %add3A_320 = arith.addf %add3A_315, %mul3A_319 : vector<16xf32>
        %get3A_321 = arith.index_cast %add3A_296 : i32 to index
        %get3A_322 = arith.constant 80 : index
        %get3A_323 = tpu.vector_load %arg11[%get3A_321, %get3A_322] {strides = array<i32>} : memref<80x128xf32, #tpu.memory_space<vmem>>, vector<16xf32>,
        %mul3A_324 = arith.mulf %get3A_323, %get3A_323 : vector<16xf32>
        %add3A_325 = arith.addf %add3A_320, %mul3A_324 : vector<16xf32>
        %get3A_326 = arith.index_cast %add3A_296 : i32 to index
        %get3A_327 = arith.constant 96 : index
        %get3A_328 = tpu.vector_load %arg11[%get3A_326, %get3A_327] {strides = array<i32>} : memref<80x128xf32, #tpu.memory_space<vmem>>, vector<16xf32>,
        %mul3A_329 = arith.mulf %get3A_328, %get3A_328 : vector<16xf32>
        %add3A_330 = arith.addf %add3A_325, %mul3A_329 : vector<16xf32>
        %get3A_331 = arith.index_cast %add3A_296 : i32 to index
        %get3A_332 = arith.constant 112 : index
        %get3A_333 = tpu.vector_load %arg11[%get3A_331, %get3A_332] {strides = array<i32>} : memref<80x128xf32, #tpu.memory_space<vmem>>, vector<16xf32>,
        %mul3A_334 = arith.mulf %get3A_333, %get3A_333 : vector<16xf32>
        %add3A_335 = arith.addf %add3A_330, %mul3A_334 : vector<16xf32>
        %mul3A_336 = arith.constant 16 : i32
        %mul3A_337 = vector.broadcast %mul3A_336 : i32 to vector<16xi32>
        %mul3A_338 = arith.muli %iota3A, %mul3A_337 : vector<16xi32>
        %add3A_339 = arith.constant 2 : i32
        %add3A_340 = vector.broadcast %add3A_339 : i32 to vector<16xi32>
        %add3A_341 = arith.addi %mul3A_338, %add3A_340 : vector<16xi32>
        tpu.vector_store_idx %arg13[%add3A_341], %add3A_335 : memref<256xf32, #tpu.memory_space<vmem>>[vector<16xi32>], vector<16xf32>,
        %add3A_342 = arith.constant 3 : i32
        %add3A_343 = arith.addi %mul3A_201, %add3A_342 : i32
        %get3A_344 = arith.index_cast %add3A_343 : i32 to index
        %get3A_345 = arith.constant 0 : index
        %get3A_346 = tpu.vector_load %arg11[%get3A_344, %get3A_345] {strides = array<i32>} : memref<80x128xf32, #tpu.memory_space<vmem>>, vector<16xf32>,
        %mul3A_347 = arith.mulf %get3A_346, %get3A_346 : vector<16xf32>
        %get3A_348 = arith.index_cast %add3A_343 : i32 to index
        %get3A_349 = arith.constant 16 : index
        %get3A_350 = tpu.vector_load %arg11[%get3A_348, %get3A_349] {strides = array<i32>} : memref<80x128xf32, #tpu.memory_space<vmem>>, vector<16xf32>,
        %mul3A_351 = arith.mulf %get3A_350, %get3A_350 : vector<16xf32>
        %add3A_352 = arith.addf %mul3A_347, %mul3A_351 : vector<16xf32>
        %get3A_353 = arith.index_cast %add3A_343 : i32 to index
        %get3A_354 = arith.constant 32 : index
        %get3A_355 = tpu.vector_load %arg11[%get3A_353, %get3A_354] {strides = array<i32>} : memref<80x128xf32, #tpu.memory_space<vmem>>, vector<16xf32>,
        %mul3A_356 = arith.mulf %get3A_355, %get3A_355 : vector<16xf32>
        %add3A_357 = arith.addf %add3A_352, %mul3A_356 : vector<16xf32>
        %get3A_358 = arith.index_cast %add3A_343 : i32 to index
        %get3A_359 = arith.constant 48 : index
        %get3A_360 = tpu.vector_load %arg11[%get3A_358, %get3A_359] {strides = array<i32>} : memref<80x128xf32, #tpu.memory_space<vmem>>, vector<16xf32>,
        %mul3A_361 = arith.mulf %get3A_360, %get3A_360 : vector<16xf32>
        %add3A_362 = arith.addf %add3A_357, %mul3A_361 : vector<16xf32>
        %get3A_363 = arith.index_cast %add3A_343 : i32 to index
        %get3A_364 = arith.constant 64 : index
        %get3A_365 = tpu.vector_load %arg11[%get3A_363, %get3A_364] {strides = array<i32>} : memref<80x128xf32, #tpu.memory_space<vmem>>, vector<16xf32>,
        %mul3A_366 = arith.mulf %get3A_365, %get3A_365 : vector<16xf32>
        %add3A_367 = arith.addf %add3A_362, %mul3A_366 : vector<16xf32>
        %get3A_368 = arith.index_cast %add3A_343 : i32 to index
        %get3A_369 = arith.constant 80 : index
        %get3A_370 = tpu.vector_load %arg11[%get3A_368, %get3A_369] {strides = array<i32>} : memref<80x128xf32, #tpu.memory_space<vmem>>, vector<16xf32>,
        %mul3A_371 = arith.mulf %get3A_370, %get3A_370 : vector<16xf32>
        %add3A_372 = arith.addf %add3A_367, %mul3A_371 : vector<16xf32>
        %get3A_373 = arith.index_cast %add3A_343 : i32 to index
        %get3A_374 = arith.constant 96 : index
        %get3A_375 = tpu.vector_load %arg11[%get3A_373, %get3A_374] {strides = array<i32>} : memref<80x128xf32, #tpu.memory_space<vmem>>, vector<16xf32>,
        %mul3A_376 = arith.mulf %get3A_375, %get3A_375 : vector<16xf32>
        %add3A_377 = arith.addf %add3A_372, %mul3A_376 : vector<16xf32>
        %get3A_378 = arith.index_cast %add3A_343 : i32 to index
        %get3A_379 = arith.constant 112 : index
        %get3A_380 = tpu.vector_load %arg11[%get3A_378, %get3A_379] {strides = array<i32>} : memref<80x128xf32, #tpu.memory_space<vmem>>, vector<16xf32>,
        %mul3A_381 = arith.mulf %get3A_380, %get3A_380 : vector<16xf32>
        %add3A_382 = arith.addf %add3A_377, %mul3A_381 : vector<16xf32>
        %mul3A_383 = arith.constant 16 : i32
        %mul3A_384 = vector.broadcast %mul3A_383 : i32 to vector<16xi32>
        %mul3A_385 = arith.muli %iota3A, %mul3A_384 : vector<16xi32>
        %add3A_386 = arith.constant 3 : i32
        %add3A_387 = vector.broadcast %add3A_386 : i32 to vector<16xi32>
        %add3A_388 = arith.addi %mul3A_385, %add3A_387 : vector<16xi32>
        tpu.vector_store_idx %arg13[%add3A_388], %add3A_382 : memref<256xf32, #tpu.memory_space<vmem>>[vector<16xi32>], vector<16xf32>,
        %add3A_389 = arith.constant 4 : i32
        %add3A_390 = arith.addi %mul3A_201, %add3A_389 : i32
        %get3A_391 = arith.index_cast %add3A_390 : i32 to index
        %get3A_392 = arith.constant 0 : index
        %get3A_393 = tpu.vector_load %arg11[%get3A_391, %get3A_392] {strides = array<i32>} : memref<80x128xf32, #tpu.memory_space<vmem>>, vector<16xf32>,
        %mul3A_394 = arith.mulf %get3A_393, %get3A_393 : vector<16xf32>
        %get3A_395 = arith.index_cast %add3A_390 : i32 to index
        %get3A_396 = arith.constant 16 : index
        %get3A_397 = tpu.vector_load %arg11[%get3A_395, %get3A_396] {strides = array<i32>} : memref<80x128xf32, #tpu.memory_space<vmem>>, vector<16xf32>,
        %mul3A_398 = arith.mulf %get3A_397, %get3A_397 : vector<16xf32>
        %add3A_399 = arith.addf %mul3A_394, %mul3A_398 : vector<16xf32>
        %get3A_400 = arith.index_cast %add3A_390 : i32 to index
        %get3A_401 = arith.constant 32 : index
        %get3A_402 = tpu.vector_load %arg11[%get3A_400, %get3A_401] {strides = array<i32>} : memref<80x128xf32, #tpu.memory_space<vmem>>, vector<16xf32>,
        %mul3A_403 = arith.mulf %get3A_402, %get3A_402 : vector<16xf32>
        %add3A_404 = arith.addf %add3A_399, %mul3A_403 : vector<16xf32>
        %get3A_405 = arith.index_cast %add3A_390 : i32 to index
        %get3A_406 = arith.constant 48 : index
        %get3A_407 = tpu.vector_load %arg11[%get3A_405, %get3A_406] {strides = array<i32>} : memref<80x128xf32, #tpu.memory_space<vmem>>, vector<16xf32>,
        %mul3A_408 = arith.mulf %get3A_407, %get3A_407 : vector<16xf32>
        %add3A_409 = arith.addf %add3A_404, %mul3A_408 : vector<16xf32>
        %get3A_410 = arith.index_cast %add3A_390 : i32 to index
        %get3A_411 = arith.constant 64 : index
        %get3A_412 = tpu.vector_load %arg11[%get3A_410, %get3A_411] {strides = array<i32>} : memref<80x128xf32, #tpu.memory_space<vmem>>, vector<16xf32>,
        %mul3A_413 = arith.mulf %get3A_412, %get3A_412 : vector<16xf32>
        %add3A_414 = arith.addf %add3A_409, %mul3A_413 : vector<16xf32>
        %get3A_415 = arith.index_cast %add3A_390 : i32 to index
        %get3A_416 = arith.constant 80 : index
        %get3A_417 = tpu.vector_load %arg11[%get3A_415, %get3A_416] {strides = array<i32>} : memref<80x128xf32, #tpu.memory_space<vmem>>, vector<16xf32>,
        %mul3A_418 = arith.mulf %get3A_417, %get3A_417 : vector<16xf32>
        %add3A_419 = arith.addf %add3A_414, %mul3A_418 : vector<16xf32>
        %get3A_420 = arith.index_cast %add3A_390 : i32 to index
        %get3A_421 = arith.constant 96 : index
        %get3A_422 = tpu.vector_load %arg11[%get3A_420, %get3A_421] {strides = array<i32>} : memref<80x128xf32, #tpu.memory_space<vmem>>, vector<16xf32>,
        %mul3A_423 = arith.mulf %get3A_422, %get3A_422 : vector<16xf32>
        %add3A_424 = arith.addf %add3A_419, %mul3A_423 : vector<16xf32>
        %get3A_425 = arith.index_cast %add3A_390 : i32 to index
        %get3A_426 = arith.constant 112 : index
        %get3A_427 = tpu.vector_load %arg11[%get3A_425, %get3A_426] {strides = array<i32>} : memref<80x128xf32, #tpu.memory_space<vmem>>, vector<16xf32>,
        %mul3A_428 = arith.mulf %get3A_427, %get3A_427 : vector<16xf32>
        %add3A_429 = arith.addf %add3A_424, %mul3A_428 : vector<16xf32>
        %mul3A_430 = arith.constant 16 : i32
        %mul3A_431 = vector.broadcast %mul3A_430 : i32 to vector<16xi32>
        %mul3A_432 = arith.muli %iota3A, %mul3A_431 : vector<16xi32>
        %add3A_433 = arith.constant 4 : i32
        %add3A_434 = vector.broadcast %add3A_433 : i32 to vector<16xi32>
        %add3A_435 = arith.addi %mul3A_432, %add3A_434 : vector<16xi32>
        tpu.vector_store_idx %arg13[%add3A_435], %add3A_429 : memref<256xf32, #tpu.memory_space<vmem>>[vector<16xi32>], vector<16xf32>,
        %add3A_436 = arith.constant 5 : i32
        %add3A_437 = arith.addi %mul3A_201, %add3A_436 : i32
        %get3A_438 = arith.index_cast %add3A_437 : i32 to index
        %get3A_439 = arith.constant 0 : index
        %get3A_440 = tpu.vector_load %arg11[%get3A_438, %get3A_439] {strides = array<i32>} : memref<80x128xf32, #tpu.memory_space<vmem>>, vector<16xf32>,
        %mul3A_441 = arith.mulf %get3A_440, %get3A_440 : vector<16xf32>
        %get3A_442 = arith.index_cast %add3A_437 : i32 to index
        %get3A_443 = arith.constant 16 : index
        %get3A_444 = tpu.vector_load %arg11[%get3A_442, %get3A_443] {strides = array<i32>} : memref<80x128xf32, #tpu.memory_space<vmem>>, vector<16xf32>,
        %mul3A_445 = arith.mulf %get3A_444, %get3A_444 : vector<16xf32>
        %add3A_446 = arith.addf %mul3A_441, %mul3A_445 : vector<16xf32>
        %get3A_447 = arith.index_cast %add3A_437 : i32 to index
        %get3A_448 = arith.constant 32 : index
        %get3A_449 = tpu.vector_load %arg11[%get3A_447, %get3A_448] {strides = array<i32>} : memref<80x128xf32, #tpu.memory_space<vmem>>, vector<16xf32>,
        %mul3A_450 = arith.mulf %get3A_449, %get3A_449 : vector<16xf32>
        %add3A_451 = arith.addf %add3A_446, %mul3A_450 : vector<16xf32>
        %get3A_452 = arith.index_cast %add3A_437 : i32 to index
        %get3A_453 = arith.constant 48 : index
        %get3A_454 = tpu.vector_load %arg11[%get3A_452, %get3A_453] {strides = array<i32>} : memref<80x128xf32, #tpu.memory_space<vmem>>, vector<16xf32>,
        %mul3A_455 = arith.mulf %get3A_454, %get3A_454 : vector<16xf32>
        %add3A_456 = arith.addf %add3A_451, %mul3A_455 : vector<16xf32>
        %get3A_457 = arith.index_cast %add3A_437 : i32 to index
        %get3A_458 = arith.constant 64 : index
        %get3A_459 = tpu.vector_load %arg11[%get3A_457, %get3A_458] {strides = array<i32>} : memref<80x128xf32, #tpu.memory_space<vmem>>, vector<16xf32>,
        %mul3A_460 = arith.mulf %get3A_459, %get3A_459 : vector<16xf32>
        %add3A_461 = arith.addf %add3A_456, %mul3A_460 : vector<16xf32>
        %get3A_462 = arith.index_cast %add3A_437 : i32 to index
        %get3A_463 = arith.constant 80 : index
        %get3A_464 = tpu.vector_load %arg11[%get3A_462, %get3A_463] {strides = array<i32>} : memref<80x128xf32, #tpu.memory_space<vmem>>, vector<16xf32>,
        %mul3A_465 = arith.mulf %get3A_464, %get3A_464 : vector<16xf32>
        %add3A_466 = arith.addf %add3A_461, %mul3A_465 : vector<16xf32>
        %get3A_467 = arith.index_cast %add3A_437 : i32 to index
        %get3A_468 = arith.constant 96 : index
        %get3A_469 = tpu.vector_load %arg11[%get3A_467, %get3A_468] {strides = array<i32>} : memref<80x128xf32, #tpu.memory_space<vmem>>, vector<16xf32>,
        %mul3A_470 = arith.mulf %get3A_469, %get3A_469 : vector<16xf32>
        %add3A_471 = arith.addf %add3A_466, %mul3A_470 : vector<16xf32>
        %get3A_472 = arith.index_cast %add3A_437 : i32 to index
        %get3A_473 = arith.constant 112 : index
        %get3A_474 = tpu.vector_load %arg11[%get3A_472, %get3A_473] {strides = array<i32>} : memref<80x128xf32, #tpu.memory_space<vmem>>, vector<16xf32>,
        %mul3A_475 = arith.mulf %get3A_474, %get3A_474 : vector<16xf32>
        %add3A_476 = arith.addf %add3A_471, %mul3A_475 : vector<16xf32>
        %mul3A_477 = arith.constant 16 : i32
        %mul3A_478 = vector.broadcast %mul3A_477 : i32 to vector<16xi32>
        %mul3A_479 = arith.muli %iota3A, %mul3A_478 : vector<16xi32>
        %add3A_480 = arith.constant 5 : i32
        %add3A_481 = vector.broadcast %add3A_480 : i32 to vector<16xi32>
        %add3A_482 = arith.addi %mul3A_479, %add3A_481 : vector<16xi32>
        tpu.vector_store_idx %arg13[%add3A_482], %add3A_476 : memref<256xf32, #tpu.memory_space<vmem>>[vector<16xi32>], vector<16xf32>,
        %add3A_483 = arith.constant 6 : i32
        %add3A_484 = arith.addi %mul3A_201, %add3A_483 : i32
        %get3A_485 = arith.index_cast %add3A_484 : i32 to index
        %get3A_486 = arith.constant 0 : index
        %get3A_487 = tpu.vector_load %arg11[%get3A_485, %get3A_486] {strides = array<i32>} : memref<80x128xf32, #tpu.memory_space<vmem>>, vector<16xf32>,
        %mul3A_488 = arith.mulf %get3A_487, %get3A_487 : vector<16xf32>
        %get3A_489 = arith.index_cast %add3A_484 : i32 to index
        %get3A_490 = arith.constant 16 : index
        %get3A_491 = tpu.vector_load %arg11[%get3A_489, %get3A_490] {strides = array<i32>} : memref<80x128xf32, #tpu.memory_space<vmem>>, vector<16xf32>,
        %mul3A_492 = arith.mulf %get3A_491, %get3A_491 : vector<16xf32>
        %add3A_493 = arith.addf %mul3A_488, %mul3A_492 : vector<16xf32>
        %get3A_494 = arith.index_cast %add3A_484 : i32 to index
        %get3A_495 = arith.constant 32 : index
        %get3A_496 = tpu.vector_load %arg11[%get3A_494, %get3A_495] {strides = array<i32>} : memref<80x128xf32, #tpu.memory_space<vmem>>, vector<16xf32>,
        %mul3A_497 = arith.mulf %get3A_496, %get3A_496 : vector<16xf32>
        %add3A_498 = arith.addf %add3A_493, %mul3A_497 : vector<16xf32>
        %get3A_499 = arith.index_cast %add3A_484 : i32 to index
        %get3A_500 = arith.constant 48 : index
        %get3A_501 = tpu.vector_load %arg11[%get3A_499, %get3A_500] {strides = array<i32>} : memref<80x128xf32, #tpu.memory_space<vmem>>, vector<16xf32>,
        %mul3A_502 = arith.mulf %get3A_501, %get3A_501 : vector<16xf32>
        %add3A_503 = arith.addf %add3A_498, %mul3A_502 : vector<16xf32>
        %get3A_504 = arith.index_cast %add3A_484 : i32 to index
        %get3A_505 = arith.constant 64 : index
        %get3A_506 = tpu.vector_load %arg11[%get3A_504, %get3A_505] {strides = array<i32>} : memref<80x128xf32, #tpu.memory_space<vmem>>, vector<16xf32>,
        %mul3A_507 = arith.mulf %get3A_506, %get3A_506 : vector<16xf32>
        %add3A_508 = arith.addf %add3A_503, %mul3A_507 : vector<16xf32>
        %get3A_509 = arith.index_cast %add3A_484 : i32 to index
        %get3A_510 = arith.constant 80 : index
        %get3A_511 = tpu.vector_load %arg11[%get3A_509, %get3A_510] {strides = array<i32>} : memref<80x128xf32, #tpu.memory_space<vmem>>, vector<16xf32>,
        %mul3A_512 = arith.mulf %get3A_511, %get3A_511 : vector<16xf32>
        %add3A_513 = arith.addf %add3A_508, %mul3A_512 : vector<16xf32>
        %get3A_514 = arith.index_cast %add3A_484 : i32 to index
        %get3A_515 = arith.constant 96 : index
        %get3A_516 = tpu.vector_load %arg11[%get3A_514, %get3A_515] {strides = array<i32>} : memref<80x128xf32, #tpu.memory_space<vmem>>, vector<16xf32>,
        %mul3A_517 = arith.mulf %get3A_516, %get3A_516 : vector<16xf32>
        %add3A_518 = arith.addf %add3A_513, %mul3A_517 : vector<16xf32>
        %get3A_519 = arith.index_cast %add3A_484 : i32 to index
        %get3A_520 = arith.constant 112 : index
        %get3A_521 = tpu.vector_load %arg11[%get3A_519, %get3A_520] {strides = array<i32>} : memref<80x128xf32, #tpu.memory_space<vmem>>, vector<16xf32>,
        %mul3A_522 = arith.mulf %get3A_521, %get3A_521 : vector<16xf32>
        %add3A_523 = arith.addf %add3A_518, %mul3A_522 : vector<16xf32>
        %mul3A_524 = arith.constant 16 : i32
        %mul3A_525 = vector.broadcast %mul3A_524 : i32 to vector<16xi32>
        %mul3A_526 = arith.muli %iota3A, %mul3A_525 : vector<16xi32>
        %add3A_527 = arith.constant 6 : i32
        %add3A_528 = vector.broadcast %add3A_527 : i32 to vector<16xi32>
        %add3A_529 = arith.addi %mul3A_526, %add3A_528 : vector<16xi32>
        tpu.vector_store_idx %arg13[%add3A_529], %add3A_523 : memref<256xf32, #tpu.memory_space<vmem>>[vector<16xi32>], vector<16xf32>,
        %add3A_530 = arith.constant 7 : i32
        %add3A_531 = arith.addi %mul3A_201, %add3A_530 : i32
        %get3A_532 = arith.index_cast %add3A_531 : i32 to index
        %get3A_533 = arith.constant 0 : index
        %get3A_534 = tpu.vector_load %arg11[%get3A_532, %get3A_533] {strides = array<i32>} : memref<80x128xf32, #tpu.memory_space<vmem>>, vector<16xf32>,
        %mul3A_535 = arith.mulf %get3A_534, %get3A_534 : vector<16xf32>
        %get3A_536 = arith.index_cast %add3A_531 : i32 to index
        %get3A_537 = arith.constant 16 : index
        %get3A_538 = tpu.vector_load %arg11[%get3A_536, %get3A_537] {strides = array<i32>} : memref<80x128xf32, #tpu.memory_space<vmem>>, vector<16xf32>,
        %mul3A_539 = arith.mulf %get3A_538, %get3A_538 : vector<16xf32>
        %add3A_540 = arith.addf %mul3A_535, %mul3A_539 : vector<16xf32>
        %get3A_541 = arith.index_cast %add3A_531 : i32 to index
        %get3A_542 = arith.constant 32 : index
        %get3A_543 = tpu.vector_load %arg11[%get3A_541, %get3A_542] {strides = array<i32>} : memref<80x128xf32, #tpu.memory_space<vmem>>, vector<16xf32>,
        %mul3A_544 = arith.mulf %get3A_543, %get3A_543 : vector<16xf32>
        %add3A_545 = arith.addf %add3A_540, %mul3A_544 : vector<16xf32>
        %get3A_546 = arith.index_cast %add3A_531 : i32 to index
        %get3A_547 = arith.constant 48 : index
        %get3A_548 = tpu.vector_load %arg11[%get3A_546, %get3A_547] {strides = array<i32>} : memref<80x128xf32, #tpu.memory_space<vmem>>, vector<16xf32>,
        %mul3A_549 = arith.mulf %get3A_548, %get3A_548 : vector<16xf32>
        %add3A_550 = arith.addf %add3A_545, %mul3A_549 : vector<16xf32>
        %get3A_551 = arith.index_cast %add3A_531 : i32 to index
        %get3A_552 = arith.constant 64 : index
        %get3A_553 = tpu.vector_load %arg11[%get3A_551, %get3A_552] {strides = array<i32>} : memref<80x128xf32, #tpu.memory_space<vmem>>, vector<16xf32>,
        %mul3A_554 = arith.mulf %get3A_553, %get3A_553 : vector<16xf32>
        %add3A_555 = arith.addf %add3A_550, %mul3A_554 : vector<16xf32>
        %get3A_556 = arith.index_cast %add3A_531 : i32 to index
        %get3A_557 = arith.constant 80 : index
        %get3A_558 = tpu.vector_load %arg11[%get3A_556, %get3A_557] {strides = array<i32>} : memref<80x128xf32, #tpu.memory_space<vmem>>, vector<16xf32>,
        %mul3A_559 = arith.mulf %get3A_558, %get3A_558 : vector<16xf32>
        %add3A_560 = arith.addf %add3A_555, %mul3A_559 : vector<16xf32>
        %get3A_561 = arith.index_cast %add3A_531 : i32 to index
        %get3A_562 = arith.constant 96 : index
        %get3A_563 = tpu.vector_load %arg11[%get3A_561, %get3A_562] {strides = array<i32>} : memref<80x128xf32, #tpu.memory_space<vmem>>, vector<16xf32>,
        %mul3A_564 = arith.mulf %get3A_563, %get3A_563 : vector<16xf32>
        %add3A_565 = arith.addf %add3A_560, %mul3A_564 : vector<16xf32>
        %get3A_566 = arith.index_cast %add3A_531 : i32 to index
        %get3A_567 = arith.constant 112 : index
        %get3A_568 = tpu.vector_load %arg11[%get3A_566, %get3A_567] {strides = array<i32>} : memref<80x128xf32, #tpu.memory_space<vmem>>, vector<16xf32>,
        %mul3A_569 = arith.mulf %get3A_568, %get3A_568 : vector<16xf32>
        %add3A_570 = arith.addf %add3A_565, %mul3A_569 : vector<16xf32>
        %mul3A_571 = arith.constant 16 : i32
        %mul3A_572 = vector.broadcast %mul3A_571 : i32 to vector<16xi32>
        %mul3A_573 = arith.muli %iota3A, %mul3A_572 : vector<16xi32>
        %add3A_574 = arith.constant 7 : i32
        %add3A_575 = vector.broadcast %add3A_574 : i32 to vector<16xi32>
        %add3A_576 = arith.addi %mul3A_573, %add3A_575 : vector<16xi32>
        tpu.vector_store_idx %arg13[%add3A_576], %add3A_570 : memref<256xf32, #tpu.memory_space<vmem>>[vector<16xi32>], vector<16xf32>,
        %add3A_577 = arith.constant 8 : i32
        %add3A_578 = arith.addi %mul3A_201, %add3A_577 : i32
        %get3A_579 = arith.index_cast %add3A_578 : i32 to index
        %get3A_580 = arith.constant 0 : index
        %get3A_581 = tpu.vector_load %arg11[%get3A_579, %get3A_580] {strides = array<i32>} : memref<80x128xf32, #tpu.memory_space<vmem>>, vector<16xf32>,
        %mul3A_582 = arith.mulf %get3A_581, %get3A_581 : vector<16xf32>
        %get3A_583 = arith.index_cast %add3A_578 : i32 to index
        %get3A_584 = arith.constant 16 : index
        %get3A_585 = tpu.vector_load %arg11[%get3A_583, %get3A_584] {strides = array<i32>} : memref<80x128xf32, #tpu.memory_space<vmem>>, vector<16xf32>,
        %mul3A_586 = arith.mulf %get3A_585, %get3A_585 : vector<16xf32>
        %add3A_587 = arith.addf %mul3A_582, %mul3A_586 : vector<16xf32>
        %get3A_588 = arith.index_cast %add3A_578 : i32 to index
        %get3A_589 = arith.constant 32 : index
        %get3A_590 = tpu.vector_load %arg11[%get3A_588, %get3A_589] {strides = array<i32>} : memref<80x128xf32, #tpu.memory_space<vmem>>, vector<16xf32>,
        %mul3A_591 = arith.mulf %get3A_590, %get3A_590 : vector<16xf32>
        %add3A_592 = arith.addf %add3A_587, %mul3A_591 : vector<16xf32>
        %get3A_593 = arith.index_cast %add3A_578 : i32 to index
        %get3A_594 = arith.constant 48 : index
        %get3A_595 = tpu.vector_load %arg11[%get3A_593, %get3A_594] {strides = array<i32>} : memref<80x128xf32, #tpu.memory_space<vmem>>, vector<16xf32>,
        %mul3A_596 = arith.mulf %get3A_595, %get3A_595 : vector<16xf32>
        %add3A_597 = arith.addf %add3A_592, %mul3A_596 : vector<16xf32>
        %get3A_598 = arith.index_cast %add3A_578 : i32 to index
        %get3A_599 = arith.constant 64 : index
        %get3A_600 = tpu.vector_load %arg11[%get3A_598, %get3A_599] {strides = array<i32>} : memref<80x128xf32, #tpu.memory_space<vmem>>, vector<16xf32>,
        %mul3A_601 = arith.mulf %get3A_600, %get3A_600 : vector<16xf32>
        %add3A_602 = arith.addf %add3A_597, %mul3A_601 : vector<16xf32>
        %get3A_603 = arith.index_cast %add3A_578 : i32 to index
        %get3A_604 = arith.constant 80 : index
        %get3A_605 = tpu.vector_load %arg11[%get3A_603, %get3A_604] {strides = array<i32>} : memref<80x128xf32, #tpu.memory_space<vmem>>, vector<16xf32>,
        %mul3A_606 = arith.mulf %get3A_605, %get3A_605 : vector<16xf32>
        %add3A_607 = arith.addf %add3A_602, %mul3A_606 : vector<16xf32>
        %get3A_608 = arith.index_cast %add3A_578 : i32 to index
        %get3A_609 = arith.constant 96 : index
        %get3A_610 = tpu.vector_load %arg11[%get3A_608, %get3A_609] {strides = array<i32>} : memref<80x128xf32, #tpu.memory_space<vmem>>, vector<16xf32>,
        %mul3A_611 = arith.mulf %get3A_610, %get3A_610 : vector<16xf32>
        %add3A_612 = arith.addf %add3A_607, %mul3A_611 : vector<16xf32>
        %get3A_613 = arith.index_cast %add3A_578 : i32 to index
        %get3A_614 = arith.constant 112 : index
        %get3A_615 = tpu.vector_load %arg11[%get3A_613, %get3A_614] {strides = array<i32>} : memref<80x128xf32, #tpu.memory_space<vmem>>, vector<16xf32>,
        %mul3A_616 = arith.mulf %get3A_615, %get3A_615 : vector<16xf32>
        %add3A_617 = arith.addf %add3A_612, %mul3A_616 : vector<16xf32>
        %mul3A_618 = arith.constant 16 : i32
        %mul3A_619 = vector.broadcast %mul3A_618 : i32 to vector<16xi32>
        %mul3A_620 = arith.muli %iota3A, %mul3A_619 : vector<16xi32>
        %add3A_621 = arith.constant 8 : i32
        %add3A_622 = vector.broadcast %add3A_621 : i32 to vector<16xi32>
        %add3A_623 = arith.addi %mul3A_620, %add3A_622 : vector<16xi32>
        tpu.vector_store_idx %arg13[%add3A_623], %add3A_617 : memref<256xf32, #tpu.memory_space<vmem>>[vector<16xi32>], vector<16xf32>,
        %add3A_624 = arith.constant 9 : i32
        %add3A_625 = arith.addi %mul3A_201, %add3A_624 : i32
        %get3A_626 = arith.index_cast %add3A_625 : i32 to index
        %get3A_627 = arith.constant 0 : index
        %get3A_628 = tpu.vector_load %arg11[%get3A_626, %get3A_627] {strides = array<i32>} : memref<80x128xf32, #tpu.memory_space<vmem>>, vector<16xf32>,
        %mul3A_629 = arith.mulf %get3A_628, %get3A_628 : vector<16xf32>
        %get3A_630 = arith.index_cast %add3A_625 : i32 to index
        %get3A_631 = arith.constant 16 : index
        %get3A_632 = tpu.vector_load %arg11[%get3A_630, %get3A_631] {strides = array<i32>} : memref<80x128xf32, #tpu.memory_space<vmem>>, vector<16xf32>,
        %mul3A_633 = arith.mulf %get3A_632, %get3A_632 : vector<16xf32>
        %add3A_634 = arith.addf %mul3A_629, %mul3A_633 : vector<16xf32>
        %get3A_635 = arith.index_cast %add3A_625 : i32 to index
        %get3A_636 = arith.constant 32 : index
        %get3A_637 = tpu.vector_load %arg11[%get3A_635, %get3A_636] {strides = array<i32>} : memref<80x128xf32, #tpu.memory_space<vmem>>, vector<16xf32>,
        %mul3A_638 = arith.mulf %get3A_637, %get3A_637 : vector<16xf32>
        %add3A_639 = arith.addf %add3A_634, %mul3A_638 : vector<16xf32>
        %get3A_640 = arith.index_cast %add3A_625 : i32 to index
        %get3A_641 = arith.constant 48 : index
        %get3A_642 = tpu.vector_load %arg11[%get3A_640, %get3A_641] {strides = array<i32>} : memref<80x128xf32, #tpu.memory_space<vmem>>, vector<16xf32>,
        %mul3A_643 = arith.mulf %get3A_642, %get3A_642 : vector<16xf32>
        %add3A_644 = arith.addf %add3A_639, %mul3A_643 : vector<16xf32>
        %get3A_645 = arith.index_cast %add3A_625 : i32 to index
        %get3A_646 = arith.constant 64 : index
        %get3A_647 = tpu.vector_load %arg11[%get3A_645, %get3A_646] {strides = array<i32>} : memref<80x128xf32, #tpu.memory_space<vmem>>, vector<16xf32>,
        %mul3A_648 = arith.mulf %get3A_647, %get3A_647 : vector<16xf32>
        %add3A_649 = arith.addf %add3A_644, %mul3A_648 : vector<16xf32>
        %get3A_650 = arith.index_cast %add3A_625 : i32 to index
        %get3A_651 = arith.constant 80 : index
        %get3A_652 = tpu.vector_load %arg11[%get3A_650, %get3A_651] {strides = array<i32>} : memref<80x128xf32, #tpu.memory_space<vmem>>, vector<16xf32>,
        %mul3A_653 = arith.mulf %get3A_652, %get3A_652 : vector<16xf32>
        %add3A_654 = arith.addf %add3A_649, %mul3A_653 : vector<16xf32>
        %get3A_655 = arith.index_cast %add3A_625 : i32 to index
        %get3A_656 = arith.constant 96 : index
        %get3A_657 = tpu.vector_load %arg11[%get3A_655, %get3A_656] {strides = array<i32>} : memref<80x128xf32, #tpu.memory_space<vmem>>, vector<16xf32>,
        %mul3A_658 = arith.mulf %get3A_657, %get3A_657 : vector<16xf32>
        %add3A_659 = arith.addf %add3A_654, %mul3A_658 : vector<16xf32>
        %get3A_660 = arith.index_cast %add3A_625 : i32 to index
        %get3A_661 = arith.constant 112 : index
        %get3A_662 = tpu.vector_load %arg11[%get3A_660, %get3A_661] {strides = array<i32>} : memref<80x128xf32, #tpu.memory_space<vmem>>, vector<16xf32>,
        %mul3A_663 = arith.mulf %get3A_662, %get3A_662 : vector<16xf32>
        %add3A_664 = arith.addf %add3A_659, %mul3A_663 : vector<16xf32>
        %mul3A_665 = arith.constant 16 : i32
        %mul3A_666 = vector.broadcast %mul3A_665 : i32 to vector<16xi32>
        %mul3A_667 = arith.muli %iota3A, %mul3A_666 : vector<16xi32>
        %add3A_668 = arith.constant 9 : i32
        %add3A_669 = vector.broadcast %add3A_668 : i32 to vector<16xi32>
        %add3A_670 = arith.addi %mul3A_667, %add3A_669 : vector<16xi32>
        tpu.vector_store_idx %arg13[%add3A_670], %add3A_664 : memref<256xf32, #tpu.memory_space<vmem>>[vector<16xi32>], vector<16xf32>,
        %add3A_671 = arith.constant 10 : i32
        %add3A_672 = arith.addi %mul3A_201, %add3A_671 : i32
        %get3A_673 = arith.index_cast %add3A_672 : i32 to index
        %get3A_674 = arith.constant 0 : index
        %get3A_675 = tpu.vector_load %arg11[%get3A_673, %get3A_674] {strides = array<i32>} : memref<80x128xf32, #tpu.memory_space<vmem>>, vector<16xf32>,
        %mul3A_676 = arith.mulf %get3A_675, %get3A_675 : vector<16xf32>
        %get3A_677 = arith.index_cast %add3A_672 : i32 to index
        %get3A_678 = arith.constant 16 : index
        %get3A_679 = tpu.vector_load %arg11[%get3A_677, %get3A_678] {strides = array<i32>} : memref<80x128xf32, #tpu.memory_space<vmem>>, vector<16xf32>,
        %mul3A_680 = arith.mulf %get3A_679, %get3A_679 : vector<16xf32>
        %add3A_681 = arith.addf %mul3A_676, %mul3A_680 : vector<16xf32>
        %get3A_682 = arith.index_cast %add3A_672 : i32 to index
        %get3A_683 = arith.constant 32 : index
        %get3A_684 = tpu.vector_load %arg11[%get3A_682, %get3A_683] {strides = array<i32>} : memref<80x128xf32, #tpu.memory_space<vmem>>, vector<16xf32>,
        %mul3A_685 = arith.mulf %get3A_684, %get3A_684 : vector<16xf32>
        %add3A_686 = arith.addf %add3A_681, %mul3A_685 : vector<16xf32>
        %get3A_687 = arith.index_cast %add3A_672 : i32 to index
        %get3A_688 = arith.constant 48 : index
        %get3A_689 = tpu.vector_load %arg11[%get3A_687, %get3A_688] {strides = array<i32>} : memref<80x128xf32, #tpu.memory_space<vmem>>, vector<16xf32>,
        %mul3A_690 = arith.mulf %get3A_689, %get3A_689 : vector<16xf32>
        %add3A_691 = arith.addf %add3A_686, %mul3A_690 : vector<16xf32>
        %get3A_692 = arith.index_cast %add3A_672 : i32 to index
        %get3A_693 = arith.constant 64 : index
        %get3A_694 = tpu.vector_load %arg11[%get3A_692, %get3A_693] {strides = array<i32>} : memref<80x128xf32, #tpu.memory_space<vmem>>, vector<16xf32>,
        %mul3A_695 = arith.mulf %get3A_694, %get3A_694 : vector<16xf32>
        %add3A_696 = arith.addf %add3A_691, %mul3A_695 : vector<16xf32>
        %get3A_697 = arith.index_cast %add3A_672 : i32 to index
        %get3A_698 = arith.constant 80 : index
        %get3A_699 = tpu.vector_load %arg11[%get3A_697, %get3A_698] {strides = array<i32>} : memref<80x128xf32, #tpu.memory_space<vmem>>, vector<16xf32>,
        %mul3A_700 = arith.mulf %get3A_699, %get3A_699 : vector<16xf32>
        %add3A_701 = arith.addf %add3A_696, %mul3A_700 : vector<16xf32>
        %get3A_702 = arith.index_cast %add3A_672 : i32 to index
        %get3A_703 = arith.constant 96 : index
        %get3A_704 = tpu.vector_load %arg11[%get3A_702, %get3A_703] {strides = array<i32>} : memref<80x128xf32, #tpu.memory_space<vmem>>, vector<16xf32>,
        %mul3A_705 = arith.mulf %get3A_704, %get3A_704 : vector<16xf32>
        %add3A_706 = arith.addf %add3A_701, %mul3A_705 : vector<16xf32>
        %get3A_707 = arith.index_cast %add3A_672 : i32 to index
        %get3A_708 = arith.constant 112 : index
        %get3A_709 = tpu.vector_load %arg11[%get3A_707, %get3A_708] {strides = array<i32>} : memref<80x128xf32, #tpu.memory_space<vmem>>, vector<16xf32>,
        %mul3A_710 = arith.mulf %get3A_709, %get3A_709 : vector<16xf32>
        %add3A_711 = arith.addf %add3A_706, %mul3A_710 : vector<16xf32>
        %mul3A_712 = arith.constant 16 : i32
        %mul3A_713 = vector.broadcast %mul3A_712 : i32 to vector<16xi32>
        %mul3A_714 = arith.muli %iota3A, %mul3A_713 : vector<16xi32>
        %add3A_715 = arith.constant 10 : i32
        %add3A_716 = vector.broadcast %add3A_715 : i32 to vector<16xi32>
        %add3A_717 = arith.addi %mul3A_714, %add3A_716 : vector<16xi32>
        tpu.vector_store_idx %arg13[%add3A_717], %add3A_711 : memref<256xf32, #tpu.memory_space<vmem>>[vector<16xi32>], vector<16xf32>,
        %add3A_718 = arith.constant 11 : i32
        %add3A_719 = arith.addi %mul3A_201, %add3A_718 : i32
        %get3A_720 = arith.index_cast %add3A_719 : i32 to index
        %get3A_721 = arith.constant 0 : index
        %get3A_722 = tpu.vector_load %arg11[%get3A_720, %get3A_721] {strides = array<i32>} : memref<80x128xf32, #tpu.memory_space<vmem>>, vector<16xf32>,
        %mul3A_723 = arith.mulf %get3A_722, %get3A_722 : vector<16xf32>
        %get3A_724 = arith.index_cast %add3A_719 : i32 to index
        %get3A_725 = arith.constant 16 : index
        %get3A_726 = tpu.vector_load %arg11[%get3A_724, %get3A_725] {strides = array<i32>} : memref<80x128xf32, #tpu.memory_space<vmem>>, vector<16xf32>,
        %mul3A_727 = arith.mulf %get3A_726, %get3A_726 : vector<16xf32>
        %add3A_728 = arith.addf %mul3A_723, %mul3A_727 : vector<16xf32>
        %get3A_729 = arith.index_cast %add3A_719 : i32 to index
        %get3A_730 = arith.constant 32 : index
        %get3A_731 = tpu.vector_load %arg11[%get3A_729, %get3A_730] {strides = array<i32>} : memref<80x128xf32, #tpu.memory_space<vmem>>, vector<16xf32>,
        %mul3A_732 = arith.mulf %get3A_731, %get3A_731 : vector<16xf32>
        %add3A_733 = arith.addf %add3A_728, %mul3A_732 : vector<16xf32>
        %get3A_734 = arith.index_cast %add3A_719 : i32 to index
        %get3A_735 = arith.constant 48 : index
        %get3A_736 = tpu.vector_load %arg11[%get3A_734, %get3A_735] {strides = array<i32>} : memref<80x128xf32, #tpu.memory_space<vmem>>, vector<16xf32>,
        %mul3A_737 = arith.mulf %get3A_736, %get3A_736 : vector<16xf32>
        %add3A_738 = arith.addf %add3A_733, %mul3A_737 : vector<16xf32>
        %get3A_739 = arith.index_cast %add3A_719 : i32 to index
        %get3A_740 = arith.constant 64 : index
        %get3A_741 = tpu.vector_load %arg11[%get3A_739, %get3A_740] {strides = array<i32>} : memref<80x128xf32, #tpu.memory_space<vmem>>, vector<16xf32>,
        %mul3A_742 = arith.mulf %get3A_741, %get3A_741 : vector<16xf32>
        %add3A_743 = arith.addf %add3A_738, %mul3A_742 : vector<16xf32>
        %get3A_744 = arith.index_cast %add3A_719 : i32 to index
        %get3A_745 = arith.constant 80 : index
        %get3A_746 = tpu.vector_load %arg11[%get3A_744, %get3A_745] {strides = array<i32>} : memref<80x128xf32, #tpu.memory_space<vmem>>, vector<16xf32>,
        %mul3A_747 = arith.mulf %get3A_746, %get3A_746 : vector<16xf32>
        %add3A_748 = arith.addf %add3A_743, %mul3A_747 : vector<16xf32>
        %get3A_749 = arith.index_cast %add3A_719 : i32 to index
        %get3A_750 = arith.constant 96 : index
        %get3A_751 = tpu.vector_load %arg11[%get3A_749, %get3A_750] {strides = array<i32>} : memref<80x128xf32, #tpu.memory_space<vmem>>, vector<16xf32>,
        %mul3A_752 = arith.mulf %get3A_751, %get3A_751 : vector<16xf32>
        %add3A_753 = arith.addf %add3A_748, %mul3A_752 : vector<16xf32>
        %get3A_754 = arith.index_cast %add3A_719 : i32 to index
        %get3A_755 = arith.constant 112 : index
        %get3A_756 = tpu.vector_load %arg11[%get3A_754, %get3A_755] {strides = array<i32>} : memref<80x128xf32, #tpu.memory_space<vmem>>, vector<16xf32>,
        %mul3A_757 = arith.mulf %get3A_756, %get3A_756 : vector<16xf32>
        %add3A_758 = arith.addf %add3A_753, %mul3A_757 : vector<16xf32>
        %mul3A_759 = arith.constant 16 : i32
        %mul3A_760 = vector.broadcast %mul3A_759 : i32 to vector<16xi32>
        %mul3A_761 = arith.muli %iota3A, %mul3A_760 : vector<16xi32>
        %add3A_762 = arith.constant 11 : i32
        %add3A_763 = vector.broadcast %add3A_762 : i32 to vector<16xi32>
        %add3A_764 = arith.addi %mul3A_761, %add3A_763 : vector<16xi32>
        tpu.vector_store_idx %arg13[%add3A_764], %add3A_758 : memref<256xf32, #tpu.memory_space<vmem>>[vector<16xi32>], vector<16xf32>,
        %add3A_765 = arith.constant 12 : i32
        %add3A_766 = arith.addi %mul3A_201, %add3A_765 : i32
        %get3A_767 = arith.index_cast %add3A_766 : i32 to index
        %get3A_768 = arith.constant 0 : index
        %get3A_769 = tpu.vector_load %arg11[%get3A_767, %get3A_768] {strides = array<i32>} : memref<80x128xf32, #tpu.memory_space<vmem>>, vector<16xf32>,
        %mul3A_770 = arith.mulf %get3A_769, %get3A_769 : vector<16xf32>
        %get3A_771 = arith.index_cast %add3A_766 : i32 to index
        %get3A_772 = arith.constant 16 : index
        %get3A_773 = tpu.vector_load %arg11[%get3A_771, %get3A_772] {strides = array<i32>} : memref<80x128xf32, #tpu.memory_space<vmem>>, vector<16xf32>,
        %mul3A_774 = arith.mulf %get3A_773, %get3A_773 : vector<16xf32>
        %add3A_775 = arith.addf %mul3A_770, %mul3A_774 : vector<16xf32>
        %get3A_776 = arith.index_cast %add3A_766 : i32 to index
        %get3A_777 = arith.constant 32 : index
        %get3A_778 = tpu.vector_load %arg11[%get3A_776, %get3A_777] {strides = array<i32>} : memref<80x128xf32, #tpu.memory_space<vmem>>, vector<16xf32>,
        %mul3A_779 = arith.mulf %get3A_778, %get3A_778 : vector<16xf32>
        %add3A_780 = arith.addf %add3A_775, %mul3A_779 : vector<16xf32>
        %get3A_781 = arith.index_cast %add3A_766 : i32 to index
        %get3A_782 = arith.constant 48 : index
        %get3A_783 = tpu.vector_load %arg11[%get3A_781, %get3A_782] {strides = array<i32>} : memref<80x128xf32, #tpu.memory_space<vmem>>, vector<16xf32>,
        %mul3A_784 = arith.mulf %get3A_783, %get3A_783 : vector<16xf32>
        %add3A_785 = arith.addf %add3A_780, %mul3A_784 : vector<16xf32>
        %get3A_786 = arith.index_cast %add3A_766 : i32 to index
        %get3A_787 = arith.constant 64 : index
        %get3A_788 = tpu.vector_load %arg11[%get3A_786, %get3A_787] {strides = array<i32>} : memref<80x128xf32, #tpu.memory_space<vmem>>, vector<16xf32>,
        %mul3A_789 = arith.mulf %get3A_788, %get3A_788 : vector<16xf32>
        %add3A_790 = arith.addf %add3A_785, %mul3A_789 : vector<16xf32>
        %get3A_791 = arith.index_cast %add3A_766 : i32 to index
        %get3A_792 = arith.constant 80 : index
        %get3A_793 = tpu.vector_load %arg11[%get3A_791, %get3A_792] {strides = array<i32>} : memref<80x128xf32, #tpu.memory_space<vmem>>, vector<16xf32>,
        %mul3A_794 = arith.mulf %get3A_793, %get3A_793 : vector<16xf32>
        %add3A_795 = arith.addf %add3A_790, %mul3A_794 : vector<16xf32>
        %get3A_796 = arith.index_cast %add3A_766 : i32 to index
        %get3A_797 = arith.constant 96 : index
        %get3A_798 = tpu.vector_load %arg11[%get3A_796, %get3A_797] {strides = array<i32>} : memref<80x128xf32, #tpu.memory_space<vmem>>, vector<16xf32>,
        %mul3A_799 = arith.mulf %get3A_798, %get3A_798 : vector<16xf32>
        %add3A_800 = arith.addf %add3A_795, %mul3A_799 : vector<16xf32>
        %get3A_801 = arith.index_cast %add3A_766 : i32 to index
        %get3A_802 = arith.constant 112 : index
        %get3A_803 = tpu.vector_load %arg11[%get3A_801, %get3A_802] {strides = array<i32>} : memref<80x128xf32, #tpu.memory_space<vmem>>, vector<16xf32>,
        %mul3A_804 = arith.mulf %get3A_803, %get3A_803 : vector<16xf32>
        %add3A_805 = arith.addf %add3A_800, %mul3A_804 : vector<16xf32>
        %mul3A_806 = arith.constant 16 : i32
        %mul3A_807 = vector.broadcast %mul3A_806 : i32 to vector<16xi32>
        %mul3A_808 = arith.muli %iota3A, %mul3A_807 : vector<16xi32>
        %add3A_809 = arith.constant 12 : i32
        %add3A_810 = vector.broadcast %add3A_809 : i32 to vector<16xi32>
        %add3A_811 = arith.addi %mul3A_808, %add3A_810 : vector<16xi32>
        tpu.vector_store_idx %arg13[%add3A_811], %add3A_805 : memref<256xf32, #tpu.memory_space<vmem>>[vector<16xi32>], vector<16xf32>,
        %add3A_812 = arith.constant 13 : i32
        %add3A_813 = arith.addi %mul3A_201, %add3A_812 : i32
        %get3A_814 = arith.index_cast %add3A_813 : i32 to index
        %get3A_815 = arith.constant 0 : index
        %get3A_816 = tpu.vector_load %arg11[%get3A_814, %get3A_815] {strides = array<i32>} : memref<80x128xf32, #tpu.memory_space<vmem>>, vector<16xf32>,
        %mul3A_817 = arith.mulf %get3A_816, %get3A_816 : vector<16xf32>
        %get3A_818 = arith.index_cast %add3A_813 : i32 to index
        %get3A_819 = arith.constant 16 : index
        %get3A_820 = tpu.vector_load %arg11[%get3A_818, %get3A_819] {strides = array<i32>} : memref<80x128xf32, #tpu.memory_space<vmem>>, vector<16xf32>,
        %mul3A_821 = arith.mulf %get3A_820, %get3A_820 : vector<16xf32>
        %add3A_822 = arith.addf %mul3A_817, %mul3A_821 : vector<16xf32>
        %get3A_823 = arith.index_cast %add3A_813 : i32 to index
        %get3A_824 = arith.constant 32 : index
        %get3A_825 = tpu.vector_load %arg11[%get3A_823, %get3A_824] {strides = array<i32>} : memref<80x128xf32, #tpu.memory_space<vmem>>, vector<16xf32>,
        %mul3A_826 = arith.mulf %get3A_825, %get3A_825 : vector<16xf32>
        %add3A_827 = arith.addf %add3A_822, %mul3A_826 : vector<16xf32>
        %get3A_828 = arith.index_cast %add3A_813 : i32 to index
        %get3A_829 = arith.constant 48 : index
        %get3A_830 = tpu.vector_load %arg11[%get3A_828, %get3A_829] {strides = array<i32>} : memref<80x128xf32, #tpu.memory_space<vmem>>, vector<16xf32>,
        %mul3A_831 = arith.mulf %get3A_830, %get3A_830 : vector<16xf32>
        %add3A_832 = arith.addf %add3A_827, %mul3A_831 : vector<16xf32>
        %get3A_833 = arith.index_cast %add3A_813 : i32 to index
        %get3A_834 = arith.constant 64 : index
        %get3A_835 = tpu.vector_load %arg11[%get3A_833, %get3A_834] {strides = array<i32>} : memref<80x128xf32, #tpu.memory_space<vmem>>, vector<16xf32>,
        %mul3A_836 = arith.mulf %get3A_835, %get3A_835 : vector<16xf32>
        %add3A_837 = arith.addf %add3A_832, %mul3A_836 : vector<16xf32>
        %get3A_838 = arith.index_cast %add3A_813 : i32 to index
        %get3A_839 = arith.constant 80 : index
        %get3A_840 = tpu.vector_load %arg11[%get3A_838, %get3A_839] {strides = array<i32>} : memref<80x128xf32, #tpu.memory_space<vmem>>, vector<16xf32>,
        %mul3A_841 = arith.mulf %get3A_840, %get3A_840 : vector<16xf32>
        %add3A_842 = arith.addf %add3A_837, %mul3A_841 : vector<16xf32>
        %get3A_843 = arith.index_cast %add3A_813 : i32 to index
        %get3A_844 = arith.constant 96 : index
        %get3A_845 = tpu.vector_load %arg11[%get3A_843, %get3A_844] {strides = array<i32>} : memref<80x128xf32, #tpu.memory_space<vmem>>, vector<16xf32>,
        %mul3A_846 = arith.mulf %get3A_845, %get3A_845 : vector<16xf32>
        %add3A_847 = arith.addf %add3A_842, %mul3A_846 : vector<16xf32>
        %get3A_848 = arith.index_cast %add3A_813 : i32 to index
        %get3A_849 = arith.constant 112 : index
        %get3A_850 = tpu.vector_load %arg11[%get3A_848, %get3A_849] {strides = array<i32>} : memref<80x128xf32, #tpu.memory_space<vmem>>, vector<16xf32>,
        %mul3A_851 = arith.mulf %get3A_850, %get3A_850 : vector<16xf32>
        %add3A_852 = arith.addf %add3A_847, %mul3A_851 : vector<16xf32>
        %mul3A_853 = arith.constant 16 : i32
        %mul3A_854 = vector.broadcast %mul3A_853 : i32 to vector<16xi32>
        %mul3A_855 = arith.muli %iota3A, %mul3A_854 : vector<16xi32>
        %add3A_856 = arith.constant 13 : i32
        %add3A_857 = vector.broadcast %add3A_856 : i32 to vector<16xi32>
        %add3A_858 = arith.addi %mul3A_855, %add3A_857 : vector<16xi32>
        tpu.vector_store_idx %arg13[%add3A_858], %add3A_852 : memref<256xf32, #tpu.memory_space<vmem>>[vector<16xi32>], vector<16xf32>,
        %add3A_859 = arith.constant 14 : i32
        %add3A_860 = arith.addi %mul3A_201, %add3A_859 : i32
        %get3A_861 = arith.index_cast %add3A_860 : i32 to index
        %get3A_862 = arith.constant 0 : index
        %get3A_863 = tpu.vector_load %arg11[%get3A_861, %get3A_862] {strides = array<i32>} : memref<80x128xf32, #tpu.memory_space<vmem>>, vector<16xf32>,
        %mul3A_864 = arith.mulf %get3A_863, %get3A_863 : vector<16xf32>
        %get3A_865 = arith.index_cast %add3A_860 : i32 to index
        %get3A_866 = arith.constant 16 : index
        %get3A_867 = tpu.vector_load %arg11[%get3A_865, %get3A_866] {strides = array<i32>} : memref<80x128xf32, #tpu.memory_space<vmem>>, vector<16xf32>,
        %mul3A_868 = arith.mulf %get3A_867, %get3A_867 : vector<16xf32>
        %add3A_869 = arith.addf %mul3A_864, %mul3A_868 : vector<16xf32>
        %get3A_870 = arith.index_cast %add3A_860 : i32 to index
        %get3A_871 = arith.constant 32 : index
        %get3A_872 = tpu.vector_load %arg11[%get3A_870, %get3A_871] {strides = array<i32>} : memref<80x128xf32, #tpu.memory_space<vmem>>, vector<16xf32>,
        %mul3A_873 = arith.mulf %get3A_872, %get3A_872 : vector<16xf32>
        %add3A_874 = arith.addf %add3A_869, %mul3A_873 : vector<16xf32>
        %get3A_875 = arith.index_cast %add3A_860 : i32 to index
        %get3A_876 = arith.constant 48 : index
        %get3A_877 = tpu.vector_load %arg11[%get3A_875, %get3A_876] {strides = array<i32>} : memref<80x128xf32, #tpu.memory_space<vmem>>, vector<16xf32>,
        %mul3A_878 = arith.mulf %get3A_877, %get3A_877 : vector<16xf32>
        %add3A_879 = arith.addf %add3A_874, %mul3A_878 : vector<16xf32>
        %get3A_880 = arith.index_cast %add3A_860 : i32 to index
        %get3A_881 = arith.constant 64 : index
        %get3A_882 = tpu.vector_load %arg11[%get3A_880, %get3A_881] {strides = array<i32>} : memref<80x128xf32, #tpu.memory_space<vmem>>, vector<16xf32>,
        %mul3A_883 = arith.mulf %get3A_882, %get3A_882 : vector<16xf32>
        %add3A_884 = arith.addf %add3A_879, %mul3A_883 : vector<16xf32>
        %get3A_885 = arith.index_cast %add3A_860 : i32 to index
        %get3A_886 = arith.constant 80 : index
        %get3A_887 = tpu.vector_load %arg11[%get3A_885, %get3A_886] {strides = array<i32>} : memref<80x128xf32, #tpu.memory_space<vmem>>, vector<16xf32>,
        %mul3A_888 = arith.mulf %get3A_887, %get3A_887 : vector<16xf32>
        %add3A_889 = arith.addf %add3A_884, %mul3A_888 : vector<16xf32>
        %get3A_890 = arith.index_cast %add3A_860 : i32 to index
        %get3A_891 = arith.constant 96 : index
        %get3A_892 = tpu.vector_load %arg11[%get3A_890, %get3A_891] {strides = array<i32>} : memref<80x128xf32, #tpu.memory_space<vmem>>, vector<16xf32>,
        %mul3A_893 = arith.mulf %get3A_892, %get3A_892 : vector<16xf32>
        %add3A_894 = arith.addf %add3A_889, %mul3A_893 : vector<16xf32>
        %get3A_895 = arith.index_cast %add3A_860 : i32 to index
        %get3A_896 = arith.constant 112 : index
        %get3A_897 = tpu.vector_load %arg11[%get3A_895, %get3A_896] {strides = array<i32>} : memref<80x128xf32, #tpu.memory_space<vmem>>, vector<16xf32>,
        %mul3A_898 = arith.mulf %get3A_897, %get3A_897 : vector<16xf32>
        %add3A_899 = arith.addf %add3A_894, %mul3A_898 : vector<16xf32>
        %mul3A_900 = arith.constant 16 : i32
        %mul3A_901 = vector.broadcast %mul3A_900 : i32 to vector<16xi32>
        %mul3A_902 = arith.muli %iota3A, %mul3A_901 : vector<16xi32>
        %add3A_903 = arith.constant 14 : i32
        %add3A_904 = vector.broadcast %add3A_903 : i32 to vector<16xi32>
        %add3A_905 = arith.addi %mul3A_902, %add3A_904 : vector<16xi32>
        tpu.vector_store_idx %arg13[%add3A_905], %add3A_899 : memref<256xf32, #tpu.memory_space<vmem>>[vector<16xi32>], vector<16xf32>,
        %add3A_906 = arith.constant 15 : i32
        %add3A_907 = arith.addi %mul3A_201, %add3A_906 : i32
        %get3A_908 = arith.index_cast %add3A_907 : i32 to index
        %get3A_909 = arith.constant 0 : index
        %get3A_910 = tpu.vector_load %arg11[%get3A_908, %get3A_909] {strides = array<i32>} : memref<80x128xf32, #tpu.memory_space<vmem>>, vector<16xf32>,
        %mul3A_911 = arith.mulf %get3A_910, %get3A_910 : vector<16xf32>
        %get3A_912 = arith.index_cast %add3A_907 : i32 to index
        %get3A_913 = arith.constant 16 : index
        %get3A_914 = tpu.vector_load %arg11[%get3A_912, %get3A_913] {strides = array<i32>} : memref<80x128xf32, #tpu.memory_space<vmem>>, vector<16xf32>,
        %mul3A_915 = arith.mulf %get3A_914, %get3A_914 : vector<16xf32>
        %add3A_916 = arith.addf %mul3A_911, %mul3A_915 : vector<16xf32>
        %get3A_917 = arith.index_cast %add3A_907 : i32 to index
        %get3A_918 = arith.constant 32 : index
        %get3A_919 = tpu.vector_load %arg11[%get3A_917, %get3A_918] {strides = array<i32>} : memref<80x128xf32, #tpu.memory_space<vmem>>, vector<16xf32>,
        %mul3A_920 = arith.mulf %get3A_919, %get3A_919 : vector<16xf32>
        %add3A_921 = arith.addf %add3A_916, %mul3A_920 : vector<16xf32>
        %get3A_922 = arith.index_cast %add3A_907 : i32 to index
        %get3A_923 = arith.constant 48 : index
        %get3A_924 = tpu.vector_load %arg11[%get3A_922, %get3A_923] {strides = array<i32>} : memref<80x128xf32, #tpu.memory_space<vmem>>, vector<16xf32>,
        %mul3A_925 = arith.mulf %get3A_924, %get3A_924 : vector<16xf32>
        %add3A_926 = arith.addf %add3A_921, %mul3A_925 : vector<16xf32>
        %get3A_927 = arith.index_cast %add3A_907 : i32 to index
        %get3A_928 = arith.constant 64 : index
        %get3A_929 = tpu.vector_load %arg11[%get3A_927, %get3A_928] {strides = array<i32>} : memref<80x128xf32, #tpu.memory_space<vmem>>, vector<16xf32>,
        %mul3A_930 = arith.mulf %get3A_929, %get3A_929 : vector<16xf32>
        %add3A_931 = arith.addf %add3A_926, %mul3A_930 : vector<16xf32>
        %get3A_932 = arith.index_cast %add3A_907 : i32 to index
        %get3A_933 = arith.constant 80 : index
        %get3A_934 = tpu.vector_load %arg11[%get3A_932, %get3A_933] {strides = array<i32>} : memref<80x128xf32, #tpu.memory_space<vmem>>, vector<16xf32>,
        %mul3A_935 = arith.mulf %get3A_934, %get3A_934 : vector<16xf32>
        %add3A_936 = arith.addf %add3A_931, %mul3A_935 : vector<16xf32>
        %get3A_937 = arith.index_cast %add3A_907 : i32 to index
        %get3A_938 = arith.constant 96 : index
        %get3A_939 = tpu.vector_load %arg11[%get3A_937, %get3A_938] {strides = array<i32>} : memref<80x128xf32, #tpu.memory_space<vmem>>, vector<16xf32>,
        %mul3A_940 = arith.mulf %get3A_939, %get3A_939 : vector<16xf32>
        %add3A_941 = arith.addf %add3A_936, %mul3A_940 : vector<16xf32>
        %get3A_942 = arith.index_cast %add3A_907 : i32 to index
        %get3A_943 = arith.constant 112 : index
        %get3A_944 = tpu.vector_load %arg11[%get3A_942, %get3A_943] {strides = array<i32>} : memref<80x128xf32, #tpu.memory_space<vmem>>, vector<16xf32>,
        %mul3A_945 = arith.mulf %get3A_944, %get3A_944 : vector<16xf32>
        %add3A_946 = arith.addf %add3A_941, %mul3A_945 : vector<16xf32>
        %mul3A_947 = arith.constant 16 : i32
        %mul3A_948 = vector.broadcast %mul3A_947 : i32 to vector<16xi32>
        %mul3A_949 = arith.muli %iota3A, %mul3A_948 : vector<16xi32>
        %add3A_950 = arith.constant 15 : i32
        %add3A_951 = vector.broadcast %add3A_950 : i32 to vector<16xi32>
        %add3A_952 = arith.addi %mul3A_949, %add3A_951 : vector<16xi32>
        tpu.vector_store_idx %arg13[%add3A_952], %add3A_946 : memref<256xf32, #tpu.memory_space<vmem>>[vector<16xi32>], vector<16xf32>,
        %get3A_953 = arith.constant 0 : index
        %get3A_954 = tpu.vector_load %arg13[%get3A_953] {strides = array<i32>} : memref<256xf32, #tpu.memory_space<vmem>>, vector<16xf32>,
        %get3A_955 = arith.constant 16 : index
        %get3A_956 = tpu.vector_load %arg13[%get3A_955] {strides = array<i32>} : memref<256xf32, #tpu.memory_space<vmem>>, vector<16xf32>,
        %add3A_957 = arith.addf %get3A_954, %get3A_956 : vector<16xf32>
        %get3A_958 = arith.constant 32 : index
        %get3A_959 = tpu.vector_load %arg13[%get3A_958] {strides = array<i32>} : memref<256xf32, #tpu.memory_space<vmem>>, vector<16xf32>,
        %add3A_960 = arith.addf %add3A_957, %get3A_959 : vector<16xf32>
        %get3A_961 = arith.constant 48 : index
        %get3A_962 = tpu.vector_load %arg13[%get3A_961] {strides = array<i32>} : memref<256xf32, #tpu.memory_space<vmem>>, vector<16xf32>,
        %add3A_963 = arith.addf %add3A_960, %get3A_962 : vector<16xf32>
        %get3A_964 = arith.constant 64 : index
        %get3A_965 = tpu.vector_load %arg13[%get3A_964] {strides = array<i32>} : memref<256xf32, #tpu.memory_space<vmem>>, vector<16xf32>,
        %add3A_966 = arith.addf %add3A_963, %get3A_965 : vector<16xf32>
        %get3A_967 = arith.constant 80 : index
        %get3A_968 = tpu.vector_load %arg13[%get3A_967] {strides = array<i32>} : memref<256xf32, #tpu.memory_space<vmem>>, vector<16xf32>,
        %add3A_969 = arith.addf %add3A_966, %get3A_968 : vector<16xf32>
        %get3A_970 = arith.constant 96 : index
        %get3A_971 = tpu.vector_load %arg13[%get3A_970] {strides = array<i32>} : memref<256xf32, #tpu.memory_space<vmem>>, vector<16xf32>,
        %add3A_972 = arith.addf %add3A_969, %get3A_971 : vector<16xf32>
        %get3A_973 = arith.constant 112 : index
        %get3A_974 = tpu.vector_load %arg13[%get3A_973] {strides = array<i32>} : memref<256xf32, #tpu.memory_space<vmem>>, vector<16xf32>,
        %add3A_975 = arith.addf %add3A_972, %get3A_974 : vector<16xf32>
        %get3A_976 = arith.constant 128 : index
        %get3A_977 = tpu.vector_load %arg13[%get3A_976] {strides = array<i32>} : memref<256xf32, #tpu.memory_space<vmem>>, vector<16xf32>,
        %add3A_978 = arith.addf %add3A_975, %get3A_977 : vector<16xf32>
        %get3A_979 = arith.constant 144 : index
        %get3A_980 = tpu.vector_load %arg13[%get3A_979] {strides = array<i32>} : memref<256xf32, #tpu.memory_space<vmem>>, vector<16xf32>,
        %add3A_981 = arith.addf %add3A_978, %get3A_980 : vector<16xf32>
        %get3A_982 = arith.constant 160 : index
        %get3A_983 = tpu.vector_load %arg13[%get3A_982] {strides = array<i32>} : memref<256xf32, #tpu.memory_space<vmem>>, vector<16xf32>,
        %add3A_984 = arith.addf %add3A_981, %get3A_983 : vector<16xf32>
        %get3A_985 = arith.constant 176 : index
        %get3A_986 = tpu.vector_load %arg13[%get3A_985] {strides = array<i32>} : memref<256xf32, #tpu.memory_space<vmem>>, vector<16xf32>,
        %add3A_987 = arith.addf %add3A_984, %get3A_986 : vector<16xf32>
        %get3A_988 = arith.constant 192 : index
        %get3A_989 = tpu.vector_load %arg13[%get3A_988] {strides = array<i32>} : memref<256xf32, #tpu.memory_space<vmem>>, vector<16xf32>,
        %add3A_990 = arith.addf %add3A_987, %get3A_989 : vector<16xf32>
        %get3A_991 = arith.constant 208 : index
        %get3A_992 = tpu.vector_load %arg13[%get3A_991] {strides = array<i32>} : memref<256xf32, #tpu.memory_space<vmem>>, vector<16xf32>,
        %add3A_993 = arith.addf %add3A_990, %get3A_992 : vector<16xf32>
        %get3A_994 = arith.constant 224 : index
        %get3A_995 = tpu.vector_load %arg13[%get3A_994] {strides = array<i32>} : memref<256xf32, #tpu.memory_space<vmem>>, vector<16xf32>,
        %add3A_996 = arith.addf %add3A_993, %get3A_995 : vector<16xf32>
        %get3A_997 = arith.constant 240 : index
        %get3A_998 = tpu.vector_load %arg13[%get3A_997] {strides = array<i32>} : memref<256xf32, #tpu.memory_space<vmem>>, vector<16xf32>,
        %add3A_999 = arith.addf %add3A_996, %get3A_998 : vector<16xf32>
        %bitcast_convert_type3A = tpu.bitcast %add3A_999 : vector<16xf32> -> vector<16xi32>
        %shift_right_arithmetic3A = arith.constant 1 : i32
        %shift_right_arithmetic3A_1000 = vector.broadcast %shift_right_arithmetic3A : i32 to vector<16xi32>
        %shift_right_arithmetic3A_1001 = arith.shrsi %bitcast_convert_type3A, %shift_right_arithmetic3A_1000 : vector<16xi32>
        %add3A_1002 = arith.constant 532487669 : i32
        %add3A_1003 = vector.broadcast %add3A_1002 : i32 to vector<16xi32>
        %add3A_1004 = arith.addi %shift_right_arithmetic3A_1001, %add3A_1003 : vector<16xi32>
        %bitcast_convert_type3A_1005 = tpu.bitcast %add3A_1004 : vector<16xi32> -> vector<16xf32>
        %div3A = arith.divf %add3A_999, %bitcast_convert_type3A_1005 : vector<16xf32>
        %add3A_1006 = arith.addf %bitcast_convert_type3A_1005, %div3A : vector<16xf32>
        %mul3A_1007 = arith.constant 5.000000e-01 : f32
        %mul3A_1008 = vector.broadcast %mul3A_1007 : f32 to vector<16xf32>
        %mul3A_1009 = arith.mulf %mul3A_1008, %add3A_1006 : vector<16xf32>
        %div3A_1010 = arith.divf %add3A_999, %mul3A_1009 : vector<16xf32>
        %add3A_1011 = arith.addf %mul3A_1009, %div3A_1010 : vector<16xf32>
        %mul3A_1012 = arith.constant 5.000000e-01 : f32
        %mul3A_1013 = vector.broadcast %mul3A_1012 : f32 to vector<16xf32>
        %mul3A_1014 = arith.mulf %mul3A_1013, %add3A_1011 : vector<16xf32>
        %add3A_1015 = arith.addf %scan3A_199, %mul3A_1014 : vector<16xf32>
        scf.yield %add3A_1015 : vector<16xf32>
      }
      %scan3A_170 = arith.constant 5 : i32
      %add3A_171 = arith.constant 4 : i32
      %add3A_172 = arith.addi %mul3A_65, %add3A_171 : i32
      %add3A_173 = arith.constant 2 : i32
      %add3A_174 = arith.addi %add3A_172, %add3A_173 : i32
      %lt3A_175 = arith.constant 125 : i32
      %lt3A_176 = arith.cmpi slt, %add3A_174, %lt3A_175 : i32
      %convert_element_type3A_177 = arith.extui %lt3A_176 : i1 to i32
      %cond3A_178 = arith.constant 0 : i32
      %cond3A_179 = arith.cmpi ne, %convert_element_type3A_177, %cond3A_178 : i32
      scf.if %cond3A_179 {
        %dma_wait3A_198 = arith.constant 0 : i32
        %dma_wait3A_199 = tpu.memref_slice %arg6[%dma_wait3A_198] : memref<10000xi32, #tpu.memory_space<vmem>> -> memref<80xi32, #tpu.memory_space<vmem>>
        %dma_wait3A_200 = arith.constant 0 : i32
        %dma_wait3A_201 = arith.constant 0 : i32
        %dma_wait3A_202 = tpu.memref_slice %arg2[%dma_wait3A_200, %dma_wait3A_201] : memref<10000x128xf32, #tpu.memory_space<hbm>> -> memref<10000x128xf32, #tpu.memory_space<hbm>>
        tpu.wait_indirect_dma semaphore(%arg16 : memref<!tpu.dma_semaphore, #tpu.memory_space<semaphore_mem>>) src(%dma_wait3A_202 : memref<10000x128xf32, #tpu.memory_space<hbm>>) dst(%arg9 : memref<80x128xf32, #tpu.memory_space<vmem>>)
        %add3A_203 = arith.constant 2 : i32
        %add3A_204 = arith.addi %add3A_172, %add3A_203 : i32
        %mul3A_205 = arith.constant 80 : i32
        %mul3A_206 = arith.muli %add3A_204, %mul3A_205 : i32
        %dma_start3A_207 = tpu.memref_slice %arg7[%mul3A_206] : memref<10000xi32, #tpu.memory_space<vmem>> -> memref<80xi32, #tpu.memory_space<vmem>>
        %dma_start3A_208 = arith.constant 0 : i32
        %dma_start3A_209 = arith.constant 0 : i32
        %dma_start3A_210 = tpu.memref_slice %arg3[%dma_start3A_208, %dma_start3A_209] : memref<10000x128xf32, #tpu.memory_space<hbm>> -> memref<10000x128xf32, #tpu.memory_space<hbm>>
        tpu.enqueue_indirect_dma source(%dma_start3A_210 : memref<10000x128xf32, #tpu.memory_space<hbm>>) target(%arg9 : memref<80x128xf32, #tpu.memory_space<vmem>>) offsets(%dma_start3A_207 : memref<80xi32, #tpu.memory_space<vmem>>) semaphore(%arg16 : memref<!tpu.dma_semaphore, #tpu.memory_space<semaphore_mem>>) {add = true}
      } else {
      }
      %add3A_180 = arith.constant 4 : i32
      %add3A_181 = arith.addi %add3A_172, %add3A_180 : i32
      %lt3A_182 = arith.constant 125 : i32
      %lt3A_183 = arith.cmpi slt, %add3A_181, %lt3A_182 : i32
      %convert_element_type3A_184 = arith.extui %lt3A_183 : i1 to i32
      %cond3A_185 = arith.constant 0 : i32
      %cond3A_186 = arith.cmpi ne, %convert_element_type3A_184, %cond3A_185 : i32
      scf.if %cond3A_186 {
        %add3A_198 = arith.constant 4 : i32
        %add3A_199 = arith.addi %add3A_172, %add3A_198 : i32
        %mul3A_200 = arith.constant 80 : i32
        %mul3A_201 = arith.muli %add3A_199, %mul3A_200 : i32
        %dma_start3A_202 = tpu.memref_slice %arg6[%mul3A_201] : memref<10000xi32, #tpu.memory_space<vmem>> -> memref<80xi32, #tpu.memory_space<vmem>>
        %dma_start3A_203 = arith.constant 0 : i32
        %dma_start3A_204 = arith.constant 0 : i32
        %dma_start3A_205 = tpu.memref_slice %arg2[%dma_start3A_203, %dma_start3A_204] : memref<10000x128xf32, #tpu.memory_space<hbm>> -> memref<10000x128xf32, #tpu.memory_space<hbm>>
        tpu.enqueue_indirect_dma source(%dma_start3A_205 : memref<10000x128xf32, #tpu.memory_space<hbm>>) target(%arg11 : memref<80x128xf32, #tpu.memory_space<vmem>>) offsets(%dma_start3A_202 : memref<80xi32, #tpu.memory_space<vmem>>) semaphore(%arg18 : memref<!tpu.dma_semaphore, #tpu.memory_space<semaphore_mem>>)
      } else {
      }
      %dma_wait3A_187 = arith.constant 0 : i32
      %dma_wait3A_188 = tpu.memref_slice %arg7[%dma_wait3A_187] : memref<10000xi32, #tpu.memory_space<vmem>> -> memref<80xi32, #tpu.memory_space<vmem>>
      %dma_wait3A_189 = arith.constant 0 : i32
      %dma_wait3A_190 = arith.constant 0 : i32
      %dma_wait3A_191 = tpu.memref_slice %arg3[%dma_wait3A_189, %dma_wait3A_190] : memref<10000x128xf32, #tpu.memory_space<hbm>> -> memref<10000x128xf32, #tpu.memory_space<hbm>>
      tpu.wait_indirect_dma semaphore(%arg19 : memref<!tpu.dma_semaphore, #tpu.memory_space<semaphore_mem>>) src(%dma_wait3A_191 : memref<10000x128xf32, #tpu.memory_space<hbm>>) dst(%arg12 : memref<80x128xf32, #tpu.memory_space<vmem>>)
      %scan3A_192 = arith.constant 0 : i32
      %scan3A_193 = arith.constant 5 : i32
      %scan3A_194 = arith.addi %scan3A_192, %scan3A_193 : i32
      %scan3A_195 = arith.constant 1 : i32
      %scan3A_196 = scf.for %scan3A_198 = %scan3A_192 to %scan3A_194 step %scan3A_195 iter_args(%scan3A_199 = %scan3A_169) -> (vector<16xf32>)  : i32 {
        %mul3A_200 = arith.constant 16 : i32
        %mul3A_201 = arith.muli %scan3A_198, %mul3A_200 : i32
        %add3A_202 = arith.constant 0 : i32
        %add3A_203 = arith.addi %mul3A_201, %add3A_202 : i32
        %get3A = arith.index_cast %add3A_203 : i32 to index
        %get3A_204 = arith.constant 0 : index
        %get3A_205 = tpu.vector_load %arg12[%get3A, %get3A_204] {strides = array<i32>} : memref<80x128xf32, #tpu.memory_space<vmem>>, vector<16xf32>,
        %mul3A_206 = arith.mulf %get3A_205, %get3A_205 : vector<16xf32>
        %get3A_207 = arith.index_cast %add3A_203 : i32 to index
        %get3A_208 = arith.constant 16 : index
        %get3A_209 = tpu.vector_load %arg12[%get3A_207, %get3A_208] {strides = array<i32>} : memref<80x128xf32, #tpu.memory_space<vmem>>, vector<16xf32>,
        %mul3A_210 = arith.mulf %get3A_209, %get3A_209 : vector<16xf32>
        %add3A_211 = arith.addf %mul3A_206, %mul3A_210 : vector<16xf32>
        %get3A_212 = arith.index_cast %add3A_203 : i32 to index
        %get3A_213 = arith.constant 32 : index
        %get3A_214 = tpu.vector_load %arg12[%get3A_212, %get3A_213] {strides = array<i32>} : memref<80x128xf32, #tpu.memory_space<vmem>>, vector<16xf32>,
        %mul3A_215 = arith.mulf %get3A_214, %get3A_214 : vector<16xf32>
        %add3A_216 = arith.addf %add3A_211, %mul3A_215 : vector<16xf32>
        %get3A_217 = arith.index_cast %add3A_203 : i32 to index
        %get3A_218 = arith.constant 48 : index
        %get3A_219 = tpu.vector_load %arg12[%get3A_217, %get3A_218] {strides = array<i32>} : memref<80x128xf32, #tpu.memory_space<vmem>>, vector<16xf32>,
        %mul3A_220 = arith.mulf %get3A_219, %get3A_219 : vector<16xf32>
        %add3A_221 = arith.addf %add3A_216, %mul3A_220 : vector<16xf32>
        %get3A_222 = arith.index_cast %add3A_203 : i32 to index
        %get3A_223 = arith.constant 64 : index
        %get3A_224 = tpu.vector_load %arg12[%get3A_222, %get3A_223] {strides = array<i32>} : memref<80x128xf32, #tpu.memory_space<vmem>>, vector<16xf32>,
        %mul3A_225 = arith.mulf %get3A_224, %get3A_224 : vector<16xf32>
        %add3A_226 = arith.addf %add3A_221, %mul3A_225 : vector<16xf32>
        %get3A_227 = arith.index_cast %add3A_203 : i32 to index
        %get3A_228 = arith.constant 80 : index
        %get3A_229 = tpu.vector_load %arg12[%get3A_227, %get3A_228] {strides = array<i32>} : memref<80x128xf32, #tpu.memory_space<vmem>>, vector<16xf32>,
        %mul3A_230 = arith.mulf %get3A_229, %get3A_229 : vector<16xf32>
        %add3A_231 = arith.addf %add3A_226, %mul3A_230 : vector<16xf32>
        %get3A_232 = arith.index_cast %add3A_203 : i32 to index
        %get3A_233 = arith.constant 96 : index
        %get3A_234 = tpu.vector_load %arg12[%get3A_232, %get3A_233] {strides = array<i32>} : memref<80x128xf32, #tpu.memory_space<vmem>>, vector<16xf32>,
        %mul3A_235 = arith.mulf %get3A_234, %get3A_234 : vector<16xf32>
        %add3A_236 = arith.addf %add3A_231, %mul3A_235 : vector<16xf32>
        %get3A_237 = arith.index_cast %add3A_203 : i32 to index
        %get3A_238 = arith.constant 112 : index
        %get3A_239 = tpu.vector_load %arg12[%get3A_237, %get3A_238] {strides = array<i32>} : memref<80x128xf32, #tpu.memory_space<vmem>>, vector<16xf32>,
        %mul3A_240 = arith.mulf %get3A_239, %get3A_239 : vector<16xf32>
        %add3A_241 = arith.addf %add3A_236, %mul3A_240 : vector<16xf32>
        %mul3A_242 = arith.constant 16 : i32
        %mul3A_243 = vector.broadcast %mul3A_242 : i32 to vector<16xi32>
        %mul3A_244 = arith.muli %iota3A, %mul3A_243 : vector<16xi32>
        %add3A_245 = arith.constant 0 : i32
        %add3A_246 = vector.broadcast %add3A_245 : i32 to vector<16xi32>
        %add3A_247 = arith.addi %mul3A_244, %add3A_246 : vector<16xi32>
        tpu.vector_store_idx %arg13[%add3A_247], %add3A_241 : memref<256xf32, #tpu.memory_space<vmem>>[vector<16xi32>], vector<16xf32>,
        %add3A_248 = arith.constant 1 : i32
        %add3A_249 = arith.addi %mul3A_201, %add3A_248 : i32
        %get3A_250 = arith.index_cast %add3A_249 : i32 to index
        %get3A_251 = arith.constant 0 : index
        %get3A_252 = tpu.vector_load %arg12[%get3A_250, %get3A_251] {strides = array<i32>} : memref<80x128xf32, #tpu.memory_space<vmem>>, vector<16xf32>,
        %mul3A_253 = arith.mulf %get3A_252, %get3A_252 : vector<16xf32>
        %get3A_254 = arith.index_cast %add3A_249 : i32 to index
        %get3A_255 = arith.constant 16 : index
        %get3A_256 = tpu.vector_load %arg12[%get3A_254, %get3A_255] {strides = array<i32>} : memref<80x128xf32, #tpu.memory_space<vmem>>, vector<16xf32>,
        %mul3A_257 = arith.mulf %get3A_256, %get3A_256 : vector<16xf32>
        %add3A_258 = arith.addf %mul3A_253, %mul3A_257 : vector<16xf32>
        %get3A_259 = arith.index_cast %add3A_249 : i32 to index
        %get3A_260 = arith.constant 32 : index
        %get3A_261 = tpu.vector_load %arg12[%get3A_259, %get3A_260] {strides = array<i32>} : memref<80x128xf32, #tpu.memory_space<vmem>>, vector<16xf32>,
        %mul3A_262 = arith.mulf %get3A_261, %get3A_261 : vector<16xf32>
        %add3A_263 = arith.addf %add3A_258, %mul3A_262 : vector<16xf32>
        %get3A_264 = arith.index_cast %add3A_249 : i32 to index
        %get3A_265 = arith.constant 48 : index
        %get3A_266 = tpu.vector_load %arg12[%get3A_264, %get3A_265] {strides = array<i32>} : memref<80x128xf32, #tpu.memory_space<vmem>>, vector<16xf32>,
        %mul3A_267 = arith.mulf %get3A_266, %get3A_266 : vector<16xf32>
        %add3A_268 = arith.addf %add3A_263, %mul3A_267 : vector<16xf32>
        %get3A_269 = arith.index_cast %add3A_249 : i32 to index
        %get3A_270 = arith.constant 64 : index
        %get3A_271 = tpu.vector_load %arg12[%get3A_269, %get3A_270] {strides = array<i32>} : memref<80x128xf32, #tpu.memory_space<vmem>>, vector<16xf32>,
        %mul3A_272 = arith.mulf %get3A_271, %get3A_271 : vector<16xf32>
        %add3A_273 = arith.addf %add3A_268, %mul3A_272 : vector<16xf32>
        %get3A_274 = arith.index_cast %add3A_249 : i32 to index
        %get3A_275 = arith.constant 80 : index
        %get3A_276 = tpu.vector_load %arg12[%get3A_274, %get3A_275] {strides = array<i32>} : memref<80x128xf32, #tpu.memory_space<vmem>>, vector<16xf32>,
        %mul3A_277 = arith.mulf %get3A_276, %get3A_276 : vector<16xf32>
        %add3A_278 = arith.addf %add3A_273, %mul3A_277 : vector<16xf32>
        %get3A_279 = arith.index_cast %add3A_249 : i32 to index
        %get3A_280 = arith.constant 96 : index
        %get3A_281 = tpu.vector_load %arg12[%get3A_279, %get3A_280] {strides = array<i32>} : memref<80x128xf32, #tpu.memory_space<vmem>>, vector<16xf32>,
        %mul3A_282 = arith.mulf %get3A_281, %get3A_281 : vector<16xf32>
        %add3A_283 = arith.addf %add3A_278, %mul3A_282 : vector<16xf32>
        %get3A_284 = arith.index_cast %add3A_249 : i32 to index
        %get3A_285 = arith.constant 112 : index
        %get3A_286 = tpu.vector_load %arg12[%get3A_284, %get3A_285] {strides = array<i32>} : memref<80x128xf32, #tpu.memory_space<vmem>>, vector<16xf32>,
        %mul3A_287 = arith.mulf %get3A_286, %get3A_286 : vector<16xf32>
        %add3A_288 = arith.addf %add3A_283, %mul3A_287 : vector<16xf32>
        %mul3A_289 = arith.constant 16 : i32
        %mul3A_290 = vector.broadcast %mul3A_289 : i32 to vector<16xi32>
        %mul3A_291 = arith.muli %iota3A, %mul3A_290 : vector<16xi32>
        %add3A_292 = arith.constant 1 : i32
        %add3A_293 = vector.broadcast %add3A_292 : i32 to vector<16xi32>
        %add3A_294 = arith.addi %mul3A_291, %add3A_293 : vector<16xi32>
        tpu.vector_store_idx %arg13[%add3A_294], %add3A_288 : memref<256xf32, #tpu.memory_space<vmem>>[vector<16xi32>], vector<16xf32>,
        %add3A_295 = arith.constant 2 : i32
        %add3A_296 = arith.addi %mul3A_201, %add3A_295 : i32
        %get3A_297 = arith.index_cast %add3A_296 : i32 to index
        %get3A_298 = arith.constant 0 : index
        %get3A_299 = tpu.vector_load %arg12[%get3A_297, %get3A_298] {strides = array<i32>} : memref<80x128xf32, #tpu.memory_space<vmem>>, vector<16xf32>,
        %mul3A_300 = arith.mulf %get3A_299, %get3A_299 : vector<16xf32>
        %get3A_301 = arith.index_cast %add3A_296 : i32 to index
        %get3A_302 = arith.constant 16 : index
        %get3A_303 = tpu.vector_load %arg12[%get3A_301, %get3A_302] {strides = array<i32>} : memref<80x128xf32, #tpu.memory_space<vmem>>, vector<16xf32>,
        %mul3A_304 = arith.mulf %get3A_303, %get3A_303 : vector<16xf32>
        %add3A_305 = arith.addf %mul3A_300, %mul3A_304 : vector<16xf32>
        %get3A_306 = arith.index_cast %add3A_296 : i32 to index
        %get3A_307 = arith.constant 32 : index
        %get3A_308 = tpu.vector_load %arg12[%get3A_306, %get3A_307] {strides = array<i32>} : memref<80x128xf32, #tpu.memory_space<vmem>>, vector<16xf32>,
        %mul3A_309 = arith.mulf %get3A_308, %get3A_308 : vector<16xf32>
        %add3A_310 = arith.addf %add3A_305, %mul3A_309 : vector<16xf32>
        %get3A_311 = arith.index_cast %add3A_296 : i32 to index
        %get3A_312 = arith.constant 48 : index
        %get3A_313 = tpu.vector_load %arg12[%get3A_311, %get3A_312] {strides = array<i32>} : memref<80x128xf32, #tpu.memory_space<vmem>>, vector<16xf32>,
        %mul3A_314 = arith.mulf %get3A_313, %get3A_313 : vector<16xf32>
        %add3A_315 = arith.addf %add3A_310, %mul3A_314 : vector<16xf32>
        %get3A_316 = arith.index_cast %add3A_296 : i32 to index
        %get3A_317 = arith.constant 64 : index
        %get3A_318 = tpu.vector_load %arg12[%get3A_316, %get3A_317] {strides = array<i32>} : memref<80x128xf32, #tpu.memory_space<vmem>>, vector<16xf32>,
        %mul3A_319 = arith.mulf %get3A_318, %get3A_318 : vector<16xf32>
        %add3A_320 = arith.addf %add3A_315, %mul3A_319 : vector<16xf32>
        %get3A_321 = arith.index_cast %add3A_296 : i32 to index
        %get3A_322 = arith.constant 80 : index
        %get3A_323 = tpu.vector_load %arg12[%get3A_321, %get3A_322] {strides = array<i32>} : memref<80x128xf32, #tpu.memory_space<vmem>>, vector<16xf32>,
        %mul3A_324 = arith.mulf %get3A_323, %get3A_323 : vector<16xf32>
        %add3A_325 = arith.addf %add3A_320, %mul3A_324 : vector<16xf32>
        %get3A_326 = arith.index_cast %add3A_296 : i32 to index
        %get3A_327 = arith.constant 96 : index
        %get3A_328 = tpu.vector_load %arg12[%get3A_326, %get3A_327] {strides = array<i32>} : memref<80x128xf32, #tpu.memory_space<vmem>>, vector<16xf32>,
        %mul3A_329 = arith.mulf %get3A_328, %get3A_328 : vector<16xf32>
        %add3A_330 = arith.addf %add3A_325, %mul3A_329 : vector<16xf32>
        %get3A_331 = arith.index_cast %add3A_296 : i32 to index
        %get3A_332 = arith.constant 112 : index
        %get3A_333 = tpu.vector_load %arg12[%get3A_331, %get3A_332] {strides = array<i32>} : memref<80x128xf32, #tpu.memory_space<vmem>>, vector<16xf32>,
        %mul3A_334 = arith.mulf %get3A_333, %get3A_333 : vector<16xf32>
        %add3A_335 = arith.addf %add3A_330, %mul3A_334 : vector<16xf32>
        %mul3A_336 = arith.constant 16 : i32
        %mul3A_337 = vector.broadcast %mul3A_336 : i32 to vector<16xi32>
        %mul3A_338 = arith.muli %iota3A, %mul3A_337 : vector<16xi32>
        %add3A_339 = arith.constant 2 : i32
        %add3A_340 = vector.broadcast %add3A_339 : i32 to vector<16xi32>
        %add3A_341 = arith.addi %mul3A_338, %add3A_340 : vector<16xi32>
        tpu.vector_store_idx %arg13[%add3A_341], %add3A_335 : memref<256xf32, #tpu.memory_space<vmem>>[vector<16xi32>], vector<16xf32>,
        %add3A_342 = arith.constant 3 : i32
        %add3A_343 = arith.addi %mul3A_201, %add3A_342 : i32
        %get3A_344 = arith.index_cast %add3A_343 : i32 to index
        %get3A_345 = arith.constant 0 : index
        %get3A_346 = tpu.vector_load %arg12[%get3A_344, %get3A_345] {strides = array<i32>} : memref<80x128xf32, #tpu.memory_space<vmem>>, vector<16xf32>,
        %mul3A_347 = arith.mulf %get3A_346, %get3A_346 : vector<16xf32>
        %get3A_348 = arith.index_cast %add3A_343 : i32 to index
        %get3A_349 = arith.constant 16 : index
        %get3A_350 = tpu.vector_load %arg12[%get3A_348, %get3A_349] {strides = array<i32>} : memref<80x128xf32, #tpu.memory_space<vmem>>, vector<16xf32>,
        %mul3A_351 = arith.mulf %get3A_350, %get3A_350 : vector<16xf32>
        %add3A_352 = arith.addf %mul3A_347, %mul3A_351 : vector<16xf32>
        %get3A_353 = arith.index_cast %add3A_343 : i32 to index
        %get3A_354 = arith.constant 32 : index
        %get3A_355 = tpu.vector_load %arg12[%get3A_353, %get3A_354] {strides = array<i32>} : memref<80x128xf32, #tpu.memory_space<vmem>>, vector<16xf32>,
        %mul3A_356 = arith.mulf %get3A_355, %get3A_355 : vector<16xf32>
        %add3A_357 = arith.addf %add3A_352, %mul3A_356 : vector<16xf32>
        %get3A_358 = arith.index_cast %add3A_343 : i32 to index
        %get3A_359 = arith.constant 48 : index
        %get3A_360 = tpu.vector_load %arg12[%get3A_358, %get3A_359] {strides = array<i32>} : memref<80x128xf32, #tpu.memory_space<vmem>>, vector<16xf32>,
        %mul3A_361 = arith.mulf %get3A_360, %get3A_360 : vector<16xf32>
        %add3A_362 = arith.addf %add3A_357, %mul3A_361 : vector<16xf32>
        %get3A_363 = arith.index_cast %add3A_343 : i32 to index
        %get3A_364 = arith.constant 64 : index
        %get3A_365 = tpu.vector_load %arg12[%get3A_363, %get3A_364] {strides = array<i32>} : memref<80x128xf32, #tpu.memory_space<vmem>>, vector<16xf32>,
        %mul3A_366 = arith.mulf %get3A_365, %get3A_365 : vector<16xf32>
        %add3A_367 = arith.addf %add3A_362, %mul3A_366 : vector<16xf32>
        %get3A_368 = arith.index_cast %add3A_343 : i32 to index
        %get3A_369 = arith.constant 80 : index
        %get3A_370 = tpu.vector_load %arg12[%get3A_368, %get3A_369] {strides = array<i32>} : memref<80x128xf32, #tpu.memory_space<vmem>>, vector<16xf32>,
        %mul3A_371 = arith.mulf %get3A_370, %get3A_370 : vector<16xf32>
        %add3A_372 = arith.addf %add3A_367, %mul3A_371 : vector<16xf32>
        %get3A_373 = arith.index_cast %add3A_343 : i32 to index
        %get3A_374 = arith.constant 96 : index
        %get3A_375 = tpu.vector_load %arg12[%get3A_373, %get3A_374] {strides = array<i32>} : memref<80x128xf32, #tpu.memory_space<vmem>>, vector<16xf32>,
        %mul3A_376 = arith.mulf %get3A_375, %get3A_375 : vector<16xf32>
        %add3A_377 = arith.addf %add3A_372, %mul3A_376 : vector<16xf32>
        %get3A_378 = arith.index_cast %add3A_343 : i32 to index
        %get3A_379 = arith.constant 112 : index
        %get3A_380 = tpu.vector_load %arg12[%get3A_378, %get3A_379] {strides = array<i32>} : memref<80x128xf32, #tpu.memory_space<vmem>>, vector<16xf32>,
        %mul3A_381 = arith.mulf %get3A_380, %get3A_380 : vector<16xf32>
        %add3A_382 = arith.addf %add3A_377, %mul3A_381 : vector<16xf32>
        %mul3A_383 = arith.constant 16 : i32
        %mul3A_384 = vector.broadcast %mul3A_383 : i32 to vector<16xi32>
        %mul3A_385 = arith.muli %iota3A, %mul3A_384 : vector<16xi32>
        %add3A_386 = arith.constant 3 : i32
        %add3A_387 = vector.broadcast %add3A_386 : i32 to vector<16xi32>
        %add3A_388 = arith.addi %mul3A_385, %add3A_387 : vector<16xi32>
        tpu.vector_store_idx %arg13[%add3A_388], %add3A_382 : memref<256xf32, #tpu.memory_space<vmem>>[vector<16xi32>], vector<16xf32>,
        %add3A_389 = arith.constant 4 : i32
        %add3A_390 = arith.addi %mul3A_201, %add3A_389 : i32
        %get3A_391 = arith.index_cast %add3A_390 : i32 to index
        %get3A_392 = arith.constant 0 : index
        %get3A_393 = tpu.vector_load %arg12[%get3A_391, %get3A_392] {strides = array<i32>} : memref<80x128xf32, #tpu.memory_space<vmem>>, vector<16xf32>,
        %mul3A_394 = arith.mulf %get3A_393, %get3A_393 : vector<16xf32>
        %get3A_395 = arith.index_cast %add3A_390 : i32 to index
        %get3A_396 = arith.constant 16 : index
        %get3A_397 = tpu.vector_load %arg12[%get3A_395, %get3A_396] {strides = array<i32>} : memref<80x128xf32, #tpu.memory_space<vmem>>, vector<16xf32>,
        %mul3A_398 = arith.mulf %get3A_397, %get3A_397 : vector<16xf32>
        %add3A_399 = arith.addf %mul3A_394, %mul3A_398 : vector<16xf32>
        %get3A_400 = arith.index_cast %add3A_390 : i32 to index
        %get3A_401 = arith.constant 32 : index
        %get3A_402 = tpu.vector_load %arg12[%get3A_400, %get3A_401] {strides = array<i32>} : memref<80x128xf32, #tpu.memory_space<vmem>>, vector<16xf32>,
        %mul3A_403 = arith.mulf %get3A_402, %get3A_402 : vector<16xf32>
        %add3A_404 = arith.addf %add3A_399, %mul3A_403 : vector<16xf32>
        %get3A_405 = arith.index_cast %add3A_390 : i32 to index
        %get3A_406 = arith.constant 48 : index
        %get3A_407 = tpu.vector_load %arg12[%get3A_405, %get3A_406] {strides = array<i32>} : memref<80x128xf32, #tpu.memory_space<vmem>>, vector<16xf32>,
        %mul3A_408 = arith.mulf %get3A_407, %get3A_407 : vector<16xf32>
        %add3A_409 = arith.addf %add3A_404, %mul3A_408 : vector<16xf32>
        %get3A_410 = arith.index_cast %add3A_390 : i32 to index
        %get3A_411 = arith.constant 64 : index
        %get3A_412 = tpu.vector_load %arg12[%get3A_410, %get3A_411] {strides = array<i32>} : memref<80x128xf32, #tpu.memory_space<vmem>>, vector<16xf32>,
        %mul3A_413 = arith.mulf %get3A_412, %get3A_412 : vector<16xf32>
        %add3A_414 = arith.addf %add3A_409, %mul3A_413 : vector<16xf32>
        %get3A_415 = arith.index_cast %add3A_390 : i32 to index
        %get3A_416 = arith.constant 80 : index
        %get3A_417 = tpu.vector_load %arg12[%get3A_415, %get3A_416] {strides = array<i32>} : memref<80x128xf32, #tpu.memory_space<vmem>>, vector<16xf32>,
        %mul3A_418 = arith.mulf %get3A_417, %get3A_417 : vector<16xf32>
        %add3A_419 = arith.addf %add3A_414, %mul3A_418 : vector<16xf32>
        %get3A_420 = arith.index_cast %add3A_390 : i32 to index
        %get3A_421 = arith.constant 96 : index
        %get3A_422 = tpu.vector_load %arg12[%get3A_420, %get3A_421] {strides = array<i32>} : memref<80x128xf32, #tpu.memory_space<vmem>>, vector<16xf32>,
        %mul3A_423 = arith.mulf %get3A_422, %get3A_422 : vector<16xf32>
        %add3A_424 = arith.addf %add3A_419, %mul3A_423 : vector<16xf32>
        %get3A_425 = arith.index_cast %add3A_390 : i32 to index
        %get3A_426 = arith.constant 112 : index
        %get3A_427 = tpu.vector_load %arg12[%get3A_425, %get3A_426] {strides = array<i32>} : memref<80x128xf32, #tpu.memory_space<vmem>>, vector<16xf32>,
        %mul3A_428 = arith.mulf %get3A_427, %get3A_427 : vector<16xf32>
        %add3A_429 = arith.addf %add3A_424, %mul3A_428 : vector<16xf32>
        %mul3A_430 = arith.constant 16 : i32
        %mul3A_431 = vector.broadcast %mul3A_430 : i32 to vector<16xi32>
        %mul3A_432 = arith.muli %iota3A, %mul3A_431 : vector<16xi32>
        %add3A_433 = arith.constant 4 : i32
        %add3A_434 = vector.broadcast %add3A_433 : i32 to vector<16xi32>
        %add3A_435 = arith.addi %mul3A_432, %add3A_434 : vector<16xi32>
        tpu.vector_store_idx %arg13[%add3A_435], %add3A_429 : memref<256xf32, #tpu.memory_space<vmem>>[vector<16xi32>], vector<16xf32>,
        %add3A_436 = arith.constant 5 : i32
        %add3A_437 = arith.addi %mul3A_201, %add3A_436 : i32
        %get3A_438 = arith.index_cast %add3A_437 : i32 to index
        %get3A_439 = arith.constant 0 : index
        %get3A_440 = tpu.vector_load %arg12[%get3A_438, %get3A_439] {strides = array<i32>} : memref<80x128xf32, #tpu.memory_space<vmem>>, vector<16xf32>,
        %mul3A_441 = arith.mulf %get3A_440, %get3A_440 : vector<16xf32>
        %get3A_442 = arith.index_cast %add3A_437 : i32 to index
        %get3A_443 = arith.constant 16 : index
        %get3A_444 = tpu.vector_load %arg12[%get3A_442, %get3A_443] {strides = array<i32>} : memref<80x128xf32, #tpu.memory_space<vmem>>, vector<16xf32>,
        %mul3A_445 = arith.mulf %get3A_444, %get3A_444 : vector<16xf32>
        %add3A_446 = arith.addf %mul3A_441, %mul3A_445 : vector<16xf32>
        %get3A_447 = arith.index_cast %add3A_437 : i32 to index
        %get3A_448 = arith.constant 32 : index
        %get3A_449 = tpu.vector_load %arg12[%get3A_447, %get3A_448] {strides = array<i32>} : memref<80x128xf32, #tpu.memory_space<vmem>>, vector<16xf32>,
        %mul3A_450 = arith.mulf %get3A_449, %get3A_449 : vector<16xf32>
        %add3A_451 = arith.addf %add3A_446, %mul3A_450 : vector<16xf32>
        %get3A_452 = arith.index_cast %add3A_437 : i32 to index
        %get3A_453 = arith.constant 48 : index
        %get3A_454 = tpu.vector_load %arg12[%get3A_452, %get3A_453] {strides = array<i32>} : memref<80x128xf32, #tpu.memory_space<vmem>>, vector<16xf32>,
        %mul3A_455 = arith.mulf %get3A_454, %get3A_454 : vector<16xf32>
        %add3A_456 = arith.addf %add3A_451, %mul3A_455 : vector<16xf32>
        %get3A_457 = arith.index_cast %add3A_437 : i32 to index
        %get3A_458 = arith.constant 64 : index
        %get3A_459 = tpu.vector_load %arg12[%get3A_457, %get3A_458] {strides = array<i32>} : memref<80x128xf32, #tpu.memory_space<vmem>>, vector<16xf32>,
        %mul3A_460 = arith.mulf %get3A_459, %get3A_459 : vector<16xf32>
        %add3A_461 = arith.addf %add3A_456, %mul3A_460 : vector<16xf32>
        %get3A_462 = arith.index_cast %add3A_437 : i32 to index
        %get3A_463 = arith.constant 80 : index
        %get3A_464 = tpu.vector_load %arg12[%get3A_462, %get3A_463] {strides = array<i32>} : memref<80x128xf32, #tpu.memory_space<vmem>>, vector<16xf32>,
        %mul3A_465 = arith.mulf %get3A_464, %get3A_464 : vector<16xf32>
        %add3A_466 = arith.addf %add3A_461, %mul3A_465 : vector<16xf32>
        %get3A_467 = arith.index_cast %add3A_437 : i32 to index
        %get3A_468 = arith.constant 96 : index
        %get3A_469 = tpu.vector_load %arg12[%get3A_467, %get3A_468] {strides = array<i32>} : memref<80x128xf32, #tpu.memory_space<vmem>>, vector<16xf32>,
        %mul3A_470 = arith.mulf %get3A_469, %get3A_469 : vector<16xf32>
        %add3A_471 = arith.addf %add3A_466, %mul3A_470 : vector<16xf32>
        %get3A_472 = arith.index_cast %add3A_437 : i32 to index
        %get3A_473 = arith.constant 112 : index
        %get3A_474 = tpu.vector_load %arg12[%get3A_472, %get3A_473] {strides = array<i32>} : memref<80x128xf32, #tpu.memory_space<vmem>>, vector<16xf32>,
        %mul3A_475 = arith.mulf %get3A_474, %get3A_474 : vector<16xf32>
        %add3A_476 = arith.addf %add3A_471, %mul3A_475 : vector<16xf32>
        %mul3A_477 = arith.constant 16 : i32
        %mul3A_478 = vector.broadcast %mul3A_477 : i32 to vector<16xi32>
        %mul3A_479 = arith.muli %iota3A, %mul3A_478 : vector<16xi32>
        %add3A_480 = arith.constant 5 : i32
        %add3A_481 = vector.broadcast %add3A_480 : i32 to vector<16xi32>
        %add3A_482 = arith.addi %mul3A_479, %add3A_481 : vector<16xi32>
        tpu.vector_store_idx %arg13[%add3A_482], %add3A_476 : memref<256xf32, #tpu.memory_space<vmem>>[vector<16xi32>], vector<16xf32>,
        %add3A_483 = arith.constant 6 : i32
        %add3A_484 = arith.addi %mul3A_201, %add3A_483 : i32
        %get3A_485 = arith.index_cast %add3A_484 : i32 to index
        %get3A_486 = arith.constant 0 : index
        %get3A_487 = tpu.vector_load %arg12[%get3A_485, %get3A_486] {strides = array<i32>} : memref<80x128xf32, #tpu.memory_space<vmem>>, vector<16xf32>,
        %mul3A_488 = arith.mulf %get3A_487, %get3A_487 : vector<16xf32>
        %get3A_489 = arith.index_cast %add3A_484 : i32 to index
        %get3A_490 = arith.constant 16 : index
        %get3A_491 = tpu.vector_load %arg12[%get3A_489, %get3A_490] {strides = array<i32>} : memref<80x128xf32, #tpu.memory_space<vmem>>, vector<16xf32>,
        %mul3A_492 = arith.mulf %get3A_491, %get3A_491 : vector<16xf32>
        %add3A_493 = arith.addf %mul3A_488, %mul3A_492 : vector<16xf32>
        %get3A_494 = arith.index_cast %add3A_484 : i32 to index
        %get3A_495 = arith.constant 32 : index
        %get3A_496 = tpu.vector_load %arg12[%get3A_494, %get3A_495] {strides = array<i32>} : memref<80x128xf32, #tpu.memory_space<vmem>>, vector<16xf32>,
        %mul3A_497 = arith.mulf %get3A_496, %get3A_496 : vector<16xf32>
        %add3A_498 = arith.addf %add3A_493, %mul3A_497 : vector<16xf32>
        %get3A_499 = arith.index_cast %add3A_484 : i32 to index
        %get3A_500 = arith.constant 48 : index
        %get3A_501 = tpu.vector_load %arg12[%get3A_499, %get3A_500] {strides = array<i32>} : memref<80x128xf32, #tpu.memory_space<vmem>>, vector<16xf32>,
        %mul3A_502 = arith.mulf %get3A_501, %get3A_501 : vector<16xf32>
        %add3A_503 = arith.addf %add3A_498, %mul3A_502 : vector<16xf32>
        %get3A_504 = arith.index_cast %add3A_484 : i32 to index
        %get3A_505 = arith.constant 64 : index
        %get3A_506 = tpu.vector_load %arg12[%get3A_504, %get3A_505] {strides = array<i32>} : memref<80x128xf32, #tpu.memory_space<vmem>>, vector<16xf32>,
        %mul3A_507 = arith.mulf %get3A_506, %get3A_506 : vector<16xf32>
        %add3A_508 = arith.addf %add3A_503, %mul3A_507 : vector<16xf32>
        %get3A_509 = arith.index_cast %add3A_484 : i32 to index
        %get3A_510 = arith.constant 80 : index
        %get3A_511 = tpu.vector_load %arg12[%get3A_509, %get3A_510] {strides = array<i32>} : memref<80x128xf32, #tpu.memory_space<vmem>>, vector<16xf32>,
        %mul3A_512 = arith.mulf %get3A_511, %get3A_511 : vector<16xf32>
        %add3A_513 = arith.addf %add3A_508, %mul3A_512 : vector<16xf32>
        %get3A_514 = arith.index_cast %add3A_484 : i32 to index
        %get3A_515 = arith.constant 96 : index
        %get3A_516 = tpu.vector_load %arg12[%get3A_514, %get3A_515] {strides = array<i32>} : memref<80x128xf32, #tpu.memory_space<vmem>>, vector<16xf32>,
        %mul3A_517 = arith.mulf %get3A_516, %get3A_516 : vector<16xf32>
        %add3A_518 = arith.addf %add3A_513, %mul3A_517 : vector<16xf32>
        %get3A_519 = arith.index_cast %add3A_484 : i32 to index
        %get3A_520 = arith.constant 112 : index
        %get3A_521 = tpu.vector_load %arg12[%get3A_519, %get3A_520] {strides = array<i32>} : memref<80x128xf32, #tpu.memory_space<vmem>>, vector<16xf32>,
        %mul3A_522 = arith.mulf %get3A_521, %get3A_521 : vector<16xf32>
        %add3A_523 = arith.addf %add3A_518, %mul3A_522 : vector<16xf32>
        %mul3A_524 = arith.constant 16 : i32
        %mul3A_525 = vector.broadcast %mul3A_524 : i32 to vector<16xi32>
        %mul3A_526 = arith.muli %iota3A, %mul3A_525 : vector<16xi32>
        %add3A_527 = arith.constant 6 : i32
        %add3A_528 = vector.broadcast %add3A_527 : i32 to vector<16xi32>
        %add3A_529 = arith.addi %mul3A_526, %add3A_528 : vector<16xi32>
        tpu.vector_store_idx %arg13[%add3A_529], %add3A_523 : memref<256xf32, #tpu.memory_space<vmem>>[vector<16xi32>], vector<16xf32>,
        %add3A_530 = arith.constant 7 : i32
        %add3A_531 = arith.addi %mul3A_201, %add3A_530 : i32
        %get3A_532 = arith.index_cast %add3A_531 : i32 to index
        %get3A_533 = arith.constant 0 : index
        %get3A_534 = tpu.vector_load %arg12[%get3A_532, %get3A_533] {strides = array<i32>} : memref<80x128xf32, #tpu.memory_space<vmem>>, vector<16xf32>,
        %mul3A_535 = arith.mulf %get3A_534, %get3A_534 : vector<16xf32>
        %get3A_536 = arith.index_cast %add3A_531 : i32 to index
        %get3A_537 = arith.constant 16 : index
        %get3A_538 = tpu.vector_load %arg12[%get3A_536, %get3A_537] {strides = array<i32>} : memref<80x128xf32, #tpu.memory_space<vmem>>, vector<16xf32>,
        %mul3A_539 = arith.mulf %get3A_538, %get3A_538 : vector<16xf32>
        %add3A_540 = arith.addf %mul3A_535, %mul3A_539 : vector<16xf32>
        %get3A_541 = arith.index_cast %add3A_531 : i32 to index
        %get3A_542 = arith.constant 32 : index
        %get3A_543 = tpu.vector_load %arg12[%get3A_541, %get3A_542] {strides = array<i32>} : memref<80x128xf32, #tpu.memory_space<vmem>>, vector<16xf32>,
        %mul3A_544 = arith.mulf %get3A_543, %get3A_543 : vector<16xf32>
        %add3A_545 = arith.addf %add3A_540, %mul3A_544 : vector<16xf32>
        %get3A_546 = arith.index_cast %add3A_531 : i32 to index
        %get3A_547 = arith.constant 48 : index
        %get3A_548 = tpu.vector_load %arg12[%get3A_546, %get3A_547] {strides = array<i32>} : memref<80x128xf32, #tpu.memory_space<vmem>>, vector<16xf32>,
        %mul3A_549 = arith.mulf %get3A_548, %get3A_548 : vector<16xf32>
        %add3A_550 = arith.addf %add3A_545, %mul3A_549 : vector<16xf32>
        %get3A_551 = arith.index_cast %add3A_531 : i32 to index
        %get3A_552 = arith.constant 64 : index
        %get3A_553 = tpu.vector_load %arg12[%get3A_551, %get3A_552] {strides = array<i32>} : memref<80x128xf32, #tpu.memory_space<vmem>>, vector<16xf32>,
        %mul3A_554 = arith.mulf %get3A_553, %get3A_553 : vector<16xf32>
        %add3A_555 = arith.addf %add3A_550, %mul3A_554 : vector<16xf32>
        %get3A_556 = arith.index_cast %add3A_531 : i32 to index
        %get3A_557 = arith.constant 80 : index
        %get3A_558 = tpu.vector_load %arg12[%get3A_556, %get3A_557] {strides = array<i32>} : memref<80x128xf32, #tpu.memory_space<vmem>>, vector<16xf32>,
        %mul3A_559 = arith.mulf %get3A_558, %get3A_558 : vector<16xf32>
        %add3A_560 = arith.addf %add3A_555, %mul3A_559 : vector<16xf32>
        %get3A_561 = arith.index_cast %add3A_531 : i32 to index
        %get3A_562 = arith.constant 96 : index
        %get3A_563 = tpu.vector_load %arg12[%get3A_561, %get3A_562] {strides = array<i32>} : memref<80x128xf32, #tpu.memory_space<vmem>>, vector<16xf32>,
        %mul3A_564 = arith.mulf %get3A_563, %get3A_563 : vector<16xf32>
        %add3A_565 = arith.addf %add3A_560, %mul3A_564 : vector<16xf32>
        %get3A_566 = arith.index_cast %add3A_531 : i32 to index
        %get3A_567 = arith.constant 112 : index
        %get3A_568 = tpu.vector_load %arg12[%get3A_566, %get3A_567] {strides = array<i32>} : memref<80x128xf32, #tpu.memory_space<vmem>>, vector<16xf32>,
        %mul3A_569 = arith.mulf %get3A_568, %get3A_568 : vector<16xf32>
        %add3A_570 = arith.addf %add3A_565, %mul3A_569 : vector<16xf32>
        %mul3A_571 = arith.constant 16 : i32
        %mul3A_572 = vector.broadcast %mul3A_571 : i32 to vector<16xi32>
        %mul3A_573 = arith.muli %iota3A, %mul3A_572 : vector<16xi32>
        %add3A_574 = arith.constant 7 : i32
        %add3A_575 = vector.broadcast %add3A_574 : i32 to vector<16xi32>
        %add3A_576 = arith.addi %mul3A_573, %add3A_575 : vector<16xi32>
        tpu.vector_store_idx %arg13[%add3A_576], %add3A_570 : memref<256xf32, #tpu.memory_space<vmem>>[vector<16xi32>], vector<16xf32>,
        %add3A_577 = arith.constant 8 : i32
        %add3A_578 = arith.addi %mul3A_201, %add3A_577 : i32
        %get3A_579 = arith.index_cast %add3A_578 : i32 to index
        %get3A_580 = arith.constant 0 : index
        %get3A_581 = tpu.vector_load %arg12[%get3A_579, %get3A_580] {strides = array<i32>} : memref<80x128xf32, #tpu.memory_space<vmem>>, vector<16xf32>,
        %mul3A_582 = arith.mulf %get3A_581, %get3A_581 : vector<16xf32>
        %get3A_583 = arith.index_cast %add3A_578 : i32 to index
        %get3A_584 = arith.constant 16 : index
        %get3A_585 = tpu.vector_load %arg12[%get3A_583, %get3A_584] {strides = array<i32>} : memref<80x128xf32, #tpu.memory_space<vmem>>, vector<16xf32>,
        %mul3A_586 = arith.mulf %get3A_585, %get3A_585 : vector<16xf32>
        %add3A_587 = arith.addf %mul3A_582, %mul3A_586 : vector<16xf32>
        %get3A_588 = arith.index_cast %add3A_578 : i32 to index
        %get3A_589 = arith.constant 32 : index
        %get3A_590 = tpu.vector_load %arg12[%get3A_588, %get3A_589] {strides = array<i32>} : memref<80x128xf32, #tpu.memory_space<vmem>>, vector<16xf32>,
        %mul3A_591 = arith.mulf %get3A_590, %get3A_590 : vector<16xf32>
        %add3A_592 = arith.addf %add3A_587, %mul3A_591 : vector<16xf32>
        %get3A_593 = arith.index_cast %add3A_578 : i32 to index
        %get3A_594 = arith.constant 48 : index
        %get3A_595 = tpu.vector_load %arg12[%get3A_593, %get3A_594] {strides = array<i32>} : memref<80x128xf32, #tpu.memory_space<vmem>>, vector<16xf32>,
        %mul3A_596 = arith.mulf %get3A_595, %get3A_595 : vector<16xf32>
        %add3A_597 = arith.addf %add3A_592, %mul3A_596 : vector<16xf32>
        %get3A_598 = arith.index_cast %add3A_578 : i32 to index
        %get3A_599 = arith.constant 64 : index
        %get3A_600 = tpu.vector_load %arg12[%get3A_598, %get3A_599] {strides = array<i32>} : memref<80x128xf32, #tpu.memory_space<vmem>>, vector<16xf32>,
        %mul3A_601 = arith.mulf %get3A_600, %get3A_600 : vector<16xf32>
        %add3A_602 = arith.addf %add3A_597, %mul3A_601 : vector<16xf32>
        %get3A_603 = arith.index_cast %add3A_578 : i32 to index
        %get3A_604 = arith.constant 80 : index
        %get3A_605 = tpu.vector_load %arg12[%get3A_603, %get3A_604] {strides = array<i32>} : memref<80x128xf32, #tpu.memory_space<vmem>>, vector<16xf32>,
        %mul3A_606 = arith.mulf %get3A_605, %get3A_605 : vector<16xf32>
        %add3A_607 = arith.addf %add3A_602, %mul3A_606 : vector<16xf32>
        %get3A_608 = arith.index_cast %add3A_578 : i32 to index
        %get3A_609 = arith.constant 96 : index
        %get3A_610 = tpu.vector_load %arg12[%get3A_608, %get3A_609] {strides = array<i32>} : memref<80x128xf32, #tpu.memory_space<vmem>>, vector<16xf32>,
        %mul3A_611 = arith.mulf %get3A_610, %get3A_610 : vector<16xf32>
        %add3A_612 = arith.addf %add3A_607, %mul3A_611 : vector<16xf32>
        %get3A_613 = arith.index_cast %add3A_578 : i32 to index
        %get3A_614 = arith.constant 112 : index
        %get3A_615 = tpu.vector_load %arg12[%get3A_613, %get3A_614] {strides = array<i32>} : memref<80x128xf32, #tpu.memory_space<vmem>>, vector<16xf32>,
        %mul3A_616 = arith.mulf %get3A_615, %get3A_615 : vector<16xf32>
        %add3A_617 = arith.addf %add3A_612, %mul3A_616 : vector<16xf32>
        %mul3A_618 = arith.constant 16 : i32
        %mul3A_619 = vector.broadcast %mul3A_618 : i32 to vector<16xi32>
        %mul3A_620 = arith.muli %iota3A, %mul3A_619 : vector<16xi32>
        %add3A_621 = arith.constant 8 : i32
        %add3A_622 = vector.broadcast %add3A_621 : i32 to vector<16xi32>
        %add3A_623 = arith.addi %mul3A_620, %add3A_622 : vector<16xi32>
        tpu.vector_store_idx %arg13[%add3A_623], %add3A_617 : memref<256xf32, #tpu.memory_space<vmem>>[vector<16xi32>], vector<16xf32>,
        %add3A_624 = arith.constant 9 : i32
        %add3A_625 = arith.addi %mul3A_201, %add3A_624 : i32
        %get3A_626 = arith.index_cast %add3A_625 : i32 to index
        %get3A_627 = arith.constant 0 : index
        %get3A_628 = tpu.vector_load %arg12[%get3A_626, %get3A_627] {strides = array<i32>} : memref<80x128xf32, #tpu.memory_space<vmem>>, vector<16xf32>,
        %mul3A_629 = arith.mulf %get3A_628, %get3A_628 : vector<16xf32>
        %get3A_630 = arith.index_cast %add3A_625 : i32 to index
        %get3A_631 = arith.constant 16 : index
        %get3A_632 = tpu.vector_load %arg12[%get3A_630, %get3A_631] {strides = array<i32>} : memref<80x128xf32, #tpu.memory_space<vmem>>, vector<16xf32>,
        %mul3A_633 = arith.mulf %get3A_632, %get3A_632 : vector<16xf32>
        %add3A_634 = arith.addf %mul3A_629, %mul3A_633 : vector<16xf32>
        %get3A_635 = arith.index_cast %add3A_625 : i32 to index
        %get3A_636 = arith.constant 32 : index
        %get3A_637 = tpu.vector_load %arg12[%get3A_635, %get3A_636] {strides = array<i32>} : memref<80x128xf32, #tpu.memory_space<vmem>>, vector<16xf32>,
        %mul3A_638 = arith.mulf %get3A_637, %get3A_637 : vector<16xf32>
        %add3A_639 = arith.addf %add3A_634, %mul3A_638 : vector<16xf32>
        %get3A_640 = arith.index_cast %add3A_625 : i32 to index
        %get3A_641 = arith.constant 48 : index
        %get3A_642 = tpu.vector_load %arg12[%get3A_640, %get3A_641] {strides = array<i32>} : memref<80x128xf32, #tpu.memory_space<vmem>>, vector<16xf32>,
        %mul3A_643 = arith.mulf %get3A_642, %get3A_642 : vector<16xf32>
        %add3A_644 = arith.addf %add3A_639, %mul3A_643 : vector<16xf32>
        %get3A_645 = arith.index_cast %add3A_625 : i32 to index
        %get3A_646 = arith.constant 64 : index
        %get3A_647 = tpu.vector_load %arg12[%get3A_645, %get3A_646] {strides = array<i32>} : memref<80x128xf32, #tpu.memory_space<vmem>>, vector<16xf32>,
        %mul3A_648 = arith.mulf %get3A_647, %get3A_647 : vector<16xf32>
        %add3A_649 = arith.addf %add3A_644, %mul3A_648 : vector<16xf32>
        %get3A_650 = arith.index_cast %add3A_625 : i32 to index
        %get3A_651 = arith.constant 80 : index
        %get3A_652 = tpu.vector_load %arg12[%get3A_650, %get3A_651] {strides = array<i32>} : memref<80x128xf32, #tpu.memory_space<vmem>>, vector<16xf32>,
        %mul3A_653 = arith.mulf %get3A_652, %get3A_652 : vector<16xf32>
        %add3A_654 = arith.addf %add3A_649, %mul3A_653 : vector<16xf32>
        %get3A_655 = arith.index_cast %add3A_625 : i32 to index
        %get3A_656 = arith.constant 96 : index
        %get3A_657 = tpu.vector_load %arg12[%get3A_655, %get3A_656] {strides = array<i32>} : memref<80x128xf32, #tpu.memory_space<vmem>>, vector<16xf32>,
        %mul3A_658 = arith.mulf %get3A_657, %get3A_657 : vector<16xf32>
        %add3A_659 = arith.addf %add3A_654, %mul3A_658 : vector<16xf32>
        %get3A_660 = arith.index_cast %add3A_625 : i32 to index
        %get3A_661 = arith.constant 112 : index
        %get3A_662 = tpu.vector_load %arg12[%get3A_660, %get3A_661] {strides = array<i32>} : memref<80x128xf32, #tpu.memory_space<vmem>>, vector<16xf32>,
        %mul3A_663 = arith.mulf %get3A_662, %get3A_662 : vector<16xf32>
        %add3A_664 = arith.addf %add3A_659, %mul3A_663 : vector<16xf32>
        %mul3A_665 = arith.constant 16 : i32
        %mul3A_666 = vector.broadcast %mul3A_665 : i32 to vector<16xi32>
        %mul3A_667 = arith.muli %iota3A, %mul3A_666 : vector<16xi32>
        %add3A_668 = arith.constant 9 : i32
        %add3A_669 = vector.broadcast %add3A_668 : i32 to vector<16xi32>
        %add3A_670 = arith.addi %mul3A_667, %add3A_669 : vector<16xi32>
        tpu.vector_store_idx %arg13[%add3A_670], %add3A_664 : memref<256xf32, #tpu.memory_space<vmem>>[vector<16xi32>], vector<16xf32>,
        %add3A_671 = arith.constant 10 : i32
        %add3A_672 = arith.addi %mul3A_201, %add3A_671 : i32
        %get3A_673 = arith.index_cast %add3A_672 : i32 to index
        %get3A_674 = arith.constant 0 : index
        %get3A_675 = tpu.vector_load %arg12[%get3A_673, %get3A_674] {strides = array<i32>} : memref<80x128xf32, #tpu.memory_space<vmem>>, vector<16xf32>,
        %mul3A_676 = arith.mulf %get3A_675, %get3A_675 : vector<16xf32>
        %get3A_677 = arith.index_cast %add3A_672 : i32 to index
        %get3A_678 = arith.constant 16 : index
        %get3A_679 = tpu.vector_load %arg12[%get3A_677, %get3A_678] {strides = array<i32>} : memref<80x128xf32, #tpu.memory_space<vmem>>, vector<16xf32>,
        %mul3A_680 = arith.mulf %get3A_679, %get3A_679 : vector<16xf32>
        %add3A_681 = arith.addf %mul3A_676, %mul3A_680 : vector<16xf32>
        %get3A_682 = arith.index_cast %add3A_672 : i32 to index
        %get3A_683 = arith.constant 32 : index
        %get3A_684 = tpu.vector_load %arg12[%get3A_682, %get3A_683] {strides = array<i32>} : memref<80x128xf32, #tpu.memory_space<vmem>>, vector<16xf32>,
        %mul3A_685 = arith.mulf %get3A_684, %get3A_684 : vector<16xf32>
        %add3A_686 = arith.addf %add3A_681, %mul3A_685 : vector<16xf32>
        %get3A_687 = arith.index_cast %add3A_672 : i32 to index
        %get3A_688 = arith.constant 48 : index
        %get3A_689 = tpu.vector_load %arg12[%get3A_687, %get3A_688] {strides = array<i32>} : memref<80x128xf32, #tpu.memory_space<vmem>>, vector<16xf32>,
        %mul3A_690 = arith.mulf %get3A_689, %get3A_689 : vector<16xf32>
        %add3A_691 = arith.addf %add3A_686, %mul3A_690 : vector<16xf32>
        %get3A_692 = arith.index_cast %add3A_672 : i32 to index
        %get3A_693 = arith.constant 64 : index
        %get3A_694 = tpu.vector_load %arg12[%get3A_692, %get3A_693] {strides = array<i32>} : memref<80x128xf32, #tpu.memory_space<vmem>>, vector<16xf32>,
        %mul3A_695 = arith.mulf %get3A_694, %get3A_694 : vector<16xf32>
        %add3A_696 = arith.addf %add3A_691, %mul3A_695 : vector<16xf32>
        %get3A_697 = arith.index_cast %add3A_672 : i32 to index
        %get3A_698 = arith.constant 80 : index
        %get3A_699 = tpu.vector_load %arg12[%get3A_697, %get3A_698] {strides = array<i32>} : memref<80x128xf32, #tpu.memory_space<vmem>>, vector<16xf32>,
        %mul3A_700 = arith.mulf %get3A_699, %get3A_699 : vector<16xf32>
        %add3A_701 = arith.addf %add3A_696, %mul3A_700 : vector<16xf32>
        %get3A_702 = arith.index_cast %add3A_672 : i32 to index
        %get3A_703 = arith.constant 96 : index
        %get3A_704 = tpu.vector_load %arg12[%get3A_702, %get3A_703] {strides = array<i32>} : memref<80x128xf32, #tpu.memory_space<vmem>>, vector<16xf32>,
        %mul3A_705 = arith.mulf %get3A_704, %get3A_704 : vector<16xf32>
        %add3A_706 = arith.addf %add3A_701, %mul3A_705 : vector<16xf32>
        %get3A_707 = arith.index_cast %add3A_672 : i32 to index
        %get3A_708 = arith.constant 112 : index
        %get3A_709 = tpu.vector_load %arg12[%get3A_707, %get3A_708] {strides = array<i32>} : memref<80x128xf32, #tpu.memory_space<vmem>>, vector<16xf32>,
        %mul3A_710 = arith.mulf %get3A_709, %get3A_709 : vector<16xf32>
        %add3A_711 = arith.addf %add3A_706, %mul3A_710 : vector<16xf32>
        %mul3A_712 = arith.constant 16 : i32
        %mul3A_713 = vector.broadcast %mul3A_712 : i32 to vector<16xi32>
        %mul3A_714 = arith.muli %iota3A, %mul3A_713 : vector<16xi32>
        %add3A_715 = arith.constant 10 : i32
        %add3A_716 = vector.broadcast %add3A_715 : i32 to vector<16xi32>
        %add3A_717 = arith.addi %mul3A_714, %add3A_716 : vector<16xi32>
        tpu.vector_store_idx %arg13[%add3A_717], %add3A_711 : memref<256xf32, #tpu.memory_space<vmem>>[vector<16xi32>], vector<16xf32>,
        %add3A_718 = arith.constant 11 : i32
        %add3A_719 = arith.addi %mul3A_201, %add3A_718 : i32
        %get3A_720 = arith.index_cast %add3A_719 : i32 to index
        %get3A_721 = arith.constant 0 : index
        %get3A_722 = tpu.vector_load %arg12[%get3A_720, %get3A_721] {strides = array<i32>} : memref<80x128xf32, #tpu.memory_space<vmem>>, vector<16xf32>,
        %mul3A_723 = arith.mulf %get3A_722, %get3A_722 : vector<16xf32>
        %get3A_724 = arith.index_cast %add3A_719 : i32 to index
        %get3A_725 = arith.constant 16 : index
        %get3A_726 = tpu.vector_load %arg12[%get3A_724, %get3A_725] {strides = array<i32>} : memref<80x128xf32, #tpu.memory_space<vmem>>, vector<16xf32>,
        %mul3A_727 = arith.mulf %get3A_726, %get3A_726 : vector<16xf32>
        %add3A_728 = arith.addf %mul3A_723, %mul3A_727 : vector<16xf32>
        %get3A_729 = arith.index_cast %add3A_719 : i32 to index
        %get3A_730 = arith.constant 32 : index
        %get3A_731 = tpu.vector_load %arg12[%get3A_729, %get3A_730] {strides = array<i32>} : memref<80x128xf32, #tpu.memory_space<vmem>>, vector<16xf32>,
        %mul3A_732 = arith.mulf %get3A_731, %get3A_731 : vector<16xf32>
        %add3A_733 = arith.addf %add3A_728, %mul3A_732 : vector<16xf32>
        %get3A_734 = arith.index_cast %add3A_719 : i32 to index
        %get3A_735 = arith.constant 48 : index
        %get3A_736 = tpu.vector_load %arg12[%get3A_734, %get3A_735] {strides = array<i32>} : memref<80x128xf32, #tpu.memory_space<vmem>>, vector<16xf32>,
        %mul3A_737 = arith.mulf %get3A_736, %get3A_736 : vector<16xf32>
        %add3A_738 = arith.addf %add3A_733, %mul3A_737 : vector<16xf32>
        %get3A_739 = arith.index_cast %add3A_719 : i32 to index
        %get3A_740 = arith.constant 64 : index
        %get3A_741 = tpu.vector_load %arg12[%get3A_739, %get3A_740] {strides = array<i32>} : memref<80x128xf32, #tpu.memory_space<vmem>>, vector<16xf32>,
        %mul3A_742 = arith.mulf %get3A_741, %get3A_741 : vector<16xf32>
        %add3A_743 = arith.addf %add3A_738, %mul3A_742 : vector<16xf32>
        %get3A_744 = arith.index_cast %add3A_719 : i32 to index
        %get3A_745 = arith.constant 80 : index
        %get3A_746 = tpu.vector_load %arg12[%get3A_744, %get3A_745] {strides = array<i32>} : memref<80x128xf32, #tpu.memory_space<vmem>>, vector<16xf32>,
        %mul3A_747 = arith.mulf %get3A_746, %get3A_746 : vector<16xf32>
        %add3A_748 = arith.addf %add3A_743, %mul3A_747 : vector<16xf32>
        %get3A_749 = arith.index_cast %add3A_719 : i32 to index
        %get3A_750 = arith.constant 96 : index
        %get3A_751 = tpu.vector_load %arg12[%get3A_749, %get3A_750] {strides = array<i32>} : memref<80x128xf32, #tpu.memory_space<vmem>>, vector<16xf32>,
        %mul3A_752 = arith.mulf %get3A_751, %get3A_751 : vector<16xf32>
        %add3A_753 = arith.addf %add3A_748, %mul3A_752 : vector<16xf32>
        %get3A_754 = arith.index_cast %add3A_719 : i32 to index
        %get3A_755 = arith.constant 112 : index
        %get3A_756 = tpu.vector_load %arg12[%get3A_754, %get3A_755] {strides = array<i32>} : memref<80x128xf32, #tpu.memory_space<vmem>>, vector<16xf32>,
        %mul3A_757 = arith.mulf %get3A_756, %get3A_756 : vector<16xf32>
        %add3A_758 = arith.addf %add3A_753, %mul3A_757 : vector<16xf32>
        %mul3A_759 = arith.constant 16 : i32
        %mul3A_760 = vector.broadcast %mul3A_759 : i32 to vector<16xi32>
        %mul3A_761 = arith.muli %iota3A, %mul3A_760 : vector<16xi32>
        %add3A_762 = arith.constant 11 : i32
        %add3A_763 = vector.broadcast %add3A_762 : i32 to vector<16xi32>
        %add3A_764 = arith.addi %mul3A_761, %add3A_763 : vector<16xi32>
        tpu.vector_store_idx %arg13[%add3A_764], %add3A_758 : memref<256xf32, #tpu.memory_space<vmem>>[vector<16xi32>], vector<16xf32>,
        %add3A_765 = arith.constant 12 : i32
        %add3A_766 = arith.addi %mul3A_201, %add3A_765 : i32
        %get3A_767 = arith.index_cast %add3A_766 : i32 to index
        %get3A_768 = arith.constant 0 : index
        %get3A_769 = tpu.vector_load %arg12[%get3A_767, %get3A_768] {strides = array<i32>} : memref<80x128xf32, #tpu.memory_space<vmem>>, vector<16xf32>,
        %mul3A_770 = arith.mulf %get3A_769, %get3A_769 : vector<16xf32>
        %get3A_771 = arith.index_cast %add3A_766 : i32 to index
        %get3A_772 = arith.constant 16 : index
        %get3A_773 = tpu.vector_load %arg12[%get3A_771, %get3A_772] {strides = array<i32>} : memref<80x128xf32, #tpu.memory_space<vmem>>, vector<16xf32>,
        %mul3A_774 = arith.mulf %get3A_773, %get3A_773 : vector<16xf32>
        %add3A_775 = arith.addf %mul3A_770, %mul3A_774 : vector<16xf32>
        %get3A_776 = arith.index_cast %add3A_766 : i32 to index
        %get3A_777 = arith.constant 32 : index
        %get3A_778 = tpu.vector_load %arg12[%get3A_776, %get3A_777] {strides = array<i32>} : memref<80x128xf32, #tpu.memory_space<vmem>>, vector<16xf32>,
        %mul3A_779 = arith.mulf %get3A_778, %get3A_778 : vector<16xf32>
        %add3A_780 = arith.addf %add3A_775, %mul3A_779 : vector<16xf32>
        %get3A_781 = arith.index_cast %add3A_766 : i32 to index
        %get3A_782 = arith.constant 48 : index
        %get3A_783 = tpu.vector_load %arg12[%get3A_781, %get3A_782] {strides = array<i32>} : memref<80x128xf32, #tpu.memory_space<vmem>>, vector<16xf32>,
        %mul3A_784 = arith.mulf %get3A_783, %get3A_783 : vector<16xf32>
        %add3A_785 = arith.addf %add3A_780, %mul3A_784 : vector<16xf32>
        %get3A_786 = arith.index_cast %add3A_766 : i32 to index
        %get3A_787 = arith.constant 64 : index
        %get3A_788 = tpu.vector_load %arg12[%get3A_786, %get3A_787] {strides = array<i32>} : memref<80x128xf32, #tpu.memory_space<vmem>>, vector<16xf32>,
        %mul3A_789 = arith.mulf %get3A_788, %get3A_788 : vector<16xf32>
        %add3A_790 = arith.addf %add3A_785, %mul3A_789 : vector<16xf32>
        %get3A_791 = arith.index_cast %add3A_766 : i32 to index
        %get3A_792 = arith.constant 80 : index
        %get3A_793 = tpu.vector_load %arg12[%get3A_791, %get3A_792] {strides = array<i32>} : memref<80x128xf32, #tpu.memory_space<vmem>>, vector<16xf32>,
        %mul3A_794 = arith.mulf %get3A_793, %get3A_793 : vector<16xf32>
        %add3A_795 = arith.addf %add3A_790, %mul3A_794 : vector<16xf32>
        %get3A_796 = arith.index_cast %add3A_766 : i32 to index
        %get3A_797 = arith.constant 96 : index
        %get3A_798 = tpu.vector_load %arg12[%get3A_796, %get3A_797] {strides = array<i32>} : memref<80x128xf32, #tpu.memory_space<vmem>>, vector<16xf32>,
        %mul3A_799 = arith.mulf %get3A_798, %get3A_798 : vector<16xf32>
        %add3A_800 = arith.addf %add3A_795, %mul3A_799 : vector<16xf32>
        %get3A_801 = arith.index_cast %add3A_766 : i32 to index
        %get3A_802 = arith.constant 112 : index
        %get3A_803 = tpu.vector_load %arg12[%get3A_801, %get3A_802] {strides = array<i32>} : memref<80x128xf32, #tpu.memory_space<vmem>>, vector<16xf32>,
        %mul3A_804 = arith.mulf %get3A_803, %get3A_803 : vector<16xf32>
        %add3A_805 = arith.addf %add3A_800, %mul3A_804 : vector<16xf32>
        %mul3A_806 = arith.constant 16 : i32
        %mul3A_807 = vector.broadcast %mul3A_806 : i32 to vector<16xi32>
        %mul3A_808 = arith.muli %iota3A, %mul3A_807 : vector<16xi32>
        %add3A_809 = arith.constant 12 : i32
        %add3A_810 = vector.broadcast %add3A_809 : i32 to vector<16xi32>
        %add3A_811 = arith.addi %mul3A_808, %add3A_810 : vector<16xi32>
        tpu.vector_store_idx %arg13[%add3A_811], %add3A_805 : memref<256xf32, #tpu.memory_space<vmem>>[vector<16xi32>], vector<16xf32>,
        %add3A_812 = arith.constant 13 : i32
        %add3A_813 = arith.addi %mul3A_201, %add3A_812 : i32
        %get3A_814 = arith.index_cast %add3A_813 : i32 to index
        %get3A_815 = arith.constant 0 : index
        %get3A_816 = tpu.vector_load %arg12[%get3A_814, %get3A_815] {strides = array<i32>} : memref<80x128xf32, #tpu.memory_space<vmem>>, vector<16xf32>,
        %mul3A_817 = arith.mulf %get3A_816, %get3A_816 : vector<16xf32>
        %get3A_818 = arith.index_cast %add3A_813 : i32 to index
        %get3A_819 = arith.constant 16 : index
        %get3A_820 = tpu.vector_load %arg12[%get3A_818, %get3A_819] {strides = array<i32>} : memref<80x128xf32, #tpu.memory_space<vmem>>, vector<16xf32>,
        %mul3A_821 = arith.mulf %get3A_820, %get3A_820 : vector<16xf32>
        %add3A_822 = arith.addf %mul3A_817, %mul3A_821 : vector<16xf32>
        %get3A_823 = arith.index_cast %add3A_813 : i32 to index
        %get3A_824 = arith.constant 32 : index
        %get3A_825 = tpu.vector_load %arg12[%get3A_823, %get3A_824] {strides = array<i32>} : memref<80x128xf32, #tpu.memory_space<vmem>>, vector<16xf32>,
        %mul3A_826 = arith.mulf %get3A_825, %get3A_825 : vector<16xf32>
        %add3A_827 = arith.addf %add3A_822, %mul3A_826 : vector<16xf32>
        %get3A_828 = arith.index_cast %add3A_813 : i32 to index
        %get3A_829 = arith.constant 48 : index
        %get3A_830 = tpu.vector_load %arg12[%get3A_828, %get3A_829] {strides = array<i32>} : memref<80x128xf32, #tpu.memory_space<vmem>>, vector<16xf32>,
        %mul3A_831 = arith.mulf %get3A_830, %get3A_830 : vector<16xf32>
        %add3A_832 = arith.addf %add3A_827, %mul3A_831 : vector<16xf32>
        %get3A_833 = arith.index_cast %add3A_813 : i32 to index
        %get3A_834 = arith.constant 64 : index
        %get3A_835 = tpu.vector_load %arg12[%get3A_833, %get3A_834] {strides = array<i32>} : memref<80x128xf32, #tpu.memory_space<vmem>>, vector<16xf32>,
        %mul3A_836 = arith.mulf %get3A_835, %get3A_835 : vector<16xf32>
        %add3A_837 = arith.addf %add3A_832, %mul3A_836 : vector<16xf32>
        %get3A_838 = arith.index_cast %add3A_813 : i32 to index
        %get3A_839 = arith.constant 80 : index
        %get3A_840 = tpu.vector_load %arg12[%get3A_838, %get3A_839] {strides = array<i32>} : memref<80x128xf32, #tpu.memory_space<vmem>>, vector<16xf32>,
        %mul3A_841 = arith.mulf %get3A_840, %get3A_840 : vector<16xf32>
        %add3A_842 = arith.addf %add3A_837, %mul3A_841 : vector<16xf32>
        %get3A_843 = arith.index_cast %add3A_813 : i32 to index
        %get3A_844 = arith.constant 96 : index
        %get3A_845 = tpu.vector_load %arg12[%get3A_843, %get3A_844] {strides = array<i32>} : memref<80x128xf32, #tpu.memory_space<vmem>>, vector<16xf32>,
        %mul3A_846 = arith.mulf %get3A_845, %get3A_845 : vector<16xf32>
        %add3A_847 = arith.addf %add3A_842, %mul3A_846 : vector<16xf32>
        %get3A_848 = arith.index_cast %add3A_813 : i32 to index
        %get3A_849 = arith.constant 112 : index
        %get3A_850 = tpu.vector_load %arg12[%get3A_848, %get3A_849] {strides = array<i32>} : memref<80x128xf32, #tpu.memory_space<vmem>>, vector<16xf32>,
        %mul3A_851 = arith.mulf %get3A_850, %get3A_850 : vector<16xf32>
        %add3A_852 = arith.addf %add3A_847, %mul3A_851 : vector<16xf32>
        %mul3A_853 = arith.constant 16 : i32
        %mul3A_854 = vector.broadcast %mul3A_853 : i32 to vector<16xi32>
        %mul3A_855 = arith.muli %iota3A, %mul3A_854 : vector<16xi32>
        %add3A_856 = arith.constant 13 : i32
        %add3A_857 = vector.broadcast %add3A_856 : i32 to vector<16xi32>
        %add3A_858 = arith.addi %mul3A_855, %add3A_857 : vector<16xi32>
        tpu.vector_store_idx %arg13[%add3A_858], %add3A_852 : memref<256xf32, #tpu.memory_space<vmem>>[vector<16xi32>], vector<16xf32>,
        %add3A_859 = arith.constant 14 : i32
        %add3A_860 = arith.addi %mul3A_201, %add3A_859 : i32
        %get3A_861 = arith.index_cast %add3A_860 : i32 to index
        %get3A_862 = arith.constant 0 : index
        %get3A_863 = tpu.vector_load %arg12[%get3A_861, %get3A_862] {strides = array<i32>} : memref<80x128xf32, #tpu.memory_space<vmem>>, vector<16xf32>,
        %mul3A_864 = arith.mulf %get3A_863, %get3A_863 : vector<16xf32>
        %get3A_865 = arith.index_cast %add3A_860 : i32 to index
        %get3A_866 = arith.constant 16 : index
        %get3A_867 = tpu.vector_load %arg12[%get3A_865, %get3A_866] {strides = array<i32>} : memref<80x128xf32, #tpu.memory_space<vmem>>, vector<16xf32>,
        %mul3A_868 = arith.mulf %get3A_867, %get3A_867 : vector<16xf32>
        %add3A_869 = arith.addf %mul3A_864, %mul3A_868 : vector<16xf32>
        %get3A_870 = arith.index_cast %add3A_860 : i32 to index
        %get3A_871 = arith.constant 32 : index
        %get3A_872 = tpu.vector_load %arg12[%get3A_870, %get3A_871] {strides = array<i32>} : memref<80x128xf32, #tpu.memory_space<vmem>>, vector<16xf32>,
        %mul3A_873 = arith.mulf %get3A_872, %get3A_872 : vector<16xf32>
        %add3A_874 = arith.addf %add3A_869, %mul3A_873 : vector<16xf32>
        %get3A_875 = arith.index_cast %add3A_860 : i32 to index
        %get3A_876 = arith.constant 48 : index
        %get3A_877 = tpu.vector_load %arg12[%get3A_875, %get3A_876] {strides = array<i32>} : memref<80x128xf32, #tpu.memory_space<vmem>>, vector<16xf32>,
        %mul3A_878 = arith.mulf %get3A_877, %get3A_877 : vector<16xf32>
        %add3A_879 = arith.addf %add3A_874, %mul3A_878 : vector<16xf32>
        %get3A_880 = arith.index_cast %add3A_860 : i32 to index
        %get3A_881 = arith.constant 64 : index
        %get3A_882 = tpu.vector_load %arg12[%get3A_880, %get3A_881] {strides = array<i32>} : memref<80x128xf32, #tpu.memory_space<vmem>>, vector<16xf32>,
        %mul3A_883 = arith.mulf %get3A_882, %get3A_882 : vector<16xf32>
        %add3A_884 = arith.addf %add3A_879, %mul3A_883 : vector<16xf32>
        %get3A_885 = arith.index_cast %add3A_860 : i32 to index
        %get3A_886 = arith.constant 80 : index
        %get3A_887 = tpu.vector_load %arg12[%get3A_885, %get3A_886] {strides = array<i32>} : memref<80x128xf32, #tpu.memory_space<vmem>>, vector<16xf32>,
        %mul3A_888 = arith.mulf %get3A_887, %get3A_887 : vector<16xf32>
        %add3A_889 = arith.addf %add3A_884, %mul3A_888 : vector<16xf32>
        %get3A_890 = arith.index_cast %add3A_860 : i32 to index
        %get3A_891 = arith.constant 96 : index
        %get3A_892 = tpu.vector_load %arg12[%get3A_890, %get3A_891] {strides = array<i32>} : memref<80x128xf32, #tpu.memory_space<vmem>>, vector<16xf32>,
        %mul3A_893 = arith.mulf %get3A_892, %get3A_892 : vector<16xf32>
        %add3A_894 = arith.addf %add3A_889, %mul3A_893 : vector<16xf32>
        %get3A_895 = arith.index_cast %add3A_860 : i32 to index
        %get3A_896 = arith.constant 112 : index
        %get3A_897 = tpu.vector_load %arg12[%get3A_895, %get3A_896] {strides = array<i32>} : memref<80x128xf32, #tpu.memory_space<vmem>>, vector<16xf32>,
        %mul3A_898 = arith.mulf %get3A_897, %get3A_897 : vector<16xf32>
        %add3A_899 = arith.addf %add3A_894, %mul3A_898 : vector<16xf32>
        %mul3A_900 = arith.constant 16 : i32
        %mul3A_901 = vector.broadcast %mul3A_900 : i32 to vector<16xi32>
        %mul3A_902 = arith.muli %iota3A, %mul3A_901 : vector<16xi32>
        %add3A_903 = arith.constant 14 : i32
        %add3A_904 = vector.broadcast %add3A_903 : i32 to vector<16xi32>
        %add3A_905 = arith.addi %mul3A_902, %add3A_904 : vector<16xi32>
        tpu.vector_store_idx %arg13[%add3A_905], %add3A_899 : memref<256xf32, #tpu.memory_space<vmem>>[vector<16xi32>], vector<16xf32>,
        %add3A_906 = arith.constant 15 : i32
        %add3A_907 = arith.addi %mul3A_201, %add3A_906 : i32
        %get3A_908 = arith.index_cast %add3A_907 : i32 to index
        %get3A_909 = arith.constant 0 : index
        %get3A_910 = tpu.vector_load %arg12[%get3A_908, %get3A_909] {strides = array<i32>} : memref<80x128xf32, #tpu.memory_space<vmem>>, vector<16xf32>,
        %mul3A_911 = arith.mulf %get3A_910, %get3A_910 : vector<16xf32>
        %get3A_912 = arith.index_cast %add3A_907 : i32 to index
        %get3A_913 = arith.constant 16 : index
        %get3A_914 = tpu.vector_load %arg12[%get3A_912, %get3A_913] {strides = array<i32>} : memref<80x128xf32, #tpu.memory_space<vmem>>, vector<16xf32>,
        %mul3A_915 = arith.mulf %get3A_914, %get3A_914 : vector<16xf32>
        %add3A_916 = arith.addf %mul3A_911, %mul3A_915 : vector<16xf32>
        %get3A_917 = arith.index_cast %add3A_907 : i32 to index
        %get3A_918 = arith.constant 32 : index
        %get3A_919 = tpu.vector_load %arg12[%get3A_917, %get3A_918] {strides = array<i32>} : memref<80x128xf32, #tpu.memory_space<vmem>>, vector<16xf32>,
        %mul3A_920 = arith.mulf %get3A_919, %get3A_919 : vector<16xf32>
        %add3A_921 = arith.addf %add3A_916, %mul3A_920 : vector<16xf32>
        %get3A_922 = arith.index_cast %add3A_907 : i32 to index
        %get3A_923 = arith.constant 48 : index
        %get3A_924 = tpu.vector_load %arg12[%get3A_922, %get3A_923] {strides = array<i32>} : memref<80x128xf32, #tpu.memory_space<vmem>>, vector<16xf32>,
        %mul3A_925 = arith.mulf %get3A_924, %get3A_924 : vector<16xf32>
        %add3A_926 = arith.addf %add3A_921, %mul3A_925 : vector<16xf32>
        %get3A_927 = arith.index_cast %add3A_907 : i32 to index
        %get3A_928 = arith.constant 64 : index
        %get3A_929 = tpu.vector_load %arg12[%get3A_927, %get3A_928] {strides = array<i32>} : memref<80x128xf32, #tpu.memory_space<vmem>>, vector<16xf32>,
        %mul3A_930 = arith.mulf %get3A_929, %get3A_929 : vector<16xf32>
        %add3A_931 = arith.addf %add3A_926, %mul3A_930 : vector<16xf32>
        %get3A_932 = arith.index_cast %add3A_907 : i32 to index
        %get3A_933 = arith.constant 80 : index
        %get3A_934 = tpu.vector_load %arg12[%get3A_932, %get3A_933] {strides = array<i32>} : memref<80x128xf32, #tpu.memory_space<vmem>>, vector<16xf32>,
        %mul3A_935 = arith.mulf %get3A_934, %get3A_934 : vector<16xf32>
        %add3A_936 = arith.addf %add3A_931, %mul3A_935 : vector<16xf32>
        %get3A_937 = arith.index_cast %add3A_907 : i32 to index
        %get3A_938 = arith.constant 96 : index
        %get3A_939 = tpu.vector_load %arg12[%get3A_937, %get3A_938] {strides = array<i32>} : memref<80x128xf32, #tpu.memory_space<vmem>>, vector<16xf32>,
        %mul3A_940 = arith.mulf %get3A_939, %get3A_939 : vector<16xf32>
        %add3A_941 = arith.addf %add3A_936, %mul3A_940 : vector<16xf32>
        %get3A_942 = arith.index_cast %add3A_907 : i32 to index
        %get3A_943 = arith.constant 112 : index
        %get3A_944 = tpu.vector_load %arg12[%get3A_942, %get3A_943] {strides = array<i32>} : memref<80x128xf32, #tpu.memory_space<vmem>>, vector<16xf32>,
        %mul3A_945 = arith.mulf %get3A_944, %get3A_944 : vector<16xf32>
        %add3A_946 = arith.addf %add3A_941, %mul3A_945 : vector<16xf32>
        %mul3A_947 = arith.constant 16 : i32
        %mul3A_948 = vector.broadcast %mul3A_947 : i32 to vector<16xi32>
        %mul3A_949 = arith.muli %iota3A, %mul3A_948 : vector<16xi32>
        %add3A_950 = arith.constant 15 : i32
        %add3A_951 = vector.broadcast %add3A_950 : i32 to vector<16xi32>
        %add3A_952 = arith.addi %mul3A_949, %add3A_951 : vector<16xi32>
        tpu.vector_store_idx %arg13[%add3A_952], %add3A_946 : memref<256xf32, #tpu.memory_space<vmem>>[vector<16xi32>], vector<16xf32>,
        %get3A_953 = arith.constant 0 : index
        %get3A_954 = tpu.vector_load %arg13[%get3A_953] {strides = array<i32>} : memref<256xf32, #tpu.memory_space<vmem>>, vector<16xf32>,
        %get3A_955 = arith.constant 16 : index
        %get3A_956 = tpu.vector_load %arg13[%get3A_955] {strides = array<i32>} : memref<256xf32, #tpu.memory_space<vmem>>, vector<16xf32>,
        %add3A_957 = arith.addf %get3A_954, %get3A_956 : vector<16xf32>
        %get3A_958 = arith.constant 32 : index
        %get3A_959 = tpu.vector_load %arg13[%get3A_958] {strides = array<i32>} : memref<256xf32, #tpu.memory_space<vmem>>, vector<16xf32>,
        %add3A_960 = arith.addf %add3A_957, %get3A_959 : vector<16xf32>
        %get3A_961 = arith.constant 48 : index
        %get3A_962 = tpu.vector_load %arg13[%get3A_961] {strides = array<i32>} : memref<256xf32, #tpu.memory_space<vmem>>, vector<16xf32>,
        %add3A_963 = arith.addf %add3A_960, %get3A_962 : vector<16xf32>
        %get3A_964 = arith.constant 64 : index
        %get3A_965 = tpu.vector_load %arg13[%get3A_964] {strides = array<i32>} : memref<256xf32, #tpu.memory_space<vmem>>, vector<16xf32>,
        %add3A_966 = arith.addf %add3A_963, %get3A_965 : vector<16xf32>
        %get3A_967 = arith.constant 80 : index
        %get3A_968 = tpu.vector_load %arg13[%get3A_967] {strides = array<i32>} : memref<256xf32, #tpu.memory_space<vmem>>, vector<16xf32>,
        %add3A_969 = arith.addf %add3A_966, %get3A_968 : vector<16xf32>
        %get3A_970 = arith.constant 96 : index
        %get3A_971 = tpu.vector_load %arg13[%get3A_970] {strides = array<i32>} : memref<256xf32, #tpu.memory_space<vmem>>, vector<16xf32>,
        %add3A_972 = arith.addf %add3A_969, %get3A_971 : vector<16xf32>
        %get3A_973 = arith.constant 112 : index
        %get3A_974 = tpu.vector_load %arg13[%get3A_973] {strides = array<i32>} : memref<256xf32, #tpu.memory_space<vmem>>, vector<16xf32>,
        %add3A_975 = arith.addf %add3A_972, %get3A_974 : vector<16xf32>
        %get3A_976 = arith.constant 128 : index
        %get3A_977 = tpu.vector_load %arg13[%get3A_976] {strides = array<i32>} : memref<256xf32, #tpu.memory_space<vmem>>, vector<16xf32>,
        %add3A_978 = arith.addf %add3A_975, %get3A_977 : vector<16xf32>
        %get3A_979 = arith.constant 144 : index
        %get3A_980 = tpu.vector_load %arg13[%get3A_979] {strides = array<i32>} : memref<256xf32, #tpu.memory_space<vmem>>, vector<16xf32>,
        %add3A_981 = arith.addf %add3A_978, %get3A_980 : vector<16xf32>
        %get3A_982 = arith.constant 160 : index
        %get3A_983 = tpu.vector_load %arg13[%get3A_982] {strides = array<i32>} : memref<256xf32, #tpu.memory_space<vmem>>, vector<16xf32>,
        %add3A_984 = arith.addf %add3A_981, %get3A_983 : vector<16xf32>
        %get3A_985 = arith.constant 176 : index
        %get3A_986 = tpu.vector_load %arg13[%get3A_985] {strides = array<i32>} : memref<256xf32, #tpu.memory_space<vmem>>, vector<16xf32>,
        %add3A_987 = arith.addf %add3A_984, %get3A_986 : vector<16xf32>
        %get3A_988 = arith.constant 192 : index
        %get3A_989 = tpu.vector_load %arg13[%get3A_988] {strides = array<i32>} : memref<256xf32, #tpu.memory_space<vmem>>, vector<16xf32>,
        %add3A_990 = arith.addf %add3A_987, %get3A_989 : vector<16xf32>
        %get3A_991 = arith.constant 208 : index
        %get3A_992 = tpu.vector_load %arg13[%get3A_991] {strides = array<i32>} : memref<256xf32, #tpu.memory_space<vmem>>, vector<16xf32>,
        %add3A_993 = arith.addf %add3A_990, %get3A_992 : vector<16xf32>
        %get3A_994 = arith.constant 224 : index
        %get3A_995 = tpu.vector_load %arg13[%get3A_994] {strides = array<i32>} : memref<256xf32, #tpu.memory_space<vmem>>, vector<16xf32>,
        %add3A_996 = arith.addf %add3A_993, %get3A_995 : vector<16xf32>
        %get3A_997 = arith.constant 240 : index
        %get3A_998 = tpu.vector_load %arg13[%get3A_997] {strides = array<i32>} : memref<256xf32, #tpu.memory_space<vmem>>, vector<16xf32>,
        %add3A_999 = arith.addf %add3A_996, %get3A_998 : vector<16xf32>
        %bitcast_convert_type3A = tpu.bitcast %add3A_999 : vector<16xf32> -> vector<16xi32>
        %shift_right_arithmetic3A = arith.constant 1 : i32
        %shift_right_arithmetic3A_1000 = vector.broadcast %shift_right_arithmetic3A : i32 to vector<16xi32>
        %shift_right_arithmetic3A_1001 = arith.shrsi %bitcast_convert_type3A, %shift_right_arithmetic3A_1000 : vector<16xi32>
        %add3A_1002 = arith.constant 532487669 : i32
        %add3A_1003 = vector.broadcast %add3A_1002 : i32 to vector<16xi32>
        %add3A_1004 = arith.addi %shift_right_arithmetic3A_1001, %add3A_1003 : vector<16xi32>
        %bitcast_convert_type3A_1005 = tpu.bitcast %add3A_1004 : vector<16xi32> -> vector<16xf32>
        %div3A = arith.divf %add3A_999, %bitcast_convert_type3A_1005 : vector<16xf32>
        %add3A_1006 = arith.addf %bitcast_convert_type3A_1005, %div3A : vector<16xf32>
        %mul3A_1007 = arith.constant 5.000000e-01 : f32
        %mul3A_1008 = vector.broadcast %mul3A_1007 : f32 to vector<16xf32>
        %mul3A_1009 = arith.mulf %mul3A_1008, %add3A_1006 : vector<16xf32>
        %div3A_1010 = arith.divf %add3A_999, %mul3A_1009 : vector<16xf32>
        %add3A_1011 = arith.addf %mul3A_1009, %div3A_1010 : vector<16xf32>
        %mul3A_1012 = arith.constant 5.000000e-01 : f32
        %mul3A_1013 = vector.broadcast %mul3A_1012 : f32 to vector<16xf32>
        %mul3A_1014 = arith.mulf %mul3A_1013, %add3A_1011 : vector<16xf32>
        %add3A_1015 = arith.addf %scan3A_199, %mul3A_1014 : vector<16xf32>
        scf.yield %add3A_1015 : vector<16xf32>
      }
      %scan3A_197 = arith.constant 5 : i32
      scf.yield %scan3A_196 : vector<16xf32>
    }
    %scan3A_60 = arith.constant 25 : i32
    %swap3A = arith.constant 0 : index
    %swap3A_61 = tpu.vector_load %arg14[%swap3A] {strides = array<i32>} : memref<16xf32, #tpu.memory_space<vmem>>, vector<16xf32>,
    tpu.vector_store %arg14[%swap3A], %scan3A_59 {strides = array<i32>} : memref<16xf32, #tpu.memory_space<vmem>>, vector<16xf32>,
    "tpu.region"() ({
      %run_scoped3A = tpu.sem_alloc : memref<!tpu.dma_semaphore, #tpu.memory_space<semaphore_mem>>
      %dma_start3A_62 = arith.constant 0 : i32
      %dma_start3A_63 = tpu.memref_slice %arg5[%add3A, %dma_start3A_62] : memref<32x16xf32, #tpu.memory_space<hbm>> -> memref<1x16xf32, #tpu.memory_space<hbm>>
      %dma_start3A_64 = tpu.memref_squeeze %dma_start3A_63 : memref<1x16xf32, #tpu.memory_space<hbm>> -> memref<16xf32, #tpu.memory_space<hbm>>
      %dma_start3A_65 = arith.constant 0 : i32
      %dma_start3A_66 = tpu.memref_slice %arg5[%add3A, %dma_start3A_65] : memref<32x16xf32, #tpu.memory_space<hbm>> -> memref<1x16xf32, #tpu.memory_space<hbm>>
      %dma_start3A_67 = tpu.memref_squeeze %dma_start3A_66 : memref<1x16xf32, #tpu.memory_space<hbm>> -> memref<16xf32, #tpu.memory_space<hbm>>
      tpu.enqueue_dma source(%arg14 : memref<16xf32, #tpu.memory_space<vmem>>) target(%dma_start3A_67 : memref<16xf32, #tpu.memory_space<hbm>>) target_semaphore(%run_scoped3A : memref<!tpu.dma_semaphore, #tpu.memory_space<semaphore_mem>>)
      %dma_wait3A_68 = arith.constant 0 : i32
      %dma_wait3A_69 = tpu.memref_slice %arg5[%add3A, %dma_wait3A_68] : memref<32x16xf32, #tpu.memory_space<hbm>> -> memref<1x16xf32, #tpu.memory_space<hbm>>
      %dma_wait3A_70 = tpu.memref_squeeze %dma_wait3A_69 : memref<1x16xf32, #tpu.memory_space<hbm>> -> memref<16xf32, #tpu.memory_space<hbm>>
      %dma_wait3A_71 = arith.constant 0 : i32
      %dma_wait3A_72 = tpu.memref_slice %arg5[%add3A, %dma_wait3A_71] : memref<32x16xf32, #tpu.memory_space<hbm>> -> memref<1x16xf32, #tpu.memory_space<hbm>>
      %dma_wait3A_73 = tpu.memref_squeeze %dma_wait3A_72 : memref<1x16xf32, #tpu.memory_space<hbm>> -> memref<16xf32, #tpu.memory_space<hbm>>
      tpu.wait_dma2 semaphore(%run_scoped3A : memref<!tpu.dma_semaphore, #tpu.memory_space<semaphore_mem>>) src(%arg14 : memref<16xf32, #tpu.memory_space<vmem>>) dst(%dma_wait3A_73 : memref<16xf32, #tpu.memory_space<hbm>>)
      tpu.yield
    }) : () -> ()
    return
  }
}

</mosaic_0001>

<sc_bundles>
// kernel: kernel.3.cloned.1.call-start
scs
__scs_entry_jumppad:
0x0: {  	(pc) =	sbr.rel $0x88, $3  }
0x1: {  	(tag) =	ssettag $0x0;
	lr =	simm.s32 $0x1  }
0x2: {  	[smem:$0x3F9F] =	sst lr;
	_ =	strace $0xD0000000  }
0x3: {  	_ = 	snop  }
0x4: {  	_ = 	snop  }
0x5: {  	_ = 	snop  }
0x6: {  	_ = 	snop  }
0x7: {  	_ = 	snop  }
__scs_overlays_trampoline_lowered:
0x8: {  	[smem:$0x3FAE] =	sst s0  }
0x9: {  	[smem:$0x3FAF] =	sst s1  }
0xa: {  	[smem:$0x3FB0] =	sst s2  }
0xb: {  	[smem:$0x3FB1] =	sst s3  }
0xc: {  	[smem:$0x3FB2] =	sst s4  }
0xd: {  	[smem:$0x3FB3] =	sst s5  }
0xe: {  	[smem:$0x3FB4] =	sst s6  }
0xf: {  	[smem:$0x3FB5] =	sst s7  }
0x10: {  	[smem:$0x3FB6] =	sst s8  }
0x11: {  	[smem:$0x3FB7] =	sst s9;
	s0 =	simm.s32 @!p0 $0x0  }
0x12: {  	s1 =	sld [smem:$0x3F9D];
	s0 =	simm.s32 @p0 $0x1  }
0x13: {  	[smem:$0x3FB8] =	sst s0;
	s0 =	simm.s32 @!p1 $0x0  }
0x14: {  	s2 =	sld [smem:$0x3F9C];
	s0 =	simm.s32 @p1 $0x1  }
0x15: {  	[smem:$0x3FB9] =	sst s0;
	s0 =	simm.s32 @!p2 $0x0  }
0x16: {  	s3 =	sld [smem:$0x3FDB];
	s0 =	simm.s32 @p2 $0x1  }
0x17: {  	s4 =	simm.s32 $0x1BF5;
	[smem:$0x3FBB] =	sst s0  }
0x18: {  	s0 =	sld [smem:$0x3F9E];
	_ =	swait.ge [sflag:s4], $0x0  }
0x19: {  	s7 =	sld [smem:$0x3F9F]  }
0x1a: {  	s8 =	sadd.s32 $0xFFFFE003, lr  }
0x1b: {  	s9 =	sadd.s32 $0xFFFFFEF7, lr;
	s5 =	simm.s32 $0xFFFFFFFF;
	p2 =	slt.u32 s8, $0xFFFFF086  }
0x1c: {  	p1 =	slt.u32 s9, $0xF7A;
	s5 =	simm.s32 @!p2 $0x0  }
0x1d: {  	s5 =	simm.s32 @p1 $0x1;
	p0 =	seq.s32 s7, s2  }
0x1e: {  	s7 =	smul.u32 @!p0 $0xF7A, s2;
	p2 =	seq.s32 @!p0 s5, $0x0  }
0x1f: {  	s9 =	smul.u32 $0xF7A, s1;
	s8 =	simm.s32 @!p0 $0x1BF5;
	p2 =	por !p2, p0  }
0x20: {  	[sflag:s8] =	ssyncset.s32 @!p0 $0xFFFFF086;
	s6 =	sadd.s32 @!p0 s3, s7;
	s7 =	simm.s32 @!p0 $0x108  }
0x21: {  	s3 =	sadd.s32 s3, s9;
	s6 =	sadd.s32 @!p0 $0x88, s6;
	s7 =	simm.s32 @p2 $0x1082  }
0x22: {  	[simem:s7], [sflag:s8] =	dma.local @!p0 [hbm:s6], $0xF7A  }
0x23: {  	s9 =	sor.u32 $0xD0000000, s2;
	s6 =	simm.s32 $0x108;
	_ =	swait.ge @!p0 [sflag:s8], $0x0  }
0x24: {  	s3 =	sadd.s32 $0x88, s3;
	s6 =	simm.s32 @!p1 $0x1082;
	[sflag:s4] =	ssyncset.s32 $0xFFFFF086  }
0x25: {  	[simem:s6], [sflag:s4] =	dma.local [hbm:s3], $0xF7A  }
0x26: {  	[smem:$0x3F9F] =	sst s1;
	(tag) =	ssettag s2;
	_ =	strace s9  }
0x27: {  	s1 =	sld [smem:$0x3FAF]  }
0x28: {  	s2 =	sld [smem:$0x3FB0]  }
0x29: {  	s4 =	sld [smem:$0x3FB2]  }
0x2a: {  	p0 =	seq.s32 s5, $0x0;
	s5 =	sld [smem:$0x3FB3]  }
0x2b: {  	s6 =	sld [smem:$0x3FB4]  }
0x2c: {  	s7 =	sld [smem:$0x3FB5]  }
0x2d: {  	s3 =	simm.s32 $0x108;
	s8 =	sld [smem:$0x3FB6]  }
0x2e: {  	s3 =	simm.s32 @!p0 $0x1082;
	s9 =	sld [smem:$0x3FB7]  }
0x2f: {  	lr =	sadd.s32 s0, s3;
	s0 =	sld [smem:$0x3FAE]  }
0x30: {  	s3 =	sld [smem:$0x3FB1]  }
0x31: {  	[smem:$0x3FBA] =	sst s10  }
0x32: {  	s10 =	sld [smem:$0x3FB8];
	_ =	sdelay $0x3  }
0x33: {  	p0 =	seq.s32 s10, $0x1;
	s10 =	sld [smem:$0x3FBA];
	_ =	sdelay $0x3  }
0x34: {  	[smem:$0x3FBA] =	sst s10  }
0x35: {  	s10 =	sld [smem:$0x3FB9];
	_ =	sdelay $0x3  }
0x36: {  	p1 =	seq.s32 s10, $0x1;
	s10 =	sld [smem:$0x3FBA];
	_ =	sdelay $0x3  }
0x37: {  	[smem:$0x3FBA] =	sst s10  }
0x38: {  	s10 =	sld [smem:$0x3FBB]  }
0x39: {  	_ = 	snop;
	(pc) =	sbr.ind lr, $3  }
0x3a: {  	_ = 	snop  }
0x3b: {  	_ = 	snop  }
0x3c: {  	p2 =	seq.s32 s10, $0x1;
	s10 =	sld [smem:$0x3FBA]  }
0x3d: {  	_ =	shalt  }
0x3e: {  	_ =	shalt  }
0x3f: {  	_ =	shalt  }
0x40: {  	_ =	shalt  }
0x41: {  	_ =	shalt  }
0x42: {  	_ =	shalt  }
0x43: {  	_ =	shalt  }
0x44: {  	_ =	shalt  }
0x45: {  	_ =	shalt  }
0x46: {  	_ =	shalt  }
0x47: {  	_ =	shalt  }
0x48: {  	_ =	shalt  }
0x49: {  	_ =	shalt  }
0x4a: {  	_ =	shalt  }
0x4b: {  	_ =	shalt  }
0x4c: {  	_ =	shalt  }
0x4d: {  	_ =	shalt  }
0x4e: {  	_ =	shalt  }
0x4f: {  	_ =	shalt  }
0x50: {  	_ =	shalt  }
0x51: {  	_ =	shalt  }
0x52: {  	_ =	shalt  }
0x53: {  	_ =	shalt  }
0x54: {  	_ =	shalt  }
0x55: {  	_ =	shalt  }
0x56: {  	_ =	shalt  }
0x57: {  	_ =	shalt  }
0x58: {  	_ =	shalt  }
0x59: {  	_ =	shalt  }
0x5a: {  	_ =	shalt  }
0x5b: {  	_ =	shalt  }
0x5c: {  	_ =	shalt  }
0x5d: {  	_ =	shalt  }
0x5e: {  	_ =	shalt  }
0x5f: {  	_ =	shalt  }
0x60: {  	_ =	shalt  }
0x61: {  	_ =	shalt  }
0x62: {  	_ =	shalt  }
0x63: {  	_ =	shalt  }
0x64: {  	_ =	shalt  }
0x65: {  	_ =	shalt  }
0x66: {  	_ =	shalt  }
0x67: {  	_ =	shalt  }
0x68: {  	_ =	shalt  }
0x69: {  	_ =	shalt  }
0x6a: {  	_ =	shalt  }
0x6b: {  	_ =	shalt  }
0x6c: {  	_ =	shalt  }
0x6d: {  	_ =	shalt  }
0x6e: {  	_ =	shalt  }
0x6f: {  	_ =	shalt  }
0x70: {  	_ =	shalt  }
0x71: {  	_ =	shalt  }
0x72: {  	_ =	shalt  }
0x73: {  	_ =	shalt  }
0x74: {  	_ =	shalt  }
0x75: {  	_ =	shalt  }
0x76: {  	_ =	shalt  }
0x77: {  	_ =	shalt  }
0x78: {  	_ =	shalt  }
0x79: {  	_ =	shalt  }
0x7a: {  	_ =	shalt  }
0x7b: {  	_ =	shalt  }
0x7c: {  	_ =	shalt  }
0x7d: {  	_ =	shalt  }
0x7e: {  	_ =	shalt  }
0x7f: {  	_ =	shalt  }
0x80: {  	_ =	shalt  }
0x81: {  	_ =	shalt  }
0x82: {  	_ =	shalt  }
0x83: {  	_ =	shalt  }
0x84: {  	_ =	shalt  }
0x85: {  	_ =	shalt  }
0x86: {  	_ =	shalt  }
0x87: {  	_ =	shalt  }
.Lfunc_end0:
.L_simem_size_0:
called_computation_lowered:
.L_overlay_start_0:
0x88: {  	s2 =	sld [smem:$0x3FD9]  }
0x89: {  	s3 =	sld [smem:$0x3FFE];
	_ =	sdelay $0x1  }
0x8a: {  	s1 =	srdreg.scid  }
0x8b: {  	s0 =	sand.u32 $0x1, s1  }
0x8c: {  	s17 =	sshll.u32 s0, $0xA;
	s2 =	sadd.s32 s3, s2  }
0x8d: {  	s2 =	sadd.s32 s2, s17  }
0x8e: {  	[smem:$0x3FC6] =	sst s2  }
0x8f: {  	_ = 	snop  }
0x90: {  	s2 =	sld [smem:$0x3FC9];
	(tm) =	ssettm $0x1  }
0x91: {  	s18 =	sld [smem:$0x3FFB];
	_ =	sdelay $0x3  }
0x92: {  	_ =	strace s18  }
0x93: {  	s3 =	sld [smem:$0x3FFC];
	_ =	sdelay $0x3  }
0x94: {  	_ =	strace s3  }
0x95: {  	s3 =	sld [smem:$0x3FFD];
	_ =	sdelay $0x3  }
0x96: {  	_ =	strace s3  }
0x97: {  	_ =	strace $0x8FFFFFFF  }
0x98: {  	s19 =	sld [smem:$0x3FDB];
	_ =	sdelay $0x1  }
0x99: {  	s4 =	simm.s32 $_scs_section_size  }
0x9a: {  	s5 =	simm.s32 $_size__tile_overlayer_lowered;
	s6 =	simm.s32 $_tile_overlayer_lowered  }
0x9b: {  	s22 =	simm.s32 $0x1BFF;
	s21 =	sshll.u32 s6, $0x1;
	s3 =	sadd.s32 s4, s19  }
0x9c: {  	s7 =	simm.s32 $0x0;
	s20 =	sshll.u32 s5, $0x1;
	s5 =	sadd.s32 s21, s3  }
0x9d: {  	[timem:s7], [sflag:s22] =	dma.local [hbm:s5], s20  }
0x9e: {  	_ =	swait.ge [sflag:s22], s20  }
0x9f: {  	s4 =	ssub.s32 $0x0, s20;
	[sflag:s22] =	ssyncset.done $0x0  }
0xa0: {  	[sflag:s22] =	ssyncadd.s32 s4;
	_ =	sdelay $0x1  }
0xa1: {  	s23 =	simm.s32 $0x1B8B  }
0xa2: {  	_ =	swait.ge [sflag:s23], $0x1  }
0xa3: {  	[sflag:s23] =	ssyncset.done $0x0  }
0xa4: {  	s25 =	simm.s32 $0x1B8E;
	s24 =	sld [smem:$0x3FFE];
	[sflag:s23] =	ssyncadd.s32 $0xFFFFFFFF  }
0xa5: {  	s26 =	simm.s32 $execute0_lowered;
	[smem:$0x3FD2] =	sst s25  }
0xa6: {  	s5 =	sshll.u32 s26, $0x1;
	_ =	strace $0x80000046;
	[dreg:$0x1] =	wrdreg $0xFFFFFFFF  }
0xa7: {  	s28 =	simm.s32 $_size_execute0_lowered;
	s3 =	sadd.s32 s3, s5;
	[dreg:$0x0] =	wrdreg $0x0  }
0xa8: {  	s5 =	sshll.u32 s28, $0x1;
	[dreg:$0x2] =	wrdreg s3  }
0xa9: {  	[dreg:$0x3] =	wrdreg s5  }
0xaa: {  	[dreg:$0x4] =	wrdreg $0xC0  }
0xab: {  	_ =	task [dreg:s7], $0x5FFFF  }
0xac: {  	[dreg:$0x1] =	wrdreg $0xFFFFFFFF  }
0xad: {  	[dreg:$0x0] =	wrdreg $0x60  }
0xae: {  	[dreg:$0x2] =	wrdreg s2  }
0xaf: {  	[dreg:$0x3] =	wrdreg s24  }
0xb0: {  	[dreg:$0x4] =	wrdreg $0x9  }
0xb1: {  	_ =	task.clear_ibuf [dreg:s7], $0x5FFFF;
	_ =	strace $0x90000046  }
0xb2: {  	s29 =	simm.s32 $0x9;
	_ =	strace $0x80000048  }
0xb3: {  	_ =	swait.ge [sflag:s29], $0x1  }
0xb4: {  	[sflag:s29] =	ssyncadd.s32 $0xFFFFFFFF  }
0xb5: {  	_ =	strace $0x90000048  }
0xb6: {  	_ =	sfence  }
0xb7: {  	s30 =	sld [smem:$0x0];
	_ =	sdelay $0x2  }
0xb8: {  	s31 =	sshll.u32 s1, $0xD;
	s1 =	sshrl.u32 s1, $0x2  }
0xb9: {  	s3 =	sand.u32 $0x4000, s31;
	s1 =	sadd.s32 s1, s30  }
0xba: {  	s0 =	sor.u32 s3, s0;
	s1 =	sshll.u32 s1, $0x11  }
0xbb: {  	s0 =	sor.u32 s1, s0  }
0xbc: {  	s0 =	sadd.s32 $0x8F2B, s0  }
0xbd: {  	[sflag:s0] =	ssyncadd.remote.s32 $0x1  }
0xbe: {  	_ =	sfence.sel $0xFFFF  }
0xbf: {  	[dreg:$0x0] =	wrdreg $0xFFFFFFFF;
	(pc) =	sbr.abs _section_cstart, $3  }
0xc0: {  	[dreg:$0x1] =	wrdreg $0xFFFFFFFF  }
0xc1: {  	_ =	task.clear_ibuf [dreg:s7], $0x2FFFF;
	_ =	strace $0x9FFFFFFF  }
0xc2: {  	(tm) =	ssettm $0x7FFFFFFF  }
0xc3: {  	_ =	shalt  }
tec
execute0_lowered:
.L_overlay_start_1:
0x0: {  	(tag) =	ssettag $0x1  }
0x1: {  	s2 =	rddreg [dreg:$0x0];
	s0 =	srdreg.scid  }
0x2: {  	s3 =	stileid.u32;
	s1 =	rddreg [dreg:$0x1]  }
0x3: {  	s9 =	simm.s32 $0x2780;
	s10 =	simm.s32 $0x6;
	s11 =	simm.s32 $0x50  }
0x4: {  	s12 =	simm.s32 $0x4F00;
	s13 =	simm.s32 $0x7700;
	s15 =	simm.s32 $0x9F00  }
0x5: {  	s17 =	simm.s32 $0xC700;
	s18 =	simm.s32 $0x1;
	s19 =	simm.s32 $0x2  }
0x6: {  	s21 =	simm.s32 $0x3;
	s22 =	simm.s32 $0xEF00;
	s23 =	simm.s32 $0x11700  }
0x7: {  	v0 =	vlaneseq.u32;
	s24 =	simm.s32 $0x4;
	s25 =	simm.s32 $0x5;
	s26 =	simm.s32 $0x11800  }
0x8: {  	s28 =	simm.s32 $0x7;
	s0 =	sand.u32 $0x1, s0;
	s4 =	sshll.u32 s3, $0x1;
	v0 =	vmul.u32 $0x10, v0  }
0x9: {  	s29 =	simm.s32 $0x0;
	s3 =	simm.s32 $0x0;
	s5 =	sor.u32 s0, s4  }
0xa: {  	[smem:$0x7FF] =	sst s3;
	s0 =	ssub.s32 $0x2, s0;
	s6 =	smul.u32 $0x2710, s5;
	v1 =	vor.u32 $0x1, v0;
	v2 =	vor.u32 $0x2, v0;
	v3 =	vor.u32 $0x3, v0  }
0xb: {  	s4 =	sadd.s32 $0x13C00, s1;
	_ =	strace $0x80000047;
	s7 =	sshrl.u32 s0, $0x1;
	v4 =	vor.u32 $0x4, v0;
	v5 =	vor.u32 $0x5, v0;
	v6 =	vor.u32 $0x6, v0  }
0xc: {  	s5 =	sshll.u32 s5, $0x4;
	v7 =	vor.u32 $0x7, v0;
	v8 =	vor.u32 $0x8, v0;
	v9 =	vor.u32 $0x9, v0;
	s0 =	ssub.s32 s0, s7;
	s6 =	sshrl.u32 s6, $0x3  }
0xd: {  	v10 =	vor.u32 $0xA, v0;
	v11 =	vor.u32 $0xB, v0;
	v12 =	vor.u32 $0xC, v0;
	s8 =	smax.u32 s0, $0x1;
	s6 =	sadd.s32 s6, s1;
	s1 =	sadd.s32 s5, s1  }
0xe: {  	v13 =	vor.u32 $0xD, v0;
	v14 =	vor.u32 $0xE, v0;
	v15 =	vor.u32 $0xF, v0;
	s5 =	sadd.s32 $0x200, s6;
	s6 =	sadd.s32 $0x9E40, s6;
	s7 =	sadd.s32 $0x3AE00, s1  }
.LBB2_1:
0xf: {  	[tilespmem:s3], [sflag:$0x6] =	stream.linear.gather [hbm4b:s5+s3], $0x2710, $0x38;
	[tilespmem:$0x11880] =	vst v63  }
0x10: {  	_ = 	snop  }
0x11: {  	[tilespmem:s9], [sflag:$0x6] =	stream.linear.gather [hbm4b:s6+s3], $0x2710, $0x38;
	[tilespmem:$0x11880] =	vst v63  }
0x12: {  	_ =	swait.ge [sflag:s10], $0x2710  }
0x13: {  	[sflag:s10] =	ssyncset.done $0x0  }
0x14: {  	[sflag:s10] =	ssyncadd.s32 $0xFFFFD8F0  }
0x15: {  	_ =	swait.ge [sflag:s10], $0x2710  }
0x16: {  	[sflag:s10] =	ssyncset.done $0x0  }
0x17: {  	[sflag:s10] =	ssyncadd.s32 $0xFFFFD8F0  }
0x18: {  	[tilespmem:s12], [sflag:$0x1] =	stream.indirect.gather [hbm4b:s2+s11], $0x80, s3, s11, $0xb8;
	[tilespmem:$0x11880] =	vst v63  }
0x19: {  	_ = 	snop  }
0x1a: {  	[tilespmem:s13], [sflag:$0x2] =	stream.indirect.gather [hbm4b:s2+s11], $0x80, s11, s11, $0xb8;
	[tilespmem:$0x11880] =	vst v63  }
0x1b: {  	s0 =	simm.s32 $0xA0  }
0x1c: {  	[tilespmem:s15], [sflag:$0x3] =	stream.indirect.gather [hbm4b:s2+s11], $0x80, s0, s11, $0xb8;
	[tilespmem:$0x11880] =	vst v63  }
0x1d: {  	s20 =	simm.s32 $0xF0  }
0x1e: {  	[tilespmem:s17], [sflag:$0x4] =	stream.indirect.gather [hbm4b:s2+s11], $0x80, s20, s11, $0xb8;
	[tilespmem:$0x11880] =	vst v63  }
0x1f: {  	_ =	swait.ge [sflag:s18], $0x2800  }
0x20: {  	[sflag:s18] =	ssyncset.done $0x0  }
0x21: {  	[sflag:s18] =	ssyncadd.s32 $0xFFFFD800  }
0x22: {  	[tilespmem:s12], [sflag:$0x1] =	stream.indirect.gather.add.f32 [hbm:s4], $0x80, s9, s11, $0xb8;
	[tilespmem:$0x11880] =	vst v63  }
0x23: {  	_ =	swait.ge [sflag:s19], $0x2800  }
0x24: {  	[sflag:s19] =	ssyncset.done $0x0  }
0x25: {  	s31 =	simm.s32 $0x27D0;
	s30 =	simm.s32 $0x0;
	[sflag:s19] =	ssyncadd.s32 $0xFFFFD800  }
0x26: {  	v16 =	vimm.f32 $0.0e+00;
	[tilespmem:s13], [sflag:$0x2] =	stream.indirect.gather.add.f32 [hbm:s4], $0x80, s31, s11, $0xb8;
	[tilespmem:$0x11880] =	vst v63  }
.LBB2_2:
0x27: {  	s31 =	smul.u32 $0x640, s30  }
0x28: {  	_ =	swait.ge [sflag:s21], $0x2800  }
0x29: {  	[sflag:s21] =	ssyncset.done $0x0;
	s0 =	sshra.s32 s31, $0x2  }
0x2a: {  	[sflag:s21] =	ssyncadd.s32 $0xFFFFD800;
	s20 =	sadd.s32 $0x500, s31;
	s1 =	sadd.s32 $0x2820, s0  }
0x2b: {  	[tilespmem:s15], [sflag:$0x3] =	stream.indirect.gather.add.f32 [hbm:s4], $0x80, s1, s11, $0xb8;
	[tilespmem:$0x11880] =	vst v63  }
0x2c: {  	s1 =	sshra.s32 s20, $0x2  }
0x2d: {  	[tilespmem:s22], [sflag:$0x5] =	stream.indirect.gather [hbm4b:s2+s11], $0x80, s1, s11, $0xb8;
	[tilespmem:$0x11880] =	vst v63  }
0x2e: {  	_ =	swait.ge [sflag:s18], $0x2800  }
0x2f: {  	[sflag:s18] =	ssyncset.done $0x0  }
0x30: {  	s14 =	simm.s32 $0x0;
	[sflag:s18] =	ssyncadd.s32 $0xFFFFD800  }
.LBB2_3:
0x31: {  	s16 =	sshra.s32 s14, $0x2  }
0x32: {  	v17 =	vld [tilespmem:s16+$0x4F00]  }
0x33: {  	v18 =	vld [tilespmem:s16+$0x4F10];
	_ =	sdelay $0x1  }
0x34: {  	v19 =	vld [tilespmem:s16+$0x4F20];
	_ =	sdelay $0x1  }
0x35: {  	v20 =	vld [tilespmem:s16+$0x4F30]  }
0x36: {  	v17 =	vmul.f32 v17, v17;
	v18 =	vmul.f32 v18, v18  }
0x37: {  	v21 =	vld [tilespmem:s16+$0x4F40]  }
0x38: {  	v17 =	vadd.f32 v18, v17;
	v18 =	vmul.f32 v19, v19  }
0x39: {  	v19 =	vld [tilespmem:s16+$0x4F50]  }
0x3a: {  	v17 =	vadd.f32 v18, v17;
	v18 =	vmul.f32 v20, v20  }
0x3b: {  	v37 =	vld [tilespmem:s16+$0x4F60]  }
0x3c: {  	v17 =	vadd.f32 v18, v17;
	v18 =	vmul.f32 v21, v21  }
0x3d: {  	v38 =	vld [tilespmem:s16+$0x4F70]  }
0x3e: {  	v17 =	vadd.f32 v18, v17;
	v18 =	vmul.f32 v19, v19;
	_ =	sdelay $0x1  }
0x3f: {  	v17 =	vadd.f32 v18, v17;
	v18 =	vmul.f32 v37, v37;
	_ =	sdelay $0x1  }
0x40: {  	v17 =	vadd.f32 v18, v17;
	v18 =	vmul.f32 v38, v38;
	_ =	sdelay $0x1  }
0x41: {  	v17 =	vadd.f32 v18, v17;
	_ =	sdelay $0x1  }
0x42: {  	[tilespmem:v0+s23+$0x0] =	vst.idx.msk $0xffff, v17  }
0x43: {  	v17 =	vld [tilespmem:s16+$0x4F80]  }
0x44: {  	v18 =	vld [tilespmem:s16+$0x4F90];
	_ =	sdelay $0x1  }
0x45: {  	v19 =	vld [tilespmem:s16+$0x4FA0];
	_ =	sdelay $0x1  }
0x46: {  	v39 =	vld [tilespmem:s16+$0x4FB0]  }
0x47: {  	v17 =	vmul.f32 v17, v17;
	v18 =	vmul.f32 v18, v18  }
0x48: {  	v40 =	vld [tilespmem:s16+$0x4FC0]  }
0x49: {  	v17 =	vadd.f32 v18, v17;
	v18 =	vmul.f32 v19, v19  }
0x4a: {  	v19 =	vld [tilespmem:s16+$0x4FD0]  }
0x4b: {  	v17 =	vadd.f32 v18, v17;
	v18 =	vmul.f32 v39, v39  }
0x4c: {  	v41 =	vld [tilespmem:s16+$0x4FE0]  }
0x4d: {  	v17 =	vadd.f32 v18, v17;
	v18 =	vmul.f32 v40, v40  }
0x4e: {  	v42 =	vld [tilespmem:s16+$0x4FF0]  }
0x4f: {  	v17 =	vadd.f32 v18, v17;
	v18 =	vmul.f32 v19, v19;
	_ =	sdelay $0x1  }
0x50: {  	v17 =	vadd.f32 v18, v17;
	v18 =	vmul.f32 v41, v41;
	_ =	sdelay $0x1  }
0x51: {  	v17 =	vadd.f32 v18, v17;
	v18 =	vmul.f32 v42, v42;
	_ =	sdelay $0x1  }
0x52: {  	v17 =	vadd.f32 v18, v17;
	_ =	sdelay $0x1  }
0x53: {  	[tilespmem:v1+s23+$0x0] =	vst.idx.msk $0xffff, v17  }
0x54: {  	v17 =	vld [tilespmem:s16+$0x5000]  }
0x55: {  	v18 =	vld [tilespmem:s16+$0x5010];
	_ =	sdelay $0x1  }
0x56: {  	v19 =	vld [tilespmem:s16+$0x5020];
	_ =	sdelay $0x1  }
0x57: {  	v43 =	vld [tilespmem:s16+$0x5030]  }
0x58: {  	v17 =	vmul.f32 v17, v17;
	v18 =	vmul.f32 v18, v18  }
0x59: {  	v44 =	vld [tilespmem:s16+$0x5040]  }
0x5a: {  	v17 =	vadd.f32 v18, v17;
	v18 =	vmul.f32 v19, v19  }
0x5b: {  	v19 =	vld [tilespmem:s16+$0x5050]  }
0x5c: {  	v17 =	vadd.f32 v18, v17;
	v18 =	vmul.f32 v43, v43  }
0x5d: {  	v45 =	vld [tilespmem:s16+$0x5060]  }
0x5e: {  	v17 =	vadd.f32 v18, v17;
	v18 =	vmul.f32 v44, v44  }
0x5f: {  	v46 =	vld [tilespmem:s16+$0x5070]  }
0x60: {  	v17 =	vadd.f32 v18, v17;
	v18 =	vmul.f32 v19, v19;
	_ =	sdelay $0x1  }
0x61: {  	v17 =	vadd.f32 v18, v17;
	v18 =	vmul.f32 v45, v45;
	_ =	sdelay $0x1  }
0x62: {  	v17 =	vadd.f32 v18, v17;
	v18 =	vmul.f32 v46, v46;
	_ =	sdelay $0x1  }
0x63: {  	v17 =	vadd.f32 v18, v17;
	_ =	sdelay $0x1  }
0x64: {  	[tilespmem:v2+s23+$0x0] =	vst.idx.msk $0xffff, v17  }
0x65: {  	v17 =	vld [tilespmem:s16+$0x5080]  }
0x66: {  	v18 =	vld [tilespmem:s16+$0x5090];
	_ =	sdelay $0x1  }
0x67: {  	v19 =	vld [tilespmem:s16+$0x50A0];
	_ =	sdelay $0x1  }
0x68: {  	v47 =	vld [tilespmem:s16+$0x50B0]  }
0x69: {  	v17 =	vmul.f32 v17, v17;
	v18 =	vmul.f32 v18, v18  }
0x6a: {  	v48 =	vld [tilespmem:s16+$0x50C0]  }
0x6b: {  	v17 =	vadd.f32 v18, v17;
	v18 =	vmul.f32 v19, v19  }
0x6c: {  	v19 =	vld [tilespmem:s16+$0x50D0]  }
0x6d: {  	v17 =	vadd.f32 v18, v17;
	v18 =	vmul.f32 v47, v47  }
0x6e: {  	v49 =	vld [tilespmem:s16+$0x50E0]  }
0x6f: {  	v17 =	vadd.f32 v18, v17;
	v18 =	vmul.f32 v48, v48  }
0x70: {  	v50 =	vld [tilespmem:s16+$0x50F0]  }
0x71: {  	v17 =	vadd.f32 v18, v17;
	v18 =	vmul.f32 v19, v19;
	_ =	sdelay $0x1  }
0x72: {  	v17 =	vadd.f32 v18, v17;
	v18 =	vmul.f32 v49, v49;
	_ =	sdelay $0x1  }
0x73: {  	v17 =	vadd.f32 v18, v17;
	v18 =	vmul.f32 v50, v50;
	_ =	sdelay $0x1  }
0x74: {  	v17 =	vadd.f32 v18, v17;
	_ =	sdelay $0x1  }
0x75: {  	[tilespmem:v3+s23+$0x0] =	vst.idx.msk $0xffff, v17  }
0x76: {  	v17 =	vld [tilespmem:s16+$0x5100]  }
0x77: {  	v18 =	vld [tilespmem:s16+$0x5110];
	_ =	sdelay $0x1  }
0x78: {  	v19 =	vld [tilespmem:s16+$0x5120];
	_ =	sdelay $0x1  }
0x79: {  	v51 =	vld [tilespmem:s16+$0x5130]  }
0x7a: {  	v17 =	vmul.f32 v17, v17;
	v18 =	vmul.f32 v18, v18  }
0x7b: {  	v52 =	vld [tilespmem:s16+$0x5140]  }
0x7c: {  	v17 =	vadd.f32 v18, v17;
	v18 =	vmul.f32 v19, v19  }
0x7d: {  	v19 =	vld [tilespmem:s16+$0x5150]  }
0x7e: {  	v17 =	vadd.f32 v18, v17;
	v18 =	vmul.f32 v51, v51  }
0x7f: {  	v53 =	vld [tilespmem:s16+$0x5160]  }
0x80: {  	v17 =	vadd.f32 v18, v17;
	v18 =	vmul.f32 v52, v52  }
0x81: {  	v54 =	vld [tilespmem:s16+$0x5170]  }
0x82: {  	v17 =	vadd.f32 v18, v17;
	v18 =	vmul.f32 v19, v19;
	_ =	sdelay $0x1  }
0x83: {  	v17 =	vadd.f32 v18, v17;
	v18 =	vmul.f32 v53, v53;
	_ =	sdelay $0x1  }
0x84: {  	v17 =	vadd.f32 v18, v17;
	v18 =	vmul.f32 v54, v54;
	_ =	sdelay $0x1  }
0x85: {  	v17 =	vadd.f32 v18, v17;
	_ =	sdelay $0x1  }
0x86: {  	[tilespmem:v4+s23+$0x0] =	vst.idx.msk $0xffff, v17  }
0x87: {  	v17 =	vld [tilespmem:s16+$0x5180]  }
0x88: {  	v18 =	vld [tilespmem:s16+$0x5190];
	_ =	sdelay $0x1  }
0x89: {  	v19 =	vld [tilespmem:s16+$0x51A0];
	_ =	sdelay $0x1  }
0x8a: {  	v55 =	vld [tilespmem:s16+$0x51B0]  }
0x8b: {  	v17 =	vmul.f32 v17, v17;
	v18 =	vmul.f32 v18, v18  }
0x8c: {  	v56 =	vld [tilespmem:s16+$0x51C0]  }
0x8d: {  	v17 =	vadd.f32 v18, v17;
	v18 =	vmul.f32 v19, v19  }
0x8e: {  	v19 =	vld [tilespmem:s16+$0x51D0]  }
0x8f: {  	v17 =	vadd.f32 v18, v17;
	v18 =	vmul.f32 v55, v55  }
0x90: {  	v57 =	vld [tilespmem:s16+$0x51E0]  }
0x91: {  	v17 =	vadd.f32 v18, v17;
	v18 =	vmul.f32 v56, v56  }
0x92: {  	v58 =	vld [tilespmem:s16+$0x51F0]  }
0x93: {  	v17 =	vadd.f32 v18, v17;
	v18 =	vmul.f32 v19, v19;
	_ =	sdelay $0x1  }
0x94: {  	v17 =	vadd.f32 v18, v17;
	v18 =	vmul.f32 v57, v57;
	_ =	sdelay $0x1  }
0x95: {  	v17 =	vadd.f32 v18, v17;
	v18 =	vmul.f32 v58, v58;
	_ =	sdelay $0x1  }
0x96: {  	v17 =	vadd.f32 v18, v17;
	_ =	sdelay $0x1  }
0x97: {  	[tilespmem:v5+s23+$0x0] =	vst.idx.msk $0xffff, v17  }
0x98: {  	v17 =	vld [tilespmem:s16+$0x5200]  }
0x99: {  	v18 =	vld [tilespmem:s16+$0x5210];
	_ =	sdelay $0x1  }
0x9a: {  	v19 =	vld [tilespmem:s16+$0x5220];
	_ =	sdelay $0x1  }
0x9b: {  	v59 =	vld [tilespmem:s16+$0x5230]  }
0x9c: {  	v17 =	vmul.f32 v17, v17;
	v18 =	vmul.f32 v18, v18  }
0x9d: {  	v60 =	vld [tilespmem:s16+$0x5240]  }
0x9e: {  	v17 =	vadd.f32 v18, v17;
	v18 =	vmul.f32 v19, v19  }
0x9f: {  	v19 =	vld [tilespmem:s16+$0x5250]  }
0xa0: {  	v17 =	vadd.f32 v18, v17;
	v18 =	vmul.f32 v59, v59  }
0xa1: {  	v61 =	vld [tilespmem:s16+$0x5260]  }
0xa2: {  	v17 =	vadd.f32 v18, v17;
	v18 =	vmul.f32 v60, v60  }
0xa3: {  	v62 =	vld [tilespmem:s16+$0x5270]  }
0xa4: {  	v17 =	vadd.f32 v18, v17;
	v18 =	vmul.f32 v19, v19;
	_ =	sdelay $0x1  }
0xa5: {  	v17 =	vadd.f32 v18, v17;
	v18 =	vmul.f32 v61, v61;
	_ =	sdelay $0x1  }
0xa6: {  	v17 =	vadd.f32 v18, v17;
	v18 =	vmul.f32 v62, v62;
	_ =	sdelay $0x1  }
0xa7: {  	v17 =	vadd.f32 v18, v17;
	_ =	sdelay $0x1  }
0xa8: {  	[tilespmem:v6+s23+$0x0] =	vst.idx.msk $0xffff, v17  }
0xa9: {  	v17 =	vld [tilespmem:s16+$0x5280]  }
0xaa: {  	v18 =	vld [tilespmem:s16+$0x5290];
	_ =	sdelay $0x1  }
0xab: {  	v19 =	vld [tilespmem:s16+$0x52A0];
	_ =	sdelay $0x1  }
0xac: {  	v63 =	vld [tilespmem:s16+$0x52B0]  }
0xad: {  	v17 =	vmul.f32 v17, v17;
	v18 =	vmul.f32 v18, v18  }
0xae: {  	v24 =	vld [tilespmem:s16+$0x52C0]  }
0xaf: {  	v17 =	vadd.f32 v18, v17;
	v18 =	vmul.f32 v19, v19  }
0xb0: {  	v19 =	vld [tilespmem:s16+$0x52D0]  }
0xb1: {  	v17 =	vadd.f32 v18, v17;
	v18 =	vmul.f32 v63, v63  }
0xb2: {  	v25 =	vld [tilespmem:s16+$0x52E0]  }
0xb3: {  	v17 =	vadd.f32 v18, v17;
	v18 =	vmul.f32 v24, v24  }
0xb4: {  	v26 =	vld [tilespmem:s16+$0x52F0]  }
0xb5: {  	v17 =	vadd.f32 v18, v17;
	v18 =	vmul.f32 v19, v19;
	_ =	sdelay $0x1  }
0xb6: {  	v17 =	vadd.f32 v18, v17;
	v18 =	vmul.f32 v25, v25;
	_ =	sdelay $0x1  }
0xb7: {  	v17 =	vadd.f32 v18, v17;
	v18 =	vmul.f32 v26, v26;
	_ =	sdelay $0x1  }
0xb8: {  	v17 =	vadd.f32 v18, v17;
	_ =	sdelay $0x1  }
0xb9: {  	[tilespmem:v7+s23+$0x0] =	vst.idx.msk $0xffff, v17  }
0xba: {  	v17 =	vld [tilespmem:s16+$0x5300]  }
0xbb: {  	v18 =	vld [tilespmem:s16+$0x5310];
	_ =	sdelay $0x1  }
0xbc: {  	v19 =	vld [tilespmem:s16+$0x5320];
	_ =	sdelay $0x1  }
0xbd: {  	v27 =	vld [tilespmem:s16+$0x5330]  }
0xbe: {  	v17 =	vmul.f32 v17, v17;
	v18 =	vmul.f32 v18, v18  }
0xbf: {  	v28 =	vld [tilespmem:s16+$0x5340]  }
0xc0: {  	v17 =	vadd.f32 v18, v17;
	v18 =	vmul.f32 v19, v19  }
0xc1: {  	v19 =	vld [tilespmem:s16+$0x5350]  }
0xc2: {  	v17 =	vadd.f32 v18, v17;
	v18 =	vmul.f32 v27, v27  }
0xc3: {  	v29 =	vld [tilespmem:s16+$0x5360]  }
0xc4: {  	v17 =	vadd.f32 v18, v17;
	v18 =	vmul.f32 v28, v28  }
0xc5: {  	v30 =	vld [tilespmem:s16+$0x5370]  }
0xc6: {  	v17 =	vadd.f32 v18, v17;
	v18 =	vmul.f32 v19, v19;
	_ =	sdelay $0x1  }
0xc7: {  	v17 =	vadd.f32 v18, v17;
	v18 =	vmul.f32 v29, v29;
	_ =	sdelay $0x1  }
0xc8: {  	v17 =	vadd.f32 v18, v17;
	v18 =	vmul.f32 v30, v30;
	_ =	sdelay $0x1  }
0xc9: {  	v17 =	vadd.f32 v18, v17;
	_ =	sdelay $0x1  }
0xca: {  	[tilespmem:v8+s23+$0x0] =	vst.idx.msk $0xffff, v17  }
0xcb: {  	v17 =	vld [tilespmem:s16+$0x5380]  }
0xcc: {  	v18 =	vld [tilespmem:s16+$0x5390];
	_ =	sdelay $0x1  }
0xcd: {  	v19 =	vld [tilespmem:s16+$0x53A0];
	_ =	sdelay $0x1  }
0xce: {  	v31 =	vld [tilespmem:s16+$0x53B0]  }
0xcf: {  	v17 =	vmul.f32 v17, v17;
	v18 =	vmul.f32 v18, v18  }
0xd0: {  	v32 =	vld [tilespmem:s16+$0x53C0]  }
0xd1: {  	v17 =	vadd.f32 v18, v17;
	v18 =	vmul.f32 v19, v19  }
0xd2: {  	v19 =	vld [tilespmem:s16+$0x53D0]  }
0xd3: {  	v17 =	vadd.f32 v18, v17;
	v18 =	vmul.f32 v31, v31  }
0xd4: {  	v33 =	vld [tilespmem:s16+$0x53E0]  }
0xd5: {  	v17 =	vadd.f32 v18, v17;
	v18 =	vmul.f32 v32, v32  }
0xd6: {  	v34 =	vld [tilespmem:s16+$0x53F0]  }
0xd7: {  	v17 =	vadd.f32 v18, v17;
	v18 =	vmul.f32 v19, v19;
	_ =	sdelay $0x1  }
0xd8: {  	v17 =	vadd.f32 v18, v17;
	v18 =	vmul.f32 v33, v33;
	_ =	sdelay $0x1  }
0xd9: {  	v17 =	vadd.f32 v18, v17;
	v18 =	vmul.f32 v34, v34;
	_ =	sdelay $0x1  }
0xda: {  	v17 =	vadd.f32 v18, v17;
	_ =	sdelay $0x1  }
0xdb: {  	[tilespmem:v9+s23+$0x0] =	vst.idx.msk $0xffff, v17  }
0xdc: {  	v17 =	vld [tilespmem:s16+$0x5400]  }
0xdd: {  	v18 =	vld [tilespmem:s16+$0x5410];
	_ =	sdelay $0x1  }
0xde: {  	v19 =	vld [tilespmem:s16+$0x5420];
	_ =	sdelay $0x1  }
0xdf: {  	v35 =	vld [tilespmem:s16+$0x5430]  }
0xe0: {  	v17 =	vmul.f32 v17, v17;
	v18 =	vmul.f32 v18, v18  }
0xe1: {  	v36 =	vld [tilespmem:s16+$0x5440]  }
0xe2: {  	v17 =	vadd.f32 v18, v17;
	v18 =	vmul.f32 v19, v19  }
0xe3: {  	v19 =	vld [tilespmem:s16+$0x5450]  }
0xe4: {  	v17 =	vadd.f32 v18, v17;
	v18 =	vmul.f32 v35, v35  }
0xe5: {  	v37 =	vld [tilespmem:s16+$0x5460]  }
0xe6: {  	v17 =	vadd.f32 v18, v17;
	v18 =	vmul.f32 v36, v36  }
0xe7: {  	v38 =	vld [tilespmem:s16+$0x5470]  }
0xe8: {  	v17 =	vadd.f32 v18, v17;
	v18 =	vmul.f32 v19, v19;
	_ =	sdelay $0x1  }
0xe9: {  	v17 =	vadd.f32 v18, v17;
	v18 =	vmul.f32 v37, v37;
	_ =	sdelay $0x1  }
0xea: {  	v17 =	vadd.f32 v18, v17;
	v18 =	vmul.f32 v38, v38;
	_ =	sdelay $0x1  }
0xeb: {  	v17 =	vadd.f32 v18, v17;
	_ =	sdelay $0x1  }
0xec: {  	[tilespmem:v10+s23+$0x0] =	vst.idx.msk $0xffff, v17  }
0xed: {  	v17 =	vld [tilespmem:s16+$0x5480]  }
0xee: {  	v18 =	vld [tilespmem:s16+$0x5490];
	_ =	sdelay $0x1  }
0xef: {  	v19 =	vld [tilespmem:s16+$0x54A0];
	_ =	sdelay $0x1  }
0xf0: {  	v39 =	vld [tilespmem:s16+$0x54B0]  }
0xf1: {  	v17 =	vmul.f32 v17, v17;
	v18 =	vmul.f32 v18, v18  }
0xf2: {  	v40 =	vld [tilespmem:s16+$0x54C0]  }
0xf3: {  	v17 =	vadd.f32 v18, v17;
	v18 =	vmul.f32 v19, v19  }
0xf4: {  	v19 =	vld [tilespmem:s16+$0x54D0]  }
0xf5: {  	v17 =	vadd.f32 v18, v17;
	v18 =	vmul.f32 v39, v39  }
0xf6: {  	v41 =	vld [tilespmem:s16+$0x54E0]  }
0xf7: {  	v17 =	vadd.f32 v18, v17;
	v18 =	vmul.f32 v40, v40  }
0xf8: {  	v42 =	vld [tilespmem:s16+$0x54F0]  }
0xf9: {  	v17 =	vadd.f32 v18, v17;
	v18 =	vmul.f32 v19, v19;
	_ =	sdelay $0x1  }
0xfa: {  	v17 =	vadd.f32 v18, v17;
	v18 =	vmul.f32 v41, v41;
	_ =	sdelay $0x1  }
0xfb: {  	v17 =	vadd.f32 v18, v17;
	v18 =	vmul.f32 v42, v42;
	_ =	sdelay $0x1  }
0xfc: {  	v17 =	vadd.f32 v18, v17;
	_ =	sdelay $0x1  }
0xfd: {  	[tilespmem:v11+s23+$0x0] =	vst.idx.msk $0xffff, v17  }
0xfe: {  	v17 =	vld [tilespmem:s16+$0x5500]  }
0xff: {  	v18 =	vld [tilespmem:s16+$0x5510];
	_ =	sdelay $0x1  }
0x100: {  	v19 =	vld [tilespmem:s16+$0x5520];
	_ =	sdelay $0x1  }
0x101: {  	v43 =	vld [tilespmem:s16+$0x5530]  }
0x102: {  	v17 =	vmul.f32 v17, v17;
	v18 =	vmul.f32 v18, v18  }
0x103: {  	v44 =	vld [tilespmem:s16+$0x5540]  }
0x104: {  	v17 =	vadd.f32 v18, v17;
	v18 =	vmul.f32 v19, v19  }
0x105: {  	v19 =	vld [tilespmem:s16+$0x5550]  }
0x106: {  	v17 =	vadd.f32 v18, v17;
	v18 =	vmul.f32 v43, v43  }
0x107: {  	v45 =	vld [tilespmem:s16+$0x5560]  }
0x108: {  	v17 =	vadd.f32 v18, v17;
	v18 =	vmul.f32 v44, v44  }
0x109: {  	v46 =	vld [tilespmem:s16+$0x5570]  }
0x10a: {  	v17 =	vadd.f32 v18, v17;
	v18 =	vmul.f32 v19, v19;
	_ =	sdelay $0x1  }
0x10b: {  	v17 =	vadd.f32 v18, v17;
	v18 =	vmul.f32 v45, v45;
	_ =	sdelay $0x1  }
0x10c: {  	v17 =	vadd.f32 v18, v17;
	v18 =	vmul.f32 v46, v46;
	_ =	sdelay $0x1  }
0x10d: {  	v17 =	vadd.f32 v18, v17;
	_ =	sdelay $0x1  }
0x10e: {  	[tilespmem:v12+s23+$0x0] =	vst.idx.msk $0xffff, v17  }
0x10f: {  	v17 =	vld [tilespmem:s16+$0x5580]  }
0x110: {  	v18 =	vld [tilespmem:s16+$0x5590];
	_ =	sdelay $0x1  }
0x111: {  	v19 =	vld [tilespmem:s16+$0x55A0];
	_ =	sdelay $0x1  }
0x112: {  	v47 =	vld [tilespmem:s16+$0x55B0]  }
0x113: {  	v17 =	vmul.f32 v17, v17;
	v18 =	vmul.f32 v18, v18  }
0x114: {  	v48 =	vld [tilespmem:s16+$0x55C0]  }
0x115: {  	v17 =	vadd.f32 v18, v17;
	v18 =	vmul.f32 v19, v19  }
0x116: {  	v19 =	vld [tilespmem:s16+$0x55D0]  }
0x117: {  	v17 =	vadd.f32 v18, v17;
	v18 =	vmul.f32 v47, v47  }
0x118: {  	v49 =	vld [tilespmem:s16+$0x55E0]  }
0x119: {  	v17 =	vadd.f32 v18, v17;
	v18 =	vmul.f32 v48, v48  }
0x11a: {  	v50 =	vld [tilespmem:s16+$0x55F0]  }
0x11b: {  	v17 =	vadd.f32 v18, v17;
	v18 =	vmul.f32 v19, v19;
	_ =	sdelay $0x1  }
0x11c: {  	v17 =	vadd.f32 v18, v17;
	v18 =	vmul.f32 v49, v49;
	_ =	sdelay $0x1  }
0x11d: {  	v17 =	vadd.f32 v18, v17;
	v18 =	vmul.f32 v50, v50;
	_ =	sdelay $0x1  }
0x11e: {  	v17 =	vadd.f32 v18, v17;
	_ =	sdelay $0x1  }
0x11f: {  	[tilespmem:v13+s23+$0x0] =	vst.idx.msk $0xffff, v17  }
0x120: {  	v17 =	vld [tilespmem:s16+$0x5600]  }
0x121: {  	v18 =	vld [tilespmem:s16+$0x5610];
	_ =	sdelay $0x1  }
0x122: {  	v19 =	vld [tilespmem:s16+$0x5620];
	_ =	sdelay $0x1  }
0x123: {  	v51 =	vld [tilespmem:s16+$0x5630]  }
0x124: {  	v17 =	vmul.f32 v17, v17;
	v18 =	vmul.f32 v18, v18  }
0x125: {  	v52 =	vld [tilespmem:s16+$0x5640]  }
0x126: {  	v17 =	vadd.f32 v18, v17;
	v18 =	vmul.f32 v19, v19  }
0x127: {  	v19 =	vld [tilespmem:s16+$0x5650]  }
0x128: {  	v17 =	vadd.f32 v18, v17;
	v18 =	vmul.f32 v51, v51  }
0x129: {  	v53 =	vld [tilespmem:s16+$0x5660]  }
0x12a: {  	v17 =	vadd.f32 v18, v17;
	v18 =	vmul.f32 v52, v52  }
0x12b: {  	v54 =	vld [tilespmem:s16+$0x5670]  }
0x12c: {  	v17 =	vadd.f32 v18, v17;
	v18 =	vmul.f32 v19, v19;
	_ =	sdelay $0x1  }
0x12d: {  	v17 =	vadd.f32 v18, v17;
	v18 =	vmul.f32 v53, v53;
	_ =	sdelay $0x1  }
0x12e: {  	v17 =	vadd.f32 v18, v17;
	v18 =	vmul.f32 v54, v54;
	_ =	sdelay $0x1  }
0x12f: {  	v17 =	vadd.f32 v18, v17;
	_ =	sdelay $0x1  }
0x130: {  	[tilespmem:v14+s23+$0x0] =	vst.idx.msk $0xffff, v17  }
0x131: {  	v17 =	vld [tilespmem:s16+$0x5680]  }
0x132: {  	v18 =	vld [tilespmem:s16+$0x5690];
	_ =	sdelay $0x1  }
0x133: {  	v19 =	vld [tilespmem:s16+$0x56A0];
	_ =	sdelay $0x1  }
0x134: {  	v55 =	vld [tilespmem:s16+$0x56B0]  }
0x135: {  	v17 =	vmul.f32 v17, v17;
	v18 =	vmul.f32 v18, v18  }
0x136: {  	v56 =	vld [tilespmem:s16+$0x56C0]  }
0x137: {  	v17 =	vadd.f32 v18, v17;
	v18 =	vmul.f32 v19, v19  }
0x138: {  	v19 =	vld [tilespmem:s16+$0x56D0]  }
0x139: {  	v17 =	vadd.f32 v18, v17;
	v18 =	vmul.f32 v55, v55  }
0x13a: {  	v57 =	vld [tilespmem:s16+$0x56E0]  }
0x13b: {  	v17 =	vadd.f32 v18, v17;
	v18 =	vmul.f32 v56, v56  }
0x13c: {  	v58 =	vld [tilespmem:s16+$0x56F0]  }
0x13d: {  	v17 =	vadd.f32 v18, v17;
	v18 =	vmul.f32 v19, v19;
	_ =	sdelay $0x1  }
0x13e: {  	v17 =	vadd.f32 v18, v17;
	v18 =	vmul.f32 v57, v57;
	_ =	sdelay $0x1  }
0x13f: {  	v17 =	vadd.f32 v18, v17;
	v18 =	vmul.f32 v58, v58;
	_ =	sdelay $0x1  }
0x140: {  	v17 =	vadd.f32 v18, v17;
	_ =	sdelay $0x1  }
0x141: {  	[tilespmem:v15+s23+$0x0] =	vst.idx.msk $0xffff, v17  }
0x142: {  	v17 =	vld [tilespmem:$0x11700]  }
0x143: {  	v18 =	vld [tilespmem:$0x11710];
	_ =	sdelay $0x1  }
0x144: {  	v19 =	vld [tilespmem:$0x11720];
	_ =	sdelay $0x1  }
0x145: {  	v59 =	vld [tilespmem:$0x11730]  }
0x146: {  	v17 =	vadd.f32 v18, v17  }
0x147: {  	v18 =	vld [tilespmem:$0x11740]  }
0x148: {  	v17 =	vadd.f32 v19, v17  }
0x149: {  	v19 =	vld [tilespmem:$0x11750]  }
0x14a: {  	v17 =	vadd.f32 v59, v17  }
0x14b: {  	v60 =	vld [tilespmem:$0x11760]  }
0x14c: {  	v17 =	vadd.f32 v18, v17  }
0x14d: {  	v18 =	vld [tilespmem:$0x11770]  }
0x14e: {  	v17 =	vadd.f32 v19, v17  }
0x14f: {  	v19 =	vld [tilespmem:$0x11780]  }
0x150: {  	v17 =	vadd.f32 v60, v17  }
0x151: {  	v61 =	vld [tilespmem:$0x11790]  }
0x152: {  	v17 =	vadd.f32 v18, v17  }
0x153: {  	v18 =	vld [tilespmem:$0x117A0]  }
0x154: {  	v17 =	vadd.f32 v19, v17  }
0x155: {  	v19 =	vld [tilespmem:$0x117B0]  }
0x156: {  	v17 =	vadd.f32 v61, v17  }
0x157: {  	v62 =	vld [tilespmem:$0x117C0]  }
0x158: {  	v17 =	vadd.f32 v18, v17  }
0x159: {  	v18 =	vld [tilespmem:$0x117D0]  }
0x15a: {  	v17 =	vadd.f32 v19, v17  }
0x15b: {  	v19 =	vld [tilespmem:$0x117E0]  }
0x15c: {  	v17 =	vadd.f32 v62, v17  }
0x15d: {  	v63 =	vld [tilespmem:$0x117F0]  }
0x15e: {  	v17 =	vadd.f32 v18, v17;
	_ =	sdelay $0x1  }
0x15f: {  	v17 =	vadd.f32 v19, v17;
	_ =	sdelay $0x1  }
0x160: {  	v17 =	vadd.f32 v63, v17;
	_ =	sdelay $0x1  }
0x161: {  	v18 =	vshra.s32 v17, $0x1  }
0x162: {  	v18 =	vadd.s32 $0x1FBD1DF5, v18  }
0x163: {  	(erf) = vrcp.f32 v18;
	_ =	sdelay $0x8  }
0x164: {  	v19 =	vpop (erf)  }
0x165: {  	v19 =	vmul.f32 v19, v17;
	_ =	sdelay $0x1  }
0x166: {  	v18 =	vadd.f32 v18, v19;
	_ =	sdelay $0x1  }
0x167: {  	v18 =	vmul.f32 $5.000000000e-01, v18;
	_ =	sdelay $0x1  }
0x168: {  	(erf) = vrcp.f32 v18;
	_ =	sdelay $0x8  }
0x169: {  	v19 =	vpop (erf)  }
0x16a: {  	v17 =	vmul.f32 v19, v17  }
0x16b: {  	p0 =	sne.s32 s14, $0x8000  }
.Ltmp0:
0x16c: {  	v17 =	vadd.f32 v17, v18;
	(pc) =	sbr.rel @p0 .LBB2_3-.Ltmp0, $3  }
0x16d: {  	_ = 	snop  }
0x16e: {  	v17 =	vmul.f32 $5.000000000e-01, v17;
	_ =	sdelay $0x1  }
0x16f: {  	s14 =	sadd.s32 $0x2000, s14;
	v16 =	vadd.f32 v17, v16  }
0x170: {  	s14 =	smul.u32 $0x5, s30  }
0x171: {  	_ =	swait.ge [sflag:s24], $0x2800  }
0x172: {  	p0 =	seq.s32 s30, $0x18;
	[sflag:s24] =	ssyncset.done $0x0;
	s16 =	sadd.s32 $0x5, s14  }
0x173: {  	s0 =	sadd.s32 $0x2870, s0;
	[sflag:s24] =	ssyncadd.s32 $0xFFFFD800;
	s16 =	smul.u32 @!p0 $0x140, s16  }
0x174: {  	[tilespmem:s17], [sflag:$0x4] =	stream.indirect.gather.add.f32 [hbm:s4], $0x80, s0, s11, $0xb8;
	[tilespmem:$0x11880] =	vst v63  }
0x175: {  	s20 =	simm.s32 @!p0 $0x4F00;
	s0 =	sshra.s32 @!p0 s16, $0x2;
	s16 =	simm.s32 @!p0 $0x50  }
0x176: {  	[tilespmem:s20], [sflag:$0x1] =	stream.indirect.gather @!p0 [hbm4b:s2+s16], $0x80, s0, s16, $0xb8;
	[tilespmem:$0x11880] =	vst v63  }
0x177: {  	_ =	swait.ge [sflag:s19], $0x2800  }
0x178: {  	[sflag:s19] =	ssyncset.done $0x0  }
0x179: {  	s16 =	simm.s32 $0x0;
	[sflag:s19] =	ssyncadd.s32 $0xFFFFD800  }
.LBB2_5:
0x17a: {  	s20 =	sshra.s32 s16, $0x2  }
0x17b: {  	v17 =	vld [tilespmem:s20+$0x7700]  }
0x17c: {  	v18 =	vld [tilespmem:s20+$0x7710];
	_ =	sdelay $0x1  }
0x17d: {  	v19 =	vld [tilespmem:s20+$0x7720];
	_ =	sdelay $0x1  }
0x17e: {  	v20 =	vld [tilespmem:s20+$0x7730]  }
0x17f: {  	v17 =	vmul.f32 v17, v17;
	v18 =	vmul.f32 v18, v18  }
0x180: {  	v21 =	vld [tilespmem:s20+$0x7740]  }
0x181: {  	v17 =	vadd.f32 v18, v17;
	v18 =	vmul.f32 v19, v19  }
0x182: {  	v19 =	vld [tilespmem:s20+$0x7750]  }
0x183: {  	v17 =	vadd.f32 v18, v17;
	v18 =	vmul.f32 v20, v20  }
0x184: {  	v37 =	vld [tilespmem:s20+$0x7760]  }
0x185: {  	v17 =	vadd.f32 v18, v17;
	v18 =	vmul.f32 v21, v21  }
0x186: {  	v38 =	vld [tilespmem:s20+$0x7770]  }
0x187: {  	v17 =	vadd.f32 v18, v17;
	v18 =	vmul.f32 v19, v19;
	_ =	sdelay $0x1  }
0x188: {  	v17 =	vadd.f32 v18, v17;
	v18 =	vmul.f32 v37, v37;
	_ =	sdelay $0x1  }
0x189: {  	v17 =	vadd.f32 v18, v17;
	v18 =	vmul.f32 v38, v38;
	_ =	sdelay $0x1  }
0x18a: {  	v17 =	vadd.f32 v18, v17;
	_ =	sdelay $0x1  }
0x18b: {  	[tilespmem:v0+s23+$0x0] =	vst.idx.msk $0xffff, v17  }
0x18c: {  	v17 =	vld [tilespmem:s20+$0x7780]  }
0x18d: {  	v18 =	vld [tilespmem:s20+$0x7790];
	_ =	sdelay $0x1  }
0x18e: {  	v19 =	vld [tilespmem:s20+$0x77A0];
	_ =	sdelay $0x1  }
0x18f: {  	v39 =	vld [tilespmem:s20+$0x77B0]  }
0x190: {  	v17 =	vmul.f32 v17, v17;
	v18 =	vmul.f32 v18, v18  }
0x191: {  	v40 =	vld [tilespmem:s20+$0x77C0]  }
0x192: {  	v17 =	vadd.f32 v18, v17;
	v18 =	vmul.f32 v19, v19  }
0x193: {  	v19 =	vld [tilespmem:s20+$0x77D0]  }
0x194: {  	v17 =	vadd.f32 v18, v17;
	v18 =	vmul.f32 v39, v39  }
0x195: {  	v41 =	vld [tilespmem:s20+$0x77E0]  }
0x196: {  	v17 =	vadd.f32 v18, v17;
	v18 =	vmul.f32 v40, v40  }
0x197: {  	v42 =	vld [tilespmem:s20+$0x77F0]  }
0x198: {  	v17 =	vadd.f32 v18, v17;
	v18 =	vmul.f32 v19, v19;
	_ =	sdelay $0x1  }
0x199: {  	v17 =	vadd.f32 v18, v17;
	v18 =	vmul.f32 v41, v41;
	_ =	sdelay $0x1  }
0x19a: {  	v17 =	vadd.f32 v18, v17;
	v18 =	vmul.f32 v42, v42;
	_ =	sdelay $0x1  }
0x19b: {  	v17 =	vadd.f32 v18, v17;
	_ =	sdelay $0x1  }
0x19c: {  	[tilespmem:v1+s23+$0x0] =	vst.idx.msk $0xffff, v17  }
0x19d: {  	v17 =	vld [tilespmem:s20+$0x7800]  }
0x19e: {  	v18 =	vld [tilespmem:s20+$0x7810];
	_ =	sdelay $0x1  }
0x19f: {  	v19 =	vld [tilespmem:s20+$0x7820];
	_ =	sdelay $0x1  }
0x1a0: {  	v43 =	vld [tilespmem:s20+$0x7830]  }
0x1a1: {  	v17 =	vmul.f32 v17, v17;
	v18 =	vmul.f32 v18, v18  }
0x1a2: {  	v44 =	vld [tilespmem:s20+$0x7840]  }
0x1a3: {  	v17 =	vadd.f32 v18, v17;
	v18 =	vmul.f32 v19, v19  }
0x1a4: {  	v19 =	vld [tilespmem:s20+$0x7850]  }
0x1a5: {  	v17 =	vadd.f32 v18, v17;
	v18 =	vmul.f32 v43, v43  }
0x1a6: {  	v45 =	vld [tilespmem:s20+$0x7860]  }
0x1a7: {  	v17 =	vadd.f32 v18, v17;
	v18 =	vmul.f32 v44, v44  }
0x1a8: {  	v46 =	vld [tilespmem:s20+$0x7870]  }
0x1a9: {  	v17 =	vadd.f32 v18, v17;
	v18 =	vmul.f32 v19, v19;
	_ =	sdelay $0x1  }
0x1aa: {  	v17 =	vadd.f32 v18, v17;
	v18 =	vmul.f32 v45, v45;
	_ =	sdelay $0x1  }
0x1ab: {  	v17 =	vadd.f32 v18, v17;
	v18 =	vmul.f32 v46, v46;
	_ =	sdelay $0x1  }
0x1ac: {  	v17 =	vadd.f32 v18, v17;
	_ =	sdelay $0x1  }
0x1ad: {  	[tilespmem:v2+s23+$0x0] =	vst.idx.msk $0xffff, v17  }
0x1ae: {  	v17 =	vld [tilespmem:s20+$0x7880]  }
0x1af: {  	v18 =	vld [tilespmem:s20+$0x7890];
	_ =	sdelay $0x1  }
0x1b0: {  	v19 =	vld [tilespmem:s20+$0x78A0];
	_ =	sdelay $0x1  }
0x1b1: {  	v47 =	vld [tilespmem:s20+$0x78B0]  }
0x1b2: {  	v17 =	vmul.f32 v17, v17;
	v18 =	vmul.f32 v18, v18  }
0x1b3: {  	v48 =	vld [tilespmem:s20+$0x78C0]  }
0x1b4: {  	v17 =	vadd.f32 v18, v17;
	v18 =	vmul.f32 v19, v19  }
0x1b5: {  	v19 =	vld [tilespmem:s20+$0x78D0]  }
0x1b6: {  	v17 =	vadd.f32 v18, v17;
	v18 =	vmul.f32 v47, v47  }
0x1b7: {  	v49 =	vld [tilespmem:s20+$0x78E0]  }
0x1b8: {  	v17 =	vadd.f32 v18, v17;
	v18 =	vmul.f32 v48, v48  }
0x1b9: {  	v50 =	vld [tilespmem:s20+$0x78F0]  }
0x1ba: {  	v17 =	vadd.f32 v18, v17;
	v18 =	vmul.f32 v19, v19;
	_ =	sdelay $0x1  }
0x1bb: {  	v17 =	vadd.f32 v18, v17;
	v18 =	vmul.f32 v49, v49;
	_ =	sdelay $0x1  }
0x1bc: {  	v17 =	vadd.f32 v18, v17;
	v18 =	vmul.f32 v50, v50;
	_ =	sdelay $0x1  }
0x1bd: {  	v17 =	vadd.f32 v18, v17;
	_ =	sdelay $0x1  }
0x1be: {  	[tilespmem:v3+s23+$0x0] =	vst.idx.msk $0xffff, v17  }
0x1bf: {  	v17 =	vld [tilespmem:s20+$0x7900]  }
0x1c0: {  	v18 =	vld [tilespmem:s20+$0x7910];
	_ =	sdelay $0x1  }
0x1c1: {  	v19 =	vld [tilespmem:s20+$0x7920];
	_ =	sdelay $0x1  }
0x1c2: {  	v51 =	vld [tilespmem:s20+$0x7930]  }
0x1c3: {  	v17 =	vmul.f32 v17, v17;
	v18 =	vmul.f32 v18, v18  }
0x1c4: {  	v52 =	vld [tilespmem:s20+$0x7940]  }
0x1c5: {  	v17 =	vadd.f32 v18, v17;
	v18 =	vmul.f32 v19, v19  }
0x1c6: {  	v19 =	vld [tilespmem:s20+$0x7950]  }
0x1c7: {  	v17 =	vadd.f32 v18, v17;
	v18 =	vmul.f32 v51, v51  }
0x1c8: {  	v53 =	vld [tilespmem:s20+$0x7960]  }
0x1c9: {  	v17 =	vadd.f32 v18, v17;
	v18 =	vmul.f32 v52, v52  }
0x1ca: {  	v54 =	vld [tilespmem:s20+$0x7970]  }
0x1cb: {  	v17 =	vadd.f32 v18, v17;
	v18 =	vmul.f32 v19, v19;
	_ =	sdelay $0x1  }
0x1cc: {  	v17 =	vadd.f32 v18, v17;
	v18 =	vmul.f32 v53, v53;
	_ =	sdelay $0x1  }
0x1cd: {  	v17 =	vadd.f32 v18, v17;
	v18 =	vmul.f32 v54, v54;
	_ =	sdelay $0x1  }
0x1ce: {  	v17 =	vadd.f32 v18, v17;
	_ =	sdelay $0x1  }
0x1cf: {  	[tilespmem:v4+s23+$0x0] =	vst.idx.msk $0xffff, v17  }
0x1d0: {  	v17 =	vld [tilespmem:s20+$0x7980]  }
0x1d1: {  	v18 =	vld [tilespmem:s20+$0x7990];
	_ =	sdelay $0x1  }
0x1d2: {  	v19 =	vld [tilespmem:s20+$0x79A0];
	_ =	sdelay $0x1  }
0x1d3: {  	v55 =	vld [tilespmem:s20+$0x79B0]  }
0x1d4: {  	v17 =	vmul.f32 v17, v17;
	v18 =	vmul.f32 v18, v18  }
0x1d5: {  	v56 =	vld [tilespmem:s20+$0x79C0]  }
0x1d6: {  	v17 =	vadd.f32 v18, v17;
	v18 =	vmul.f32 v19, v19  }
0x1d7: {  	v19 =	vld [tilespmem:s20+$0x79D0]  }
0x1d8: {  	v17 =	vadd.f32 v18, v17;
	v18 =	vmul.f32 v55, v55  }
0x1d9: {  	v57 =	vld [tilespmem:s20+$0x79E0]  }
0x1da: {  	v17 =	vadd.f32 v18, v17;
	v18 =	vmul.f32 v56, v56  }
0x1db: {  	v58 =	vld [tilespmem:s20+$0x79F0]  }
0x1dc: {  	v17 =	vadd.f32 v18, v17;
	v18 =	vmul.f32 v19, v19;
	_ =	sdelay $0x1  }
0x1dd: {  	v17 =	vadd.f32 v18, v17;
	v18 =	vmul.f32 v57, v57;
	_ =	sdelay $0x1  }
0x1de: {  	v17 =	vadd.f32 v18, v17;
	v18 =	vmul.f32 v58, v58;
	_ =	sdelay $0x1  }
0x1df: {  	v17 =	vadd.f32 v18, v17;
	_ =	sdelay $0x1  }
0x1e0: {  	[tilespmem:v5+s23+$0x0] =	vst.idx.msk $0xffff, v17  }
0x1e1: {  	v17 =	vld [tilespmem:s20+$0x7A00]  }
0x1e2: {  	v18 =	vld [tilespmem:s20+$0x7A10];
	_ =	sdelay $0x1  }
0x1e3: {  	v19 =	vld [tilespmem:s20+$0x7A20];
	_ =	sdelay $0x1  }
0x1e4: {  	v59 =	vld [tilespmem:s20+$0x7A30]  }
0x1e5: {  	v17 =	vmul.f32 v17, v17;
	v18 =	vmul.f32 v18, v18  }
0x1e6: {  	v60 =	vld [tilespmem:s20+$0x7A40]  }
0x1e7: {  	v17 =	vadd.f32 v18, v17;
	v18 =	vmul.f32 v19, v19  }
0x1e8: {  	v19 =	vld [tilespmem:s20+$0x7A50]  }
0x1e9: {  	v17 =	vadd.f32 v18, v17;
	v18 =	vmul.f32 v59, v59  }
0x1ea: {  	v61 =	vld [tilespmem:s20+$0x7A60]  }
0x1eb: {  	v17 =	vadd.f32 v18, v17;
	v18 =	vmul.f32 v60, v60  }
0x1ec: {  	v62 =	vld [tilespmem:s20+$0x7A70]  }
0x1ed: {  	v17 =	vadd.f32 v18, v17;
	v18 =	vmul.f32 v19, v19;
	_ =	sdelay $0x1  }
0x1ee: {  	v17 =	vadd.f32 v18, v17;
	v18 =	vmul.f32 v61, v61;
	_ =	sdelay $0x1  }
0x1ef: {  	v17 =	vadd.f32 v18, v17;
	v18 =	vmul.f32 v62, v62;
	_ =	sdelay $0x1  }
0x1f0: {  	v17 =	vadd.f32 v18, v17;
	_ =	sdelay $0x1  }
0x1f1: {  	[tilespmem:v6+s23+$0x0] =	vst.idx.msk $0xffff, v17  }
0x1f2: {  	v17 =	vld [tilespmem:s20+$0x7A80]  }
0x1f3: {  	v18 =	vld [tilespmem:s20+$0x7A90];
	_ =	sdelay $0x1  }
0x1f4: {  	v19 =	vld [tilespmem:s20+$0x7AA0];
	_ =	sdelay $0x1  }
0x1f5: {  	v63 =	vld [tilespmem:s20+$0x7AB0]  }
0x1f6: {  	v17 =	vmul.f32 v17, v17;
	v18 =	vmul.f32 v18, v18  }
0x1f7: {  	v24 =	vld [tilespmem:s20+$0x7AC0]  }
0x1f8: {  	v17 =	vadd.f32 v18, v17;
	v18 =	vmul.f32 v19, v19  }
0x1f9: {  	v19 =	vld [tilespmem:s20+$0x7AD0]  }
0x1fa: {  	v17 =	vadd.f32 v18, v17;
	v18 =	vmul.f32 v63, v63  }
0x1fb: {  	v25 =	vld [tilespmem:s20+$0x7AE0]  }
0x1fc: {  	v17 =	vadd.f32 v18, v17;
	v18 =	vmul.f32 v24, v24  }
0x1fd: {  	v26 =	vld [tilespmem:s20+$0x7AF0]  }
0x1fe: {  	v17 =	vadd.f32 v18, v17;
	v18 =	vmul.f32 v19, v19;
	_ =	sdelay $0x1  }
0x1ff: {  	v17 =	vadd.f32 v18, v17;
	v18 =	vmul.f32 v25, v25;
	_ =	sdelay $0x1  }
0x200: {  	v17 =	vadd.f32 v18, v17;
	v18 =	vmul.f32 v26, v26;
	_ =	sdelay $0x1  }
0x201: {  	v17 =	vadd.f32 v18, v17;
	_ =	sdelay $0x1  }
0x202: {  	[tilespmem:v7+s23+$0x0] =	vst.idx.msk $0xffff, v17  }
0x203: {  	v17 =	vld [tilespmem:s20+$0x7B00]  }
0x204: {  	v18 =	vld [tilespmem:s20+$0x7B10];
	_ =	sdelay $0x1  }
0x205: {  	v19 =	vld [tilespmem:s20+$0x7B20];
	_ =	sdelay $0x1  }
0x206: {  	v27 =	vld [tilespmem:s20+$0x7B30]  }
0x207: {  	v17 =	vmul.f32 v17, v17;
	v18 =	vmul.f32 v18, v18  }
0x208: {  	v28 =	vld [tilespmem:s20+$0x7B40]  }
0x209: {  	v17 =	vadd.f32 v18, v17;
	v18 =	vmul.f32 v19, v19  }
0x20a: {  	v19 =	vld [tilespmem:s20+$0x7B50]  }
0x20b: {  	v17 =	vadd.f32 v18, v17;
	v18 =	vmul.f32 v27, v27  }
0x20c: {  	v29 =	vld [tilespmem:s20+$0x7B60]  }
0x20d: {  	v17 =	vadd.f32 v18, v17;
	v18 =	vmul.f32 v28, v28  }
0x20e: {  	v30 =	vld [tilespmem:s20+$0x7B70]  }
0x20f: {  	v17 =	vadd.f32 v18, v17;
	v18 =	vmul.f32 v19, v19;
	_ =	sdelay $0x1  }
0x210: {  	v17 =	vadd.f32 v18, v17;
	v18 =	vmul.f32 v29, v29;
	_ =	sdelay $0x1  }
0x211: {  	v17 =	vadd.f32 v18, v17;
	v18 =	vmul.f32 v30, v30;
	_ =	sdelay $0x1  }
0x212: {  	v17 =	vadd.f32 v18, v17;
	_ =	sdelay $0x1  }
0x213: {  	[tilespmem:v8+s23+$0x0] =	vst.idx.msk $0xffff, v17  }
0x214: {  	v17 =	vld [tilespmem:s20+$0x7B80]  }
0x215: {  	v18 =	vld [tilespmem:s20+$0x7B90];
	_ =	sdelay $0x1  }
0x216: {  	v19 =	vld [tilespmem:s20+$0x7BA0];
	_ =	sdelay $0x1  }
0x217: {  	v31 =	vld [tilespmem:s20+$0x7BB0]  }
0x218: {  	v17 =	vmul.f32 v17, v17;
	v18 =	vmul.f32 v18, v18  }
0x219: {  	v32 =	vld [tilespmem:s20+$0x7BC0]  }
0x21a: {  	v17 =	vadd.f32 v18, v17;
	v18 =	vmul.f32 v19, v19  }
0x21b: {  	v19 =	vld [tilespmem:s20+$0x7BD0]  }
0x21c: {  	v17 =	vadd.f32 v18, v17;
	v18 =	vmul.f32 v31, v31  }
0x21d: {  	v33 =	vld [tilespmem:s20+$0x7BE0]  }
0x21e: {  	v17 =	vadd.f32 v18, v17;
	v18 =	vmul.f32 v32, v32  }
0x21f: {  	v34 =	vld [tilespmem:s20+$0x7BF0]  }
0x220: {  	v17 =	vadd.f32 v18, v17;
	v18 =	vmul.f32 v19, v19;
	_ =	sdelay $0x1  }
0x221: {  	v17 =	vadd.f32 v18, v17;
	v18 =	vmul.f32 v33, v33;
	_ =	sdelay $0x1  }
0x222: {  	v17 =	vadd.f32 v18, v17;
	v18 =	vmul.f32 v34, v34;
	_ =	sdelay $0x1  }
0x223: {  	v17 =	vadd.f32 v18, v17;
	_ =	sdelay $0x1  }
0x224: {  	[tilespmem:v9+s23+$0x0] =	vst.idx.msk $0xffff, v17  }
0x225: {  	v17 =	vld [tilespmem:s20+$0x7C00]  }
0x226: {  	v18 =	vld [tilespmem:s20+$0x7C10];
	_ =	sdelay $0x1  }
0x227: {  	v19 =	vld [tilespmem:s20+$0x7C20];
	_ =	sdelay $0x1  }
0x228: {  	v35 =	vld [tilespmem:s20+$0x7C30]  }
0x229: {  	v17 =	vmul.f32 v17, v17;
	v18 =	vmul.f32 v18, v18  }
0x22a: {  	v36 =	vld [tilespmem:s20+$0x7C40]  }
0x22b: {  	v17 =	vadd.f32 v18, v17;
	v18 =	vmul.f32 v19, v19  }
0x22c: {  	v19 =	vld [tilespmem:s20+$0x7C50]  }
0x22d: {  	v17 =	vadd.f32 v18, v17;
	v18 =	vmul.f32 v35, v35  }
0x22e: {  	v37 =	vld [tilespmem:s20+$0x7C60]  }
0x22f: {  	v17 =	vadd.f32 v18, v17;
	v18 =	vmul.f32 v36, v36  }
0x230: {  	v38 =	vld [tilespmem:s20+$0x7C70]  }
0x231: {  	v17 =	vadd.f32 v18, v17;
	v18 =	vmul.f32 v19, v19;
	_ =	sdelay $0x1  }
0x232: {  	v17 =	vadd.f32 v18, v17;
	v18 =	vmul.f32 v37, v37;
	_ =	sdelay $0x1  }
0x233: {  	v17 =	vadd.f32 v18, v17;
	v18 =	vmul.f32 v38, v38;
	_ =	sdelay $0x1  }
0x234: {  	v17 =	vadd.f32 v18, v17;
	_ =	sdelay $0x1  }
0x235: {  	[tilespmem:v10+s23+$0x0] =	vst.idx.msk $0xffff, v17  }
0x236: {  	v17 =	vld [tilespmem:s20+$0x7C80]  }
0x237: {  	v18 =	vld [tilespmem:s20+$0x7C90];
	_ =	sdelay $0x1  }
0x238: {  	v19 =	vld [tilespmem:s20+$0x7CA0];
	_ =	sdelay $0x1  }
0x239: {  	v39 =	vld [tilespmem:s20+$0x7CB0]  }
0x23a: {  	v17 =	vmul.f32 v17, v17;
	v18 =	vmul.f32 v18, v18  }
0x23b: {  	v40 =	vld [tilespmem:s20+$0x7CC0]  }
0x23c: {  	v17 =	vadd.f32 v18, v17;
	v18 =	vmul.f32 v19, v19  }
0x23d: {  	v19 =	vld [tilespmem:s20+$0x7CD0]  }
0x23e: {  	v17 =	vadd.f32 v18, v17;
	v18 =	vmul.f32 v39, v39  }
0x23f: {  	v41 =	vld [tilespmem:s20+$0x7CE0]  }
0x240: {  	v17 =	vadd.f32 v18, v17;
	v18 =	vmul.f32 v40, v40  }
0x241: {  	v42 =	vld [tilespmem:s20+$0x7CF0]  }
0x242: {  	v17 =	vadd.f32 v18, v17;
	v18 =	vmul.f32 v19, v19;
	_ =	sdelay $0x1  }
0x243: {  	v17 =	vadd.f32 v18, v17;
	v18 =	vmul.f32 v41, v41;
	_ =	sdelay $0x1  }
0x244: {  	v17 =	vadd.f32 v18, v17;
	v18 =	vmul.f32 v42, v42;
	_ =	sdelay $0x1  }
0x245: {  	v17 =	vadd.f32 v18, v17;
	_ =	sdelay $0x1  }
0x246: {  	[tilespmem:v11+s23+$0x0] =	vst.idx.msk $0xffff, v17  }
0x247: {  	v17 =	vld [tilespmem:s20+$0x7D00]  }
0x248: {  	v18 =	vld [tilespmem:s20+$0x7D10];
	_ =	sdelay $0x1  }
0x249: {  	v19 =	vld [tilespmem:s20+$0x7D20];
	_ =	sdelay $0x1  }
0x24a: {  	v43 =	vld [tilespmem:s20+$0x7D30]  }
0x24b: {  	v17 =	vmul.f32 v17, v17;
	v18 =	vmul.f32 v18, v18  }
0x24c: {  	v44 =	vld [tilespmem:s20+$0x7D40]  }
0x24d: {  	v17 =	vadd.f32 v18, v17;
	v18 =	vmul.f32 v19, v19  }
0x24e: {  	v19 =	vld [tilespmem:s20+$0x7D50]  }
0x24f: {  	v17 =	vadd.f32 v18, v17;
	v18 =	vmul.f32 v43, v43  }
0x250: {  	v45 =	vld [tilespmem:s20+$0x7D60]  }
0x251: {  	v17 =	vadd.f32 v18, v17;
	v18 =	vmul.f32 v44, v44  }
0x252: {  	v46 =	vld [tilespmem:s20+$0x7D70]  }
0x253: {  	v17 =	vadd.f32 v18, v17;
	v18 =	vmul.f32 v19, v19;
	_ =	sdelay $0x1  }
0x254: {  	v17 =	vadd.f32 v18, v17;
	v18 =	vmul.f32 v45, v45;
	_ =	sdelay $0x1  }
0x255: {  	v17 =	vadd.f32 v18, v17;
	v18 =	vmul.f32 v46, v46;
	_ =	sdelay $0x1  }
0x256: {  	v17 =	vadd.f32 v18, v17;
	_ =	sdelay $0x1  }
0x257: {  	[tilespmem:v12+s23+$0x0] =	vst.idx.msk $0xffff, v17  }
0x258: {  	v17 =	vld [tilespmem:s20+$0x7D80]  }
0x259: {  	v18 =	vld [tilespmem:s20+$0x7D90];
	_ =	sdelay $0x1  }
0x25a: {  	v19 =	vld [tilespmem:s20+$0x7DA0];
	_ =	sdelay $0x1  }
0x25b: {  	v47 =	vld [tilespmem:s20+$0x7DB0]  }
0x25c: {  	v17 =	vmul.f32 v17, v17;
	v18 =	vmul.f32 v18, v18  }
0x25d: {  	v48 =	vld [tilespmem:s20+$0x7DC0]  }
0x25e: {  	v17 =	vadd.f32 v18, v17;
	v18 =	vmul.f32 v19, v19  }
0x25f: {  	v19 =	vld [tilespmem:s20+$0x7DD0]  }
0x260: {  	v17 =	vadd.f32 v18, v17;
	v18 =	vmul.f32 v47, v47  }
0x261: {  	v49 =	vld [tilespmem:s20+$0x7DE0]  }
0x262: {  	v17 =	vadd.f32 v18, v17;
	v18 =	vmul.f32 v48, v48  }
0x263: {  	v50 =	vld [tilespmem:s20+$0x7DF0]  }
0x264: {  	v17 =	vadd.f32 v18, v17;
	v18 =	vmul.f32 v19, v19;
	_ =	sdelay $0x1  }
0x265: {  	v17 =	vadd.f32 v18, v17;
	v18 =	vmul.f32 v49, v49;
	_ =	sdelay $0x1  }
0x266: {  	v17 =	vadd.f32 v18, v17;
	v18 =	vmul.f32 v50, v50;
	_ =	sdelay $0x1  }
0x267: {  	v17 =	vadd.f32 v18, v17;
	_ =	sdelay $0x1  }
0x268: {  	[tilespmem:v13+s23+$0x0] =	vst.idx.msk $0xffff, v17  }
0x269: {  	v17 =	vld [tilespmem:s20+$0x7E00]  }
0x26a: {  	v18 =	vld [tilespmem:s20+$0x7E10];
	_ =	sdelay $0x1  }
0x26b: {  	v19 =	vld [tilespmem:s20+$0x7E20];
	_ =	sdelay $0x1  }
0x26c: {  	v51 =	vld [tilespmem:s20+$0x7E30]  }
0x26d: {  	v17 =	vmul.f32 v17, v17;
	v18 =	vmul.f32 v18, v18  }
0x26e: {  	v52 =	vld [tilespmem:s20+$0x7E40]  }
0x26f: {  	v17 =	vadd.f32 v18, v17;
	v18 =	vmul.f32 v19, v19  }
0x270: {  	v19 =	vld [tilespmem:s20+$0x7E50]  }
0x271: {  	v17 =	vadd.f32 v18, v17;
	v18 =	vmul.f32 v51, v51  }
0x272: {  	v53 =	vld [tilespmem:s20+$0x7E60]  }
0x273: {  	v17 =	vadd.f32 v18, v17;
	v18 =	vmul.f32 v52, v52  }
0x274: {  	v54 =	vld [tilespmem:s20+$0x7E70]  }
0x275: {  	v17 =	vadd.f32 v18, v17;
	v18 =	vmul.f32 v19, v19;
	_ =	sdelay $0x1  }
0x276: {  	v17 =	vadd.f32 v18, v17;
	v18 =	vmul.f32 v53, v53;
	_ =	sdelay $0x1  }
0x277: {  	v17 =	vadd.f32 v18, v17;
	v18 =	vmul.f32 v54, v54;
	_ =	sdelay $0x1  }
0x278: {  	v17 =	vadd.f32 v18, v17;
	_ =	sdelay $0x1  }
0x279: {  	[tilespmem:v14+s23+$0x0] =	vst.idx.msk $0xffff, v17  }
0x27a: {  	v17 =	vld [tilespmem:s20+$0x7E80]  }
0x27b: {  	v18 =	vld [tilespmem:s20+$0x7E90];
	_ =	sdelay $0x1  }
0x27c: {  	v19 =	vld [tilespmem:s20+$0x7EA0];
	_ =	sdelay $0x1  }
0x27d: {  	v55 =	vld [tilespmem:s20+$0x7EB0]  }
0x27e: {  	v17 =	vmul.f32 v17, v17;
	v18 =	vmul.f32 v18, v18  }
0x27f: {  	v56 =	vld [tilespmem:s20+$0x7EC0]  }
0x280: {  	v17 =	vadd.f32 v18, v17;
	v18 =	vmul.f32 v19, v19  }
0x281: {  	v19 =	vld [tilespmem:s20+$0x7ED0]  }
0x282: {  	v17 =	vadd.f32 v18, v17;
	v18 =	vmul.f32 v55, v55  }
0x283: {  	v57 =	vld [tilespmem:s20+$0x7EE0]  }
0x284: {  	v17 =	vadd.f32 v18, v17;
	v18 =	vmul.f32 v56, v56  }
0x285: {  	v58 =	vld [tilespmem:s20+$0x7EF0]  }
0x286: {  	v17 =	vadd.f32 v18, v17;
	v18 =	vmul.f32 v19, v19;
	_ =	sdelay $0x1  }
0x287: {  	v17 =	vadd.f32 v18, v17;
	v18 =	vmul.f32 v57, v57;
	_ =	sdelay $0x1  }
0x288: {  	v17 =	vadd.f32 v18, v17;
	v18 =	vmul.f32 v58, v58;
	_ =	sdelay $0x1  }
0x289: {  	v17 =	vadd.f32 v18, v17;
	_ =	sdelay $0x1  }
0x28a: {  	[tilespmem:v15+s23+$0x0] =	vst.idx.msk $0xffff, v17  }
0x28b: {  	v17 =	vld [tilespmem:$0x11700]  }
0x28c: {  	v18 =	vld [tilespmem:$0x11710];
	_ =	sdelay $0x1  }
0x28d: {  	v19 =	vld [tilespmem:$0x11720];
	_ =	sdelay $0x1  }
0x28e: {  	v59 =	vld [tilespmem:$0x11730]  }
0x28f: {  	v17 =	vadd.f32 v18, v17  }
0x290: {  	v18 =	vld [tilespmem:$0x11740]  }
0x291: {  	v17 =	vadd.f32 v19, v17  }
0x292: {  	v19 =	vld [tilespmem:$0x11750]  }
0x293: {  	v17 =	vadd.f32 v59, v17  }
0x294: {  	v60 =	vld [tilespmem:$0x11760]  }
0x295: {  	v17 =	vadd.f32 v18, v17  }
0x296: {  	v18 =	vld [tilespmem:$0x11770]  }
0x297: {  	v17 =	vadd.f32 v19, v17  }
0x298: {  	v19 =	vld [tilespmem:$0x11780]  }
0x299: {  	v17 =	vadd.f32 v60, v17  }
0x29a: {  	v61 =	vld [tilespmem:$0x11790]  }
0x29b: {  	v17 =	vadd.f32 v18, v17  }
0x29c: {  	v18 =	vld [tilespmem:$0x117A0]  }
0x29d: {  	v17 =	vadd.f32 v19, v17  }
0x29e: {  	v19 =	vld [tilespmem:$0x117B0]  }
0x29f: {  	v17 =	vadd.f32 v61, v17  }
0x2a0: {  	v62 =	vld [tilespmem:$0x117C0]  }
0x2a1: {  	v17 =	vadd.f32 v18, v17  }
0x2a2: {  	v18 =	vld [tilespmem:$0x117D0]  }
0x2a3: {  	v17 =	vadd.f32 v19, v17  }
0x2a4: {  	v19 =	vld [tilespmem:$0x117E0]  }
0x2a5: {  	v17 =	vadd.f32 v62, v17  }
0x2a6: {  	v63 =	vld [tilespmem:$0x117F0]  }
0x2a7: {  	v17 =	vadd.f32 v18, v17;
	_ =	sdelay $0x1  }
0x2a8: {  	v17 =	vadd.f32 v19, v17;
	_ =	sdelay $0x1  }
0x2a9: {  	v17 =	vadd.f32 v63, v17;
	_ =	sdelay $0x1  }
0x2aa: {  	v18 =	vshra.s32 v17, $0x1  }
0x2ab: {  	v18 =	vadd.s32 $0x1FBD1DF5, v18  }
0x2ac: {  	(erf) = vrcp.f32 v18;
	_ =	sdelay $0x8  }
0x2ad: {  	v19 =	vpop (erf)  }
0x2ae: {  	v19 =	vmul.f32 v19, v17;
	_ =	sdelay $0x1  }
0x2af: {  	v18 =	vadd.f32 v18, v19;
	_ =	sdelay $0x1  }
0x2b0: {  	v18 =	vmul.f32 $5.000000000e-01, v18;
	_ =	sdelay $0x1  }
0x2b1: {  	(erf) = vrcp.f32 v18;
	_ =	sdelay $0x8  }
0x2b2: {  	v19 =	vpop (erf)  }
0x2b3: {  	v17 =	vmul.f32 v19, v17  }
0x2b4: {  	p1 =	sne.s32 s16, $0x8000  }
.Ltmp1:
0x2b5: {  	v17 =	vadd.f32 v17, v18;
	(pc) =	sbr.rel @p1 .LBB2_5-.Ltmp1, $3  }
0x2b6: {  	_ = 	snop  }
0x2b7: {  	v17 =	vmul.f32 $5.000000000e-01, v17;
	_ =	sdelay $0x1  }
0x2b8: {  	s16 =	sadd.s32 $0x2000, s16;
	v16 =	vadd.f32 v17, v16  }
0x2b9: {  	_ =	swait.ge [sflag:s25], $0x2800  }
0x2ba: {  	s14 =	sadd.s32 $0x6, s14;
	[sflag:s25] =	ssyncset.done $0x0  }
0x2bb: {  	s1 =	sadd.s32 $0x2780, s1;
	s14 =	smul.u32 @!p0 $0x140, s14;
	[sflag:s25] =	ssyncadd.s32 $0xFFFFD800  }
0x2bc: {  	[tilespmem:s22], [sflag:$0x5] =	stream.indirect.gather.add.f32 [hbm:s4], $0x80, s1, s11, $0xb8;
	[tilespmem:$0x11880] =	vst v63  }
0x2bd: {  	s16 =	simm.s32 @!p0 $0x7700;
	s1 =	sshra.s32 @!p0 s14, $0x2;
	s14 =	simm.s32 @!p0 $0x50  }
0x2be: {  	[tilespmem:s16], [sflag:$0x2] =	stream.indirect.gather @!p0 [hbm4b:s2+s14], $0x80, s1, s14, $0xb8;
	[tilespmem:$0x11880] =	vst v63  }
0x2bf: {  	_ =	swait.ge [sflag:s21], $0x2800  }
0x2c0: {  	[sflag:s21] =	ssyncset.done $0x0  }
0x2c1: {  	s14 =	simm.s32 $0x0;
	[sflag:s21] =	ssyncadd.s32 $0xFFFFD800  }
.LBB2_7:
0x2c2: {  	s16 =	sshra.s32 s14, $0x2  }
0x2c3: {  	v17 =	vld [tilespmem:s16+$0x9F00]  }
0x2c4: {  	v18 =	vld [tilespmem:s16+$0x9F10];
	_ =	sdelay $0x1  }
0x2c5: {  	v19 =	vld [tilespmem:s16+$0x9F20];
	_ =	sdelay $0x1  }
0x2c6: {  	v20 =	vld [tilespmem:s16+$0x9F30]  }
0x2c7: {  	v17 =	vmul.f32 v17, v17;
	v18 =	vmul.f32 v18, v18  }
0x2c8: {  	v21 =	vld [tilespmem:s16+$0x9F40]  }
0x2c9: {  	v17 =	vadd.f32 v18, v17;
	v18 =	vmul.f32 v19, v19  }
0x2ca: {  	v19 =	vld [tilespmem:s16+$0x9F50]  }
0x2cb: {  	v17 =	vadd.f32 v18, v17;
	v18 =	vmul.f32 v20, v20  }
0x2cc: {  	v37 =	vld [tilespmem:s16+$0x9F60]  }
0x2cd: {  	v17 =	vadd.f32 v18, v17;
	v18 =	vmul.f32 v21, v21  }
0x2ce: {  	v38 =	vld [tilespmem:s16+$0x9F70]  }
0x2cf: {  	v17 =	vadd.f32 v18, v17;
	v18 =	vmul.f32 v19, v19;
	_ =	sdelay $0x1  }
0x2d0: {  	v17 =	vadd.f32 v18, v17;
	v18 =	vmul.f32 v37, v37;
	_ =	sdelay $0x1  }
0x2d1: {  	v17 =	vadd.f32 v18, v17;
	v18 =	vmul.f32 v38, v38;
	_ =	sdelay $0x1  }
0x2d2: {  	v17 =	vadd.f32 v18, v17;
	_ =	sdelay $0x1  }
0x2d3: {  	[tilespmem:v0+s23+$0x0] =	vst.idx.msk $0xffff, v17  }
0x2d4: {  	v17 =	vld [tilespmem:s16+$0x9F80]  }
0x2d5: {  	v18 =	vld [tilespmem:s16+$0x9F90];
	_ =	sdelay $0x1  }
0x2d6: {  	v19 =	vld [tilespmem:s16+$0x9FA0];
	_ =	sdelay $0x1  }
0x2d7: {  	v39 =	vld [tilespmem:s16+$0x9FB0]  }
0x2d8: {  	v17 =	vmul.f32 v17, v17;
	v18 =	vmul.f32 v18, v18  }
0x2d9: {  	v40 =	vld [tilespmem:s16+$0x9FC0]  }
0x2da: {  	v17 =	vadd.f32 v18, v17;
	v18 =	vmul.f32 v19, v19  }
0x2db: {  	v19 =	vld [tilespmem:s16+$0x9FD0]  }
0x2dc: {  	v17 =	vadd.f32 v18, v17;
	v18 =	vmul.f32 v39, v39  }
0x2dd: {  	v41 =	vld [tilespmem:s16+$0x9FE0]  }
0x2de: {  	v17 =	vadd.f32 v18, v17;
	v18 =	vmul.f32 v40, v40  }
0x2df: {  	v42 =	vld [tilespmem:s16+$0x9FF0]  }
0x2e0: {  	v17 =	vadd.f32 v18, v17;
	v18 =	vmul.f32 v19, v19;
	_ =	sdelay $0x1  }
0x2e1: {  	v17 =	vadd.f32 v18, v17;
	v18 =	vmul.f32 v41, v41;
	_ =	sdelay $0x1  }
0x2e2: {  	v17 =	vadd.f32 v18, v17;
	v18 =	vmul.f32 v42, v42;
	_ =	sdelay $0x1  }
0x2e3: {  	v17 =	vadd.f32 v18, v17;
	_ =	sdelay $0x1  }
0x2e4: {  	[tilespmem:v1+s23+$0x0] =	vst.idx.msk $0xffff, v17  }
0x2e5: {  	v17 =	vld [tilespmem:s16+$0xA000]  }
0x2e6: {  	v18 =	vld [tilespmem:s16+$0xA010];
	_ =	sdelay $0x1  }
0x2e7: {  	v19 =	vld [tilespmem:s16+$0xA020];
	_ =	sdelay $0x1  }
0x2e8: {  	v43 =	vld [tilespmem:s16+$0xA030]  }
0x2e9: {  	v17 =	vmul.f32 v17, v17;
	v18 =	vmul.f32 v18, v18  }
0x2ea: {  	v44 =	vld [tilespmem:s16+$0xA040]  }
0x2eb: {  	v17 =	vadd.f32 v18, v17;
	v18 =	vmul.f32 v19, v19  }
0x2ec: {  	v19 =	vld [tilespmem:s16+$0xA050]  }
0x2ed: {  	v17 =	vadd.f32 v18, v17;
	v18 =	vmul.f32 v43, v43  }
0x2ee: {  	v45 =	vld [tilespmem:s16+$0xA060]  }
0x2ef: {  	v17 =	vadd.f32 v18, v17;
	v18 =	vmul.f32 v44, v44  }
0x2f0: {  	v46 =	vld [tilespmem:s16+$0xA070]  }
0x2f1: {  	v17 =	vadd.f32 v18, v17;
	v18 =	vmul.f32 v19, v19;
	_ =	sdelay $0x1  }
0x2f2: {  	v17 =	vadd.f32 v18, v17;
	v18 =	vmul.f32 v45, v45;
	_ =	sdelay $0x1  }
0x2f3: {  	v17 =	vadd.f32 v18, v17;
	v18 =	vmul.f32 v46, v46;
	_ =	sdelay $0x1  }
0x2f4: {  	v17 =	vadd.f32 v18, v17;
	_ =	sdelay $0x1  }
0x2f5: {  	[tilespmem:v2+s23+$0x0] =	vst.idx.msk $0xffff, v17  }
0x2f6: {  	v17 =	vld [tilespmem:s16+$0xA080]  }
0x2f7: {  	v18 =	vld [tilespmem:s16+$0xA090];
	_ =	sdelay $0x1  }
0x2f8: {  	v19 =	vld [tilespmem:s16+$0xA0A0];
	_ =	sdelay $0x1  }
0x2f9: {  	v47 =	vld [tilespmem:s16+$0xA0B0]  }
0x2fa: {  	v17 =	vmul.f32 v17, v17;
	v18 =	vmul.f32 v18, v18  }
0x2fb: {  	v48 =	vld [tilespmem:s16+$0xA0C0]  }
0x2fc: {  	v17 =	vadd.f32 v18, v17;
	v18 =	vmul.f32 v19, v19  }
0x2fd: {  	v19 =	vld [tilespmem:s16+$0xA0D0]  }
0x2fe: {  	v17 =	vadd.f32 v18, v17;
	v18 =	vmul.f32 v47, v47  }
0x2ff: {  	v49 =	vld [tilespmem:s16+$0xA0E0]  }
0x300: {  	v17 =	vadd.f32 v18, v17;
	v18 =	vmul.f32 v48, v48  }
0x301: {  	v50 =	vld [tilespmem:s16+$0xA0F0]  }
0x302: {  	v17 =	vadd.f32 v18, v17;
	v18 =	vmul.f32 v19, v19;
	_ =	sdelay $0x1  }
0x303: {  	v17 =	vadd.f32 v18, v17;
	v18 =	vmul.f32 v49, v49;
	_ =	sdelay $0x1  }
0x304: {  	v17 =	vadd.f32 v18, v17;
	v18 =	vmul.f32 v50, v50;
	_ =	sdelay $0x1  }
0x305: {  	v17 =	vadd.f32 v18, v17;
	_ =	sdelay $0x1  }
0x306: {  	[tilespmem:v3+s23+$0x0] =	vst.idx.msk $0xffff, v17  }
0x307: {  	v17 =	vld [tilespmem:s16+$0xA100]  }
0x308: {  	v18 =	vld [tilespmem:s16+$0xA110];
	_ =	sdelay $0x1  }
0x309: {  	v19 =	vld [tilespmem:s16+$0xA120];
	_ =	sdelay $0x1  }
0x30a: {  	v51 =	vld [tilespmem:s16+$0xA130]  }
0x30b: {  	v17 =	vmul.f32 v17, v17;
	v18 =	vmul.f32 v18, v18  }
0x30c: {  	v52 =	vld [tilespmem:s16+$0xA140]  }
0x30d: {  	v17 =	vadd.f32 v18, v17;
	v18 =	vmul.f32 v19, v19  }
0x30e: {  	v19 =	vld [tilespmem:s16+$0xA150]  }
0x30f: {  	v17 =	vadd.f32 v18, v17;
	v18 =	vmul.f32 v51, v51  }
0x310: {  	v53 =	vld [tilespmem:s16+$0xA160]  }
0x311: {  	v17 =	vadd.f32 v18, v17;
	v18 =	vmul.f32 v52, v52  }
0x312: {  	v54 =	vld [tilespmem:s16+$0xA170]  }
0x313: {  	v17 =	vadd.f32 v18, v17;
	v18 =	vmul.f32 v19, v19;
	_ =	sdelay $0x1  }
0x314: {  	v17 =	vadd.f32 v18, v17;
	v18 =	vmul.f32 v53, v53;
	_ =	sdelay $0x1  }
0x315: {  	v17 =	vadd.f32 v18, v17;
	v18 =	vmul.f32 v54, v54;
	_ =	sdelay $0x1  }
0x316: {  	v17 =	vadd.f32 v18, v17;
	_ =	sdelay $0x1  }
0x317: {  	[tilespmem:v4+s23+$0x0] =	vst.idx.msk $0xffff, v17  }
0x318: {  	v17 =	vld [tilespmem:s16+$0xA180]  }
0x319: {  	v18 =	vld [tilespmem:s16+$0xA190];
	_ =	sdelay $0x1  }
0x31a: {  	v19 =	vld [tilespmem:s16+$0xA1A0];
	_ =	sdelay $0x1  }
0x31b: {  	v55 =	vld [tilespmem:s16+$0xA1B0]  }
0x31c: {  	v17 =	vmul.f32 v17, v17;
	v18 =	vmul.f32 v18, v18  }
0x31d: {  	v56 =	vld [tilespmem:s16+$0xA1C0]  }
0x31e: {  	v17 =	vadd.f32 v18, v17;
	v18 =	vmul.f32 v19, v19  }
0x31f: {  	v19 =	vld [tilespmem:s16+$0xA1D0]  }
0x320: {  	v17 =	vadd.f32 v18, v17;
	v18 =	vmul.f32 v55, v55  }
0x321: {  	v57 =	vld [tilespmem:s16+$0xA1E0]  }
0x322: {  	v17 =	vadd.f32 v18, v17;
	v18 =	vmul.f32 v56, v56  }
0x323: {  	v58 =	vld [tilespmem:s16+$0xA1F0]  }
0x324: {  	v17 =	vadd.f32 v18, v17;
	v18 =	vmul.f32 v19, v19;
	_ =	sdelay $0x1  }
0x325: {  	v17 =	vadd.f32 v18, v17;
	v18 =	vmul.f32 v57, v57;
	_ =	sdelay $0x1  }
0x326: {  	v17 =	vadd.f32 v18, v17;
	v18 =	vmul.f32 v58, v58;
	_ =	sdelay $0x1  }
0x327: {  	v17 =	vadd.f32 v18, v17;
	_ =	sdelay $0x1  }
0x328: {  	[tilespmem:v5+s23+$0x0] =	vst.idx.msk $0xffff, v17  }
0x329: {  	v17 =	vld [tilespmem:s16+$0xA200]  }
0x32a: {  	v18 =	vld [tilespmem:s16+$0xA210];
	_ =	sdelay $0x1  }
0x32b: {  	v19 =	vld [tilespmem:s16+$0xA220];
	_ =	sdelay $0x1  }
0x32c: {  	v59 =	vld [tilespmem:s16+$0xA230]  }
0x32d: {  	v17 =	vmul.f32 v17, v17;
	v18 =	vmul.f32 v18, v18  }
0x32e: {  	v60 =	vld [tilespmem:s16+$0xA240]  }
0x32f: {  	v17 =	vadd.f32 v18, v17;
	v18 =	vmul.f32 v19, v19  }
0x330: {  	v19 =	vld [tilespmem:s16+$0xA250]  }
0x331: {  	v17 =	vadd.f32 v18, v17;
	v18 =	vmul.f32 v59, v59  }
0x332: {  	v61 =	vld [tilespmem:s16+$0xA260]  }
0x333: {  	v17 =	vadd.f32 v18, v17;
	v18 =	vmul.f32 v60, v60  }
0x334: {  	v62 =	vld [tilespmem:s16+$0xA270]  }
0x335: {  	v17 =	vadd.f32 v18, v17;
	v18 =	vmul.f32 v19, v19;
	_ =	sdelay $0x1  }
0x336: {  	v17 =	vadd.f32 v18, v17;
	v18 =	vmul.f32 v61, v61;
	_ =	sdelay $0x1  }
0x337: {  	v17 =	vadd.f32 v18, v17;
	v18 =	vmul.f32 v62, v62;
	_ =	sdelay $0x1  }
0x338: {  	v17 =	vadd.f32 v18, v17;
	_ =	sdelay $0x1  }
0x339: {  	[tilespmem:v6+s23+$0x0] =	vst.idx.msk $0xffff, v17  }
0x33a: {  	v17 =	vld [tilespmem:s16+$0xA280]  }
0x33b: {  	v18 =	vld [tilespmem:s16+$0xA290];
	_ =	sdelay $0x1  }
0x33c: {  	v19 =	vld [tilespmem:s16+$0xA2A0];
	_ =	sdelay $0x1  }
0x33d: {  	v63 =	vld [tilespmem:s16+$0xA2B0]  }
0x33e: {  	v17 =	vmul.f32 v17, v17;
	v18 =	vmul.f32 v18, v18  }
0x33f: {  	v24 =	vld [tilespmem:s16+$0xA2C0]  }
0x340: {  	v17 =	vadd.f32 v18, v17;
	v18 =	vmul.f32 v19, v19  }
0x341: {  	v19 =	vld [tilespmem:s16+$0xA2D0]  }
0x342: {  	v17 =	vadd.f32 v18, v17;
	v18 =	vmul.f32 v63, v63  }
0x343: {  	v25 =	vld [tilespmem:s16+$0xA2E0]  }
0x344: {  	v17 =	vadd.f32 v18, v17;
	v18 =	vmul.f32 v24, v24  }
0x345: {  	v26 =	vld [tilespmem:s16+$0xA2F0]  }
0x346: {  	v17 =	vadd.f32 v18, v17;
	v18 =	vmul.f32 v19, v19;
	_ =	sdelay $0x1  }
0x347: {  	v17 =	vadd.f32 v18, v17;
	v18 =	vmul.f32 v25, v25;
	_ =	sdelay $0x1  }
0x348: {  	v17 =	vadd.f32 v18, v17;
	v18 =	vmul.f32 v26, v26;
	_ =	sdelay $0x1  }
0x349: {  	v17 =	vadd.f32 v18, v17;
	_ =	sdelay $0x1  }
0x34a: {  	[tilespmem:v7+s23+$0x0] =	vst.idx.msk $0xffff, v17  }
0x34b: {  	v17 =	vld [tilespmem:s16+$0xA300]  }
0x34c: {  	v18 =	vld [tilespmem:s16+$0xA310];
	_ =	sdelay $0x1  }
0x34d: {  	v19 =	vld [tilespmem:s16+$0xA320];
	_ =	sdelay $0x1  }
0x34e: {  	v27 =	vld [tilespmem:s16+$0xA330]  }
0x34f: {  	v17 =	vmul.f32 v17, v17;
	v18 =	vmul.f32 v18, v18  }
0x350: {  	v28 =	vld [tilespmem:s16+$0xA340]  }
0x351: {  	v17 =	vadd.f32 v18, v17;
	v18 =	vmul.f32 v19, v19  }
0x352: {  	v19 =	vld [tilespmem:s16+$0xA350]  }
0x353: {  	v17 =	vadd.f32 v18, v17;
	v18 =	vmul.f32 v27, v27  }
0x354: {  	v29 =	vld [tilespmem:s16+$0xA360]  }
0x355: {  	v17 =	vadd.f32 v18, v17;
	v18 =	vmul.f32 v28, v28  }
0x356: {  	v30 =	vld [tilespmem:s16+$0xA370]  }
0x357: {  	v17 =	vadd.f32 v18, v17;
	v18 =	vmul.f32 v19, v19;
	_ =	sdelay $0x1  }
0x358: {  	v17 =	vadd.f32 v18, v17;
	v18 =	vmul.f32 v29, v29;
	_ =	sdelay $0x1  }
0x359: {  	v17 =	vadd.f32 v18, v17;
	v18 =	vmul.f32 v30, v30;
	_ =	sdelay $0x1  }
0x35a: {  	v17 =	vadd.f32 v18, v17;
	_ =	sdelay $0x1  }
0x35b: {  	[tilespmem:v8+s23+$0x0] =	vst.idx.msk $0xffff, v17  }
0x35c: {  	v17 =	vld [tilespmem:s16+$0xA380]  }
0x35d: {  	v18 =	vld [tilespmem:s16+$0xA390];
	_ =	sdelay $0x1  }
0x35e: {  	v19 =	vld [tilespmem:s16+$0xA3A0];
	_ =	sdelay $0x1  }
0x35f: {  	v31 =	vld [tilespmem:s16+$0xA3B0]  }
0x360: {  	v17 =	vmul.f32 v17, v17;
	v18 =	vmul.f32 v18, v18  }
0x361: {  	v32 =	vld [tilespmem:s16+$0xA3C0]  }
0x362: {  	v17 =	vadd.f32 v18, v17;
	v18 =	vmul.f32 v19, v19  }
0x363: {  	v19 =	vld [tilespmem:s16+$0xA3D0]  }
0x364: {  	v17 =	vadd.f32 v18, v17;
	v18 =	vmul.f32 v31, v31  }
0x365: {  	v33 =	vld [tilespmem:s16+$0xA3E0]  }
0x366: {  	v17 =	vadd.f32 v18, v17;
	v18 =	vmul.f32 v32, v32  }
0x367: {  	v34 =	vld [tilespmem:s16+$0xA3F0]  }
0x368: {  	v17 =	vadd.f32 v18, v17;
	v18 =	vmul.f32 v19, v19;
	_ =	sdelay $0x1  }
0x369: {  	v17 =	vadd.f32 v18, v17;
	v18 =	vmul.f32 v33, v33;
	_ =	sdelay $0x1  }
0x36a: {  	v17 =	vadd.f32 v18, v17;
	v18 =	vmul.f32 v34, v34;
	_ =	sdelay $0x1  }
0x36b: {  	v17 =	vadd.f32 v18, v17;
	_ =	sdelay $0x1  }
0x36c: {  	[tilespmem:v9+s23+$0x0] =	vst.idx.msk $0xffff, v17  }
0x36d: {  	v17 =	vld [tilespmem:s16+$0xA400]  }
0x36e: {  	v18 =	vld [tilespmem:s16+$0xA410];
	_ =	sdelay $0x1  }
0x36f: {  	v19 =	vld [tilespmem:s16+$0xA420];
	_ =	sdelay $0x1  }
0x370: {  	v35 =	vld [tilespmem:s16+$0xA430]  }
0x371: {  	v17 =	vmul.f32 v17, v17;
	v18 =	vmul.f32 v18, v18  }
0x372: {  	v36 =	vld [tilespmem:s16+$0xA440]  }
0x373: {  	v17 =	vadd.f32 v18, v17;
	v18 =	vmul.f32 v19, v19  }
0x374: {  	v19 =	vld [tilespmem:s16+$0xA450]  }
0x375: {  	v17 =	vadd.f32 v18, v17;
	v18 =	vmul.f32 v35, v35  }
0x376: {  	v37 =	vld [tilespmem:s16+$0xA460]  }
0x377: {  	v17 =	vadd.f32 v18, v17;
	v18 =	vmul.f32 v36, v36  }
0x378: {  	v38 =	vld [tilespmem:s16+$0xA470]  }
0x379: {  	v17 =	vadd.f32 v18, v17;
	v18 =	vmul.f32 v19, v19;
	_ =	sdelay $0x1  }
0x37a: {  	v17 =	vadd.f32 v18, v17;
	v18 =	vmul.f32 v37, v37;
	_ =	sdelay $0x1  }
0x37b: {  	v17 =	vadd.f32 v18, v17;
	v18 =	vmul.f32 v38, v38;
	_ =	sdelay $0x1  }
0x37c: {  	v17 =	vadd.f32 v18, v17;
	_ =	sdelay $0x1  }
0x37d: {  	[tilespmem:v10+s23+$0x0] =	vst.idx.msk $0xffff, v17  }
0x37e: {  	v17 =	vld [tilespmem:s16+$0xA480]  }
0x37f: {  	v18 =	vld [tilespmem:s16+$0xA490];
	_ =	sdelay $0x1  }
0x380: {  	v19 =	vld [tilespmem:s16+$0xA4A0];
	_ =	sdelay $0x1  }
0x381: {  	v39 =	vld [tilespmem:s16+$0xA4B0]  }
0x382: {  	v17 =	vmul.f32 v17, v17;
	v18 =	vmul.f32 v18, v18  }
0x383: {  	v40 =	vld [tilespmem:s16+$0xA4C0]  }
0x384: {  	v17 =	vadd.f32 v18, v17;
	v18 =	vmul.f32 v19, v19  }
0x385: {  	v19 =	vld [tilespmem:s16+$0xA4D0]  }
0x386: {  	v17 =	vadd.f32 v18, v17;
	v18 =	vmul.f32 v39, v39  }
0x387: {  	v41 =	vld [tilespmem:s16+$0xA4E0]  }
0x388: {  	v17 =	vadd.f32 v18, v17;
	v18 =	vmul.f32 v40, v40  }
0x389: {  	v42 =	vld [tilespmem:s16+$0xA4F0]  }
0x38a: {  	v17 =	vadd.f32 v18, v17;
	v18 =	vmul.f32 v19, v19;
	_ =	sdelay $0x1  }
0x38b: {  	v17 =	vadd.f32 v18, v17;
	v18 =	vmul.f32 v41, v41;
	_ =	sdelay $0x1  }
0x38c: {  	v17 =	vadd.f32 v18, v17;
	v18 =	vmul.f32 v42, v42;
	_ =	sdelay $0x1  }
0x38d: {  	v17 =	vadd.f32 v18, v17;
	_ =	sdelay $0x1  }
0x38e: {  	[tilespmem:v11+s23+$0x0] =	vst.idx.msk $0xffff, v17  }
0x38f: {  	v17 =	vld [tilespmem:s16+$0xA500]  }
0x390: {  	v18 =	vld [tilespmem:s16+$0xA510];
	_ =	sdelay $0x1  }
0x391: {  	v19 =	vld [tilespmem:s16+$0xA520];
	_ =	sdelay $0x1  }
0x392: {  	v43 =	vld [tilespmem:s16+$0xA530]  }
0x393: {  	v17 =	vmul.f32 v17, v17;
	v18 =	vmul.f32 v18, v18  }
0x394: {  	v44 =	vld [tilespmem:s16+$0xA540]  }
0x395: {  	v17 =	vadd.f32 v18, v17;
	v18 =	vmul.f32 v19, v19  }
0x396: {  	v19 =	vld [tilespmem:s16+$0xA550]  }
0x397: {  	v17 =	vadd.f32 v18, v17;
	v18 =	vmul.f32 v43, v43  }
0x398: {  	v45 =	vld [tilespmem:s16+$0xA560]  }
0x399: {  	v17 =	vadd.f32 v18, v17;
	v18 =	vmul.f32 v44, v44  }
0x39a: {  	v46 =	vld [tilespmem:s16+$0xA570]  }
0x39b: {  	v17 =	vadd.f32 v18, v17;
	v18 =	vmul.f32 v19, v19;
	_ =	sdelay $0x1  }
0x39c: {  	v17 =	vadd.f32 v18, v17;
	v18 =	vmul.f32 v45, v45;
	_ =	sdelay $0x1  }
0x39d: {  	v17 =	vadd.f32 v18, v17;
	v18 =	vmul.f32 v46, v46;
	_ =	sdelay $0x1  }
0x39e: {  	v17 =	vadd.f32 v18, v17;
	_ =	sdelay $0x1  }
0x39f: {  	[tilespmem:v12+s23+$0x0] =	vst.idx.msk $0xffff, v17  }
0x3a0: {  	v17 =	vld [tilespmem:s16+$0xA580]  }
0x3a1: {  	v18 =	vld [tilespmem:s16+$0xA590];
	_ =	sdelay $0x1  }
0x3a2: {  	v19 =	vld [tilespmem:s16+$0xA5A0];
	_ =	sdelay $0x1  }
0x3a3: {  	v47 =	vld [tilespmem:s16+$0xA5B0]  }
0x3a4: {  	v17 =	vmul.f32 v17, v17;
	v18 =	vmul.f32 v18, v18  }
0x3a5: {  	v48 =	vld [tilespmem:s16+$0xA5C0]  }
0x3a6: {  	v17 =	vadd.f32 v18, v17;
	v18 =	vmul.f32 v19, v19  }
0x3a7: {  	v19 =	vld [tilespmem:s16+$0xA5D0]  }
0x3a8: {  	v17 =	vadd.f32 v18, v17;
	v18 =	vmul.f32 v47, v47  }
0x3a9: {  	v49 =	vld [tilespmem:s16+$0xA5E0]  }
0x3aa: {  	v17 =	vadd.f32 v18, v17;
	v18 =	vmul.f32 v48, v48  }
0x3ab: {  	v50 =	vld [tilespmem:s16+$0xA5F0]  }
0x3ac: {  	v17 =	vadd.f32 v18, v17;
	v18 =	vmul.f32 v19, v19;
	_ =	sdelay $0x1  }
0x3ad: {  	v17 =	vadd.f32 v18, v17;
	v18 =	vmul.f32 v49, v49;
	_ =	sdelay $0x1  }
0x3ae: {  	v17 =	vadd.f32 v18, v17;
	v18 =	vmul.f32 v50, v50;
	_ =	sdelay $0x1  }
0x3af: {  	v17 =	vadd.f32 v18, v17;
	_ =	sdelay $0x1  }
0x3b0: {  	[tilespmem:v13+s23+$0x0] =	vst.idx.msk $0xffff, v17  }
0x3b1: {  	v17 =	vld [tilespmem:s16+$0xA600]  }
0x3b2: {  	v18 =	vld [tilespmem:s16+$0xA610];
	_ =	sdelay $0x1  }
0x3b3: {  	v19 =	vld [tilespmem:s16+$0xA620];
	_ =	sdelay $0x1  }
0x3b4: {  	v51 =	vld [tilespmem:s16+$0xA630]  }
0x3b5: {  	v17 =	vmul.f32 v17, v17;
	v18 =	vmul.f32 v18, v18  }
0x3b6: {  	v52 =	vld [tilespmem:s16+$0xA640]  }
0x3b7: {  	v17 =	vadd.f32 v18, v17;
	v18 =	vmul.f32 v19, v19  }
0x3b8: {  	v19 =	vld [tilespmem:s16+$0xA650]  }
0x3b9: {  	v17 =	vadd.f32 v18, v17;
	v18 =	vmul.f32 v51, v51  }
0x3ba: {  	v53 =	vld [tilespmem:s16+$0xA660]  }
0x3bb: {  	v17 =	vadd.f32 v18, v17;
	v18 =	vmul.f32 v52, v52  }
0x3bc: {  	v54 =	vld [tilespmem:s16+$0xA670]  }
0x3bd: {  	v17 =	vadd.f32 v18, v17;
	v18 =	vmul.f32 v19, v19;
	_ =	sdelay $0x1  }
0x3be: {  	v17 =	vadd.f32 v18, v17;
	v18 =	vmul.f32 v53, v53;
	_ =	sdelay $0x1  }
0x3bf: {  	v17 =	vadd.f32 v18, v17;
	v18 =	vmul.f32 v54, v54;
	_ =	sdelay $0x1  }
0x3c0: {  	v17 =	vadd.f32 v18, v17;
	_ =	sdelay $0x1  }
0x3c1: {  	[tilespmem:v14+s23+$0x0] =	vst.idx.msk $0xffff, v17  }
0x3c2: {  	v17 =	vld [tilespmem:s16+$0xA680]  }
0x3c3: {  	v18 =	vld [tilespmem:s16+$0xA690];
	_ =	sdelay $0x1  }
0x3c4: {  	v19 =	vld [tilespmem:s16+$0xA6A0];
	_ =	sdelay $0x1  }
0x3c5: {  	v55 =	vld [tilespmem:s16+$0xA6B0]  }
0x3c6: {  	v17 =	vmul.f32 v17, v17;
	v18 =	vmul.f32 v18, v18  }
0x3c7: {  	v56 =	vld [tilespmem:s16+$0xA6C0]  }
0x3c8: {  	v17 =	vadd.f32 v18, v17;
	v18 =	vmul.f32 v19, v19  }
0x3c9: {  	v19 =	vld [tilespmem:s16+$0xA6D0]  }
0x3ca: {  	v17 =	vadd.f32 v18, v17;
	v18 =	vmul.f32 v55, v55  }
0x3cb: {  	v57 =	vld [tilespmem:s16+$0xA6E0]  }
0x3cc: {  	v17 =	vadd.f32 v18, v17;
	v18 =	vmul.f32 v56, v56  }
0x3cd: {  	v58 =	vld [tilespmem:s16+$0xA6F0]  }
0x3ce: {  	v17 =	vadd.f32 v18, v17;
	v18 =	vmul.f32 v19, v19;
	_ =	sdelay $0x1  }
0x3cf: {  	v17 =	vadd.f32 v18, v17;
	v18 =	vmul.f32 v57, v57;
	_ =	sdelay $0x1  }
0x3d0: {  	v17 =	vadd.f32 v18, v17;
	v18 =	vmul.f32 v58, v58;
	_ =	sdelay $0x1  }
0x3d1: {  	v17 =	vadd.f32 v18, v17;
	_ =	sdelay $0x1  }
0x3d2: {  	[tilespmem:v15+s23+$0x0] =	vst.idx.msk $0xffff, v17  }
0x3d3: {  	v17 =	vld [tilespmem:$0x11700]  }
0x3d4: {  	v18 =	vld [tilespmem:$0x11710];
	_ =	sdelay $0x1  }
0x3d5: {  	v19 =	vld [tilespmem:$0x11720];
	_ =	sdelay $0x1  }
0x3d6: {  	v59 =	vld [tilespmem:$0x11730]  }
0x3d7: {  	v17 =	vadd.f32 v18, v17  }
0x3d8: {  	v18 =	vld [tilespmem:$0x11740]  }
0x3d9: {  	v17 =	vadd.f32 v19, v17  }
0x3da: {  	v19 =	vld [tilespmem:$0x11750]  }
0x3db: {  	v17 =	vadd.f32 v59, v17  }
0x3dc: {  	v60 =	vld [tilespmem:$0x11760]  }
0x3dd: {  	v17 =	vadd.f32 v18, v17  }
0x3de: {  	v18 =	vld [tilespmem:$0x11770]  }
0x3df: {  	v17 =	vadd.f32 v19, v17  }
0x3e0: {  	v19 =	vld [tilespmem:$0x11780]  }
0x3e1: {  	v17 =	vadd.f32 v60, v17  }
0x3e2: {  	v61 =	vld [tilespmem:$0x11790]  }
0x3e3: {  	v17 =	vadd.f32 v18, v17  }
0x3e4: {  	v18 =	vld [tilespmem:$0x117A0]  }
0x3e5: {  	v17 =	vadd.f32 v19, v17  }
0x3e6: {  	v19 =	vld [tilespmem:$0x117B0]  }
0x3e7: {  	v17 =	vadd.f32 v61, v17  }
0x3e8: {  	v62 =	vld [tilespmem:$0x117C0]  }
0x3e9: {  	v17 =	vadd.f32 v18, v17  }
0x3ea: {  	v18 =	vld [tilespmem:$0x117D0]  }
0x3eb: {  	v17 =	vadd.f32 v19, v17  }
0x3ec: {  	v19 =	vld [tilespmem:$0x117E0]  }
0x3ed: {  	v17 =	vadd.f32 v62, v17  }
0x3ee: {  	v63 =	vld [tilespmem:$0x117F0]  }
0x3ef: {  	v17 =	vadd.f32 v18, v17;
	_ =	sdelay $0x1  }
0x3f0: {  	v17 =	vadd.f32 v19, v17;
	_ =	sdelay $0x1  }
0x3f1: {  	v17 =	vadd.f32 v63, v17;
	_ =	sdelay $0x1  }
0x3f2: {  	v18 =	vshra.s32 v17, $0x1  }
0x3f3: {  	v18 =	vadd.s32 $0x1FBD1DF5, v18  }
0x3f4: {  	(erf) = vrcp.f32 v18;
	_ =	sdelay $0x8  }
0x3f5: {  	v19 =	vpop (erf)  }
0x3f6: {  	v19 =	vmul.f32 v19, v17;
	_ =	sdelay $0x1  }
0x3f7: {  	v18 =	vadd.f32 v18, v19;
	_ =	sdelay $0x1  }
0x3f8: {  	v18 =	vmul.f32 $5.000000000e-01, v18;
	_ =	sdelay $0x1  }
0x3f9: {  	(erf) = vrcp.f32 v18;
	_ =	sdelay $0x8  }
0x3fa: {  	v19 =	vpop (erf)  }
0x3fb: {  	v17 =	vmul.f32 v19, v17  }
0x3fc: {  	p1 =	sne.s32 s14, $0x8000  }
.Ltmp2:
0x3fd: {  	v17 =	vadd.f32 v17, v18;
	(pc) =	sbr.rel @p1 .LBB2_7-.Ltmp2, $3  }
0x3fe: {  	_ = 	snop  }
0x3ff: {  	v17 =	vmul.f32 $5.000000000e-01, v17;
	_ =	sdelay $0x1  }
0x400: {  	s14 =	sadd.s32 $0x2000, s14;
	v16 =	vadd.f32 v17, v16  }
0x401: {  	s14 =	simm.s32 @!p0 $0x1  }
0x402: {  	_ =	swait.ge @!p0 [sflag:s14], $0x2800  }
0x403: {  	s0 =	sadd.s32 @!p0 $0x2780, s0;
	[sflag:s14] =	ssyncset.done @!p0 $0x0  }
0x404: {  	s16 =	simm.s32 @!p0 $0x4F00;
	[sflag:s14] =	ssyncadd.s32 @!p0 $0xFFFFD800;
	s14 =	simm.s32 @!p0 $0x50  }
0x405: {  	[tilespmem:s16], [sflag:$0x1] =	stream.indirect.gather.add.f32 @!p0 [hbm:s4], $0x80, s0, s14, $0xb8;
	[tilespmem:$0x11880] =	vst v63  }
0x406: {  	s0 =	sshra.s32 @!p0 s31, $0x2  }
0x407: {  	s20 =	simm.s32 @!p0 $0x9F00;
	s16 =	sadd.s32 @!p0 $0x230, s0  }
0x408: {  	[tilespmem:s20], [sflag:$0x3] =	stream.indirect.gather @!p0 [hbm4b:s2+s14], $0x80, s16, s14, $0xb8;
	[tilespmem:$0x11880] =	vst v63  }
0x409: {  	_ =	swait.ge [sflag:s24], $0x2800  }
0x40a: {  	[sflag:s24] =	ssyncset.done $0x0  }
0x40b: {  	s14 =	simm.s32 $0x0;
	[sflag:s24] =	ssyncadd.s32 $0xFFFFD800  }
.LBB2_9:
0x40c: {  	s16 =	sshra.s32 s14, $0x2  }
0x40d: {  	v17 =	vld [tilespmem:s16+$0xC700]  }
0x40e: {  	v18 =	vld [tilespmem:s16+$0xC710];
	_ =	sdelay $0x1  }
0x40f: {  	v19 =	vld [tilespmem:s16+$0xC720];
	_ =	sdelay $0x1  }
0x410: {  	v20 =	vld [tilespmem:s16+$0xC730]  }
0x411: {  	v17 =	vmul.f32 v17, v17;
	v18 =	vmul.f32 v18, v18  }
0x412: {  	v21 =	vld [tilespmem:s16+$0xC740]  }
0x413: {  	v17 =	vadd.f32 v18, v17;
	v18 =	vmul.f32 v19, v19  }
0x414: {  	v19 =	vld [tilespmem:s16+$0xC750]  }
0x415: {  	v17 =	vadd.f32 v18, v17;
	v18 =	vmul.f32 v20, v20  }
0x416: {  	v37 =	vld [tilespmem:s16+$0xC760]  }
0x417: {  	v17 =	vadd.f32 v18, v17;
	v18 =	vmul.f32 v21, v21  }
0x418: {  	v38 =	vld [tilespmem:s16+$0xC770]  }
0x419: {  	v17 =	vadd.f32 v18, v17;
	v18 =	vmul.f32 v19, v19;
	_ =	sdelay $0x1  }
0x41a: {  	v17 =	vadd.f32 v18, v17;
	v18 =	vmul.f32 v37, v37;
	_ =	sdelay $0x1  }
0x41b: {  	v17 =	vadd.f32 v18, v17;
	v18 =	vmul.f32 v38, v38;
	_ =	sdelay $0x1  }
0x41c: {  	v17 =	vadd.f32 v18, v17;
	_ =	sdelay $0x1  }
0x41d: {  	[tilespmem:v0+s23+$0x0] =	vst.idx.msk $0xffff, v17  }
0x41e: {  	v17 =	vld [tilespmem:s16+$0xC780]  }
0x41f: {  	v18 =	vld [tilespmem:s16+$0xC790];
	_ =	sdelay $0x1  }
0x420: {  	v19 =	vld [tilespmem:s16+$0xC7A0];
	_ =	sdelay $0x1  }
0x421: {  	v39 =	vld [tilespmem:s16+$0xC7B0]  }
0x422: {  	v17 =	vmul.f32 v17, v17;
	v18 =	vmul.f32 v18, v18  }
0x423: {  	v40 =	vld [tilespmem:s16+$0xC7C0]  }
0x424: {  	v17 =	vadd.f32 v18, v17;
	v18 =	vmul.f32 v19, v19  }
0x425: {  	v19 =	vld [tilespmem:s16+$0xC7D0]  }
0x426: {  	v17 =	vadd.f32 v18, v17;
	v18 =	vmul.f32 v39, v39  }
0x427: {  	v41 =	vld [tilespmem:s16+$0xC7E0]  }
0x428: {  	v17 =	vadd.f32 v18, v17;
	v18 =	vmul.f32 v40, v40  }
0x429: {  	v42 =	vld [tilespmem:s16+$0xC7F0]  }
0x42a: {  	v17 =	vadd.f32 v18, v17;
	v18 =	vmul.f32 v19, v19;
	_ =	sdelay $0x1  }
0x42b: {  	v17 =	vadd.f32 v18, v17;
	v18 =	vmul.f32 v41, v41;
	_ =	sdelay $0x1  }
0x42c: {  	v17 =	vadd.f32 v18, v17;
	v18 =	vmul.f32 v42, v42;
	_ =	sdelay $0x1  }
0x42d: {  	v17 =	vadd.f32 v18, v17;
	_ =	sdelay $0x1  }
0x42e: {  	[tilespmem:v1+s23+$0x0] =	vst.idx.msk $0xffff, v17  }
0x42f: {  	v17 =	vld [tilespmem:s16+$0xC800]  }
0x430: {  	v18 =	vld [tilespmem:s16+$0xC810];
	_ =	sdelay $0x1  }
0x431: {  	v19 =	vld [tilespmem:s16+$0xC820];
	_ =	sdelay $0x1  }
0x432: {  	v43 =	vld [tilespmem:s16+$0xC830]  }
0x433: {  	v17 =	vmul.f32 v17, v17;
	v18 =	vmul.f32 v18, v18  }
0x434: {  	v44 =	vld [tilespmem:s16+$0xC840]  }
0x435: {  	v17 =	vadd.f32 v18, v17;
	v18 =	vmul.f32 v19, v19  }
0x436: {  	v19 =	vld [tilespmem:s16+$0xC850]  }
0x437: {  	v17 =	vadd.f32 v18, v17;
	v18 =	vmul.f32 v43, v43  }
0x438: {  	v45 =	vld [tilespmem:s16+$0xC860]  }
0x439: {  	v17 =	vadd.f32 v18, v17;
	v18 =	vmul.f32 v44, v44  }
0x43a: {  	v46 =	vld [tilespmem:s16+$0xC870]  }
0x43b: {  	v17 =	vadd.f32 v18, v17;
	v18 =	vmul.f32 v19, v19;
	_ =	sdelay $0x1  }
0x43c: {  	v17 =	vadd.f32 v18, v17;
	v18 =	vmul.f32 v45, v45;
	_ =	sdelay $0x1  }
0x43d: {  	v17 =	vadd.f32 v18, v17;
	v18 =	vmul.f32 v46, v46;
	_ =	sdelay $0x1  }
0x43e: {  	v17 =	vadd.f32 v18, v17;
	_ =	sdelay $0x1  }
0x43f: {  	[tilespmem:v2+s23+$0x0] =	vst.idx.msk $0xffff, v17  }
0x440: {  	v17 =	vld [tilespmem:s16+$0xC880]  }
0x441: {  	v18 =	vld [tilespmem:s16+$0xC890];
	_ =	sdelay $0x1  }
0x442: {  	v19 =	vld [tilespmem:s16+$0xC8A0];
	_ =	sdelay $0x1  }
0x443: {  	v47 =	vld [tilespmem:s16+$0xC8B0]  }
0x444: {  	v17 =	vmul.f32 v17, v17;
	v18 =	vmul.f32 v18, v18  }
0x445: {  	v48 =	vld [tilespmem:s16+$0xC8C0]  }
0x446: {  	v17 =	vadd.f32 v18, v17;
	v18 =	vmul.f32 v19, v19  }
0x447: {  	v19 =	vld [tilespmem:s16+$0xC8D0]  }
0x448: {  	v17 =	vadd.f32 v18, v17;
	v18 =	vmul.f32 v47, v47  }
0x449: {  	v49 =	vld [tilespmem:s16+$0xC8E0]  }
0x44a: {  	v17 =	vadd.f32 v18, v17;
	v18 =	vmul.f32 v48, v48  }
0x44b: {  	v50 =	vld [tilespmem:s16+$0xC8F0]  }
0x44c: {  	v17 =	vadd.f32 v18, v17;
	v18 =	vmul.f32 v19, v19;
	_ =	sdelay $0x1  }
0x44d: {  	v17 =	vadd.f32 v18, v17;
	v18 =	vmul.f32 v49, v49;
	_ =	sdelay $0x1  }
0x44e: {  	v17 =	vadd.f32 v18, v17;
	v18 =	vmul.f32 v50, v50;
	_ =	sdelay $0x1  }
0x44f: {  	v17 =	vadd.f32 v18, v17;
	_ =	sdelay $0x1  }
0x450: {  	[tilespmem:v3+s23+$0x0] =	vst.idx.msk $0xffff, v17  }
0x451: {  	v17 =	vld [tilespmem:s16+$0xC900]  }
0x452: {  	v18 =	vld [tilespmem:s16+$0xC910];
	_ =	sdelay $0x1  }
0x453: {  	v19 =	vld [tilespmem:s16+$0xC920];
	_ =	sdelay $0x1  }
0x454: {  	v51 =	vld [tilespmem:s16+$0xC930]  }
0x455: {  	v17 =	vmul.f32 v17, v17;
	v18 =	vmul.f32 v18, v18  }
0x456: {  	v52 =	vld [tilespmem:s16+$0xC940]  }
0x457: {  	v17 =	vadd.f32 v18, v17;
	v18 =	vmul.f32 v19, v19  }
0x458: {  	v19 =	vld [tilespmem:s16+$0xC950]  }
0x459: {  	v17 =	vadd.f32 v18, v17;
	v18 =	vmul.f32 v51, v51  }
0x45a: {  	v53 =	vld [tilespmem:s16+$0xC960]  }
0x45b: {  	v17 =	vadd.f32 v18, v17;
	v18 =	vmul.f32 v52, v52  }
0x45c: {  	v54 =	vld [tilespmem:s16+$0xC970]  }
0x45d: {  	v17 =	vadd.f32 v18, v17;
	v18 =	vmul.f32 v19, v19;
	_ =	sdelay $0x1  }
0x45e: {  	v17 =	vadd.f32 v18, v17;
	v18 =	vmul.f32 v53, v53;
	_ =	sdelay $0x1  }
0x45f: {  	v17 =	vadd.f32 v18, v17;
	v18 =	vmul.f32 v54, v54;
	_ =	sdelay $0x1  }
0x460: {  	v17 =	vadd.f32 v18, v17;
	_ =	sdelay $0x1  }
0x461: {  	[tilespmem:v4+s23+$0x0] =	vst.idx.msk $0xffff, v17  }
0x462: {  	v17 =	vld [tilespmem:s16+$0xC980]  }
0x463: {  	v18 =	vld [tilespmem:s16+$0xC990];
	_ =	sdelay $0x1  }
0x464: {  	v19 =	vld [tilespmem:s16+$0xC9A0];
	_ =	sdelay $0x1  }
0x465: {  	v55 =	vld [tilespmem:s16+$0xC9B0]  }
0x466: {  	v17 =	vmul.f32 v17, v17;
	v18 =	vmul.f32 v18, v18  }
0x467: {  	v56 =	vld [tilespmem:s16+$0xC9C0]  }
0x468: {  	v17 =	vadd.f32 v18, v17;
	v18 =	vmul.f32 v19, v19  }
0x469: {  	v19 =	vld [tilespmem:s16+$0xC9D0]  }
0x46a: {  	v17 =	vadd.f32 v18, v17;
	v18 =	vmul.f32 v55, v55  }
0x46b: {  	v57 =	vld [tilespmem:s16+$0xC9E0]  }
0x46c: {  	v17 =	vadd.f32 v18, v17;
	v18 =	vmul.f32 v56, v56  }
0x46d: {  	v58 =	vld [tilespmem:s16+$0xC9F0]  }
0x46e: {  	v17 =	vadd.f32 v18, v17;
	v18 =	vmul.f32 v19, v19;
	_ =	sdelay $0x1  }
0x46f: {  	v17 =	vadd.f32 v18, v17;
	v18 =	vmul.f32 v57, v57;
	_ =	sdelay $0x1  }
0x470: {  	v17 =	vadd.f32 v18, v17;
	v18 =	vmul.f32 v58, v58;
	_ =	sdelay $0x1  }
0x471: {  	v17 =	vadd.f32 v18, v17;
	_ =	sdelay $0x1  }
0x472: {  	[tilespmem:v5+s23+$0x0] =	vst.idx.msk $0xffff, v17  }
0x473: {  	v17 =	vld [tilespmem:s16+$0xCA00]  }
0x474: {  	v18 =	vld [tilespmem:s16+$0xCA10];
	_ =	sdelay $0x1  }
0x475: {  	v19 =	vld [tilespmem:s16+$0xCA20];
	_ =	sdelay $0x1  }
0x476: {  	v59 =	vld [tilespmem:s16+$0xCA30]  }
0x477: {  	v17 =	vmul.f32 v17, v17;
	v18 =	vmul.f32 v18, v18  }
0x478: {  	v60 =	vld [tilespmem:s16+$0xCA40]  }
0x479: {  	v17 =	vadd.f32 v18, v17;
	v18 =	vmul.f32 v19, v19  }
0x47a: {  	v19 =	vld [tilespmem:s16+$0xCA50]  }
0x47b: {  	v17 =	vadd.f32 v18, v17;
	v18 =	vmul.f32 v59, v59  }
0x47c: {  	v61 =	vld [tilespmem:s16+$0xCA60]  }
0x47d: {  	v17 =	vadd.f32 v18, v17;
	v18 =	vmul.f32 v60, v60  }
0x47e: {  	v62 =	vld [tilespmem:s16+$0xCA70]  }
0x47f: {  	v17 =	vadd.f32 v18, v17;
	v18 =	vmul.f32 v19, v19;
	_ =	sdelay $0x1  }
0x480: {  	v17 =	vadd.f32 v18, v17;
	v18 =	vmul.f32 v61, v61;
	_ =	sdelay $0x1  }
0x481: {  	v17 =	vadd.f32 v18, v17;
	v18 =	vmul.f32 v62, v62;
	_ =	sdelay $0x1  }
0x482: {  	v17 =	vadd.f32 v18, v17;
	_ =	sdelay $0x1  }
0x483: {  	[tilespmem:v6+s23+$0x0] =	vst.idx.msk $0xffff, v17  }
0x484: {  	v17 =	vld [tilespmem:s16+$0xCA80]  }
0x485: {  	v18 =	vld [tilespmem:s16+$0xCA90];
	_ =	sdelay $0x1  }
0x486: {  	v19 =	vld [tilespmem:s16+$0xCAA0];
	_ =	sdelay $0x1  }
0x487: {  	v63 =	vld [tilespmem:s16+$0xCAB0]  }
0x488: {  	v17 =	vmul.f32 v17, v17;
	v18 =	vmul.f32 v18, v18  }
0x489: {  	v24 =	vld [tilespmem:s16+$0xCAC0]  }
0x48a: {  	v17 =	vadd.f32 v18, v17;
	v18 =	vmul.f32 v19, v19  }
0x48b: {  	v19 =	vld [tilespmem:s16+$0xCAD0]  }
0x48c: {  	v17 =	vadd.f32 v18, v17;
	v18 =	vmul.f32 v63, v63  }
0x48d: {  	v25 =	vld [tilespmem:s16+$0xCAE0]  }
0x48e: {  	v17 =	vadd.f32 v18, v17;
	v18 =	vmul.f32 v24, v24  }
0x48f: {  	v26 =	vld [tilespmem:s16+$0xCAF0]  }
0x490: {  	v17 =	vadd.f32 v18, v17;
	v18 =	vmul.f32 v19, v19;
	_ =	sdelay $0x1  }
0x491: {  	v17 =	vadd.f32 v18, v17;
	v18 =	vmul.f32 v25, v25;
	_ =	sdelay $0x1  }
0x492: {  	v17 =	vadd.f32 v18, v17;
	v18 =	vmul.f32 v26, v26;
	_ =	sdelay $0x1  }
0x493: {  	v17 =	vadd.f32 v18, v17;
	_ =	sdelay $0x1  }
0x494: {  	[tilespmem:v7+s23+$0x0] =	vst.idx.msk $0xffff, v17  }
0x495: {  	v17 =	vld [tilespmem:s16+$0xCB00]  }
0x496: {  	v18 =	vld [tilespmem:s16+$0xCB10];
	_ =	sdelay $0x1  }
0x497: {  	v19 =	vld [tilespmem:s16+$0xCB20];
	_ =	sdelay $0x1  }
0x498: {  	v27 =	vld [tilespmem:s16+$0xCB30]  }
0x499: {  	v17 =	vmul.f32 v17, v17;
	v18 =	vmul.f32 v18, v18  }
0x49a: {  	v28 =	vld [tilespmem:s16+$0xCB40]  }
0x49b: {  	v17 =	vadd.f32 v18, v17;
	v18 =	vmul.f32 v19, v19  }
0x49c: {  	v19 =	vld [tilespmem:s16+$0xCB50]  }
0x49d: {  	v17 =	vadd.f32 v18, v17;
	v18 =	vmul.f32 v27, v27  }
0x49e: {  	v29 =	vld [tilespmem:s16+$0xCB60]  }
0x49f: {  	v17 =	vadd.f32 v18, v17;
	v18 =	vmul.f32 v28, v28  }
0x4a0: {  	v30 =	vld [tilespmem:s16+$0xCB70]  }
0x4a1: {  	v17 =	vadd.f32 v18, v17;
	v18 =	vmul.f32 v19, v19;
	_ =	sdelay $0x1  }
0x4a2: {  	v17 =	vadd.f32 v18, v17;
	v18 =	vmul.f32 v29, v29;
	_ =	sdelay $0x1  }
0x4a3: {  	v17 =	vadd.f32 v18, v17;
	v18 =	vmul.f32 v30, v30;
	_ =	sdelay $0x1  }
0x4a4: {  	v17 =	vadd.f32 v18, v17;
	_ =	sdelay $0x1  }
0x4a5: {  	[tilespmem:v8+s23+$0x0] =	vst.idx.msk $0xffff, v17  }
0x4a6: {  	v17 =	vld [tilespmem:s16+$0xCB80]  }
0x4a7: {  	v18 =	vld [tilespmem:s16+$0xCB90];
	_ =	sdelay $0x1  }
0x4a8: {  	v19 =	vld [tilespmem:s16+$0xCBA0];
	_ =	sdelay $0x1  }
0x4a9: {  	v31 =	vld [tilespmem:s16+$0xCBB0]  }
0x4aa: {  	v17 =	vmul.f32 v17, v17;
	v18 =	vmul.f32 v18, v18  }
0x4ab: {  	v32 =	vld [tilespmem:s16+$0xCBC0]  }
0x4ac: {  	v17 =	vadd.f32 v18, v17;
	v18 =	vmul.f32 v19, v19  }
0x4ad: {  	v19 =	vld [tilespmem:s16+$0xCBD0]  }
0x4ae: {  	v17 =	vadd.f32 v18, v17;
	v18 =	vmul.f32 v31, v31  }
0x4af: {  	v33 =	vld [tilespmem:s16+$0xCBE0]  }
0x4b0: {  	v17 =	vadd.f32 v18, v17;
	v18 =	vmul.f32 v32, v32  }
0x4b1: {  	v34 =	vld [tilespmem:s16+$0xCBF0]  }
0x4b2: {  	v17 =	vadd.f32 v18, v17;
	v18 =	vmul.f32 v19, v19;
	_ =	sdelay $0x1  }
0x4b3: {  	v17 =	vadd.f32 v18, v17;
	v18 =	vmul.f32 v33, v33;
	_ =	sdelay $0x1  }
0x4b4: {  	v17 =	vadd.f32 v18, v17;
	v18 =	vmul.f32 v34, v34;
	_ =	sdelay $0x1  }
0x4b5: {  	v17 =	vadd.f32 v18, v17;
	_ =	sdelay $0x1  }
0x4b6: {  	[tilespmem:v9+s23+$0x0] =	vst.idx.msk $0xffff, v17  }
0x4b7: {  	v17 =	vld [tilespmem:s16+$0xCC00]  }
0x4b8: {  	v18 =	vld [tilespmem:s16+$0xCC10];
	_ =	sdelay $0x1  }
0x4b9: {  	v19 =	vld [tilespmem:s16+$0xCC20];
	_ =	sdelay $0x1  }
0x4ba: {  	v35 =	vld [tilespmem:s16+$0xCC30]  }
0x4bb: {  	v17 =	vmul.f32 v17, v17;
	v18 =	vmul.f32 v18, v18  }
0x4bc: {  	v36 =	vld [tilespmem:s16+$0xCC40]  }
0x4bd: {  	v17 =	vadd.f32 v18, v17;
	v18 =	vmul.f32 v19, v19  }
0x4be: {  	v19 =	vld [tilespmem:s16+$0xCC50]  }
0x4bf: {  	v17 =	vadd.f32 v18, v17;
	v18 =	vmul.f32 v35, v35  }
0x4c0: {  	v37 =	vld [tilespmem:s16+$0xCC60]  }
0x4c1: {  	v17 =	vadd.f32 v18, v17;
	v18 =	vmul.f32 v36, v36  }
0x4c2: {  	v38 =	vld [tilespmem:s16+$0xCC70]  }
0x4c3: {  	v17 =	vadd.f32 v18, v17;
	v18 =	vmul.f32 v19, v19;
	_ =	sdelay $0x1  }
0x4c4: {  	v17 =	vadd.f32 v18, v17;
	v18 =	vmul.f32 v37, v37;
	_ =	sdelay $0x1  }
0x4c5: {  	v17 =	vadd.f32 v18, v17;
	v18 =	vmul.f32 v38, v38;
	_ =	sdelay $0x1  }
0x4c6: {  	v17 =	vadd.f32 v18, v17;
	_ =	sdelay $0x1  }
0x4c7: {  	[tilespmem:v10+s23+$0x0] =	vst.idx.msk $0xffff, v17  }
0x4c8: {  	v17 =	vld [tilespmem:s16+$0xCC80]  }
0x4c9: {  	v18 =	vld [tilespmem:s16+$0xCC90];
	_ =	sdelay $0x1  }
0x4ca: {  	v19 =	vld [tilespmem:s16+$0xCCA0];
	_ =	sdelay $0x1  }
0x4cb: {  	v39 =	vld [tilespmem:s16+$0xCCB0]  }
0x4cc: {  	v17 =	vmul.f32 v17, v17;
	v18 =	vmul.f32 v18, v18  }
0x4cd: {  	v40 =	vld [tilespmem:s16+$0xCCC0]  }
0x4ce: {  	v17 =	vadd.f32 v18, v17;
	v18 =	vmul.f32 v19, v19  }
0x4cf: {  	v19 =	vld [tilespmem:s16+$0xCCD0]  }
0x4d0: {  	v17 =	vadd.f32 v18, v17;
	v18 =	vmul.f32 v39, v39  }
0x4d1: {  	v41 =	vld [tilespmem:s16+$0xCCE0]  }
0x4d2: {  	v17 =	vadd.f32 v18, v17;
	v18 =	vmul.f32 v40, v40  }
0x4d3: {  	v42 =	vld [tilespmem:s16+$0xCCF0]  }
0x4d4: {  	v17 =	vadd.f32 v18, v17;
	v18 =	vmul.f32 v19, v19;
	_ =	sdelay $0x1  }
0x4d5: {  	v17 =	vadd.f32 v18, v17;
	v18 =	vmul.f32 v41, v41;
	_ =	sdelay $0x1  }
0x4d6: {  	v17 =	vadd.f32 v18, v17;
	v18 =	vmul.f32 v42, v42;
	_ =	sdelay $0x1  }
0x4d7: {  	v17 =	vadd.f32 v18, v17;
	_ =	sdelay $0x1  }
0x4d8: {  	[tilespmem:v11+s23+$0x0] =	vst.idx.msk $0xffff, v17  }
0x4d9: {  	v17 =	vld [tilespmem:s16+$0xCD00]  }
0x4da: {  	v18 =	vld [tilespmem:s16+$0xCD10];
	_ =	sdelay $0x1  }
0x4db: {  	v19 =	vld [tilespmem:s16+$0xCD20];
	_ =	sdelay $0x1  }
0x4dc: {  	v43 =	vld [tilespmem:s16+$0xCD30]  }
0x4dd: {  	v17 =	vmul.f32 v17, v17;
	v18 =	vmul.f32 v18, v18  }
0x4de: {  	v44 =	vld [tilespmem:s16+$0xCD40]  }
0x4df: {  	v17 =	vadd.f32 v18, v17;
	v18 =	vmul.f32 v19, v19  }
0x4e0: {  	v19 =	vld [tilespmem:s16+$0xCD50]  }
0x4e1: {  	v17 =	vadd.f32 v18, v17;
	v18 =	vmul.f32 v43, v43  }
0x4e2: {  	v45 =	vld [tilespmem:s16+$0xCD60]  }
0x4e3: {  	v17 =	vadd.f32 v18, v17;
	v18 =	vmul.f32 v44, v44  }
0x4e4: {  	v46 =	vld [tilespmem:s16+$0xCD70]  }
0x4e5: {  	v17 =	vadd.f32 v18, v17;
	v18 =	vmul.f32 v19, v19;
	_ =	sdelay $0x1  }
0x4e6: {  	v17 =	vadd.f32 v18, v17;
	v18 =	vmul.f32 v45, v45;
	_ =	sdelay $0x1  }
0x4e7: {  	v17 =	vadd.f32 v18, v17;
	v18 =	vmul.f32 v46, v46;
	_ =	sdelay $0x1  }
0x4e8: {  	v17 =	vadd.f32 v18, v17;
	_ =	sdelay $0x1  }
0x4e9: {  	[tilespmem:v12+s23+$0x0] =	vst.idx.msk $0xffff, v17  }
0x4ea: {  	v17 =	vld [tilespmem:s16+$0xCD80]  }
0x4eb: {  	v18 =	vld [tilespmem:s16+$0xCD90];
	_ =	sdelay $0x1  }
0x4ec: {  	v19 =	vld [tilespmem:s16+$0xCDA0];
	_ =	sdelay $0x1  }
0x4ed: {  	v47 =	vld [tilespmem:s16+$0xCDB0]  }
0x4ee: {  	v17 =	vmul.f32 v17, v17;
	v18 =	vmul.f32 v18, v18  }
0x4ef: {  	v48 =	vld [tilespmem:s16+$0xCDC0]  }
0x4f0: {  	v17 =	vadd.f32 v18, v17;
	v18 =	vmul.f32 v19, v19  }
0x4f1: {  	v19 =	vld [tilespmem:s16+$0xCDD0]  }
0x4f2: {  	v17 =	vadd.f32 v18, v17;
	v18 =	vmul.f32 v47, v47  }
0x4f3: {  	v49 =	vld [tilespmem:s16+$0xCDE0]  }
0x4f4: {  	v17 =	vadd.f32 v18, v17;
	v18 =	vmul.f32 v48, v48  }
0x4f5: {  	v50 =	vld [tilespmem:s16+$0xCDF0]  }
0x4f6: {  	v17 =	vadd.f32 v18, v17;
	v18 =	vmul.f32 v19, v19;
	_ =	sdelay $0x1  }
0x4f7: {  	v17 =	vadd.f32 v18, v17;
	v18 =	vmul.f32 v49, v49;
	_ =	sdelay $0x1  }
0x4f8: {  	v17 =	vadd.f32 v18, v17;
	v18 =	vmul.f32 v50, v50;
	_ =	sdelay $0x1  }
0x4f9: {  	v17 =	vadd.f32 v18, v17;
	_ =	sdelay $0x1  }
0x4fa: {  	[tilespmem:v13+s23+$0x0] =	vst.idx.msk $0xffff, v17  }
0x4fb: {  	v17 =	vld [tilespmem:s16+$0xCE00]  }
0x4fc: {  	v18 =	vld [tilespmem:s16+$0xCE10];
	_ =	sdelay $0x1  }
0x4fd: {  	v19 =	vld [tilespmem:s16+$0xCE20];
	_ =	sdelay $0x1  }
0x4fe: {  	v51 =	vld [tilespmem:s16+$0xCE30]  }
0x4ff: {  	v17 =	vmul.f32 v17, v17;
	v18 =	vmul.f32 v18, v18  }
0x500: {  	v52 =	vld [tilespmem:s16+$0xCE40]  }
0x501: {  	v17 =	vadd.f32 v18, v17;
	v18 =	vmul.f32 v19, v19  }
0x502: {  	v19 =	vld [tilespmem:s16+$0xCE50]  }
0x503: {  	v17 =	vadd.f32 v18, v17;
	v18 =	vmul.f32 v51, v51  }
0x504: {  	v53 =	vld [tilespmem:s16+$0xCE60]  }
0x505: {  	v17 =	vadd.f32 v18, v17;
	v18 =	vmul.f32 v52, v52  }
0x506: {  	v54 =	vld [tilespmem:s16+$0xCE70]  }
0x507: {  	v17 =	vadd.f32 v18, v17;
	v18 =	vmul.f32 v19, v19;
	_ =	sdelay $0x1  }
0x508: {  	v17 =	vadd.f32 v18, v17;
	v18 =	vmul.f32 v53, v53;
	_ =	sdelay $0x1  }
0x509: {  	v17 =	vadd.f32 v18, v17;
	v18 =	vmul.f32 v54, v54;
	_ =	sdelay $0x1  }
0x50a: {  	v17 =	vadd.f32 v18, v17;
	_ =	sdelay $0x1  }
0x50b: {  	[tilespmem:v14+s23+$0x0] =	vst.idx.msk $0xffff, v17  }
0x50c: {  	v17 =	vld [tilespmem:s16+$0xCE80]  }
0x50d: {  	v18 =	vld [tilespmem:s16+$0xCE90];
	_ =	sdelay $0x1  }
0x50e: {  	v19 =	vld [tilespmem:s16+$0xCEA0];
	_ =	sdelay $0x1  }
0x50f: {  	v55 =	vld [tilespmem:s16+$0xCEB0]  }
0x510: {  	v17 =	vmul.f32 v17, v17;
	v18 =	vmul.f32 v18, v18  }
0x511: {  	v56 =	vld [tilespmem:s16+$0xCEC0]  }
0x512: {  	v17 =	vadd.f32 v18, v17;
	v18 =	vmul.f32 v19, v19  }
0x513: {  	v19 =	vld [tilespmem:s16+$0xCED0]  }
0x514: {  	v17 =	vadd.f32 v18, v17;
	v18 =	vmul.f32 v55, v55  }
0x515: {  	v57 =	vld [tilespmem:s16+$0xCEE0]  }
0x516: {  	v17 =	vadd.f32 v18, v17;
	v18 =	vmul.f32 v56, v56  }
0x517: {  	v58 =	vld [tilespmem:s16+$0xCEF0]  }
0x518: {  	v17 =	vadd.f32 v18, v17;
	v18 =	vmul.f32 v19, v19;
	_ =	sdelay $0x1  }
0x519: {  	v17 =	vadd.f32 v18, v17;
	v18 =	vmul.f32 v57, v57;
	_ =	sdelay $0x1  }
0x51a: {  	v17 =	vadd.f32 v18, v17;
	v18 =	vmul.f32 v58, v58;
	_ =	sdelay $0x1  }
0x51b: {  	v17 =	vadd.f32 v18, v17;
	_ =	sdelay $0x1  }
0x51c: {  	[tilespmem:v15+s23+$0x0] =	vst.idx.msk $0xffff, v17  }
0x51d: {  	v17 =	vld [tilespmem:$0x11700]  }
0x51e: {  	v18 =	vld [tilespmem:$0x11710];
	_ =	sdelay $0x1  }
0x51f: {  	v19 =	vld [tilespmem:$0x11720];
	_ =	sdelay $0x1  }
0x520: {  	v59 =	vld [tilespmem:$0x11730]  }
0x521: {  	v17 =	vadd.f32 v18, v17  }
0x522: {  	v18 =	vld [tilespmem:$0x11740]  }
0x523: {  	v17 =	vadd.f32 v19, v17  }
0x524: {  	v19 =	vld [tilespmem:$0x11750]  }
0x525: {  	v17 =	vadd.f32 v59, v17  }
0x526: {  	v60 =	vld [tilespmem:$0x11760]  }
0x527: {  	v17 =	vadd.f32 v18, v17  }
0x528: {  	v18 =	vld [tilespmem:$0x11770]  }
0x529: {  	v17 =	vadd.f32 v19, v17  }
0x52a: {  	v19 =	vld [tilespmem:$0x11780]  }
0x52b: {  	v17 =	vadd.f32 v60, v17  }
0x52c: {  	v61 =	vld [tilespmem:$0x11790]  }
0x52d: {  	v17 =	vadd.f32 v18, v17  }
0x52e: {  	v18 =	vld [tilespmem:$0x117A0]  }
0x52f: {  	v17 =	vadd.f32 v19, v17  }
0x530: {  	v19 =	vld [tilespmem:$0x117B0]  }
0x531: {  	v17 =	vadd.f32 v61, v17  }
0x532: {  	v62 =	vld [tilespmem:$0x117C0]  }
0x533: {  	v17 =	vadd.f32 v18, v17  }
0x534: {  	v18 =	vld [tilespmem:$0x117D0]  }
0x535: {  	v17 =	vadd.f32 v19, v17  }
0x536: {  	v19 =	vld [tilespmem:$0x117E0]  }
0x537: {  	v17 =	vadd.f32 v62, v17  }
0x538: {  	v63 =	vld [tilespmem:$0x117F0]  }
0x539: {  	v17 =	vadd.f32 v18, v17;
	_ =	sdelay $0x1  }
0x53a: {  	v17 =	vadd.f32 v19, v17;
	_ =	sdelay $0x1  }
0x53b: {  	v17 =	vadd.f32 v63, v17;
	_ =	sdelay $0x1  }
0x53c: {  	v18 =	vshra.s32 v17, $0x1  }
0x53d: {  	v18 =	vadd.s32 $0x1FBD1DF5, v18  }
0x53e: {  	(erf) = vrcp.f32 v18;
	_ =	sdelay $0x8  }
0x53f: {  	v19 =	vpop (erf)  }
0x540: {  	v19 =	vmul.f32 v19, v17;
	_ =	sdelay $0x1  }
0x541: {  	v18 =	vadd.f32 v18, v19;
	_ =	sdelay $0x1  }
0x542: {  	v18 =	vmul.f32 $5.000000000e-01, v18;
	_ =	sdelay $0x1  }
0x543: {  	(erf) = vrcp.f32 v18;
	_ =	sdelay $0x8  }
0x544: {  	v19 =	vpop (erf)  }
0x545: {  	v17 =	vmul.f32 v19, v17  }
0x546: {  	p1 =	sne.s32 s14, $0x8000  }
.Ltmp3:
0x547: {  	v17 =	vadd.f32 v17, v18;
	(pc) =	sbr.rel @p1 .LBB2_9-.Ltmp3, $3  }
0x548: {  	_ = 	snop  }
0x549: {  	v17 =	vmul.f32 $5.000000000e-01, v17;
	_ =	sdelay $0x1  }
0x54a: {  	s14 =	sadd.s32 $0x2000, s14;
	v16 =	vadd.f32 v17, v16  }
0x54b: {  	s14 =	simm.s32 @!p0 $0x2  }
0x54c: {  	_ =	swait.ge @!p0 [sflag:s14], $0x2800  }
0x54d: {  	s1 =	sadd.s32 @!p0 $0x2780, s1;
	[sflag:s14] =	ssyncset.done @!p0 $0x0  }
0x54e: {  	s16 =	simm.s32 @!p0 $0x7700;
	[sflag:s14] =	ssyncadd.s32 @!p0 $0xFFFFD800;
	s14 =	simm.s32 @!p0 $0x50  }
0x54f: {  	[tilespmem:s16], [sflag:$0x2] =	stream.indirect.gather.add.f32 @!p0 [hbm:s4], $0x80, s1, s14, $0xb8;
	[tilespmem:$0x11880] =	vst v63  }
0x550: {  	s0 =	sadd.s32 @!p0 $0x280, s0;
	s1 =	simm.s32 @!p0 $0xC700  }
0x551: {  	[tilespmem:s1], [sflag:$0x4] =	stream.indirect.gather @!p0 [hbm4b:s2+s14], $0x80, s0, s14, $0xb8;
	[tilespmem:$0x11880] =	vst v63  }
0x552: {  	_ =	swait.ge [sflag:s25], $0x2800  }
0x553: {  	[sflag:s25] =	ssyncset.done $0x0  }
0x554: {  	s0 =	simm.s32 $0x0;
	[sflag:s25] =	ssyncadd.s32 $0xFFFFD800  }
.LBB2_11:
0x555: {  	s1 =	sshra.s32 s0, $0x2  }
0x556: {  	v17 =	vld [tilespmem:s1+$0xEF00]  }
0x557: {  	v18 =	vld [tilespmem:s1+$0xEF10];
	_ =	sdelay $0x1  }
0x558: {  	v19 =	vld [tilespmem:s1+$0xEF20];
	_ =	sdelay $0x1  }
0x559: {  	v20 =	vld [tilespmem:s1+$0xEF30]  }
0x55a: {  	v17 =	vmul.f32 v17, v17;
	v18 =	vmul.f32 v18, v18  }
0x55b: {  	v21 =	vld [tilespmem:s1+$0xEF40]  }
0x55c: {  	v17 =	vadd.f32 v18, v17;
	v18 =	vmul.f32 v19, v19  }
0x55d: {  	v19 =	vld [tilespmem:s1+$0xEF50]  }
0x55e: {  	v17 =	vadd.f32 v18, v17;
	v18 =	vmul.f32 v20, v20  }
0x55f: {  	v37 =	vld [tilespmem:s1+$0xEF60]  }
0x560: {  	v17 =	vadd.f32 v18, v17;
	v18 =	vmul.f32 v21, v21  }
0x561: {  	v38 =	vld [tilespmem:s1+$0xEF70]  }
0x562: {  	v17 =	vadd.f32 v18, v17;
	v18 =	vmul.f32 v19, v19;
	_ =	sdelay $0x1  }
0x563: {  	v17 =	vadd.f32 v18, v17;
	v18 =	vmul.f32 v37, v37;
	_ =	sdelay $0x1  }
0x564: {  	v17 =	vadd.f32 v18, v17;
	v18 =	vmul.f32 v38, v38;
	_ =	sdelay $0x1  }
0x565: {  	v17 =	vadd.f32 v18, v17;
	_ =	sdelay $0x1  }
0x566: {  	[tilespmem:v0+s23+$0x0] =	vst.idx.msk $0xffff, v17  }
0x567: {  	v17 =	vld [tilespmem:s1+$0xEF80]  }
0x568: {  	v18 =	vld [tilespmem:s1+$0xEF90];
	_ =	sdelay $0x1  }
0x569: {  	v19 =	vld [tilespmem:s1+$0xEFA0];
	_ =	sdelay $0x1  }
0x56a: {  	v39 =	vld [tilespmem:s1+$0xEFB0]  }
0x56b: {  	v17 =	vmul.f32 v17, v17;
	v18 =	vmul.f32 v18, v18  }
0x56c: {  	v40 =	vld [tilespmem:s1+$0xEFC0]  }
0x56d: {  	v17 =	vadd.f32 v18, v17;
	v18 =	vmul.f32 v19, v19  }
0x56e: {  	v19 =	vld [tilespmem:s1+$0xEFD0]  }
0x56f: {  	v17 =	vadd.f32 v18, v17;
	v18 =	vmul.f32 v39, v39  }
0x570: {  	v41 =	vld [tilespmem:s1+$0xEFE0]  }
0x571: {  	v17 =	vadd.f32 v18, v17;
	v18 =	vmul.f32 v40, v40  }
0x572: {  	v42 =	vld [tilespmem:s1+$0xEFF0]  }
0x573: {  	v17 =	vadd.f32 v18, v17;
	v18 =	vmul.f32 v19, v19;
	_ =	sdelay $0x1  }
0x574: {  	v17 =	vadd.f32 v18, v17;
	v18 =	vmul.f32 v41, v41;
	_ =	sdelay $0x1  }
0x575: {  	v17 =	vadd.f32 v18, v17;
	v18 =	vmul.f32 v42, v42;
	_ =	sdelay $0x1  }
0x576: {  	v17 =	vadd.f32 v18, v17;
	_ =	sdelay $0x1  }
0x577: {  	[tilespmem:v1+s23+$0x0] =	vst.idx.msk $0xffff, v17  }
0x578: {  	v17 =	vld [tilespmem:s1+$0xF000]  }
0x579: {  	v18 =	vld [tilespmem:s1+$0xF010];
	_ =	sdelay $0x1  }
0x57a: {  	v19 =	vld [tilespmem:s1+$0xF020];
	_ =	sdelay $0x1  }
0x57b: {  	v43 =	vld [tilespmem:s1+$0xF030]  }
0x57c: {  	v17 =	vmul.f32 v17, v17;
	v18 =	vmul.f32 v18, v18  }
0x57d: {  	v44 =	vld [tilespmem:s1+$0xF040]  }
0x57e: {  	v17 =	vadd.f32 v18, v17;
	v18 =	vmul.f32 v19, v19  }
0x57f: {  	v19 =	vld [tilespmem:s1+$0xF050]  }
0x580: {  	v17 =	vadd.f32 v18, v17;
	v18 =	vmul.f32 v43, v43  }
0x581: {  	v45 =	vld [tilespmem:s1+$0xF060]  }
0x582: {  	v17 =	vadd.f32 v18, v17;
	v18 =	vmul.f32 v44, v44  }
0x583: {  	v46 =	vld [tilespmem:s1+$0xF070]  }
0x584: {  	v17 =	vadd.f32 v18, v17;
	v18 =	vmul.f32 v19, v19;
	_ =	sdelay $0x1  }
0x585: {  	v17 =	vadd.f32 v18, v17;
	v18 =	vmul.f32 v45, v45;
	_ =	sdelay $0x1  }
0x586: {  	v17 =	vadd.f32 v18, v17;
	v18 =	vmul.f32 v46, v46;
	_ =	sdelay $0x1  }
0x587: {  	v17 =	vadd.f32 v18, v17;
	_ =	sdelay $0x1  }
0x588: {  	[tilespmem:v2+s23+$0x0] =	vst.idx.msk $0xffff, v17  }
0x589: {  	v17 =	vld [tilespmem:s1+$0xF080]  }
0x58a: {  	v18 =	vld [tilespmem:s1+$0xF090];
	_ =	sdelay $0x1  }
0x58b: {  	v19 =	vld [tilespmem:s1+$0xF0A0];
	_ =	sdelay $0x1  }
0x58c: {  	v47 =	vld [tilespmem:s1+$0xF0B0]  }
0x58d: {  	v17 =	vmul.f32 v17, v17;
	v18 =	vmul.f32 v18, v18  }
0x58e: {  	v48 =	vld [tilespmem:s1+$0xF0C0]  }
0x58f: {  	v17 =	vadd.f32 v18, v17;
	v18 =	vmul.f32 v19, v19  }
0x590: {  	v19 =	vld [tilespmem:s1+$0xF0D0]  }
0x591: {  	v17 =	vadd.f32 v18, v17;
	v18 =	vmul.f32 v47, v47  }
0x592: {  	v49 =	vld [tilespmem:s1+$0xF0E0]  }
0x593: {  	v17 =	vadd.f32 v18, v17;
	v18 =	vmul.f32 v48, v48  }
0x594: {  	v50 =	vld [tilespmem:s1+$0xF0F0]  }
0x595: {  	v17 =	vadd.f32 v18, v17;
	v18 =	vmul.f32 v19, v19;
	_ =	sdelay $0x1  }
0x596: {  	v17 =	vadd.f32 v18, v17;
	v18 =	vmul.f32 v49, v49;
	_ =	sdelay $0x1  }
0x597: {  	v17 =	vadd.f32 v18, v17;
	v18 =	vmul.f32 v50, v50;
	_ =	sdelay $0x1  }
0x598: {  	v17 =	vadd.f32 v18, v17;
	_ =	sdelay $0x1  }
0x599: {  	[tilespmem:v3+s23+$0x0] =	vst.idx.msk $0xffff, v17  }
0x59a: {  	v17 =	vld [tilespmem:s1+$0xF100]  }
0x59b: {  	v18 =	vld [tilespmem:s1+$0xF110];
	_ =	sdelay $0x1  }
0x59c: {  	v19 =	vld [tilespmem:s1+$0xF120];
	_ =	sdelay $0x1  }
0x59d: {  	v51 =	vld [tilespmem:s1+$0xF130]  }
0x59e: {  	v17 =	vmul.f32 v17, v17;
	v18 =	vmul.f32 v18, v18  }
0x59f: {  	v52 =	vld [tilespmem:s1+$0xF140]  }
0x5a0: {  	v17 =	vadd.f32 v18, v17;
	v18 =	vmul.f32 v19, v19  }
0x5a1: {  	v19 =	vld [tilespmem:s1+$0xF150]  }
0x5a2: {  	v17 =	vadd.f32 v18, v17;
	v18 =	vmul.f32 v51, v51  }
0x5a3: {  	v53 =	vld [tilespmem:s1+$0xF160]  }
0x5a4: {  	v17 =	vadd.f32 v18, v17;
	v18 =	vmul.f32 v52, v52  }
0x5a5: {  	v54 =	vld [tilespmem:s1+$0xF170]  }
0x5a6: {  	v17 =	vadd.f32 v18, v17;
	v18 =	vmul.f32 v19, v19;
	_ =	sdelay $0x1  }
0x5a7: {  	v17 =	vadd.f32 v18, v17;
	v18 =	vmul.f32 v53, v53;
	_ =	sdelay $0x1  }
0x5a8: {  	v17 =	vadd.f32 v18, v17;
	v18 =	vmul.f32 v54, v54;
	_ =	sdelay $0x1  }
0x5a9: {  	v17 =	vadd.f32 v18, v17;
	_ =	sdelay $0x1  }
0x5aa: {  	[tilespmem:v4+s23+$0x0] =	vst.idx.msk $0xffff, v17  }
0x5ab: {  	v17 =	vld [tilespmem:s1+$0xF180]  }
0x5ac: {  	v18 =	vld [tilespmem:s1+$0xF190];
	_ =	sdelay $0x1  }
0x5ad: {  	v19 =	vld [tilespmem:s1+$0xF1A0];
	_ =	sdelay $0x1  }
0x5ae: {  	v55 =	vld [tilespmem:s1+$0xF1B0]  }
0x5af: {  	v17 =	vmul.f32 v17, v17;
	v18 =	vmul.f32 v18, v18  }
0x5b0: {  	v56 =	vld [tilespmem:s1+$0xF1C0]  }
0x5b1: {  	v17 =	vadd.f32 v18, v17;
	v18 =	vmul.f32 v19, v19  }
0x5b2: {  	v19 =	vld [tilespmem:s1+$0xF1D0]  }
0x5b3: {  	v17 =	vadd.f32 v18, v17;
	v18 =	vmul.f32 v55, v55  }
0x5b4: {  	v57 =	vld [tilespmem:s1+$0xF1E0]  }
0x5b5: {  	v17 =	vadd.f32 v18, v17;
	v18 =	vmul.f32 v56, v56  }
0x5b6: {  	v58 =	vld [tilespmem:s1+$0xF1F0]  }
0x5b7: {  	v17 =	vadd.f32 v18, v17;
	v18 =	vmul.f32 v19, v19;
	_ =	sdelay $0x1  }
0x5b8: {  	v17 =	vadd.f32 v18, v17;
	v18 =	vmul.f32 v57, v57;
	_ =	sdelay $0x1  }
0x5b9: {  	v17 =	vadd.f32 v18, v17;
	v18 =	vmul.f32 v58, v58;
	_ =	sdelay $0x1  }
0x5ba: {  	v17 =	vadd.f32 v18, v17;
	_ =	sdelay $0x1  }
0x5bb: {  	[tilespmem:v5+s23+$0x0] =	vst.idx.msk $0xffff, v17  }
0x5bc: {  	v17 =	vld [tilespmem:s1+$0xF200]  }
0x5bd: {  	v18 =	vld [tilespmem:s1+$0xF210];
	_ =	sdelay $0x1  }
0x5be: {  	v19 =	vld [tilespmem:s1+$0xF220];
	_ =	sdelay $0x1  }
0x5bf: {  	v59 =	vld [tilespmem:s1+$0xF230]  }
0x5c0: {  	v17 =	vmul.f32 v17, v17;
	v18 =	vmul.f32 v18, v18  }
0x5c1: {  	v60 =	vld [tilespmem:s1+$0xF240]  }
0x5c2: {  	v17 =	vadd.f32 v18, v17;
	v18 =	vmul.f32 v19, v19  }
0x5c3: {  	v19 =	vld [tilespmem:s1+$0xF250]  }
0x5c4: {  	v17 =	vadd.f32 v18, v17;
	v18 =	vmul.f32 v59, v59  }
0x5c5: {  	v61 =	vld [tilespmem:s1+$0xF260]  }
0x5c6: {  	v17 =	vadd.f32 v18, v17;
	v18 =	vmul.f32 v60, v60  }
0x5c7: {  	v62 =	vld [tilespmem:s1+$0xF270]  }
0x5c8: {  	v17 =	vadd.f32 v18, v17;
	v18 =	vmul.f32 v19, v19;
	_ =	sdelay $0x1  }
0x5c9: {  	v17 =	vadd.f32 v18, v17;
	v18 =	vmul.f32 v61, v61;
	_ =	sdelay $0x1  }
0x5ca: {  	v17 =	vadd.f32 v18, v17;
	v18 =	vmul.f32 v62, v62;
	_ =	sdelay $0x1  }
0x5cb: {  	v17 =	vadd.f32 v18, v17;
	_ =	sdelay $0x1  }
0x5cc: {  	[tilespmem:v6+s23+$0x0] =	vst.idx.msk $0xffff, v17  }
0x5cd: {  	v17 =	vld [tilespmem:s1+$0xF280]  }
0x5ce: {  	v18 =	vld [tilespmem:s1+$0xF290];
	_ =	sdelay $0x1  }
0x5cf: {  	v19 =	vld [tilespmem:s1+$0xF2A0];
	_ =	sdelay $0x1  }
0x5d0: {  	v63 =	vld [tilespmem:s1+$0xF2B0]  }
0x5d1: {  	v17 =	vmul.f32 v17, v17;
	v18 =	vmul.f32 v18, v18  }
0x5d2: {  	v24 =	vld [tilespmem:s1+$0xF2C0]  }
0x5d3: {  	v17 =	vadd.f32 v18, v17;
	v18 =	vmul.f32 v19, v19  }
0x5d4: {  	v19 =	vld [tilespmem:s1+$0xF2D0]  }
0x5d5: {  	v17 =	vadd.f32 v18, v17;
	v18 =	vmul.f32 v63, v63  }
0x5d6: {  	v25 =	vld [tilespmem:s1+$0xF2E0]  }
0x5d7: {  	v17 =	vadd.f32 v18, v17;
	v18 =	vmul.f32 v24, v24  }
0x5d8: {  	v26 =	vld [tilespmem:s1+$0xF2F0]  }
0x5d9: {  	v17 =	vadd.f32 v18, v17;
	v18 =	vmul.f32 v19, v19;
	_ =	sdelay $0x1  }
0x5da: {  	v17 =	vadd.f32 v18, v17;
	v18 =	vmul.f32 v25, v25;
	_ =	sdelay $0x1  }
0x5db: {  	v17 =	vadd.f32 v18, v17;
	v18 =	vmul.f32 v26, v26;
	_ =	sdelay $0x1  }
0x5dc: {  	v17 =	vadd.f32 v18, v17;
	_ =	sdelay $0x1  }
0x5dd: {  	[tilespmem:v7+s23+$0x0] =	vst.idx.msk $0xffff, v17  }
0x5de: {  	v17 =	vld [tilespmem:s1+$0xF300]  }
0x5df: {  	v18 =	vld [tilespmem:s1+$0xF310];
	_ =	sdelay $0x1  }
0x5e0: {  	v19 =	vld [tilespmem:s1+$0xF320];
	_ =	sdelay $0x1  }
0x5e1: {  	v27 =	vld [tilespmem:s1+$0xF330]  }
0x5e2: {  	v17 =	vmul.f32 v17, v17;
	v18 =	vmul.f32 v18, v18  }
0x5e3: {  	v28 =	vld [tilespmem:s1+$0xF340]  }
0x5e4: {  	v17 =	vadd.f32 v18, v17;
	v18 =	vmul.f32 v19, v19  }
0x5e5: {  	v19 =	vld [tilespmem:s1+$0xF350]  }
0x5e6: {  	v17 =	vadd.f32 v18, v17;
	v18 =	vmul.f32 v27, v27  }
0x5e7: {  	v29 =	vld [tilespmem:s1+$0xF360]  }
0x5e8: {  	v17 =	vadd.f32 v18, v17;
	v18 =	vmul.f32 v28, v28  }
0x5e9: {  	v30 =	vld [tilespmem:s1+$0xF370]  }
0x5ea: {  	v17 =	vadd.f32 v18, v17;
	v18 =	vmul.f32 v19, v19;
	_ =	sdelay $0x1  }
0x5eb: {  	v17 =	vadd.f32 v18, v17;
	v18 =	vmul.f32 v29, v29;
	_ =	sdelay $0x1  }
0x5ec: {  	v17 =	vadd.f32 v18, v17;
	v18 =	vmul.f32 v30, v30;
	_ =	sdelay $0x1  }
0x5ed: {  	v17 =	vadd.f32 v18, v17;
	_ =	sdelay $0x1  }
0x5ee: {  	[tilespmem:v8+s23+$0x0] =	vst.idx.msk $0xffff, v17  }
0x5ef: {  	v17 =	vld [tilespmem:s1+$0xF380]  }
0x5f0: {  	v18 =	vld [tilespmem:s1+$0xF390];
	_ =	sdelay $0x1  }
0x5f1: {  	v19 =	vld [tilespmem:s1+$0xF3A0];
	_ =	sdelay $0x1  }
0x5f2: {  	v31 =	vld [tilespmem:s1+$0xF3B0]  }
0x5f3: {  	v17 =	vmul.f32 v17, v17;
	v18 =	vmul.f32 v18, v18  }
0x5f4: {  	v32 =	vld [tilespmem:s1+$0xF3C0]  }
0x5f5: {  	v17 =	vadd.f32 v18, v17;
	v18 =	vmul.f32 v19, v19  }
0x5f6: {  	v19 =	vld [tilespmem:s1+$0xF3D0]  }
0x5f7: {  	v17 =	vadd.f32 v18, v17;
	v18 =	vmul.f32 v31, v31  }
0x5f8: {  	v33 =	vld [tilespmem:s1+$0xF3E0]  }
0x5f9: {  	v17 =	vadd.f32 v18, v17;
	v18 =	vmul.f32 v32, v32  }
0x5fa: {  	v34 =	vld [tilespmem:s1+$0xF3F0]  }
0x5fb: {  	v17 =	vadd.f32 v18, v17;
	v18 =	vmul.f32 v19, v19;
	_ =	sdelay $0x1  }
0x5fc: {  	v17 =	vadd.f32 v18, v17;
	v18 =	vmul.f32 v33, v33;
	_ =	sdelay $0x1  }
0x5fd: {  	v17 =	vadd.f32 v18, v17;
	v18 =	vmul.f32 v34, v34;
	_ =	sdelay $0x1  }
0x5fe: {  	v17 =	vadd.f32 v18, v17;
	_ =	sdelay $0x1  }
0x5ff: {  	[tilespmem:v9+s23+$0x0] =	vst.idx.msk $0xffff, v17  }
0x600: {  	v17 =	vld [tilespmem:s1+$0xF400]  }
0x601: {  	v18 =	vld [tilespmem:s1+$0xF410];
	_ =	sdelay $0x1  }
0x602: {  	v19 =	vld [tilespmem:s1+$0xF420];
	_ =	sdelay $0x1  }
0x603: {  	v35 =	vld [tilespmem:s1+$0xF430]  }
0x604: {  	v17 =	vmul.f32 v17, v17;
	v18 =	vmul.f32 v18, v18  }
0x605: {  	v36 =	vld [tilespmem:s1+$0xF440]  }
0x606: {  	v17 =	vadd.f32 v18, v17;
	v18 =	vmul.f32 v19, v19  }
0x607: {  	v19 =	vld [tilespmem:s1+$0xF450]  }
0x608: {  	v17 =	vadd.f32 v18, v17;
	v18 =	vmul.f32 v35, v35  }
0x609: {  	v37 =	vld [tilespmem:s1+$0xF460]  }
0x60a: {  	v17 =	vadd.f32 v18, v17;
	v18 =	vmul.f32 v36, v36  }
0x60b: {  	v38 =	vld [tilespmem:s1+$0xF470]  }
0x60c: {  	v17 =	vadd.f32 v18, v17;
	v18 =	vmul.f32 v19, v19;
	_ =	sdelay $0x1  }
0x60d: {  	v17 =	vadd.f32 v18, v17;
	v18 =	vmul.f32 v37, v37;
	_ =	sdelay $0x1  }
0x60e: {  	v17 =	vadd.f32 v18, v17;
	v18 =	vmul.f32 v38, v38;
	_ =	sdelay $0x1  }
0x60f: {  	v17 =	vadd.f32 v18, v17;
	_ =	sdelay $0x1  }
0x610: {  	[tilespmem:v10+s23+$0x0] =	vst.idx.msk $0xffff, v17  }
0x611: {  	v17 =	vld [tilespmem:s1+$0xF480]  }
0x612: {  	v18 =	vld [tilespmem:s1+$0xF490];
	_ =	sdelay $0x1  }
0x613: {  	v19 =	vld [tilespmem:s1+$0xF4A0];
	_ =	sdelay $0x1  }
0x614: {  	v39 =	vld [tilespmem:s1+$0xF4B0]  }
0x615: {  	v17 =	vmul.f32 v17, v17;
	v18 =	vmul.f32 v18, v18  }
0x616: {  	v40 =	vld [tilespmem:s1+$0xF4C0]  }
0x617: {  	v17 =	vadd.f32 v18, v17;
	v18 =	vmul.f32 v19, v19  }
0x618: {  	v19 =	vld [tilespmem:s1+$0xF4D0]  }
0x619: {  	v17 =	vadd.f32 v18, v17;
	v18 =	vmul.f32 v39, v39  }
0x61a: {  	v41 =	vld [tilespmem:s1+$0xF4E0]  }
0x61b: {  	v17 =	vadd.f32 v18, v17;
	v18 =	vmul.f32 v40, v40  }
0x61c: {  	v42 =	vld [tilespmem:s1+$0xF4F0]  }
0x61d: {  	v17 =	vadd.f32 v18, v17;
	v18 =	vmul.f32 v19, v19;
	_ =	sdelay $0x1  }
0x61e: {  	v17 =	vadd.f32 v18, v17;
	v18 =	vmul.f32 v41, v41;
	_ =	sdelay $0x1  }
0x61f: {  	v17 =	vadd.f32 v18, v17;
	v18 =	vmul.f32 v42, v42;
	_ =	sdelay $0x1  }
0x620: {  	v17 =	vadd.f32 v18, v17;
	_ =	sdelay $0x1  }
0x621: {  	[tilespmem:v11+s23+$0x0] =	vst.idx.msk $0xffff, v17  }
0x622: {  	v17 =	vld [tilespmem:s1+$0xF500]  }
0x623: {  	v18 =	vld [tilespmem:s1+$0xF510];
	_ =	sdelay $0x1  }
0x624: {  	v19 =	vld [tilespmem:s1+$0xF520];
	_ =	sdelay $0x1  }
0x625: {  	v43 =	vld [tilespmem:s1+$0xF530]  }
0x626: {  	v17 =	vmul.f32 v17, v17;
	v18 =	vmul.f32 v18, v18  }
0x627: {  	v44 =	vld [tilespmem:s1+$0xF540]  }
0x628: {  	v17 =	vadd.f32 v18, v17;
	v18 =	vmul.f32 v19, v19  }
0x629: {  	v19 =	vld [tilespmem:s1+$0xF550]  }
0x62a: {  	v17 =	vadd.f32 v18, v17;
	v18 =	vmul.f32 v43, v43  }
0x62b: {  	v45 =	vld [tilespmem:s1+$0xF560]  }
0x62c: {  	v17 =	vadd.f32 v18, v17;
	v18 =	vmul.f32 v44, v44  }
0x62d: {  	v46 =	vld [tilespmem:s1+$0xF570]  }
0x62e: {  	v17 =	vadd.f32 v18, v17;
	v18 =	vmul.f32 v19, v19;
	_ =	sdelay $0x1  }
0x62f: {  	v17 =	vadd.f32 v18, v17;
	v18 =	vmul.f32 v45, v45;
	_ =	sdelay $0x1  }
0x630: {  	v17 =	vadd.f32 v18, v17;
	v18 =	vmul.f32 v46, v46;
	_ =	sdelay $0x1  }
0x631: {  	v17 =	vadd.f32 v18, v17;
	_ =	sdelay $0x1  }
0x632: {  	[tilespmem:v12+s23+$0x0] =	vst.idx.msk $0xffff, v17  }
0x633: {  	v17 =	vld [tilespmem:s1+$0xF580]  }
0x634: {  	v18 =	vld [tilespmem:s1+$0xF590];
	_ =	sdelay $0x1  }
0x635: {  	v19 =	vld [tilespmem:s1+$0xF5A0];
	_ =	sdelay $0x1  }
0x636: {  	v47 =	vld [tilespmem:s1+$0xF5B0]  }
0x637: {  	v17 =	vmul.f32 v17, v17;
	v18 =	vmul.f32 v18, v18  }
0x638: {  	v48 =	vld [tilespmem:s1+$0xF5C0]  }
0x639: {  	v17 =	vadd.f32 v18, v17;
	v18 =	vmul.f32 v19, v19  }
0x63a: {  	v19 =	vld [tilespmem:s1+$0xF5D0]  }
0x63b: {  	v17 =	vadd.f32 v18, v17;
	v18 =	vmul.f32 v47, v47  }
0x63c: {  	v49 =	vld [tilespmem:s1+$0xF5E0]  }
0x63d: {  	v17 =	vadd.f32 v18, v17;
	v18 =	vmul.f32 v48, v48  }
0x63e: {  	v50 =	vld [tilespmem:s1+$0xF5F0]  }
0x63f: {  	v17 =	vadd.f32 v18, v17;
	v18 =	vmul.f32 v19, v19;
	_ =	sdelay $0x1  }
0x640: {  	v17 =	vadd.f32 v18, v17;
	v18 =	vmul.f32 v49, v49;
	_ =	sdelay $0x1  }
0x641: {  	v17 =	vadd.f32 v18, v17;
	v18 =	vmul.f32 v50, v50;
	_ =	sdelay $0x1  }
0x642: {  	v17 =	vadd.f32 v18, v17;
	_ =	sdelay $0x1  }
0x643: {  	[tilespmem:v13+s23+$0x0] =	vst.idx.msk $0xffff, v17  }
0x644: {  	v17 =	vld [tilespmem:s1+$0xF600]  }
0x645: {  	v18 =	vld [tilespmem:s1+$0xF610];
	_ =	sdelay $0x1  }
0x646: {  	v19 =	vld [tilespmem:s1+$0xF620];
	_ =	sdelay $0x1  }
0x647: {  	v51 =	vld [tilespmem:s1+$0xF630]  }
0x648: {  	v17 =	vmul.f32 v17, v17;
	v18 =	vmul.f32 v18, v18  }
0x649: {  	v52 =	vld [tilespmem:s1+$0xF640]  }
0x64a: {  	v17 =	vadd.f32 v18, v17;
	v18 =	vmul.f32 v19, v19  }
0x64b: {  	v19 =	vld [tilespmem:s1+$0xF650]  }
0x64c: {  	v17 =	vadd.f32 v18, v17;
	v18 =	vmul.f32 v51, v51  }
0x64d: {  	v53 =	vld [tilespmem:s1+$0xF660]  }
0x64e: {  	v17 =	vadd.f32 v18, v17;
	v18 =	vmul.f32 v52, v52  }
0x64f: {  	v54 =	vld [tilespmem:s1+$0xF670]  }
0x650: {  	v17 =	vadd.f32 v18, v17;
	v18 =	vmul.f32 v19, v19;
	_ =	sdelay $0x1  }
0x651: {  	v17 =	vadd.f32 v18, v17;
	v18 =	vmul.f32 v53, v53;
	_ =	sdelay $0x1  }
0x652: {  	v17 =	vadd.f32 v18, v17;
	v18 =	vmul.f32 v54, v54;
	_ =	sdelay $0x1  }
0x653: {  	v17 =	vadd.f32 v18, v17;
	_ =	sdelay $0x1  }
0x654: {  	[tilespmem:v14+s23+$0x0] =	vst.idx.msk $0xffff, v17  }
0x655: {  	v17 =	vld [tilespmem:s1+$0xF680]  }
0x656: {  	v18 =	vld [tilespmem:s1+$0xF690];
	_ =	sdelay $0x1  }
0x657: {  	v19 =	vld [tilespmem:s1+$0xF6A0];
	_ =	sdelay $0x1  }
0x658: {  	v55 =	vld [tilespmem:s1+$0xF6B0]  }
0x659: {  	v17 =	vmul.f32 v17, v17;
	v18 =	vmul.f32 v18, v18  }
0x65a: {  	v56 =	vld [tilespmem:s1+$0xF6C0]  }
0x65b: {  	v17 =	vadd.f32 v18, v17;
	v18 =	vmul.f32 v19, v19  }
0x65c: {  	v19 =	vld [tilespmem:s1+$0xF6D0]  }
0x65d: {  	v17 =	vadd.f32 v18, v17;
	v18 =	vmul.f32 v55, v55  }
0x65e: {  	v57 =	vld [tilespmem:s1+$0xF6E0]  }
0x65f: {  	v17 =	vadd.f32 v18, v17;
	v18 =	vmul.f32 v56, v56  }
0x660: {  	v58 =	vld [tilespmem:s1+$0xF6F0]  }
0x661: {  	v17 =	vadd.f32 v18, v17;
	v18 =	vmul.f32 v19, v19;
	_ =	sdelay $0x1  }
0x662: {  	v17 =	vadd.f32 v18, v17;
	v18 =	vmul.f32 v57, v57;
	_ =	sdelay $0x1  }
0x663: {  	v17 =	vadd.f32 v18, v17;
	v18 =	vmul.f32 v58, v58;
	_ =	sdelay $0x1  }
0x664: {  	v17 =	vadd.f32 v18, v17;
	_ =	sdelay $0x1  }
0x665: {  	[tilespmem:v15+s23+$0x0] =	vst.idx.msk $0xffff, v17  }
0x666: {  	v17 =	vld [tilespmem:$0x11700]  }
0x667: {  	v18 =	vld [tilespmem:$0x11710];
	_ =	sdelay $0x1  }
0x668: {  	v19 =	vld [tilespmem:$0x11720];
	_ =	sdelay $0x1  }
0x669: {  	v59 =	vld [tilespmem:$0x11730]  }
0x66a: {  	v17 =	vadd.f32 v18, v17  }
0x66b: {  	v18 =	vld [tilespmem:$0x11740]  }
0x66c: {  	v17 =	vadd.f32 v19, v17  }
0x66d: {  	v19 =	vld [tilespmem:$0x11750]  }
0x66e: {  	v17 =	vadd.f32 v59, v17  }
0x66f: {  	v60 =	vld [tilespmem:$0x11760]  }
0x670: {  	v17 =	vadd.f32 v18, v17  }
0x671: {  	v18 =	vld [tilespmem:$0x11770]  }
0x672: {  	v17 =	vadd.f32 v19, v17  }
0x673: {  	v19 =	vld [tilespmem:$0x11780]  }
0x674: {  	v17 =	vadd.f32 v60, v17  }
0x675: {  	v61 =	vld [tilespmem:$0x11790]  }
0x676: {  	v17 =	vadd.f32 v18, v17  }
0x677: {  	v18 =	vld [tilespmem:$0x117A0]  }
0x678: {  	v17 =	vadd.f32 v19, v17  }
0x679: {  	v19 =	vld [tilespmem:$0x117B0]  }
0x67a: {  	v17 =	vadd.f32 v61, v17  }
0x67b: {  	v62 =	vld [tilespmem:$0x117C0]  }
0x67c: {  	v17 =	vadd.f32 v18, v17  }
0x67d: {  	v18 =	vld [tilespmem:$0x117D0]  }
0x67e: {  	v17 =	vadd.f32 v19, v17  }
0x67f: {  	v19 =	vld [tilespmem:$0x117E0]  }
0x680: {  	v17 =	vadd.f32 v62, v17  }
0x681: {  	v63 =	vld [tilespmem:$0x117F0]  }
0x682: {  	v17 =	vadd.f32 v18, v17;
	_ =	sdelay $0x1  }
0x683: {  	v17 =	vadd.f32 v19, v17;
	_ =	sdelay $0x1  }
0x684: {  	v17 =	vadd.f32 v63, v17;
	_ =	sdelay $0x1  }
0x685: {  	v18 =	vshra.s32 v17, $0x1  }
0x686: {  	v18 =	vadd.s32 $0x1FBD1DF5, v18  }
0x687: {  	(erf) = vrcp.f32 v18;
	_ =	sdelay $0x8  }
0x688: {  	v19 =	vpop (erf)  }
0x689: {  	v19 =	vmul.f32 v19, v17;
	_ =	sdelay $0x1  }
0x68a: {  	v18 =	vadd.f32 v18, v19;
	_ =	sdelay $0x1  }
0x68b: {  	v18 =	vmul.f32 $5.000000000e-01, v18;
	_ =	sdelay $0x1  }
0x68c: {  	(erf) = vrcp.f32 v18;
	_ =	sdelay $0x8  }
0x68d: {  	v19 =	vpop (erf)  }
0x68e: {  	v17 =	vmul.f32 v19, v17  }
0x68f: {  	p0 =	sne.s32 s0, $0x8000  }
.Ltmp4:
0x690: {  	v17 =	vadd.f32 v17, v18;
	(pc) =	sbr.rel @p0 .LBB2_11-.Ltmp4, $3  }
0x691: {  	_ = 	snop  }
0x692: {  	v17 =	vmul.f32 $5.000000000e-01, v17;
	_ =	sdelay $0x1  }
0x693: {  	s0 =	sadd.s32 $0x2000, s0;
	v16 =	vadd.f32 v17, v16  }
0x694: {  	s30 =	sadd.s32 $0x1, s30  }
0x695: {  	p0 =	sne.s32 s30, $0x19  }
.Ltmp5:
0x696: {  	_ = 	snop;
	(pc) =	sbr.rel @p0 .LBB2_2-.Ltmp5, $1  }
0x697: {  	_ =	sdelay $0x3  }
0x698: {  	s29 =	sadd.s32 $0x1, s29  }
0x699: {  	p0 =	sne.s32 s29, s8  }
.Ltmp6:
0x69a: {  	[tilespmem:$0x11800] =	vst v16;
	(pc) =	sbr.rel @p0 .LBB2_1-.Ltmp6, $4  }
0x69b: {  	[hbm4b:s7+s3] =	stream.linear.scatter [tilespmem:s26], [sflag:$0x7], $0x80, $0x38;
	[tilespmem:$0x11880] =	vst v63  }
0x69c: {  	_ =	swait.ge [sflag:s28], $0x80  }
0x69d: {  	[sflag:s28] =	ssyncset.done $0x0  }
0x69e: {  	[sflag:s28] =	ssyncadd.s32 $0xFFFFFF80  }
0x69f: {  	_ =	sfence.sel $0x180000  }
0x6a0: {  	[bflag:$0x0] =	sbarrier.arrive $0xFFFF  }
0x6a1: {  	_ =	strace $0x90000047  }
0x6a2: {  	s0 =	stileid.u32;
	[bflag:$0x2] =	sbarrier.arrive $0xFFFF  }
0x6a3: {  	p0 =	sne.s32 s0, $0x0;
	s0 =	rddreg [dreg:$0x2]  }
0x6a4: {  	s0 =	sadd.s32 @!p0 $0x100000, s0  }
0x6a5: {  	[sflag:s0] =	ssyncadd.tile.s32 @!p0 $0x1;
	_ =	shalt  }
.Lfunc_end2:
_tile_overlayer_lowered:
.L_overlay_start_2:
0x6a6: {  	(tag) =	ssettag $0x2  }
0x6a7: {  	s0 =	rddreg [dreg:$0x0];
	s2 =	stileid.u32  }
0x6a8: {  	s1 =	rddreg [dreg:$0x1];
	p0 =	sne.s32 s2, $0x0  }
0x6a9: {  	s3 =	rddreg [dreg:$0x2];
	[bflag:$0x3] =	sbarrier.arrive $0xFFFF;
	s2 =	simm.s32 @!p0 $0x1C07  }
0x6aa: {  	[timem:s3], [sflag:s2] =	dma.local @!p0 [hbm:s0], s1  }
0x6ab: {  	s0 =	simm.s32 @!p0 $0x7  }
0x6ac: {  	_ =	swait.ge @!p0 [sflag:s0], s1  }
0x6ad: {  	s1 =	ssub.s32 @!p0 $0x0, s1;
	[sflag:s0] =	ssyncset.done @!p0 $0x0  }
0x6ae: {  	[sflag:s0] =	ssyncadd.s32 @!p0 s1  }
0x6af: {  	[bflag:$0x3] =	sbarrier.arrive $0xFFFF  }
0x6b0: {  	_ =	shalt  }

</sc_bundles>
